<compile_context>
chip_gen: v7x
topology: tpu7x:2x2x1
jax: 0.10.2.dev20260603
libtpu: 0.0.44.dev20260713+nightly
codegen_flags: <defaults>
</compile_context>

<pallas_src>
import functools

import jax
import jax.numpy as jnp
from jax import lax
from jax.experimental import pallas as pl
from jax.experimental.pallas import tpu as pltpu
from jax.experimental.pallas import tpu_sc as plsc

VOCAB = 16384
HIDDEN = 1024
SEQ = 128
BATCH = 4096

NC, NS, L = 2, 16, 16
NW = NC * NS
ROWS = BATCH * SEQ
ROWS_PER_W = ROWS // NW
SEQS_PER_W = BATCH // NW
CHUNK = 16
JC = SEQ // CHUNK
NBUF = 4
CHUNKS_PER_W = ROWS_PER_W // CHUNK
UNROLL = 2


def _sc_kernel(ids_hbm, table_hbm, pos_hbm, out_hbm,
               ixq, pos_v, b0, b1, b2, b3,
               iq, g0, g1, g2, g3, s0, s1, s2, s3):
    bufs = [b0, b1, b2, b3]
    gsem = [g0, g1, g2, g3]
    ssem = [s0, s1, s2, s3]

    cid = lax.axis_index("c")
    sid = lax.axis_index("s")
    wid = sid * NC + cid
    wbase = wid * ROWS_PER_W
    idbase = wid * CHUNKS_PER_W

    def gather(s, b):
        pltpu.async_copy(table_hbm.at[ixq.at[s]], bufs[b], gsem[b])

    def add_pos(b):
        rows_v = bufs[b]

        def col_body(c, _):
            xs = []
            for u in range(UNROLL):
                sl = pl.ds((c * UNROLL + u) * L, L)
                for r in range(CHUNK):
                    xs.append((r, sl, pos_v[r, sl]))
            for r, sl, x in xs:
                plsc.addupdate(rows_v.at[r, sl], x)
            return 0

        lax.fori_loop(0, HIDDEN // L // UNROLL, col_body, 0)

    def finish(jc, s, b):
        pltpu.make_async_copy(table_hbm.at[pl.ds(0, CHUNK)], bufs[b],
                              gsem[b]).wait()
        add_pos(b)
        base = wbase + s * SEQ + jc * CHUNK
        pltpu.async_copy(bufs[b], out_hbm.at[pl.ds(base, CHUNK)], ssem[b])

    def wait_store(b):
        pltpu.make_async_copy(bufs[b], out_hbm.at[pl.ds(0, CHUNK)], ssem[b]).wait()

    def jc_body(jc, _):
        pltpu.sync_copy(ids_hbm.at[pl.ds(idbase + jc * SEQS_PER_W, SEQS_PER_W)],
                        ixq)
        pltpu.sync_copy(pos_hbm.at[pl.ds(jc * CHUNK, CHUNK)], pos_v)

        gather(0, 0)
        gather(1, 1)
        gather(2, 2)
        gather(3, 3)
        finish(jc, 0, 0)
        finish(jc, 1, 1)

        def round_body(r, _, jc=jc):
            for b in range(NBUF):
                s = r * NBUF + b
                wait_store(b)
                gather(s, b)
                finish(jc, s - 2, (b - 2) % NBUF)
            return 0

        lax.fori_loop(1, SEQS_PER_W // NBUF, round_body, 0)

        finish(jc, SEQS_PER_W - 2, (SEQS_PER_W - 2) % NBUF)
        finish(jc, SEQS_PER_W - 1, (SEQS_PER_W - 1) % NBUF)
        for b in range(NBUF):
            wait_store(b)
        return 0

    lax.fori_loop(0, JC, jc_body, 0)


@jax.jit
def _run(ids2, table, pos):
    mesh = plsc.VectorSubcoreMesh(core_axis_name="c", subcore_axis_name="s")
    f = functools.partial(
        pl.kernel,
        mesh=mesh,
        out_type=jax.ShapeDtypeStruct((ROWS, HIDDEN), jnp.float32),
        scratch_types=[
            pltpu.VMEM((SEQS_PER_W, CHUNK), jnp.int32),
            pltpu.VMEM((CHUNK, HIDDEN), jnp.float32),
            pltpu.VMEM((CHUNK, HIDDEN), jnp.float32),
            pltpu.VMEM((CHUNK, HIDDEN), jnp.float32),
            pltpu.VMEM((CHUNK, HIDDEN), jnp.float32),
            pltpu.VMEM((CHUNK, HIDDEN), jnp.float32),
        ] + [pltpu.SemaphoreType.DMA] * 9,
    )(_sc_kernel)
    return f(ids2, table, pos)


def kernel(input_ids, text_embeddings, text_pos_embeddings):
    ids4 = input_ids.astype(jnp.int32).reshape(NW, SEQS_PER_W, JC, CHUNK)
    ids2 = ids4.transpose(0, 2, 1, 3).reshape(CHUNKS_PER_W * NW, CHUNK)
    out = _run(ids2, text_embeddings, text_pos_embeddings)
    return out.reshape(BATCH, SEQ, HIDDEN)

# --- scband reference (transcript-rebuilt; emitter-appended) ---
"""Pipeline reference for scband-rudalle-embeddings-9165460209919 (READ-ONLY COPY).

The authoritative reference and input builder live on the scoring server;
editing this copy changes nothing except your own understanding.
"""

import jax, jax.numpy as jnp
import numpy as np

VOCAB_SIZE = 16384
HIDDEN = 1024
TEXT_SEQ_LEN = 128
BATCH = 4096

def setup_inputs(seed: int = 0) -> dict:
    key = jax.random.key(seed)
    k1, k2, k3 = jax.random.split(key, 3)
    input_ids = jax.random.randint(k1, (BATCH, TEXT_SEQ_LEN), 0, VOCAB_SIZE, dtype=jnp.int64 if jax.config.jax_enable_x64 else jnp.int32)
    text_embeddings = jax.random.normal(k2, (VOCAB_SIZE, HIDDEN), dtype=jnp.float32) * 0.02
    text_pos_embeddings = jax.random.normal(k3, (TEXT_SEQ_LEN + 1, HIDDEN), dtype=jnp.float32) * 0.02
    return {"input_ids": input_ids, "text_embeddings": text_embeddings, "text_pos_embeddings": text_pos_embeddings}

def reference(input_ids, text_embeddings, text_pos_embeddings):
    # pos_embeddings = text_pos_embeddings(arange(seq_len))
    seq_len = input_ids.shape[1]
    pos_embeddings = jnp.take(text_pos_embeddings, jnp.arange(seq_len), axis=0)
    # embeddings = text_embeddings(input_ids) + pos_embeddings (broadcast over batch)
    embeddings = jnp.take(text_embeddings, input_ids, axis=0) + pos_embeddings[None, :, :]
    return embeddings

if __name__ == "__main__":
    import jax
    _d = setup_inputs()
    print(jax.jit(kernel)(*tuple(_d.values())))

</pallas_src>

<mosaic_0001>
#map = affine_map<(d0, d1) -> (0, 0)>
module attributes {stable_mosaic.version = 14 : i64} {
  func.func @_sc_kernel(%arg0: i32, %arg1: i32, %arg2: memref<32768x16xi32, #tpu.memory_space<hbm>>, %arg3: memref<16384x1024xf32, #tpu.memory_space<hbm>>, %arg4: memref<129x1024xf32, #tpu.memory_space<hbm>>, %arg5: memref<524288x1024xf32, #tpu.memory_space<hbm>>, %arg6: memref<128x16xi32, #tpu.memory_space<vmem>>, %arg7: memref<16x1024xf32, #tpu.memory_space<vmem>>, %arg8: memref<16x1024xf32, #tpu.memory_space<vmem>>, %arg9: memref<16x1024xf32, #tpu.memory_space<vmem>>, %arg10: memref<16x1024xf32, #tpu.memory_space<vmem>>, %arg11: memref<16x1024xf32, #tpu.memory_space<vmem>>, %arg12: memref<!tpu.dma_semaphore, #tpu.memory_space<semaphore_mem>>, %arg13: memref<!tpu.dma_semaphore, #tpu.memory_space<semaphore_mem>>, %arg14: memref<!tpu.dma_semaphore, #tpu.memory_space<semaphore_mem>>, %arg15: memref<!tpu.dma_semaphore, #tpu.memory_space<semaphore_mem>>, %arg16: memref<!tpu.dma_semaphore, #tpu.memory_space<semaphore_mem>>, %arg17: memref<!tpu.dma_semaphore, #tpu.memory_space<semaphore_mem>>, %arg18: memref<!tpu.dma_semaphore, #tpu.memory_space<semaphore_mem>>, %arg19: memref<!tpu.dma_semaphore, #tpu.memory_space<semaphore_mem>>, %arg20: memref<!tpu.dma_semaphore, #tpu.memory_space<semaphore_mem>>) attributes {dimension_semantics = [#tpu.dimension_semantics<core_parallel>, #tpu.dimension_semantics<subcore_parallel>], iteration_bounds = array<i64: 2, 16>, scalar_prefetch = 0 : i64, scratch_operands = 15 : i64, tpu.core_type = #tpu.core_type<sc_vector_subcore>, window_params = [{transform_indices = #map}, {transform_indices = #map}, {transform_indices = #map}, {transform_indices = #map}]} {
    %mul3A = arith.constant 2 : i32
    %mul3A_0 = arith.muli %arg1, %mul3A : i32
    %add3A = arith.addi %mul3A_0, %arg0 : i32
    %mul3A_1 = arith.constant 16384 : i32
    %mul3A_2 = arith.muli %add3A, %mul3A_1 : i32
    %mul3A_3 = arith.constant 1024 : i32
    %mul3A_4 = arith.muli %add3A, %mul3A_3 : i32
    %scan3A = arith.constant 0 : i32
    %scan3A_5 = arith.constant 0 : i32
    %scan3A_6 = arith.constant 8 : i32
    %scan3A_7 = arith.addi %scan3A_5, %scan3A_6 : i32
    %scan3A_8 = arith.constant 1 : i32
    %scan3A_9 = scf.for %scan3A_11 = %scan3A_5 to %scan3A_7 step %scan3A_8 iter_args(%scan3A_12 = %scan3A) -> (i32)  : i32 {
      %mul3A_13 = arith.constant 128 : i32
      %mul3A_14 = arith.muli %scan3A_11, %mul3A_13 : i32
      %add3A_15 = arith.addi %mul3A_4, %mul3A_14 : i32
      "tpu.region"() ({
        %run_scoped3A = tpu.sem_alloc : memref<!tpu.dma_semaphore, #tpu.memory_space<semaphore_mem>>
        %dma_start3A_164 = arith.constant 0 : i32
        %dma_start3A_165 = tpu.memref_slice %arg2[%add3A_15, %dma_start3A_164] : memref<32768x16xi32, #tpu.memory_space<hbm>> -> memref<128x16xi32, #tpu.memory_space<hbm>>
        %dma_start3A_166 = arith.constant 0 : i32
        %dma_start3A_167 = tpu.memref_slice %arg2[%add3A_15, %dma_start3A_166] : memref<32768x16xi32, #tpu.memory_space<hbm>> -> memref<128x16xi32, #tpu.memory_space<hbm>>
        tpu.enqueue_dma source(%dma_start3A_167 : memref<128x16xi32, #tpu.memory_space<hbm>>) target(%arg6 : memref<128x16xi32, #tpu.memory_space<vmem>>) target_semaphore(%run_scoped3A : memref<!tpu.dma_semaphore, #tpu.memory_space<semaphore_mem>>)
        %dma_wait3A_168 = arith.constant 0 : i32
        %dma_wait3A_169 = tpu.memref_slice %arg2[%add3A_15, %dma_wait3A_168] : memref<32768x16xi32, #tpu.memory_space<hbm>> -> memref<128x16xi32, #tpu.memory_space<hbm>>
        %dma_wait3A_170 = arith.constant 0 : i32
        %dma_wait3A_171 = tpu.memref_slice %arg2[%add3A_15, %dma_wait3A_170] : memref<32768x16xi32, #tpu.memory_space<hbm>> -> memref<128x16xi32, #tpu.memory_space<hbm>>
        tpu.wait_dma2 semaphore(%run_scoped3A : memref<!tpu.dma_semaphore, #tpu.memory_space<semaphore_mem>>) src(%dma_wait3A_171 : memref<128x16xi32, #tpu.memory_space<hbm>>) dst(%arg6 : memref<128x16xi32, #tpu.memory_space<vmem>>)
        tpu.yield
      }) : () -> ()
      %mul3A_16 = arith.constant 16 : i32
      %mul3A_17 = arith.muli %scan3A_11, %mul3A_16 : i32
      "tpu.region"() ({
        %run_scoped3A = tpu.sem_alloc : memref<!tpu.dma_semaphore, #tpu.memory_space<semaphore_mem>>
        %dma_start3A_164 = arith.constant 0 : i32
        %dma_start3A_165 = tpu.memref_slice %arg4[%mul3A_17, %dma_start3A_164] : memref<129x1024xf32, #tpu.memory_space<hbm>> -> memref<16x1024xf32, #tpu.memory_space<hbm>>
        %dma_start3A_166 = arith.constant 0 : i32
        %dma_start3A_167 = tpu.memref_slice %arg4[%mul3A_17, %dma_start3A_166] : memref<129x1024xf32, #tpu.memory_space<hbm>> -> memref<16x1024xf32, #tpu.memory_space<hbm>>
        tpu.enqueue_dma source(%dma_start3A_167 : memref<16x1024xf32, #tpu.memory_space<hbm>>) target(%arg7 : memref<16x1024xf32, #tpu.memory_space<vmem>>) target_semaphore(%run_scoped3A : memref<!tpu.dma_semaphore, #tpu.memory_space<semaphore_mem>>)
        %dma_wait3A_168 = arith.constant 0 : i32
        %dma_wait3A_169 = tpu.memref_slice %arg4[%mul3A_17, %dma_wait3A_168] : memref<129x1024xf32, #tpu.memory_space<hbm>> -> memref<16x1024xf32, #tpu.memory_space<hbm>>
        %dma_wait3A_170 = arith.constant 0 : i32
        %dma_wait3A_171 = tpu.memref_slice %arg4[%mul3A_17, %dma_wait3A_170] : memref<129x1024xf32, #tpu.memory_space<hbm>> -> memref<16x1024xf32, #tpu.memory_space<hbm>>
        tpu.wait_dma2 semaphore(%run_scoped3A : memref<!tpu.dma_semaphore, #tpu.memory_space<semaphore_mem>>) src(%dma_wait3A_171 : memref<16x1024xf32, #tpu.memory_space<hbm>>) dst(%arg7 : memref<16x1024xf32, #tpu.memory_space<vmem>>)
        tpu.yield
      }) : () -> ()
      %dma_start3A = arith.constant 0 : i32
      %dma_start3A_18 = arith.constant 0 : i32
      %dma_start3A_19 = tpu.memref_slice %arg6[%dma_start3A, %dma_start3A_18] : memref<128x16xi32, #tpu.memory_space<vmem>> -> memref<1x16xi32, #tpu.memory_space<vmem>>
      %dma_start3A_20 = tpu.memref_squeeze %dma_start3A_19 : memref<1x16xi32, #tpu.memory_space<vmem>> -> memref<16xi32, #tpu.memory_space<vmem>>
      %dma_start3A_21 = arith.constant 0 : i32
      %dma_start3A_22 = arith.constant 0 : i32
      %dma_start3A_23 = tpu.memref_slice %arg3[%dma_start3A_21, %dma_start3A_22] : memref<16384x1024xf32, #tpu.memory_space<hbm>> -> memref<16384x1024xf32, #tpu.memory_space<hbm>>
      tpu.enqueue_indirect_dma source(%dma_start3A_23 : memref<16384x1024xf32, #tpu.memory_space<hbm>>) target(%arg8 : memref<16x1024xf32, #tpu.memory_space<vmem>>) offsets(%dma_start3A_20 : memref<16xi32, #tpu.memory_space<vmem>>) semaphore(%arg13 : memref<!tpu.dma_semaphore, #tpu.memory_space<semaphore_mem>>)
      %dma_start3A_24 = arith.constant 1 : i32
      %dma_start3A_25 = arith.constant 0 : i32
      %dma_start3A_26 = tpu.memref_slice %arg6[%dma_start3A_24, %dma_start3A_25] : memref<128x16xi32, #tpu.memory_space<vmem>> -> memref<1x16xi32, #tpu.memory_space<vmem>>
      %dma_start3A_27 = tpu.memref_squeeze %dma_start3A_26 : memref<1x16xi32, #tpu.memory_space<vmem>> -> memref<16xi32, #tpu.memory_space<vmem>>
      %dma_start3A_28 = arith.constant 0 : i32
      %dma_start3A_29 = arith.constant 0 : i32
      %dma_start3A_30 = tpu.memref_slice %arg3[%dma_start3A_28, %dma_start3A_29] : memref<16384x1024xf32, #tpu.memory_space<hbm>> -> memref<16384x1024xf32, #tpu.memory_space<hbm>>
      tpu.enqueue_indirect_dma source(%dma_start3A_30 : memref<16384x1024xf32, #tpu.memory_space<hbm>>) target(%arg9 : memref<16x1024xf32, #tpu.memory_space<vmem>>) offsets(%dma_start3A_27 : memref<16xi32, #tpu.memory_space<vmem>>) semaphore(%arg14 : memref<!tpu.dma_semaphore, #tpu.memory_space<semaphore_mem>>)
      %dma_start3A_31 = arith.constant 2 : i32
      %dma_start3A_32 = arith.constant 0 : i32
      %dma_start3A_33 = tpu.memref_slice %arg6[%dma_start3A_31, %dma_start3A_32] : memref<128x16xi32, #tpu.memory_space<vmem>> -> memref<1x16xi32, #tpu.memory_space<vmem>>
      %dma_start3A_34 = tpu.memref_squeeze %dma_start3A_33 : memref<1x16xi32, #tpu.memory_space<vmem>> -> memref<16xi32, #tpu.memory_space<vmem>>
      %dma_start3A_35 = arith.constant 0 : i32
      %dma_start3A_36 = arith.constant 0 : i32
      %dma_start3A_37 = tpu.memref_slice %arg3[%dma_start3A_35, %dma_start3A_36] : memref<16384x1024xf32, #tpu.memory_space<hbm>> -> memref<16384x1024xf32, #tpu.memory_space<hbm>>
      tpu.enqueue_indirect_dma source(%dma_start3A_37 : memref<16384x1024xf32, #tpu.memory_space<hbm>>) target(%arg10 : memref<16x1024xf32, #tpu.memory_space<vmem>>) offsets(%dma_start3A_34 : memref<16xi32, #tpu.memory_space<vmem>>) semaphore(%arg15 : memref<!tpu.dma_semaphore, #tpu.memory_space<semaphore_mem>>)
      %dma_start3A_38 = arith.constant 3 : i32
      %dma_start3A_39 = arith.constant 0 : i32
      %dma_start3A_40 = tpu.memref_slice %arg6[%dma_start3A_38, %dma_start3A_39] : memref<128x16xi32, #tpu.memory_space<vmem>> -> memref<1x16xi32, #tpu.memory_space<vmem>>
      %dma_start3A_41 = tpu.memref_squeeze %dma_start3A_40 : memref<1x16xi32, #tpu.memory_space<vmem>> -> memref<16xi32, #tpu.memory_space<vmem>>
      %dma_start3A_42 = arith.constant 0 : i32
      %dma_start3A_43 = arith.constant 0 : i32
      %dma_start3A_44 = tpu.memref_slice %arg3[%dma_start3A_42, %dma_start3A_43] : memref<16384x1024xf32, #tpu.memory_space<hbm>> -> memref<16384x1024xf32, #tpu.memory_space<hbm>>
      tpu.enqueue_indirect_dma source(%dma_start3A_44 : memref<16384x1024xf32, #tpu.memory_space<hbm>>) target(%arg11 : memref<16x1024xf32, #tpu.memory_space<vmem>>) offsets(%dma_start3A_41 : memref<16xi32, #tpu.memory_space<vmem>>) semaphore(%arg16 : memref<!tpu.dma_semaphore, #tpu.memory_space<semaphore_mem>>)
      %dma_wait3A = arith.constant 0 : i32
      %dma_wait3A_45 = arith.constant 0 : i32
      %dma_wait3A_46 = tpu.memref_slice %arg3[%dma_wait3A, %dma_wait3A_45] : memref<16384x1024xf32, #tpu.memory_space<hbm>> -> memref<16x1024xf32, #tpu.memory_space<hbm>>
      %dma_wait3A_47 = arith.constant 0 : i32
      %dma_wait3A_48 = arith.constant 0 : i32
      %dma_wait3A_49 = tpu.memref_slice %arg3[%dma_wait3A_47, %dma_wait3A_48] : memref<16384x1024xf32, #tpu.memory_space<hbm>> -> memref<16x1024xf32, #tpu.memory_space<hbm>>
      tpu.wait_dma2 semaphore(%arg13 : memref<!tpu.dma_semaphore, #tpu.memory_space<semaphore_mem>>) src(%dma_wait3A_49 : memref<16x1024xf32, #tpu.memory_space<hbm>>) dst(%arg8 : memref<16x1024xf32, #tpu.memory_space<vmem>>)
      %scan3A_50 = arith.constant 0 : i32
      %scan3A_51 = arith.constant 0 : i32
      %scan3A_52 = arith.constant 32 : i32
      %scan3A_53 = arith.addi %scan3A_51, %scan3A_52 : i32
      %scan3A_54 = arith.constant 1 : i32
      %scan3A_55 = scf.for %scan3A_164 = %scan3A_51 to %scan3A_53 step %scan3A_54 iter_args(%scan3A_165 = %scan3A_50) -> (i32)  : i32 {
        %mul3A_166 = arith.constant 2 : i32
        %mul3A_167 = arith.muli %scan3A_164, %mul3A_166 : i32
        %add3A_168 = arith.constant 0 : i32
        %add3A_169 = arith.addi %mul3A_167, %add3A_168 : i32
        %mul3A_170 = arith.constant 16 : i32
        %mul3A_171 = arith.muli %add3A_169, %mul3A_170 : i32
        %get3A = arith.constant 0 : i32
        %get3A_172 = arith.index_cast %get3A : i32 to index
        %get3A_173 = arith.index_cast %mul3A_171 : i32 to index
        %get3A_174 = tpu.vector_load %arg7[%get3A_172, %get3A_173] {strides = array<i32>} : memref<16x1024xf32, #tpu.memory_space<vmem>>, vector<1x16xf32>,
        %get3A_175 = vector.shape_cast %get3A_174 : vector<1x16xf32> to vector<16xf32>
        %get3A_176 = arith.constant 1 : i32
        %get3A_177 = arith.index_cast %get3A_176 : i32 to index
        %get3A_178 = arith.index_cast %mul3A_171 : i32 to index
        %get3A_179 = tpu.vector_load %arg7[%get3A_177, %get3A_178] {strides = array<i32>} : memref<16x1024xf32, #tpu.memory_space<vmem>>, vector<1x16xf32>,
        %get3A_180 = vector.shape_cast %get3A_179 : vector<1x16xf32> to vector<16xf32>
        %get3A_181 = arith.constant 2 : i32
        %get3A_182 = arith.index_cast %get3A_181 : i32 to index
        %get3A_183 = arith.index_cast %mul3A_171 : i32 to index
        %get3A_184 = tpu.vector_load %arg7[%get3A_182, %get3A_183] {strides = array<i32>} : memref<16x1024xf32, #tpu.memory_space<vmem>>, vector<1x16xf32>,
        %get3A_185 = vector.shape_cast %get3A_184 : vector<1x16xf32> to vector<16xf32>
        %get3A_186 = arith.constant 3 : i32
        %get3A_187 = arith.index_cast %get3A_186 : i32 to index
        %get3A_188 = arith.index_cast %mul3A_171 : i32 to index
        %get3A_189 = tpu.vector_load %arg7[%get3A_187, %get3A_188] {strides = array<i32>} : memref<16x1024xf32, #tpu.memory_space<vmem>>, vector<1x16xf32>,
        %get3A_190 = vector.shape_cast %get3A_189 : vector<1x16xf32> to vector<16xf32>
        %get3A_191 = arith.constant 4 : i32
        %get3A_192 = arith.index_cast %get3A_191 : i32 to index
        %get3A_193 = arith.index_cast %mul3A_171 : i32 to index
        %get3A_194 = tpu.vector_load %arg7[%get3A_192, %get3A_193] {strides = array<i32>} : memref<16x1024xf32, #tpu.memory_space<vmem>>, vector<1x16xf32>,
        %get3A_195 = vector.shape_cast %get3A_194 : vector<1x16xf32> to vector<16xf32>
        %get3A_196 = arith.constant 5 : i32
        %get3A_197 = arith.index_cast %get3A_196 : i32 to index
        %get3A_198 = arith.index_cast %mul3A_171 : i32 to index
        %get3A_199 = tpu.vector_load %arg7[%get3A_197, %get3A_198] {strides = array<i32>} : memref<16x1024xf32, #tpu.memory_space<vmem>>, vector<1x16xf32>,
        %get3A_200 = vector.shape_cast %get3A_199 : vector<1x16xf32> to vector<16xf32>
        %get3A_201 = arith.constant 6 : i32
        %get3A_202 = arith.index_cast %get3A_201 : i32 to index
        %get3A_203 = arith.index_cast %mul3A_171 : i32 to index
        %get3A_204 = tpu.vector_load %arg7[%get3A_202, %get3A_203] {strides = array<i32>} : memref<16x1024xf32, #tpu.memory_space<vmem>>, vector<1x16xf32>,
        %get3A_205 = vector.shape_cast %get3A_204 : vector<1x16xf32> to vector<16xf32>
        %get3A_206 = arith.constant 7 : i32
        %get3A_207 = arith.index_cast %get3A_206 : i32 to index
        %get3A_208 = arith.index_cast %mul3A_171 : i32 to index
        %get3A_209 = tpu.vector_load %arg7[%get3A_207, %get3A_208] {strides = array<i32>} : memref<16x1024xf32, #tpu.memory_space<vmem>>, vector<1x16xf32>,
        %get3A_210 = vector.shape_cast %get3A_209 : vector<1x16xf32> to vector<16xf32>
        %get3A_211 = arith.constant 8 : i32
        %get3A_212 = arith.index_cast %get3A_211 : i32 to index
        %get3A_213 = arith.index_cast %mul3A_171 : i32 to index
        %get3A_214 = tpu.vector_load %arg7[%get3A_212, %get3A_213] {strides = array<i32>} : memref<16x1024xf32, #tpu.memory_space<vmem>>, vector<1x16xf32>,
        %get3A_215 = vector.shape_cast %get3A_214 : vector<1x16xf32> to vector<16xf32>
        %get3A_216 = arith.constant 9 : i32
        %get3A_217 = arith.index_cast %get3A_216 : i32 to index
        %get3A_218 = arith.index_cast %mul3A_171 : i32 to index
        %get3A_219 = tpu.vector_load %arg7[%get3A_217, %get3A_218] {strides = array<i32>} : memref<16x1024xf32, #tpu.memory_space<vmem>>, vector<1x16xf32>,
        %get3A_220 = vector.shape_cast %get3A_219 : vector<1x16xf32> to vector<16xf32>
        %get3A_221 = arith.constant 10 : i32
        %get3A_222 = arith.index_cast %get3A_221 : i32 to index
        %get3A_223 = arith.index_cast %mul3A_171 : i32 to index
        %get3A_224 = tpu.vector_load %arg7[%get3A_222, %get3A_223] {strides = array<i32>} : memref<16x1024xf32, #tpu.memory_space<vmem>>, vector<1x16xf32>,
        %get3A_225 = vector.shape_cast %get3A_224 : vector<1x16xf32> to vector<16xf32>
        %get3A_226 = arith.constant 11 : i32
        %get3A_227 = arith.index_cast %get3A_226 : i32 to index
        %get3A_228 = arith.index_cast %mul3A_171 : i32 to index
        %get3A_229 = tpu.vector_load %arg7[%get3A_227, %get3A_228] {strides = array<i32>} : memref<16x1024xf32, #tpu.memory_space<vmem>>, vector<1x16xf32>,
        %get3A_230 = vector.shape_cast %get3A_229 : vector<1x16xf32> to vector<16xf32>
        %get3A_231 = arith.constant 12 : i32
        %get3A_232 = arith.index_cast %get3A_231 : i32 to index
        %get3A_233 = arith.index_cast %mul3A_171 : i32 to index
        %get3A_234 = tpu.vector_load %arg7[%get3A_232, %get3A_233] {strides = array<i32>} : memref<16x1024xf32, #tpu.memory_space<vmem>>, vector<1x16xf32>,
        %get3A_235 = vector.shape_cast %get3A_234 : vector<1x16xf32> to vector<16xf32>
        %get3A_236 = arith.constant 13 : i32
        %get3A_237 = arith.index_cast %get3A_236 : i32 to index
        %get3A_238 = arith.index_cast %mul3A_171 : i32 to index
        %get3A_239 = tpu.vector_load %arg7[%get3A_237, %get3A_238] {strides = array<i32>} : memref<16x1024xf32, #tpu.memory_space<vmem>>, vector<1x16xf32>,
        %get3A_240 = vector.shape_cast %get3A_239 : vector<1x16xf32> to vector<16xf32>
        %get3A_241 = arith.constant 14 : i32
        %get3A_242 = arith.index_cast %get3A_241 : i32 to index
        %get3A_243 = arith.index_cast %mul3A_171 : i32 to index
        %get3A_244 = tpu.vector_load %arg7[%get3A_242, %get3A_243] {strides = array<i32>} : memref<16x1024xf32, #tpu.memory_space<vmem>>, vector<1x16xf32>,
        %get3A_245 = vector.shape_cast %get3A_244 : vector<1x16xf32> to vector<16xf32>
        %get3A_246 = arith.constant 15 : i32
        %get3A_247 = arith.index_cast %get3A_246 : i32 to index
        %get3A_248 = arith.index_cast %mul3A_171 : i32 to index
        %get3A_249 = tpu.vector_load %arg7[%get3A_247, %get3A_248] {strides = array<i32>} : memref<16x1024xf32, #tpu.memory_space<vmem>>, vector<1x16xf32>,
        %get3A_250 = vector.shape_cast %get3A_249 : vector<1x16xf32> to vector<16xf32>
        %mul3A_251 = arith.constant 2 : i32
        %mul3A_252 = arith.muli %scan3A_164, %mul3A_251 : i32
        %add3A_253 = arith.constant 1 : i32
        %add3A_254 = arith.addi %mul3A_252, %add3A_253 : i32
        %mul3A_255 = arith.constant 16 : i32
        %mul3A_256 = arith.muli %add3A_254, %mul3A_255 : i32
        %get3A_257 = arith.constant 0 : i32
        %get3A_258 = arith.index_cast %get3A_257 : i32 to index
        %get3A_259 = arith.index_cast %mul3A_256 : i32 to index
        %get3A_260 = tpu.vector_load %arg7[%get3A_258, %get3A_259] {strides = array<i32>} : memref<16x1024xf32, #tpu.memory_space<vmem>>, vector<1x16xf32>,
        %get3A_261 = vector.shape_cast %get3A_260 : vector<1x16xf32> to vector<16xf32>
        %get3A_262 = arith.constant 1 : i32
        %get3A_263 = arith.index_cast %get3A_262 : i32 to index
        %get3A_264 = arith.index_cast %mul3A_256 : i32 to index
        %get3A_265 = tpu.vector_load %arg7[%get3A_263, %get3A_264] {strides = array<i32>} : memref<16x1024xf32, #tpu.memory_space<vmem>>, vector<1x16xf32>,
        %get3A_266 = vector.shape_cast %get3A_265 : vector<1x16xf32> to vector<16xf32>
        %get3A_267 = arith.constant 2 : i32
        %get3A_268 = arith.index_cast %get3A_267 : i32 to index
        %get3A_269 = arith.index_cast %mul3A_256 : i32 to index
        %get3A_270 = tpu.vector_load %arg7[%get3A_268, %get3A_269] {strides = array<i32>} : memref<16x1024xf32, #tpu.memory_space<vmem>>, vector<1x16xf32>,
        %get3A_271 = vector.shape_cast %get3A_270 : vector<1x16xf32> to vector<16xf32>
        %get3A_272 = arith.constant 3 : i32
        %get3A_273 = arith.index_cast %get3A_272 : i32 to index
        %get3A_274 = arith.index_cast %mul3A_256 : i32 to index
        %get3A_275 = tpu.vector_load %arg7[%get3A_273, %get3A_274] {strides = array<i32>} : memref<16x1024xf32, #tpu.memory_space<vmem>>, vector<1x16xf32>,
        %get3A_276 = vector.shape_cast %get3A_275 : vector<1x16xf32> to vector<16xf32>
        %get3A_277 = arith.constant 4 : i32
        %get3A_278 = arith.index_cast %get3A_277 : i32 to index
        %get3A_279 = arith.index_cast %mul3A_256 : i32 to index
        %get3A_280 = tpu.vector_load %arg7[%get3A_278, %get3A_279] {strides = array<i32>} : memref<16x1024xf32, #tpu.memory_space<vmem>>, vector<1x16xf32>,
        %get3A_281 = vector.shape_cast %get3A_280 : vector<1x16xf32> to vector<16xf32>
        %get3A_282 = arith.constant 5 : i32
        %get3A_283 = arith.index_cast %get3A_282 : i32 to index
        %get3A_284 = arith.index_cast %mul3A_256 : i32 to index
        %get3A_285 = tpu.vector_load %arg7[%get3A_283, %get3A_284] {strides = array<i32>} : memref<16x1024xf32, #tpu.memory_space<vmem>>, vector<1x16xf32>,
        %get3A_286 = vector.shape_cast %get3A_285 : vector<1x16xf32> to vector<16xf32>
        %get3A_287 = arith.constant 6 : i32
        %get3A_288 = arith.index_cast %get3A_287 : i32 to index
        %get3A_289 = arith.index_cast %mul3A_256 : i32 to index
        %get3A_290 = tpu.vector_load %arg7[%get3A_288, %get3A_289] {strides = array<i32>} : memref<16x1024xf32, #tpu.memory_space<vmem>>, vector<1x16xf32>,
        %get3A_291 = vector.shape_cast %get3A_290 : vector<1x16xf32> to vector<16xf32>
        %get3A_292 = arith.constant 7 : i32
        %get3A_293 = arith.index_cast %get3A_292 : i32 to index
        %get3A_294 = arith.index_cast %mul3A_256 : i32 to index
        %get3A_295 = tpu.vector_load %arg7[%get3A_293, %get3A_294] {strides = array<i32>} : memref<16x1024xf32, #tpu.memory_space<vmem>>, vector<1x16xf32>,
        %get3A_296 = vector.shape_cast %get3A_295 : vector<1x16xf32> to vector<16xf32>
        %get3A_297 = arith.constant 8 : i32
        %get3A_298 = arith.index_cast %get3A_297 : i32 to index
        %get3A_299 = arith.index_cast %mul3A_256 : i32 to index
        %get3A_300 = tpu.vector_load %arg7[%get3A_298, %get3A_299] {strides = array<i32>} : memref<16x1024xf32, #tpu.memory_space<vmem>>, vector<1x16xf32>,
        %get3A_301 = vector.shape_cast %get3A_300 : vector<1x16xf32> to vector<16xf32>
        %get3A_302 = arith.constant 9 : i32
        %get3A_303 = arith.index_cast %get3A_302 : i32 to index
        %get3A_304 = arith.index_cast %mul3A_256 : i32 to index
        %get3A_305 = tpu.vector_load %arg7[%get3A_303, %get3A_304] {strides = array<i32>} : memref<16x1024xf32, #tpu.memory_space<vmem>>, vector<1x16xf32>,
        %get3A_306 = vector.shape_cast %get3A_305 : vector<1x16xf32> to vector<16xf32>
        %get3A_307 = arith.constant 10 : i32
        %get3A_308 = arith.index_cast %get3A_307 : i32 to index
        %get3A_309 = arith.index_cast %mul3A_256 : i32 to index
        %get3A_310 = tpu.vector_load %arg7[%get3A_308, %get3A_309] {strides = array<i32>} : memref<16x1024xf32, #tpu.memory_space<vmem>>, vector<1x16xf32>,
        %get3A_311 = vector.shape_cast %get3A_310 : vector<1x16xf32> to vector<16xf32>
        %get3A_312 = arith.constant 11 : i32
        %get3A_313 = arith.index_cast %get3A_312 : i32 to index
        %get3A_314 = arith.index_cast %mul3A_256 : i32 to index
        %get3A_315 = tpu.vector_load %arg7[%get3A_313, %get3A_314] {strides = array<i32>} : memref<16x1024xf32, #tpu.memory_space<vmem>>, vector<1x16xf32>,
        %get3A_316 = vector.shape_cast %get3A_315 : vector<1x16xf32> to vector<16xf32>
        %get3A_317 = arith.constant 12 : i32
        %get3A_318 = arith.index_cast %get3A_317 : i32 to index
        %get3A_319 = arith.index_cast %mul3A_256 : i32 to index
        %get3A_320 = tpu.vector_load %arg7[%get3A_318, %get3A_319] {strides = array<i32>} : memref<16x1024xf32, #tpu.memory_space<vmem>>, vector<1x16xf32>,
        %get3A_321 = vector.shape_cast %get3A_320 : vector<1x16xf32> to vector<16xf32>
        %get3A_322 = arith.constant 13 : i32
        %get3A_323 = arith.index_cast %get3A_322 : i32 to index
        %get3A_324 = arith.index_cast %mul3A_256 : i32 to index
        %get3A_325 = tpu.vector_load %arg7[%get3A_323, %get3A_324] {strides = array<i32>} : memref<16x1024xf32, #tpu.memory_space<vmem>>, vector<1x16xf32>,
        %get3A_326 = vector.shape_cast %get3A_325 : vector<1x16xf32> to vector<16xf32>
        %get3A_327 = arith.constant 14 : i32
        %get3A_328 = arith.index_cast %get3A_327 : i32 to index
        %get3A_329 = arith.index_cast %mul3A_256 : i32 to index
        %get3A_330 = tpu.vector_load %arg7[%get3A_328, %get3A_329] {strides = array<i32>} : memref<16x1024xf32, #tpu.memory_space<vmem>>, vector<1x16xf32>,
        %get3A_331 = vector.shape_cast %get3A_330 : vector<1x16xf32> to vector<16xf32>
        %get3A_332 = arith.constant 15 : i32
        %get3A_333 = arith.index_cast %get3A_332 : i32 to index
        %get3A_334 = arith.index_cast %mul3A_256 : i32 to index
        %get3A_335 = tpu.vector_load %arg7[%get3A_333, %get3A_334] {strides = array<i32>} : memref<16x1024xf32, #tpu.memory_space<vmem>>, vector<1x16xf32>,
        %get3A_336 = vector.shape_cast %get3A_335 : vector<1x16xf32> to vector<16xf32>
        %swap3A = arith.constant 0 : i32
        %swap3A_337 = arith.index_cast %swap3A : i32 to index
        %swap3A_338 = arith.index_cast %mul3A_171 : i32 to index
        %swap3A_339 = tpu.vector_load %arg8[%swap3A_337, %swap3A_338] {strides = array<i32>} : memref<16x1024xf32, #tpu.memory_space<vmem>>, vector<1x16xf32>,
        %swap3A_340 = vector.shape_cast %swap3A_339 : vector<1x16xf32> to vector<16xf32>
        %swap3A_341 = vector.shape_cast %get3A_175 : vector<16xf32> to vector<1x16xf32>
        tpu.vector_store %arg8[%swap3A_337, %swap3A_338], %swap3A_341 {add = true, strides = array<i32>} : memref<16x1024xf32, #tpu.memory_space<vmem>>, vector<1x16xf32>,
        %swap3A_342 = arith.constant 1 : i32
        %swap3A_343 = arith.index_cast %swap3A_342 : i32 to index
        %swap3A_344 = arith.index_cast %mul3A_171 : i32 to index
        %swap3A_345 = tpu.vector_load %arg8[%swap3A_343, %swap3A_344] {strides = array<i32>} : memref<16x1024xf32, #tpu.memory_space<vmem>>, vector<1x16xf32>,
        %swap3A_346 = vector.shape_cast %swap3A_345 : vector<1x16xf32> to vector<16xf32>
        %swap3A_347 = vector.shape_cast %get3A_180 : vector<16xf32> to vector<1x16xf32>
        tpu.vector_store %arg8[%swap3A_343, %swap3A_344], %swap3A_347 {add = true, strides = array<i32>} : memref<16x1024xf32, #tpu.memory_space<vmem>>, vector<1x16xf32>,
        %swap3A_348 = arith.constant 2 : i32
        %swap3A_349 = arith.index_cast %swap3A_348 : i32 to index
        %swap3A_350 = arith.index_cast %mul3A_171 : i32 to index
        %swap3A_351 = tpu.vector_load %arg8[%swap3A_349, %swap3A_350] {strides = array<i32>} : memref<16x1024xf32, #tpu.memory_space<vmem>>, vector<1x16xf32>,
        %swap3A_352 = vector.shape_cast %swap3A_351 : vector<1x16xf32> to vector<16xf32>
        %swap3A_353 = vector.shape_cast %get3A_185 : vector<16xf32> to vector<1x16xf32>
        tpu.vector_store %arg8[%swap3A_349, %swap3A_350], %swap3A_353 {add = true, strides = array<i32>} : memref<16x1024xf32, #tpu.memory_space<vmem>>, vector<1x16xf32>,
        %swap3A_354 = arith.constant 3 : i32
        %swap3A_355 = arith.index_cast %swap3A_354 : i32 to index
        %swap3A_356 = arith.index_cast %mul3A_171 : i32 to index
        %swap3A_357 = tpu.vector_load %arg8[%swap3A_355, %swap3A_356] {strides = array<i32>} : memref<16x1024xf32, #tpu.memory_space<vmem>>, vector<1x16xf32>,
        %swap3A_358 = vector.shape_cast %swap3A_357 : vector<1x16xf32> to vector<16xf32>
        %swap3A_359 = vector.shape_cast %get3A_190 : vector<16xf32> to vector<1x16xf32>
        tpu.vector_store %arg8[%swap3A_355, %swap3A_356], %swap3A_359 {add = true, strides = array<i32>} : memref<16x1024xf32, #tpu.memory_space<vmem>>, vector<1x16xf32>,
        %swap3A_360 = arith.constant 4 : i32
        %swap3A_361 = arith.index_cast %swap3A_360 : i32 to index
        %swap3A_362 = arith.index_cast %mul3A_171 : i32 to index
        %swap3A_363 = tpu.vector_load %arg8[%swap3A_361, %swap3A_362] {strides = array<i32>} : memref<16x1024xf32, #tpu.memory_space<vmem>>, vector<1x16xf32>,
        %swap3A_364 = vector.shape_cast %swap3A_363 : vector<1x16xf32> to vector<16xf32>
        %swap3A_365 = vector.shape_cast %get3A_195 : vector<16xf32> to vector<1x16xf32>
        tpu.vector_store %arg8[%swap3A_361, %swap3A_362], %swap3A_365 {add = true, strides = array<i32>} : memref<16x1024xf32, #tpu.memory_space<vmem>>, vector<1x16xf32>,
        %swap3A_366 = arith.constant 5 : i32
        %swap3A_367 = arith.index_cast %swap3A_366 : i32 to index
        %swap3A_368 = arith.index_cast %mul3A_171 : i32 to index
        %swap3A_369 = tpu.vector_load %arg8[%swap3A_367, %swap3A_368] {strides = array<i32>} : memref<16x1024xf32, #tpu.memory_space<vmem>>, vector<1x16xf32>,
        %swap3A_370 = vector.shape_cast %swap3A_369 : vector<1x16xf32> to vector<16xf32>
        %swap3A_371 = vector.shape_cast %get3A_200 : vector<16xf32> to vector<1x16xf32>
        tpu.vector_store %arg8[%swap3A_367, %swap3A_368], %swap3A_371 {add = true, strides = array<i32>} : memref<16x1024xf32, #tpu.memory_space<vmem>>, vector<1x16xf32>,
        %swap3A_372 = arith.constant 6 : i32
        %swap3A_373 = arith.index_cast %swap3A_372 : i32 to index
        %swap3A_374 = arith.index_cast %mul3A_171 : i32 to index
        %swap3A_375 = tpu.vector_load %arg8[%swap3A_373, %swap3A_374] {strides = array<i32>} : memref<16x1024xf32, #tpu.memory_space<vmem>>, vector<1x16xf32>,
        %swap3A_376 = vector.shape_cast %swap3A_375 : vector<1x16xf32> to vector<16xf32>
        %swap3A_377 = vector.shape_cast %get3A_205 : vector<16xf32> to vector<1x16xf32>
        tpu.vector_store %arg8[%swap3A_373, %swap3A_374], %swap3A_377 {add = true, strides = array<i32>} : memref<16x1024xf32, #tpu.memory_space<vmem>>, vector<1x16xf32>,
        %swap3A_378 = arith.constant 7 : i32
        %swap3A_379 = arith.index_cast %swap3A_378 : i32 to index
        %swap3A_380 = arith.index_cast %mul3A_171 : i32 to index
        %swap3A_381 = tpu.vector_load %arg8[%swap3A_379, %swap3A_380] {strides = array<i32>} : memref<16x1024xf32, #tpu.memory_space<vmem>>, vector<1x16xf32>,
        %swap3A_382 = vector.shape_cast %swap3A_381 : vector<1x16xf32> to vector<16xf32>
        %swap3A_383 = vector.shape_cast %get3A_210 : vector<16xf32> to vector<1x16xf32>
        tpu.vector_store %arg8[%swap3A_379, %swap3A_380], %swap3A_383 {add = true, strides = array<i32>} : memref<16x1024xf32, #tpu.memory_space<vmem>>, vector<1x16xf32>,
        %swap3A_384 = arith.constant 8 : i32
        %swap3A_385 = arith.index_cast %swap3A_384 : i32 to index
        %swap3A_386 = arith.index_cast %mul3A_171 : i32 to index
        %swap3A_387 = tpu.vector_load %arg8[%swap3A_385, %swap3A_386] {strides = array<i32>} : memref<16x1024xf32, #tpu.memory_space<vmem>>, vector<1x16xf32>,
        %swap3A_388 = vector.shape_cast %swap3A_387 : vector<1x16xf32> to vector<16xf32>
        %swap3A_389 = vector.shape_cast %get3A_215 : vector<16xf32> to vector<1x16xf32>
        tpu.vector_store %arg8[%swap3A_385, %swap3A_386], %swap3A_389 {add = true, strides = array<i32>} : memref<16x1024xf32, #tpu.memory_space<vmem>>, vector<1x16xf32>,
        %swap3A_390 = arith.constant 9 : i32
        %swap3A_391 = arith.index_cast %swap3A_390 : i32 to index
        %swap3A_392 = arith.index_cast %mul3A_171 : i32 to index
        %swap3A_393 = tpu.vector_load %arg8[%swap3A_391, %swap3A_392] {strides = array<i32>} : memref<16x1024xf32, #tpu.memory_space<vmem>>, vector<1x16xf32>,
        %swap3A_394 = vector.shape_cast %swap3A_393 : vector<1x16xf32> to vector<16xf32>
        %swap3A_395 = vector.shape_cast %get3A_220 : vector<16xf32> to vector<1x16xf32>
        tpu.vector_store %arg8[%swap3A_391, %swap3A_392], %swap3A_395 {add = true, strides = array<i32>} : memref<16x1024xf32, #tpu.memory_space<vmem>>, vector<1x16xf32>,
        %swap3A_396 = arith.constant 10 : i32
        %swap3A_397 = arith.index_cast %swap3A_396 : i32 to index
        %swap3A_398 = arith.index_cast %mul3A_171 : i32 to index
        %swap3A_399 = tpu.vector_load %arg8[%swap3A_397, %swap3A_398] {strides = array<i32>} : memref<16x1024xf32, #tpu.memory_space<vmem>>, vector<1x16xf32>,
        %swap3A_400 = vector.shape_cast %swap3A_399 : vector<1x16xf32> to vector<16xf32>
        %swap3A_401 = vector.shape_cast %get3A_225 : vector<16xf32> to vector<1x16xf32>
        tpu.vector_store %arg8[%swap3A_397, %swap3A_398], %swap3A_401 {add = true, strides = array<i32>} : memref<16x1024xf32, #tpu.memory_space<vmem>>, vector<1x16xf32>,
        %swap3A_402 = arith.constant 11 : i32
        %swap3A_403 = arith.index_cast %swap3A_402 : i32 to index
        %swap3A_404 = arith.index_cast %mul3A_171 : i32 to index
        %swap3A_405 = tpu.vector_load %arg8[%swap3A_403, %swap3A_404] {strides = array<i32>} : memref<16x1024xf32, #tpu.memory_space<vmem>>, vector<1x16xf32>,
        %swap3A_406 = vector.shape_cast %swap3A_405 : vector<1x16xf32> to vector<16xf32>
        %swap3A_407 = vector.shape_cast %get3A_230 : vector<16xf32> to vector<1x16xf32>
        tpu.vector_store %arg8[%swap3A_403, %swap3A_404], %swap3A_407 {add = true, strides = array<i32>} : memref<16x1024xf32, #tpu.memory_space<vmem>>, vector<1x16xf32>,
        %swap3A_408 = arith.constant 12 : i32
        %swap3A_409 = arith.index_cast %swap3A_408 : i32 to index
        %swap3A_410 = arith.index_cast %mul3A_171 : i32 to index
        %swap3A_411 = tpu.vector_load %arg8[%swap3A_409, %swap3A_410] {strides = array<i32>} : memref<16x1024xf32, #tpu.memory_space<vmem>>, vector<1x16xf32>,
        %swap3A_412 = vector.shape_cast %swap3A_411 : vector<1x16xf32> to vector<16xf32>
        %swap3A_413 = vector.shape_cast %get3A_235 : vector<16xf32> to vector<1x16xf32>
        tpu.vector_store %arg8[%swap3A_409, %swap3A_410], %swap3A_413 {add = true, strides = array<i32>} : memref<16x1024xf32, #tpu.memory_space<vmem>>, vector<1x16xf32>,
        %swap3A_414 = arith.constant 13 : i32
        %swap3A_415 = arith.index_cast %swap3A_414 : i32 to index
        %swap3A_416 = arith.index_cast %mul3A_171 : i32 to index
        %swap3A_417 = tpu.vector_load %arg8[%swap3A_415, %swap3A_416] {strides = array<i32>} : memref<16x1024xf32, #tpu.memory_space<vmem>>, vector<1x16xf32>,
        %swap3A_418 = vector.shape_cast %swap3A_417 : vector<1x16xf32> to vector<16xf32>
        %swap3A_419 = vector.shape_cast %get3A_240 : vector<16xf32> to vector<1x16xf32>
        tpu.vector_store %arg8[%swap3A_415, %swap3A_416], %swap3A_419 {add = true, strides = array<i32>} : memref<16x1024xf32, #tpu.memory_space<vmem>>, vector<1x16xf32>,
        %swap3A_420 = arith.constant 14 : i32
        %swap3A_421 = arith.index_cast %swap3A_420 : i32 to index
        %swap3A_422 = arith.index_cast %mul3A_171 : i32 to index
        %swap3A_423 = tpu.vector_load %arg8[%swap3A_421, %swap3A_422] {strides = array<i32>} : memref<16x1024xf32, #tpu.memory_space<vmem>>, vector<1x16xf32>,
        %swap3A_424 = vector.shape_cast %swap3A_423 : vector<1x16xf32> to vector<16xf32>
        %swap3A_425 = vector.shape_cast %get3A_245 : vector<16xf32> to vector<1x16xf32>
        tpu.vector_store %arg8[%swap3A_421, %swap3A_422], %swap3A_425 {add = true, strides = array<i32>} : memref<16x1024xf32, #tpu.memory_space<vmem>>, vector<1x16xf32>,
        %swap3A_426 = arith.constant 15 : i32
        %swap3A_427 = arith.index_cast %swap3A_426 : i32 to index
        %swap3A_428 = arith.index_cast %mul3A_171 : i32 to index
        %swap3A_429 = tpu.vector_load %arg8[%swap3A_427, %swap3A_428] {strides = array<i32>} : memref<16x1024xf32, #tpu.memory_space<vmem>>, vector<1x16xf32>,
        %swap3A_430 = vector.shape_cast %swap3A_429 : vector<1x16xf32> to vector<16xf32>
        %swap3A_431 = vector.shape_cast %get3A_250 : vector<16xf32> to vector<1x16xf32>
        tpu.vector_store %arg8[%swap3A_427, %swap3A_428], %swap3A_431 {add = true, strides = array<i32>} : memref<16x1024xf32, #tpu.memory_space<vmem>>, vector<1x16xf32>,
        %swap3A_432 = arith.constant 0 : i32
        %swap3A_433 = arith.index_cast %swap3A_432 : i32 to index
        %swap3A_434 = arith.index_cast %mul3A_256 : i32 to index
        %swap3A_435 = tpu.vector_load %arg8[%swap3A_433, %swap3A_434] {strides = array<i32>} : memref<16x1024xf32, #tpu.memory_space<vmem>>, vector<1x16xf32>,
        %swap3A_436 = vector.shape_cast %swap3A_435 : vector<1x16xf32> to vector<16xf32>
        %swap3A_437 = vector.shape_cast %get3A_261 : vector<16xf32> to vector<1x16xf32>
        tpu.vector_store %arg8[%swap3A_433, %swap3A_434], %swap3A_437 {add = true, strides = array<i32>} : memref<16x1024xf32, #tpu.memory_space<vmem>>, vector<1x16xf32>,
        %swap3A_438 = arith.constant 1 : i32
        %swap3A_439 = arith.index_cast %swap3A_438 : i32 to index
        %swap3A_440 = arith.index_cast %mul3A_256 : i32 to index
        %swap3A_441 = tpu.vector_load %arg8[%swap3A_439, %swap3A_440] {strides = array<i32>} : memref<16x1024xf32, #tpu.memory_space<vmem>>, vector<1x16xf32>,
        %swap3A_442 = vector.shape_cast %swap3A_441 : vector<1x16xf32> to vector<16xf32>
        %swap3A_443 = vector.shape_cast %get3A_266 : vector<16xf32> to vector<1x16xf32>
        tpu.vector_store %arg8[%swap3A_439, %swap3A_440], %swap3A_443 {add = true, strides = array<i32>} : memref<16x1024xf32, #tpu.memory_space<vmem>>, vector<1x16xf32>,
        %swap3A_444 = arith.constant 2 : i32
        %swap3A_445 = arith.index_cast %swap3A_444 : i32 to index
        %swap3A_446 = arith.index_cast %mul3A_256 : i32 to index
        %swap3A_447 = tpu.vector_load %arg8[%swap3A_445, %swap3A_446] {strides = array<i32>} : memref<16x1024xf32, #tpu.memory_space<vmem>>, vector<1x16xf32>,
        %swap3A_448 = vector.shape_cast %swap3A_447 : vector<1x16xf32> to vector<16xf32>
        %swap3A_449 = vector.shape_cast %get3A_271 : vector<16xf32> to vector<1x16xf32>
        tpu.vector_store %arg8[%swap3A_445, %swap3A_446], %swap3A_449 {add = true, strides = array<i32>} : memref<16x1024xf32, #tpu.memory_space<vmem>>, vector<1x16xf32>,
        %swap3A_450 = arith.constant 3 : i32
        %swap3A_451 = arith.index_cast %swap3A_450 : i32 to index
        %swap3A_452 = arith.index_cast %mul3A_256 : i32 to index
        %swap3A_453 = tpu.vector_load %arg8[%swap3A_451, %swap3A_452] {strides = array<i32>} : memref<16x1024xf32, #tpu.memory_space<vmem>>, vector<1x16xf32>,
        %swap3A_454 = vector.shape_cast %swap3A_453 : vector<1x16xf32> to vector<16xf32>
        %swap3A_455 = vector.shape_cast %get3A_276 : vector<16xf32> to vector<1x16xf32>
        tpu.vector_store %arg8[%swap3A_451, %swap3A_452], %swap3A_455 {add = true, strides = array<i32>} : memref<16x1024xf32, #tpu.memory_space<vmem>>, vector<1x16xf32>,
        %swap3A_456 = arith.constant 4 : i32
        %swap3A_457 = arith.index_cast %swap3A_456 : i32 to index
        %swap3A_458 = arith.index_cast %mul3A_256 : i32 to index
        %swap3A_459 = tpu.vector_load %arg8[%swap3A_457, %swap3A_458] {strides = array<i32>} : memref<16x1024xf32, #tpu.memory_space<vmem>>, vector<1x16xf32>,
        %swap3A_460 = vector.shape_cast %swap3A_459 : vector<1x16xf32> to vector<16xf32>
        %swap3A_461 = vector.shape_cast %get3A_281 : vector<16xf32> to vector<1x16xf32>
        tpu.vector_store %arg8[%swap3A_457, %swap3A_458], %swap3A_461 {add = true, strides = array<i32>} : memref<16x1024xf32, #tpu.memory_space<vmem>>, vector<1x16xf32>,
        %swap3A_462 = arith.constant 5 : i32
        %swap3A_463 = arith.index_cast %swap3A_462 : i32 to index
        %swap3A_464 = arith.index_cast %mul3A_256 : i32 to index
        %swap3A_465 = tpu.vector_load %arg8[%swap3A_463, %swap3A_464] {strides = array<i32>} : memref<16x1024xf32, #tpu.memory_space<vmem>>, vector<1x16xf32>,
        %swap3A_466 = vector.shape_cast %swap3A_465 : vector<1x16xf32> to vector<16xf32>
        %swap3A_467 = vector.shape_cast %get3A_286 : vector<16xf32> to vector<1x16xf32>
        tpu.vector_store %arg8[%swap3A_463, %swap3A_464], %swap3A_467 {add = true, strides = array<i32>} : memref<16x1024xf32, #tpu.memory_space<vmem>>, vector<1x16xf32>,
        %swap3A_468 = arith.constant 6 : i32
        %swap3A_469 = arith.index_cast %swap3A_468 : i32 to index
        %swap3A_470 = arith.index_cast %mul3A_256 : i32 to index
        %swap3A_471 = tpu.vector_load %arg8[%swap3A_469, %swap3A_470] {strides = array<i32>} : memref<16x1024xf32, #tpu.memory_space<vmem>>, vector<1x16xf32>,
        %swap3A_472 = vector.shape_cast %swap3A_471 : vector<1x16xf32> to vector<16xf32>
        %swap3A_473 = vector.shape_cast %get3A_291 : vector<16xf32> to vector<1x16xf32>
        tpu.vector_store %arg8[%swap3A_469, %swap3A_470], %swap3A_473 {add = true, strides = array<i32>} : memref<16x1024xf32, #tpu.memory_space<vmem>>, vector<1x16xf32>,
        %swap3A_474 = arith.constant 7 : i32
        %swap3A_475 = arith.index_cast %swap3A_474 : i32 to index
        %swap3A_476 = arith.index_cast %mul3A_256 : i32 to index
        %swap3A_477 = tpu.vector_load %arg8[%swap3A_475, %swap3A_476] {strides = array<i32>} : memref<16x1024xf32, #tpu.memory_space<vmem>>, vector<1x16xf32>,
        %swap3A_478 = vector.shape_cast %swap3A_477 : vector<1x16xf32> to vector<16xf32>
        %swap3A_479 = vector.shape_cast %get3A_296 : vector<16xf32> to vector<1x16xf32>
        tpu.vector_store %arg8[%swap3A_475, %swap3A_476], %swap3A_479 {add = true, strides = array<i32>} : memref<16x1024xf32, #tpu.memory_space<vmem>>, vector<1x16xf32>,
        %swap3A_480 = arith.constant 8 : i32
        %swap3A_481 = arith.index_cast %swap3A_480 : i32 to index
        %swap3A_482 = arith.index_cast %mul3A_256 : i32 to index
        %swap3A_483 = tpu.vector_load %arg8[%swap3A_481, %swap3A_482] {strides = array<i32>} : memref<16x1024xf32, #tpu.memory_space<vmem>>, vector<1x16xf32>,
        %swap3A_484 = vector.shape_cast %swap3A_483 : vector<1x16xf32> to vector<16xf32>
        %swap3A_485 = vector.shape_cast %get3A_301 : vector<16xf32> to vector<1x16xf32>
        tpu.vector_store %arg8[%swap3A_481, %swap3A_482], %swap3A_485 {add = true, strides = array<i32>} : memref<16x1024xf32, #tpu.memory_space<vmem>>, vector<1x16xf32>,
        %swap3A_486 = arith.constant 9 : i32
        %swap3A_487 = arith.index_cast %swap3A_486 : i32 to index
        %swap3A_488 = arith.index_cast %mul3A_256 : i32 to index
        %swap3A_489 = tpu.vector_load %arg8[%swap3A_487, %swap3A_488] {strides = array<i32>} : memref<16x1024xf32, #tpu.memory_space<vmem>>, vector<1x16xf32>,
        %swap3A_490 = vector.shape_cast %swap3A_489 : vector<1x16xf32> to vector<16xf32>
        %swap3A_491 = vector.shape_cast %get3A_306 : vector<16xf32> to vector<1x16xf32>
        tpu.vector_store %arg8[%swap3A_487, %swap3A_488], %swap3A_491 {add = true, strides = array<i32>} : memref<16x1024xf32, #tpu.memory_space<vmem>>, vector<1x16xf32>,
        %swap3A_492 = arith.constant 10 : i32
        %swap3A_493 = arith.index_cast %swap3A_492 : i32 to index
        %swap3A_494 = arith.index_cast %mul3A_256 : i32 to index
        %swap3A_495 = tpu.vector_load %arg8[%swap3A_493, %swap3A_494] {strides = array<i32>} : memref<16x1024xf32, #tpu.memory_space<vmem>>, vector<1x16xf32>,
        %swap3A_496 = vector.shape_cast %swap3A_495 : vector<1x16xf32> to vector<16xf32>
        %swap3A_497 = vector.shape_cast %get3A_311 : vector<16xf32> to vector<1x16xf32>
        tpu.vector_store %arg8[%swap3A_493, %swap3A_494], %swap3A_497 {add = true, strides = array<i32>} : memref<16x1024xf32, #tpu.memory_space<vmem>>, vector<1x16xf32>,
        %swap3A_498 = arith.constant 11 : i32
        %swap3A_499 = arith.index_cast %swap3A_498 : i32 to index
        %swap3A_500 = arith.index_cast %mul3A_256 : i32 to index
        %swap3A_501 = tpu.vector_load %arg8[%swap3A_499, %swap3A_500] {strides = array<i32>} : memref<16x1024xf32, #tpu.memory_space<vmem>>, vector<1x16xf32>,
        %swap3A_502 = vector.shape_cast %swap3A_501 : vector<1x16xf32> to vector<16xf32>
        %swap3A_503 = vector.shape_cast %get3A_316 : vector<16xf32> to vector<1x16xf32>
        tpu.vector_store %arg8[%swap3A_499, %swap3A_500], %swap3A_503 {add = true, strides = array<i32>} : memref<16x1024xf32, #tpu.memory_space<vmem>>, vector<1x16xf32>,
        %swap3A_504 = arith.constant 12 : i32
        %swap3A_505 = arith.index_cast %swap3A_504 : i32 to index
        %swap3A_506 = arith.index_cast %mul3A_256 : i32 to index
        %swap3A_507 = tpu.vector_load %arg8[%swap3A_505, %swap3A_506] {strides = array<i32>} : memref<16x1024xf32, #tpu.memory_space<vmem>>, vector<1x16xf32>,
        %swap3A_508 = vector.shape_cast %swap3A_507 : vector<1x16xf32> to vector<16xf32>
        %swap3A_509 = vector.shape_cast %get3A_321 : vector<16xf32> to vector<1x16xf32>
        tpu.vector_store %arg8[%swap3A_505, %swap3A_506], %swap3A_509 {add = true, strides = array<i32>} : memref<16x1024xf32, #tpu.memory_space<vmem>>, vector<1x16xf32>,
        %swap3A_510 = arith.constant 13 : i32
        %swap3A_511 = arith.index_cast %swap3A_510 : i32 to index
        %swap3A_512 = arith.index_cast %mul3A_256 : i32 to index
        %swap3A_513 = tpu.vector_load %arg8[%swap3A_511, %swap3A_512] {strides = array<i32>} : memref<16x1024xf32, #tpu.memory_space<vmem>>, vector<1x16xf32>,
        %swap3A_514 = vector.shape_cast %swap3A_513 : vector<1x16xf32> to vector<16xf32>
        %swap3A_515 = vector.shape_cast %get3A_326 : vector<16xf32> to vector<1x16xf32>
        tpu.vector_store %arg8[%swap3A_511, %swap3A_512], %swap3A_515 {add = true, strides = array<i32>} : memref<16x1024xf32, #tpu.memory_space<vmem>>, vector<1x16xf32>,
        %swap3A_516 = arith.constant 14 : i32
        %swap3A_517 = arith.index_cast %swap3A_516 : i32 to index
        %swap3A_518 = arith.index_cast %mul3A_256 : i32 to index
        %swap3A_519 = tpu.vector_load %arg8[%swap3A_517, %swap3A_518] {strides = array<i32>} : memref<16x1024xf32, #tpu.memory_space<vmem>>, vector<1x16xf32>,
        %swap3A_520 = vector.shape_cast %swap3A_519 : vector<1x16xf32> to vector<16xf32>
        %swap3A_521 = vector.shape_cast %get3A_331 : vector<16xf32> to vector<1x16xf32>
        tpu.vector_store %arg8[%swap3A_517, %swap3A_518], %swap3A_521 {add = true, strides = array<i32>} : memref<16x1024xf32, #tpu.memory_space<vmem>>, vector<1x16xf32>,
        %swap3A_522 = arith.constant 15 : i32
        %swap3A_523 = arith.index_cast %swap3A_522 : i32 to index
        %swap3A_524 = arith.index_cast %mul3A_256 : i32 to index
        %swap3A_525 = tpu.vector_load %arg8[%swap3A_523, %swap3A_524] {strides = array<i32>} : memref<16x1024xf32, #tpu.memory_space<vmem>>, vector<1x16xf32>,
        %swap3A_526 = vector.shape_cast %swap3A_525 : vector<1x16xf32> to vector<16xf32>
        %swap3A_527 = vector.shape_cast %get3A_336 : vector<16xf32> to vector<1x16xf32>
        tpu.vector_store %arg8[%swap3A_523, %swap3A_524], %swap3A_527 {add = true, strides = array<i32>} : memref<16x1024xf32, #tpu.memory_space<vmem>>, vector<1x16xf32>,
        %scan3A_528 = arith.constant 0 : i32
        scf.yield %scan3A_528 : i32
      }
      %scan3A_56 = arith.constant 32 : i32
      %add3A_57 = arith.constant 0 : i32
      %add3A_58 = arith.addi %mul3A_2, %add3A_57 : i32
      %mul3A_59 = arith.constant 16 : i32
      %mul3A_60 = arith.muli %scan3A_11, %mul3A_59 : i32
      %add3A_61 = arith.addi %add3A_58, %mul3A_60 : i32
      %dma_start3A_62 = arith.constant 0 : i32
      %dma_start3A_63 = tpu.memref_slice %arg5[%add3A_61, %dma_start3A_62] : memref<524288x1024xf32, #tpu.memory_space<hbm>> -> memref<16x1024xf32, #tpu.memory_space<hbm>>
      %dma_start3A_64 = arith.constant 0 : i32
      %dma_start3A_65 = tpu.memref_slice %arg5[%add3A_61, %dma_start3A_64] : memref<524288x1024xf32, #tpu.memory_space<hbm>> -> memref<16x1024xf32, #tpu.memory_space<hbm>>
      tpu.enqueue_dma source(%arg8 : memref<16x1024xf32, #tpu.memory_space<vmem>>) target(%dma_start3A_65 : memref<16x1024xf32, #tpu.memory_space<hbm>>) target_semaphore(%arg17 : memref<!tpu.dma_semaphore, #tpu.memory_space<semaphore_mem>>)
      %dma_wait3A_66 = arith.constant 0 : i32
      %dma_wait3A_67 = arith.constant 0 : i32
      %dma_wait3A_68 = tpu.memref_slice %arg3[%dma_wait3A_66, %dma_wait3A_67] : memref<16384x1024xf32, #tpu.memory_space<hbm>> -> memref<16x1024xf32, #tpu.memory_space<hbm>>
      %dma_wait3A_69 = arith.constant 0 : i32
      %dma_wait3A_70 = arith.constant 0 : i32
      %dma_wait3A_71 = tpu.memref_slice %arg3[%dma_wait3A_69, %dma_wait3A_70] : memref<16384x1024xf32, #tpu.memory_space<hbm>> -> memref<16x1024xf32, #tpu.memory_space<hbm>>
      tpu.wait_dma2 semaphore(%arg14 : memref<!tpu.dma_semaphore, #tpu.memory_space<semaphore_mem>>) src(%dma_wait3A_71 : memref<16x1024xf32, #tpu.memory_space<hbm>>) dst(%arg9 : memref<16x1024xf32, #tpu.memory_space<vmem>>)
      %scan3A_72 = arith.constant 0 : i32
      %scan3A_73 = arith.constant 0 : i32
      %scan3A_74 = arith.constant 32 : i32
      %scan3A_75 = arith.addi %scan3A_73, %scan3A_74 : i32
      %scan3A_76 = arith.constant 1 : i32
      %scan3A_77 = scf.for %scan3A_164 = %scan3A_73 to %scan3A_75 step %scan3A_76 iter_args(%scan3A_165 = %scan3A_72) -> (i32)  : i32 {
        %mul3A_166 = arith.constant 2 : i32
        %mul3A_167 = arith.muli %scan3A_164, %mul3A_166 : i32
        %add3A_168 = arith.constant 0 : i32
        %add3A_169 = arith.addi %mul3A_167, %add3A_168 : i32
        %mul3A_170 = arith.constant 16 : i32
        %mul3A_171 = arith.muli %add3A_169, %mul3A_170 : i32
        %get3A = arith.constant 0 : i32
        %get3A_172 = arith.index_cast %get3A : i32 to index
        %get3A_173 = arith.index_cast %mul3A_171 : i32 to index
        %get3A_174 = tpu.vector_load %arg7[%get3A_172, %get3A_173] {strides = array<i32>} : memref<16x1024xf32, #tpu.memory_space<vmem>>, vector<1x16xf32>,
        %get3A_175 = vector.shape_cast %get3A_174 : vector<1x16xf32> to vector<16xf32>
        %get3A_176 = arith.constant 1 : i32
        %get3A_177 = arith.index_cast %get3A_176 : i32 to index
        %get3A_178 = arith.index_cast %mul3A_171 : i32 to index
        %get3A_179 = tpu.vector_load %arg7[%get3A_177, %get3A_178] {strides = array<i32>} : memref<16x1024xf32, #tpu.memory_space<vmem>>, vector<1x16xf32>,
        %get3A_180 = vector.shape_cast %get3A_179 : vector<1x16xf32> to vector<16xf32>
        %get3A_181 = arith.constant 2 : i32
        %get3A_182 = arith.index_cast %get3A_181 : i32 to index
        %get3A_183 = arith.index_cast %mul3A_171 : i32 to index
        %get3A_184 = tpu.vector_load %arg7[%get3A_182, %get3A_183] {strides = array<i32>} : memref<16x1024xf32, #tpu.memory_space<vmem>>, vector<1x16xf32>,
        %get3A_185 = vector.shape_cast %get3A_184 : vector<1x16xf32> to vector<16xf32>
        %get3A_186 = arith.constant 3 : i32
        %get3A_187 = arith.index_cast %get3A_186 : i32 to index
        %get3A_188 = arith.index_cast %mul3A_171 : i32 to index
        %get3A_189 = tpu.vector_load %arg7[%get3A_187, %get3A_188] {strides = array<i32>} : memref<16x1024xf32, #tpu.memory_space<vmem>>, vector<1x16xf32>,
        %get3A_190 = vector.shape_cast %get3A_189 : vector<1x16xf32> to vector<16xf32>
        %get3A_191 = arith.constant 4 : i32
        %get3A_192 = arith.index_cast %get3A_191 : i32 to index
        %get3A_193 = arith.index_cast %mul3A_171 : i32 to index
        %get3A_194 = tpu.vector_load %arg7[%get3A_192, %get3A_193] {strides = array<i32>} : memref<16x1024xf32, #tpu.memory_space<vmem>>, vector<1x16xf32>,
        %get3A_195 = vector.shape_cast %get3A_194 : vector<1x16xf32> to vector<16xf32>
        %get3A_196 = arith.constant 5 : i32
        %get3A_197 = arith.index_cast %get3A_196 : i32 to index
        %get3A_198 = arith.index_cast %mul3A_171 : i32 to index
        %get3A_199 = tpu.vector_load %arg7[%get3A_197, %get3A_198] {strides = array<i32>} : memref<16x1024xf32, #tpu.memory_space<vmem>>, vector<1x16xf32>,
        %get3A_200 = vector.shape_cast %get3A_199 : vector<1x16xf32> to vector<16xf32>
        %get3A_201 = arith.constant 6 : i32
        %get3A_202 = arith.index_cast %get3A_201 : i32 to index
        %get3A_203 = arith.index_cast %mul3A_171 : i32 to index
        %get3A_204 = tpu.vector_load %arg7[%get3A_202, %get3A_203] {strides = array<i32>} : memref<16x1024xf32, #tpu.memory_space<vmem>>, vector<1x16xf32>,
        %get3A_205 = vector.shape_cast %get3A_204 : vector<1x16xf32> to vector<16xf32>
        %get3A_206 = arith.constant 7 : i32
        %get3A_207 = arith.index_cast %get3A_206 : i32 to index
        %get3A_208 = arith.index_cast %mul3A_171 : i32 to index
        %get3A_209 = tpu.vector_load %arg7[%get3A_207, %get3A_208] {strides = array<i32>} : memref<16x1024xf32, #tpu.memory_space<vmem>>, vector<1x16xf32>,
        %get3A_210 = vector.shape_cast %get3A_209 : vector<1x16xf32> to vector<16xf32>
        %get3A_211 = arith.constant 8 : i32
        %get3A_212 = arith.index_cast %get3A_211 : i32 to index
        %get3A_213 = arith.index_cast %mul3A_171 : i32 to index
        %get3A_214 = tpu.vector_load %arg7[%get3A_212, %get3A_213] {strides = array<i32>} : memref<16x1024xf32, #tpu.memory_space<vmem>>, vector<1x16xf32>,
        %get3A_215 = vector.shape_cast %get3A_214 : vector<1x16xf32> to vector<16xf32>
        %get3A_216 = arith.constant 9 : i32
        %get3A_217 = arith.index_cast %get3A_216 : i32 to index
        %get3A_218 = arith.index_cast %mul3A_171 : i32 to index
        %get3A_219 = tpu.vector_load %arg7[%get3A_217, %get3A_218] {strides = array<i32>} : memref<16x1024xf32, #tpu.memory_space<vmem>>, vector<1x16xf32>,
        %get3A_220 = vector.shape_cast %get3A_219 : vector<1x16xf32> to vector<16xf32>
        %get3A_221 = arith.constant 10 : i32
        %get3A_222 = arith.index_cast %get3A_221 : i32 to index
        %get3A_223 = arith.index_cast %mul3A_171 : i32 to index
        %get3A_224 = tpu.vector_load %arg7[%get3A_222, %get3A_223] {strides = array<i32>} : memref<16x1024xf32, #tpu.memory_space<vmem>>, vector<1x16xf32>,
        %get3A_225 = vector.shape_cast %get3A_224 : vector<1x16xf32> to vector<16xf32>
        %get3A_226 = arith.constant 11 : i32
        %get3A_227 = arith.index_cast %get3A_226 : i32 to index
        %get3A_228 = arith.index_cast %mul3A_171 : i32 to index
        %get3A_229 = tpu.vector_load %arg7[%get3A_227, %get3A_228] {strides = array<i32>} : memref<16x1024xf32, #tpu.memory_space<vmem>>, vector<1x16xf32>,
        %get3A_230 = vector.shape_cast %get3A_229 : vector<1x16xf32> to vector<16xf32>
        %get3A_231 = arith.constant 12 : i32
        %get3A_232 = arith.index_cast %get3A_231 : i32 to index
        %get3A_233 = arith.index_cast %mul3A_171 : i32 to index
        %get3A_234 = tpu.vector_load %arg7[%get3A_232, %get3A_233] {strides = array<i32>} : memref<16x1024xf32, #tpu.memory_space<vmem>>, vector<1x16xf32>,
        %get3A_235 = vector.shape_cast %get3A_234 : vector<1x16xf32> to vector<16xf32>
        %get3A_236 = arith.constant 13 : i32
        %get3A_237 = arith.index_cast %get3A_236 : i32 to index
        %get3A_238 = arith.index_cast %mul3A_171 : i32 to index
        %get3A_239 = tpu.vector_load %arg7[%get3A_237, %get3A_238] {strides = array<i32>} : memref<16x1024xf32, #tpu.memory_space<vmem>>, vector<1x16xf32>,
        %get3A_240 = vector.shape_cast %get3A_239 : vector<1x16xf32> to vector<16xf32>
        %get3A_241 = arith.constant 14 : i32
        %get3A_242 = arith.index_cast %get3A_241 : i32 to index
        %get3A_243 = arith.index_cast %mul3A_171 : i32 to index
        %get3A_244 = tpu.vector_load %arg7[%get3A_242, %get3A_243] {strides = array<i32>} : memref<16x1024xf32, #tpu.memory_space<vmem>>, vector<1x16xf32>,
        %get3A_245 = vector.shape_cast %get3A_244 : vector<1x16xf32> to vector<16xf32>
        %get3A_246 = arith.constant 15 : i32
        %get3A_247 = arith.index_cast %get3A_246 : i32 to index
        %get3A_248 = arith.index_cast %mul3A_171 : i32 to index
        %get3A_249 = tpu.vector_load %arg7[%get3A_247, %get3A_248] {strides = array<i32>} : memref<16x1024xf32, #tpu.memory_space<vmem>>, vector<1x16xf32>,
        %get3A_250 = vector.shape_cast %get3A_249 : vector<1x16xf32> to vector<16xf32>
        %mul3A_251 = arith.constant 2 : i32
        %mul3A_252 = arith.muli %scan3A_164, %mul3A_251 : i32
        %add3A_253 = arith.constant 1 : i32
        %add3A_254 = arith.addi %mul3A_252, %add3A_253 : i32
        %mul3A_255 = arith.constant 16 : i32
        %mul3A_256 = arith.muli %add3A_254, %mul3A_255 : i32
        %get3A_257 = arith.constant 0 : i32
        %get3A_258 = arith.index_cast %get3A_257 : i32 to index
        %get3A_259 = arith.index_cast %mul3A_256 : i32 to index
        %get3A_260 = tpu.vector_load %arg7[%get3A_258, %get3A_259] {strides = array<i32>} : memref<16x1024xf32, #tpu.memory_space<vmem>>, vector<1x16xf32>,
        %get3A_261 = vector.shape_cast %get3A_260 : vector<1x16xf32> to vector<16xf32>
        %get3A_262 = arith.constant 1 : i32
        %get3A_263 = arith.index_cast %get3A_262 : i32 to index
        %get3A_264 = arith.index_cast %mul3A_256 : i32 to index
        %get3A_265 = tpu.vector_load %arg7[%get3A_263, %get3A_264] {strides = array<i32>} : memref<16x1024xf32, #tpu.memory_space<vmem>>, vector<1x16xf32>,
        %get3A_266 = vector.shape_cast %get3A_265 : vector<1x16xf32> to vector<16xf32>
        %get3A_267 = arith.constant 2 : i32
        %get3A_268 = arith.index_cast %get3A_267 : i32 to index
        %get3A_269 = arith.index_cast %mul3A_256 : i32 to index
        %get3A_270 = tpu.vector_load %arg7[%get3A_268, %get3A_269] {strides = array<i32>} : memref<16x1024xf32, #tpu.memory_space<vmem>>, vector<1x16xf32>,
        %get3A_271 = vector.shape_cast %get3A_270 : vector<1x16xf32> to vector<16xf32>
        %get3A_272 = arith.constant 3 : i32
        %get3A_273 = arith.index_cast %get3A_272 : i32 to index
        %get3A_274 = arith.index_cast %mul3A_256 : i32 to index
        %get3A_275 = tpu.vector_load %arg7[%get3A_273, %get3A_274] {strides = array<i32>} : memref<16x1024xf32, #tpu.memory_space<vmem>>, vector<1x16xf32>,
        %get3A_276 = vector.shape_cast %get3A_275 : vector<1x16xf32> to vector<16xf32>
        %get3A_277 = arith.constant 4 : i32
        %get3A_278 = arith.index_cast %get3A_277 : i32 to index
        %get3A_279 = arith.index_cast %mul3A_256 : i32 to index
        %get3A_280 = tpu.vector_load %arg7[%get3A_278, %get3A_279] {strides = array<i32>} : memref<16x1024xf32, #tpu.memory_space<vmem>>, vector<1x16xf32>,
        %get3A_281 = vector.shape_cast %get3A_280 : vector<1x16xf32> to vector<16xf32>
        %get3A_282 = arith.constant 5 : i32
        %get3A_283 = arith.index_cast %get3A_282 : i32 to index
        %get3A_284 = arith.index_cast %mul3A_256 : i32 to index
        %get3A_285 = tpu.vector_load %arg7[%get3A_283, %get3A_284] {strides = array<i32>} : memref<16x1024xf32, #tpu.memory_space<vmem>>, vector<1x16xf32>,
        %get3A_286 = vector.shape_cast %get3A_285 : vector<1x16xf32> to vector<16xf32>
        %get3A_287 = arith.constant 6 : i32
        %get3A_288 = arith.index_cast %get3A_287 : i32 to index
        %get3A_289 = arith.index_cast %mul3A_256 : i32 to index
        %get3A_290 = tpu.vector_load %arg7[%get3A_288, %get3A_289] {strides = array<i32>} : memref<16x1024xf32, #tpu.memory_space<vmem>>, vector<1x16xf32>,
        %get3A_291 = vector.shape_cast %get3A_290 : vector<1x16xf32> to vector<16xf32>
        %get3A_292 = arith.constant 7 : i32
        %get3A_293 = arith.index_cast %get3A_292 : i32 to index
        %get3A_294 = arith.index_cast %mul3A_256 : i32 to index
        %get3A_295 = tpu.vector_load %arg7[%get3A_293, %get3A_294] {strides = array<i32>} : memref<16x1024xf32, #tpu.memory_space<vmem>>, vector<1x16xf32>,
        %get3A_296 = vector.shape_cast %get3A_295 : vector<1x16xf32> to vector<16xf32>
        %get3A_297 = arith.constant 8 : i32
        %get3A_298 = arith.index_cast %get3A_297 : i32 to index
        %get3A_299 = arith.index_cast %mul3A_256 : i32 to index
        %get3A_300 = tpu.vector_load %arg7[%get3A_298, %get3A_299] {strides = array<i32>} : memref<16x1024xf32, #tpu.memory_space<vmem>>, vector<1x16xf32>,
        %get3A_301 = vector.shape_cast %get3A_300 : vector<1x16xf32> to vector<16xf32>
        %get3A_302 = arith.constant 9 : i32
        %get3A_303 = arith.index_cast %get3A_302 : i32 to index
        %get3A_304 = arith.index_cast %mul3A_256 : i32 to index
        %get3A_305 = tpu.vector_load %arg7[%get3A_303, %get3A_304] {strides = array<i32>} : memref<16x1024xf32, #tpu.memory_space<vmem>>, vector<1x16xf32>,
        %get3A_306 = vector.shape_cast %get3A_305 : vector<1x16xf32> to vector<16xf32>
        %get3A_307 = arith.constant 10 : i32
        %get3A_308 = arith.index_cast %get3A_307 : i32 to index
        %get3A_309 = arith.index_cast %mul3A_256 : i32 to index
        %get3A_310 = tpu.vector_load %arg7[%get3A_308, %get3A_309] {strides = array<i32>} : memref<16x1024xf32, #tpu.memory_space<vmem>>, vector<1x16xf32>,
        %get3A_311 = vector.shape_cast %get3A_310 : vector<1x16xf32> to vector<16xf32>
        %get3A_312 = arith.constant 11 : i32
        %get3A_313 = arith.index_cast %get3A_312 : i32 to index
        %get3A_314 = arith.index_cast %mul3A_256 : i32 to index
        %get3A_315 = tpu.vector_load %arg7[%get3A_313, %get3A_314] {strides = array<i32>} : memref<16x1024xf32, #tpu.memory_space<vmem>>, vector<1x16xf32>,
        %get3A_316 = vector.shape_cast %get3A_315 : vector<1x16xf32> to vector<16xf32>
        %get3A_317 = arith.constant 12 : i32
        %get3A_318 = arith.index_cast %get3A_317 : i32 to index
        %get3A_319 = arith.index_cast %mul3A_256 : i32 to index
        %get3A_320 = tpu.vector_load %arg7[%get3A_318, %get3A_319] {strides = array<i32>} : memref<16x1024xf32, #tpu.memory_space<vmem>>, vector<1x16xf32>,
        %get3A_321 = vector.shape_cast %get3A_320 : vector<1x16xf32> to vector<16xf32>
        %get3A_322 = arith.constant 13 : i32
        %get3A_323 = arith.index_cast %get3A_322 : i32 to index
        %get3A_324 = arith.index_cast %mul3A_256 : i32 to index
        %get3A_325 = tpu.vector_load %arg7[%get3A_323, %get3A_324] {strides = array<i32>} : memref<16x1024xf32, #tpu.memory_space<vmem>>, vector<1x16xf32>,
        %get3A_326 = vector.shape_cast %get3A_325 : vector<1x16xf32> to vector<16xf32>
        %get3A_327 = arith.constant 14 : i32
        %get3A_328 = arith.index_cast %get3A_327 : i32 to index
        %get3A_329 = arith.index_cast %mul3A_256 : i32 to index
        %get3A_330 = tpu.vector_load %arg7[%get3A_328, %get3A_329] {strides = array<i32>} : memref<16x1024xf32, #tpu.memory_space<vmem>>, vector<1x16xf32>,
        %get3A_331 = vector.shape_cast %get3A_330 : vector<1x16xf32> to vector<16xf32>
        %get3A_332 = arith.constant 15 : i32
        %get3A_333 = arith.index_cast %get3A_332 : i32 to index
        %get3A_334 = arith.index_cast %mul3A_256 : i32 to index
        %get3A_335 = tpu.vector_load %arg7[%get3A_333, %get3A_334] {strides = array<i32>} : memref<16x1024xf32, #tpu.memory_space<vmem>>, vector<1x16xf32>,
        %get3A_336 = vector.shape_cast %get3A_335 : vector<1x16xf32> to vector<16xf32>
        %swap3A = arith.constant 0 : i32
        %swap3A_337 = arith.index_cast %swap3A : i32 to index
        %swap3A_338 = arith.index_cast %mul3A_171 : i32 to index
        %swap3A_339 = tpu.vector_load %arg9[%swap3A_337, %swap3A_338] {strides = array<i32>} : memref<16x1024xf32, #tpu.memory_space<vmem>>, vector<1x16xf32>,
        %swap3A_340 = vector.shape_cast %swap3A_339 : vector<1x16xf32> to vector<16xf32>
        %swap3A_341 = vector.shape_cast %get3A_175 : vector<16xf32> to vector<1x16xf32>
        tpu.vector_store %arg9[%swap3A_337, %swap3A_338], %swap3A_341 {add = true, strides = array<i32>} : memref<16x1024xf32, #tpu.memory_space<vmem>>, vector<1x16xf32>,
        %swap3A_342 = arith.constant 1 : i32
        %swap3A_343 = arith.index_cast %swap3A_342 : i32 to index
        %swap3A_344 = arith.index_cast %mul3A_171 : i32 to index
        %swap3A_345 = tpu.vector_load %arg9[%swap3A_343, %swap3A_344] {strides = array<i32>} : memref<16x1024xf32, #tpu.memory_space<vmem>>, vector<1x16xf32>,
        %swap3A_346 = vector.shape_cast %swap3A_345 : vector<1x16xf32> to vector<16xf32>
        %swap3A_347 = vector.shape_cast %get3A_180 : vector<16xf32> to vector<1x16xf32>
        tpu.vector_store %arg9[%swap3A_343, %swap3A_344], %swap3A_347 {add = true, strides = array<i32>} : memref<16x1024xf32, #tpu.memory_space<vmem>>, vector<1x16xf32>,
        %swap3A_348 = arith.constant 2 : i32
        %swap3A_349 = arith.index_cast %swap3A_348 : i32 to index
        %swap3A_350 = arith.index_cast %mul3A_171 : i32 to index
        %swap3A_351 = tpu.vector_load %arg9[%swap3A_349, %swap3A_350] {strides = array<i32>} : memref<16x1024xf32, #tpu.memory_space<vmem>>, vector<1x16xf32>,
        %swap3A_352 = vector.shape_cast %swap3A_351 : vector<1x16xf32> to vector<16xf32>
        %swap3A_353 = vector.shape_cast %get3A_185 : vector<16xf32> to vector<1x16xf32>
        tpu.vector_store %arg9[%swap3A_349, %swap3A_350], %swap3A_353 {add = true, strides = array<i32>} : memref<16x1024xf32, #tpu.memory_space<vmem>>, vector<1x16xf32>,
        %swap3A_354 = arith.constant 3 : i32
        %swap3A_355 = arith.index_cast %swap3A_354 : i32 to index
        %swap3A_356 = arith.index_cast %mul3A_171 : i32 to index
        %swap3A_357 = tpu.vector_load %arg9[%swap3A_355, %swap3A_356] {strides = array<i32>} : memref<16x1024xf32, #tpu.memory_space<vmem>>, vector<1x16xf32>,
        %swap3A_358 = vector.shape_cast %swap3A_357 : vector<1x16xf32> to vector<16xf32>
        %swap3A_359 = vector.shape_cast %get3A_190 : vector<16xf32> to vector<1x16xf32>
        tpu.vector_store %arg9[%swap3A_355, %swap3A_356], %swap3A_359 {add = true, strides = array<i32>} : memref<16x1024xf32, #tpu.memory_space<vmem>>, vector<1x16xf32>,
        %swap3A_360 = arith.constant 4 : i32
        %swap3A_361 = arith.index_cast %swap3A_360 : i32 to index
        %swap3A_362 = arith.index_cast %mul3A_171 : i32 to index
        %swap3A_363 = tpu.vector_load %arg9[%swap3A_361, %swap3A_362] {strides = array<i32>} : memref<16x1024xf32, #tpu.memory_space<vmem>>, vector<1x16xf32>,
        %swap3A_364 = vector.shape_cast %swap3A_363 : vector<1x16xf32> to vector<16xf32>
        %swap3A_365 = vector.shape_cast %get3A_195 : vector<16xf32> to vector<1x16xf32>
        tpu.vector_store %arg9[%swap3A_361, %swap3A_362], %swap3A_365 {add = true, strides = array<i32>} : memref<16x1024xf32, #tpu.memory_space<vmem>>, vector<1x16xf32>,
        %swap3A_366 = arith.constant 5 : i32
        %swap3A_367 = arith.index_cast %swap3A_366 : i32 to index
        %swap3A_368 = arith.index_cast %mul3A_171 : i32 to index
        %swap3A_369 = tpu.vector_load %arg9[%swap3A_367, %swap3A_368] {strides = array<i32>} : memref<16x1024xf32, #tpu.memory_space<vmem>>, vector<1x16xf32>,
        %swap3A_370 = vector.shape_cast %swap3A_369 : vector<1x16xf32> to vector<16xf32>
        %swap3A_371 = vector.shape_cast %get3A_200 : vector<16xf32> to vector<1x16xf32>
        tpu.vector_store %arg9[%swap3A_367, %swap3A_368], %swap3A_371 {add = true, strides = array<i32>} : memref<16x1024xf32, #tpu.memory_space<vmem>>, vector<1x16xf32>,
        %swap3A_372 = arith.constant 6 : i32
        %swap3A_373 = arith.index_cast %swap3A_372 : i32 to index
        %swap3A_374 = arith.index_cast %mul3A_171 : i32 to index
        %swap3A_375 = tpu.vector_load %arg9[%swap3A_373, %swap3A_374] {strides = array<i32>} : memref<16x1024xf32, #tpu.memory_space<vmem>>, vector<1x16xf32>,
        %swap3A_376 = vector.shape_cast %swap3A_375 : vector<1x16xf32> to vector<16xf32>
        %swap3A_377 = vector.shape_cast %get3A_205 : vector<16xf32> to vector<1x16xf32>
        tpu.vector_store %arg9[%swap3A_373, %swap3A_374], %swap3A_377 {add = true, strides = array<i32>} : memref<16x1024xf32, #tpu.memory_space<vmem>>, vector<1x16xf32>,
        %swap3A_378 = arith.constant 7 : i32
        %swap3A_379 = arith.index_cast %swap3A_378 : i32 to index
        %swap3A_380 = arith.index_cast %mul3A_171 : i32 to index
        %swap3A_381 = tpu.vector_load %arg9[%swap3A_379, %swap3A_380] {strides = array<i32>} : memref<16x1024xf32, #tpu.memory_space<vmem>>, vector<1x16xf32>,
        %swap3A_382 = vector.shape_cast %swap3A_381 : vector<1x16xf32> to vector<16xf32>
        %swap3A_383 = vector.shape_cast %get3A_210 : vector<16xf32> to vector<1x16xf32>
        tpu.vector_store %arg9[%swap3A_379, %swap3A_380], %swap3A_383 {add = true, strides = array<i32>} : memref<16x1024xf32, #tpu.memory_space<vmem>>, vector<1x16xf32>,
        %swap3A_384 = arith.constant 8 : i32
        %swap3A_385 = arith.index_cast %swap3A_384 : i32 to index
        %swap3A_386 = arith.index_cast %mul3A_171 : i32 to index
        %swap3A_387 = tpu.vector_load %arg9[%swap3A_385, %swap3A_386] {strides = array<i32>} : memref<16x1024xf32, #tpu.memory_space<vmem>>, vector<1x16xf32>,
        %swap3A_388 = vector.shape_cast %swap3A_387 : vector<1x16xf32> to vector<16xf32>
        %swap3A_389 = vector.shape_cast %get3A_215 : vector<16xf32> to vector<1x16xf32>
        tpu.vector_store %arg9[%swap3A_385, %swap3A_386], %swap3A_389 {add = true, strides = array<i32>} : memref<16x1024xf32, #tpu.memory_space<vmem>>, vector<1x16xf32>,
        %swap3A_390 = arith.constant 9 : i32
        %swap3A_391 = arith.index_cast %swap3A_390 : i32 to index
        %swap3A_392 = arith.index_cast %mul3A_171 : i32 to index
        %swap3A_393 = tpu.vector_load %arg9[%swap3A_391, %swap3A_392] {strides = array<i32>} : memref<16x1024xf32, #tpu.memory_space<vmem>>, vector<1x16xf32>,
        %swap3A_394 = vector.shape_cast %swap3A_393 : vector<1x16xf32> to vector<16xf32>
        %swap3A_395 = vector.shape_cast %get3A_220 : vector<16xf32> to vector<1x16xf32>
        tpu.vector_store %arg9[%swap3A_391, %swap3A_392], %swap3A_395 {add = true, strides = array<i32>} : memref<16x1024xf32, #tpu.memory_space<vmem>>, vector<1x16xf32>,
        %swap3A_396 = arith.constant 10 : i32
        %swap3A_397 = arith.index_cast %swap3A_396 : i32 to index
        %swap3A_398 = arith.index_cast %mul3A_171 : i32 to index
        %swap3A_399 = tpu.vector_load %arg9[%swap3A_397, %swap3A_398] {strides = array<i32>} : memref<16x1024xf32, #tpu.memory_space<vmem>>, vector<1x16xf32>,
        %swap3A_400 = vector.shape_cast %swap3A_399 : vector<1x16xf32> to vector<16xf32>
        %swap3A_401 = vector.shape_cast %get3A_225 : vector<16xf32> to vector<1x16xf32>
        tpu.vector_store %arg9[%swap3A_397, %swap3A_398], %swap3A_401 {add = true, strides = array<i32>} : memref<16x1024xf32, #tpu.memory_space<vmem>>, vector<1x16xf32>,
        %swap3A_402 = arith.constant 11 : i32
        %swap3A_403 = arith.index_cast %swap3A_402 : i32 to index
        %swap3A_404 = arith.index_cast %mul3A_171 : i32 to index
        %swap3A_405 = tpu.vector_load %arg9[%swap3A_403, %swap3A_404] {strides = array<i32>} : memref<16x1024xf32, #tpu.memory_space<vmem>>, vector<1x16xf32>,
        %swap3A_406 = vector.shape_cast %swap3A_405 : vector<1x16xf32> to vector<16xf32>
        %swap3A_407 = vector.shape_cast %get3A_230 : vector<16xf32> to vector<1x16xf32>
        tpu.vector_store %arg9[%swap3A_403, %swap3A_404], %swap3A_407 {add = true, strides = array<i32>} : memref<16x1024xf32, #tpu.memory_space<vmem>>, vector<1x16xf32>,
        %swap3A_408 = arith.constant 12 : i32
        %swap3A_409 = arith.index_cast %swap3A_408 : i32 to index
        %swap3A_410 = arith.index_cast %mul3A_171 : i32 to index
        %swap3A_411 = tpu.vector_load %arg9[%swap3A_409, %swap3A_410] {strides = array<i32>} : memref<16x1024xf32, #tpu.memory_space<vmem>>, vector<1x16xf32>,
        %swap3A_412 = vector.shape_cast %swap3A_411 : vector<1x16xf32> to vector<16xf32>
        %swap3A_413 = vector.shape_cast %get3A_235 : vector<16xf32> to vector<1x16xf32>
        tpu.vector_store %arg9[%swap3A_409, %swap3A_410], %swap3A_413 {add = true, strides = array<i32>} : memref<16x1024xf32, #tpu.memory_space<vmem>>, vector<1x16xf32>,
        %swap3A_414 = arith.constant 13 : i32
        %swap3A_415 = arith.index_cast %swap3A_414 : i32 to index
        %swap3A_416 = arith.index_cast %mul3A_171 : i32 to index
        %swap3A_417 = tpu.vector_load %arg9[%swap3A_415, %swap3A_416] {strides = array<i32>} : memref<16x1024xf32, #tpu.memory_space<vmem>>, vector<1x16xf32>,
        %swap3A_418 = vector.shape_cast %swap3A_417 : vector<1x16xf32> to vector<16xf32>
        %swap3A_419 = vector.shape_cast %get3A_240 : vector<16xf32> to vector<1x16xf32>
        tpu.vector_store %arg9[%swap3A_415, %swap3A_416], %swap3A_419 {add = true, strides = array<i32>} : memref<16x1024xf32, #tpu.memory_space<vmem>>, vector<1x16xf32>,
        %swap3A_420 = arith.constant 14 : i32
        %swap3A_421 = arith.index_cast %swap3A_420 : i32 to index
        %swap3A_422 = arith.index_cast %mul3A_171 : i32 to index
        %swap3A_423 = tpu.vector_load %arg9[%swap3A_421, %swap3A_422] {strides = array<i32>} : memref<16x1024xf32, #tpu.memory_space<vmem>>, vector<1x16xf32>,
        %swap3A_424 = vector.shape_cast %swap3A_423 : vector<1x16xf32> to vector<16xf32>
        %swap3A_425 = vector.shape_cast %get3A_245 : vector<16xf32> to vector<1x16xf32>
        tpu.vector_store %arg9[%swap3A_421, %swap3A_422], %swap3A_425 {add = true, strides = array<i32>} : memref<16x1024xf32, #tpu.memory_space<vmem>>, vector<1x16xf32>,
        %swap3A_426 = arith.constant 15 : i32
        %swap3A_427 = arith.index_cast %swap3A_426 : i32 to index
        %swap3A_428 = arith.index_cast %mul3A_171 : i32 to index
        %swap3A_429 = tpu.vector_load %arg9[%swap3A_427, %swap3A_428] {strides = array<i32>} : memref<16x1024xf32, #tpu.memory_space<vmem>>, vector<1x16xf32>,
        %swap3A_430 = vector.shape_cast %swap3A_429 : vector<1x16xf32> to vector<16xf32>
        %swap3A_431 = vector.shape_cast %get3A_250 : vector<16xf32> to vector<1x16xf32>
        tpu.vector_store %arg9[%swap3A_427, %swap3A_428], %swap3A_431 {add = true, strides = array<i32>} : memref<16x1024xf32, #tpu.memory_space<vmem>>, vector<1x16xf32>,
        %swap3A_432 = arith.constant 0 : i32
        %swap3A_433 = arith.index_cast %swap3A_432 : i32 to index
        %swap3A_434 = arith.index_cast %mul3A_256 : i32 to index
        %swap3A_435 = tpu.vector_load %arg9[%swap3A_433, %swap3A_434] {strides = array<i32>} : memref<16x1024xf32, #tpu.memory_space<vmem>>, vector<1x16xf32>,
        %swap3A_436 = vector.shape_cast %swap3A_435 : vector<1x16xf32> to vector<16xf32>
        %swap3A_437 = vector.shape_cast %get3A_261 : vector<16xf32> to vector<1x16xf32>
        tpu.vector_store %arg9[%swap3A_433, %swap3A_434], %swap3A_437 {add = true, strides = array<i32>} : memref<16x1024xf32, #tpu.memory_space<vmem>>, vector<1x16xf32>,
        %swap3A_438 = arith.constant 1 : i32
        %swap3A_439 = arith.index_cast %swap3A_438 : i32 to index
        %swap3A_440 = arith.index_cast %mul3A_256 : i32 to index
        %swap3A_441 = tpu.vector_load %arg9[%swap3A_439, %swap3A_440] {strides = array<i32>} : memref<16x1024xf32, #tpu.memory_space<vmem>>, vector<1x16xf32>,
        %swap3A_442 = vector.shape_cast %swap3A_441 : vector<1x16xf32> to vector<16xf32>
        %swap3A_443 = vector.shape_cast %get3A_266 : vector<16xf32> to vector<1x16xf32>
        tpu.vector_store %arg9[%swap3A_439, %swap3A_440], %swap3A_443 {add = true, strides = array<i32>} : memref<16x1024xf32, #tpu.memory_space<vmem>>, vector<1x16xf32>,
        %swap3A_444 = arith.constant 2 : i32
        %swap3A_445 = arith.index_cast %swap3A_444 : i32 to index
        %swap3A_446 = arith.index_cast %mul3A_256 : i32 to index
        %swap3A_447 = tpu.vector_load %arg9[%swap3A_445, %swap3A_446] {strides = array<i32>} : memref<16x1024xf32, #tpu.memory_space<vmem>>, vector<1x16xf32>,
        %swap3A_448 = vector.shape_cast %swap3A_447 : vector<1x16xf32> to vector<16xf32>
        %swap3A_449 = vector.shape_cast %get3A_271 : vector<16xf32> to vector<1x16xf32>
        tpu.vector_store %arg9[%swap3A_445, %swap3A_446], %swap3A_449 {add = true, strides = array<i32>} : memref<16x1024xf32, #tpu.memory_space<vmem>>, vector<1x16xf32>,
        %swap3A_450 = arith.constant 3 : i32
        %swap3A_451 = arith.index_cast %swap3A_450 : i32 to index
        %swap3A_452 = arith.index_cast %mul3A_256 : i32 to index
        %swap3A_453 = tpu.vector_load %arg9[%swap3A_451, %swap3A_452] {strides = array<i32>} : memref<16x1024xf32, #tpu.memory_space<vmem>>, vector<1x16xf32>,
        %swap3A_454 = vector.shape_cast %swap3A_453 : vector<1x16xf32> to vector<16xf32>
        %swap3A_455 = vector.shape_cast %get3A_276 : vector<16xf32> to vector<1x16xf32>
        tpu.vector_store %arg9[%swap3A_451, %swap3A_452], %swap3A_455 {add = true, strides = array<i32>} : memref<16x1024xf32, #tpu.memory_space<vmem>>, vector<1x16xf32>,
        %swap3A_456 = arith.constant 4 : i32
        %swap3A_457 = arith.index_cast %swap3A_456 : i32 to index
        %swap3A_458 = arith.index_cast %mul3A_256 : i32 to index
        %swap3A_459 = tpu.vector_load %arg9[%swap3A_457, %swap3A_458] {strides = array<i32>} : memref<16x1024xf32, #tpu.memory_space<vmem>>, vector<1x16xf32>,
        %swap3A_460 = vector.shape_cast %swap3A_459 : vector<1x16xf32> to vector<16xf32>
        %swap3A_461 = vector.shape_cast %get3A_281 : vector<16xf32> to vector<1x16xf32>
        tpu.vector_store %arg9[%swap3A_457, %swap3A_458], %swap3A_461 {add = true, strides = array<i32>} : memref<16x1024xf32, #tpu.memory_space<vmem>>, vector<1x16xf32>,
        %swap3A_462 = arith.constant 5 : i32
        %swap3A_463 = arith.index_cast %swap3A_462 : i32 to index
        %swap3A_464 = arith.index_cast %mul3A_256 : i32 to index
        %swap3A_465 = tpu.vector_load %arg9[%swap3A_463, %swap3A_464] {strides = array<i32>} : memref<16x1024xf32, #tpu.memory_space<vmem>>, vector<1x16xf32>,
        %swap3A_466 = vector.shape_cast %swap3A_465 : vector<1x16xf32> to vector<16xf32>
        %swap3A_467 = vector.shape_cast %get3A_286 : vector<16xf32> to vector<1x16xf32>
        tpu.vector_store %arg9[%swap3A_463, %swap3A_464], %swap3A_467 {add = true, strides = array<i32>} : memref<16x1024xf32, #tpu.memory_space<vmem>>, vector<1x16xf32>,
        %swap3A_468 = arith.constant 6 : i32
        %swap3A_469 = arith.index_cast %swap3A_468 : i32 to index
        %swap3A_470 = arith.index_cast %mul3A_256 : i32 to index
        %swap3A_471 = tpu.vector_load %arg9[%swap3A_469, %swap3A_470] {strides = array<i32>} : memref<16x1024xf32, #tpu.memory_space<vmem>>, vector<1x16xf32>,
        %swap3A_472 = vector.shape_cast %swap3A_471 : vector<1x16xf32> to vector<16xf32>
        %swap3A_473 = vector.shape_cast %get3A_291 : vector<16xf32> to vector<1x16xf32>
        tpu.vector_store %arg9[%swap3A_469, %swap3A_470], %swap3A_473 {add = true, strides = array<i32>} : memref<16x1024xf32, #tpu.memory_space<vmem>>, vector<1x16xf32>,
        %swap3A_474 = arith.constant 7 : i32
        %swap3A_475 = arith.index_cast %swap3A_474 : i32 to index
        %swap3A_476 = arith.index_cast %mul3A_256 : i32 to index
        %swap3A_477 = tpu.vector_load %arg9[%swap3A_475, %swap3A_476] {strides = array<i32>} : memref<16x1024xf32, #tpu.memory_space<vmem>>, vector<1x16xf32>,
        %swap3A_478 = vector.shape_cast %swap3A_477 : vector<1x16xf32> to vector<16xf32>
        %swap3A_479 = vector.shape_cast %get3A_296 : vector<16xf32> to vector<1x16xf32>
        tpu.vector_store %arg9[%swap3A_475, %swap3A_476], %swap3A_479 {add = true, strides = array<i32>} : memref<16x1024xf32, #tpu.memory_space<vmem>>, vector<1x16xf32>,
        %swap3A_480 = arith.constant 8 : i32
        %swap3A_481 = arith.index_cast %swap3A_480 : i32 to index
        %swap3A_482 = arith.index_cast %mul3A_256 : i32 to index
        %swap3A_483 = tpu.vector_load %arg9[%swap3A_481, %swap3A_482] {strides = array<i32>} : memref<16x1024xf32, #tpu.memory_space<vmem>>, vector<1x16xf32>,
        %swap3A_484 = vector.shape_cast %swap3A_483 : vector<1x16xf32> to vector<16xf32>
        %swap3A_485 = vector.shape_cast %get3A_301 : vector<16xf32> to vector<1x16xf32>
        tpu.vector_store %arg9[%swap3A_481, %swap3A_482], %swap3A_485 {add = true, strides = array<i32>} : memref<16x1024xf32, #tpu.memory_space<vmem>>, vector<1x16xf32>,
        %swap3A_486 = arith.constant 9 : i32
        %swap3A_487 = arith.index_cast %swap3A_486 : i32 to index
        %swap3A_488 = arith.index_cast %mul3A_256 : i32 to index
        %swap3A_489 = tpu.vector_load %arg9[%swap3A_487, %swap3A_488] {strides = array<i32>} : memref<16x1024xf32, #tpu.memory_space<vmem>>, vector<1x16xf32>,
        %swap3A_490 = vector.shape_cast %swap3A_489 : vector<1x16xf32> to vector<16xf32>
        %swap3A_491 = vector.shape_cast %get3A_306 : vector<16xf32> to vector<1x16xf32>
        tpu.vector_store %arg9[%swap3A_487, %swap3A_488], %swap3A_491 {add = true, strides = array<i32>} : memref<16x1024xf32, #tpu.memory_space<vmem>>, vector<1x16xf32>,
        %swap3A_492 = arith.constant 10 : i32
        %swap3A_493 = arith.index_cast %swap3A_492 : i32 to index
        %swap3A_494 = arith.index_cast %mul3A_256 : i32 to index
        %swap3A_495 = tpu.vector_load %arg9[%swap3A_493, %swap3A_494] {strides = array<i32>} : memref<16x1024xf32, #tpu.memory_space<vmem>>, vector<1x16xf32>,
        %swap3A_496 = vector.shape_cast %swap3A_495 : vector<1x16xf32> to vector<16xf32>
        %swap3A_497 = vector.shape_cast %get3A_311 : vector<16xf32> to vector<1x16xf32>
        tpu.vector_store %arg9[%swap3A_493, %swap3A_494], %swap3A_497 {add = true, strides = array<i32>} : memref<16x1024xf32, #tpu.memory_space<vmem>>, vector<1x16xf32>,
        %swap3A_498 = arith.constant 11 : i32
        %swap3A_499 = arith.index_cast %swap3A_498 : i32 to index
        %swap3A_500 = arith.index_cast %mul3A_256 : i32 to index
        %swap3A_501 = tpu.vector_load %arg9[%swap3A_499, %swap3A_500] {strides = array<i32>} : memref<16x1024xf32, #tpu.memory_space<vmem>>, vector<1x16xf32>,
        %swap3A_502 = vector.shape_cast %swap3A_501 : vector<1x16xf32> to vector<16xf32>
        %swap3A_503 = vector.shape_cast %get3A_316 : vector<16xf32> to vector<1x16xf32>
        tpu.vector_store %arg9[%swap3A_499, %swap3A_500], %swap3A_503 {add = true, strides = array<i32>} : memref<16x1024xf32, #tpu.memory_space<vmem>>, vector<1x16xf32>,
        %swap3A_504 = arith.constant 12 : i32
        %swap3A_505 = arith.index_cast %swap3A_504 : i32 to index
        %swap3A_506 = arith.index_cast %mul3A_256 : i32 to index
        %swap3A_507 = tpu.vector_load %arg9[%swap3A_505, %swap3A_506] {strides = array<i32>} : memref<16x1024xf32, #tpu.memory_space<vmem>>, vector<1x16xf32>,
        %swap3A_508 = vector.shape_cast %swap3A_507 : vector<1x16xf32> to vector<16xf32>
        %swap3A_509 = vector.shape_cast %get3A_321 : vector<16xf32> to vector<1x16xf32>
        tpu.vector_store %arg9[%swap3A_505, %swap3A_506], %swap3A_509 {add = true, strides = array<i32>} : memref<16x1024xf32, #tpu.memory_space<vmem>>, vector<1x16xf32>,
        %swap3A_510 = arith.constant 13 : i32
        %swap3A_511 = arith.index_cast %swap3A_510 : i32 to index
        %swap3A_512 = arith.index_cast %mul3A_256 : i32 to index
        %swap3A_513 = tpu.vector_load %arg9[%swap3A_511, %swap3A_512] {strides = array<i32>} : memref<16x1024xf32, #tpu.memory_space<vmem>>, vector<1x16xf32>,
        %swap3A_514 = vector.shape_cast %swap3A_513 : vector<1x16xf32> to vector<16xf32>
        %swap3A_515 = vector.shape_cast %get3A_326 : vector<16xf32> to vector<1x16xf32>
        tpu.vector_store %arg9[%swap3A_511, %swap3A_512], %swap3A_515 {add = true, strides = array<i32>} : memref<16x1024xf32, #tpu.memory_space<vmem>>, vector<1x16xf32>,
        %swap3A_516 = arith.constant 14 : i32
        %swap3A_517 = arith.index_cast %swap3A_516 : i32 to index
        %swap3A_518 = arith.index_cast %mul3A_256 : i32 to index
        %swap3A_519 = tpu.vector_load %arg9[%swap3A_517, %swap3A_518] {strides = array<i32>} : memref<16x1024xf32, #tpu.memory_space<vmem>>, vector<1x16xf32>,
        %swap3A_520 = vector.shape_cast %swap3A_519 : vector<1x16xf32> to vector<16xf32>
        %swap3A_521 = vector.shape_cast %get3A_331 : vector<16xf32> to vector<1x16xf32>
        tpu.vector_store %arg9[%swap3A_517, %swap3A_518], %swap3A_521 {add = true, strides = array<i32>} : memref<16x1024xf32, #tpu.memory_space<vmem>>, vector<1x16xf32>,
        %swap3A_522 = arith.constant 15 : i32
        %swap3A_523 = arith.index_cast %swap3A_522 : i32 to index
        %swap3A_524 = arith.index_cast %mul3A_256 : i32 to index
        %swap3A_525 = tpu.vector_load %arg9[%swap3A_523, %swap3A_524] {strides = array<i32>} : memref<16x1024xf32, #tpu.memory_space<vmem>>, vector<1x16xf32>,
        %swap3A_526 = vector.shape_cast %swap3A_525 : vector<1x16xf32> to vector<16xf32>
        %swap3A_527 = vector.shape_cast %get3A_336 : vector<16xf32> to vector<1x16xf32>
        tpu.vector_store %arg9[%swap3A_523, %swap3A_524], %swap3A_527 {add = true, strides = array<i32>} : memref<16x1024xf32, #tpu.memory_space<vmem>>, vector<1x16xf32>,
        %scan3A_528 = arith.constant 0 : i32
        scf.yield %scan3A_528 : i32
      }
      %scan3A_78 = arith.constant 32 : i32
      %add3A_79 = arith.constant 128 : i32
      %add3A_80 = arith.addi %mul3A_2, %add3A_79 : i32
      %mul3A_81 = arith.constant 16 : i32
      %mul3A_82 = arith.muli %scan3A_11, %mul3A_81 : i32
      %add3A_83 = arith.addi %add3A_80, %mul3A_82 : i32
      %dma_start3A_84 = arith.constant 0 : i32
      %dma_start3A_85 = tpu.memref_slice %arg5[%add3A_83, %dma_start3A_84] : memref<524288x1024xf32, #tpu.memory_space<hbm>> -> memref<16x1024xf32, #tpu.memory_space<hbm>>
      %dma_start3A_86 = arith.constant 0 : i32
      %dma_start3A_87 = tpu.memref_slice %arg5[%add3A_83, %dma_start3A_86] : memref<524288x1024xf32, #tpu.memory_space<hbm>> -> memref<16x1024xf32, #tpu.memory_space<hbm>>
      tpu.enqueue_dma source(%arg9 : memref<16x1024xf32, #tpu.memory_space<vmem>>) target(%dma_start3A_87 : memref<16x1024xf32, #tpu.memory_space<hbm>>) target_semaphore(%arg18 : memref<!tpu.dma_semaphore, #tpu.memory_space<semaphore_mem>>)
      %scan3A_88 = arith.constant 0 : i32
      %scan3A_89 = arith.constant 1 : i32
      %scan3A_90 = arith.constant 31 : i32
      %scan3A_91 = arith.addi %scan3A_89, %scan3A_90 : i32
      %scan3A_92 = arith.constant 1 : i32
      %scan3A_93 = scf.for %scan3A_164 = %scan3A_89 to %scan3A_91 step %scan3A_92 iter_args(%scan3A_165 = %scan3A_88) -> (i32)  : i32 {
        %mul3A_166 = arith.constant 4 : i32
        %mul3A_167 = arith.muli %scan3A_164, %mul3A_166 : i32
        %add3A_168 = arith.constant 0 : i32
        %add3A_169 = arith.addi %mul3A_167, %add3A_168 : i32
        %dma_wait3A_170 = arith.constant 0 : i32
        %dma_wait3A_171 = arith.constant 0 : i32
        %dma_wait3A_172 = tpu.memref_slice %arg5[%dma_wait3A_170, %dma_wait3A_171] : memref<524288x1024xf32, #tpu.memory_space<hbm>> -> memref<16x1024xf32, #tpu.memory_space<hbm>>
        %dma_wait3A_173 = arith.constant 0 : i32
        %dma_wait3A_174 = arith.constant 0 : i32
        %dma_wait3A_175 = tpu.memref_slice %arg5[%dma_wait3A_173, %dma_wait3A_174] : memref<524288x1024xf32, #tpu.memory_space<hbm>> -> memref<16x1024xf32, #tpu.memory_space<hbm>>
        tpu.wait_dma2 semaphore(%arg17 : memref<!tpu.dma_semaphore, #tpu.memory_space<semaphore_mem>>) src(%arg8 : memref<16x1024xf32, #tpu.memory_space<vmem>>) dst(%dma_wait3A_175 : memref<16x1024xf32, #tpu.memory_space<hbm>>)
        %dma_start3A_176 = arith.constant 0 : i32
        %dma_start3A_177 = tpu.memref_slice %arg6[%add3A_169, %dma_start3A_176] : memref<128x16xi32, #tpu.memory_space<vmem>> -> memref<1x16xi32, #tpu.memory_space<vmem>>
        %dma_start3A_178 = tpu.memref_squeeze %dma_start3A_177 : memref<1x16xi32, #tpu.memory_space<vmem>> -> memref<16xi32, #tpu.memory_space<vmem>>
        %dma_start3A_179 = arith.constant 0 : i32
        %dma_start3A_180 = arith.constant 0 : i32
        %dma_start3A_181 = tpu.memref_slice %arg3[%dma_start3A_179, %dma_start3A_180] : memref<16384x1024xf32, #tpu.memory_space<hbm>> -> memref<16384x1024xf32, #tpu.memory_space<hbm>>
        tpu.enqueue_indirect_dma source(%dma_start3A_181 : memref<16384x1024xf32, #tpu.memory_space<hbm>>) target(%arg8 : memref<16x1024xf32, #tpu.memory_space<vmem>>) offsets(%dma_start3A_178 : memref<16xi32, #tpu.memory_space<vmem>>) semaphore(%arg13 : memref<!tpu.dma_semaphore, #tpu.memory_space<semaphore_mem>>)
        %sub3A = arith.constant 2 : i32
        %sub3A_182 = arith.subi %add3A_169, %sub3A : i32
        %dma_wait3A_183 = arith.constant 0 : i32
        %dma_wait3A_184 = arith.constant 0 : i32
        %dma_wait3A_185 = tpu.memref_slice %arg3[%dma_wait3A_183, %dma_wait3A_184] : memref<16384x1024xf32, #tpu.memory_space<hbm>> -> memref<16x1024xf32, #tpu.memory_space<hbm>>
        %dma_wait3A_186 = arith.constant 0 : i32
        %dma_wait3A_187 = arith.constant 0 : i32
        %dma_wait3A_188 = tpu.memref_slice %arg3[%dma_wait3A_186, %dma_wait3A_187] : memref<16384x1024xf32, #tpu.memory_space<hbm>> -> memref<16x1024xf32, #tpu.memory_space<hbm>>
        tpu.wait_dma2 semaphore(%arg15 : memref<!tpu.dma_semaphore, #tpu.memory_space<semaphore_mem>>) src(%dma_wait3A_188 : memref<16x1024xf32, #tpu.memory_space<hbm>>) dst(%arg10 : memref<16x1024xf32, #tpu.memory_space<vmem>>)
        %scan3A_189 = arith.constant 0 : i32
        %scan3A_190 = arith.constant 0 : i32
        %scan3A_191 = arith.constant 32 : i32
        %scan3A_192 = arith.addi %scan3A_190, %scan3A_191 : i32
        %scan3A_193 = arith.constant 1 : i32
        %scan3A_194 = scf.for %scan3A_330 = %scan3A_190 to %scan3A_192 step %scan3A_193 iter_args(%scan3A_331 = %scan3A_189) -> (i32)  : i32 {
          %mul3A_332 = arith.constant 2 : i32
          %mul3A_333 = arith.muli %scan3A_330, %mul3A_332 : i32
          %add3A_334 = arith.constant 0 : i32
          %add3A_335 = arith.addi %mul3A_333, %add3A_334 : i32
          %mul3A_336 = arith.constant 16 : i32
          %mul3A_337 = arith.muli %add3A_335, %mul3A_336 : i32
          %get3A = arith.constant 0 : i32
          %get3A_338 = arith.index_cast %get3A : i32 to index
          %get3A_339 = arith.index_cast %mul3A_337 : i32 to index
          %get3A_340 = tpu.vector_load %arg7[%get3A_338, %get3A_339] {strides = array<i32>} : memref<16x1024xf32, #tpu.memory_space<vmem>>, vector<1x16xf32>,
          %get3A_341 = vector.shape_cast %get3A_340 : vector<1x16xf32> to vector<16xf32>
          %get3A_342 = arith.constant 1 : i32
          %get3A_343 = arith.index_cast %get3A_342 : i32 to index
          %get3A_344 = arith.index_cast %mul3A_337 : i32 to index
          %get3A_345 = tpu.vector_load %arg7[%get3A_343, %get3A_344] {strides = array<i32>} : memref<16x1024xf32, #tpu.memory_space<vmem>>, vector<1x16xf32>,
          %get3A_346 = vector.shape_cast %get3A_345 : vector<1x16xf32> to vector<16xf32>
          %get3A_347 = arith.constant 2 : i32
          %get3A_348 = arith.index_cast %get3A_347 : i32 to index
          %get3A_349 = arith.index_cast %mul3A_337 : i32 to index
          %get3A_350 = tpu.vector_load %arg7[%get3A_348, %get3A_349] {strides = array<i32>} : memref<16x1024xf32, #tpu.memory_space<vmem>>, vector<1x16xf32>,
          %get3A_351 = vector.shape_cast %get3A_350 : vector<1x16xf32> to vector<16xf32>
          %get3A_352 = arith.constant 3 : i32
          %get3A_353 = arith.index_cast %get3A_352 : i32 to index
          %get3A_354 = arith.index_cast %mul3A_337 : i32 to index
          %get3A_355 = tpu.vector_load %arg7[%get3A_353, %get3A_354] {strides = array<i32>} : memref<16x1024xf32, #tpu.memory_space<vmem>>, vector<1x16xf32>,
          %get3A_356 = vector.shape_cast %get3A_355 : vector<1x16xf32> to vector<16xf32>
          %get3A_357 = arith.constant 4 : i32
          %get3A_358 = arith.index_cast %get3A_357 : i32 to index
          %get3A_359 = arith.index_cast %mul3A_337 : i32 to index
          %get3A_360 = tpu.vector_load %arg7[%get3A_358, %get3A_359] {strides = array<i32>} : memref<16x1024xf32, #tpu.memory_space<vmem>>, vector<1x16xf32>,
          %get3A_361 = vector.shape_cast %get3A_360 : vector<1x16xf32> to vector<16xf32>
          %get3A_362 = arith.constant 5 : i32
          %get3A_363 = arith.index_cast %get3A_362 : i32 to index
          %get3A_364 = arith.index_cast %mul3A_337 : i32 to index
          %get3A_365 = tpu.vector_load %arg7[%get3A_363, %get3A_364] {strides = array<i32>} : memref<16x1024xf32, #tpu.memory_space<vmem>>, vector<1x16xf32>,
          %get3A_366 = vector.shape_cast %get3A_365 : vector<1x16xf32> to vector<16xf32>
          %get3A_367 = arith.constant 6 : i32
          %get3A_368 = arith.index_cast %get3A_367 : i32 to index
          %get3A_369 = arith.index_cast %mul3A_337 : i32 to index
          %get3A_370 = tpu.vector_load %arg7[%get3A_368, %get3A_369] {strides = array<i32>} : memref<16x1024xf32, #tpu.memory_space<vmem>>, vector<1x16xf32>,
          %get3A_371 = vector.shape_cast %get3A_370 : vector<1x16xf32> to vector<16xf32>
          %get3A_372 = arith.constant 7 : i32
          %get3A_373 = arith.index_cast %get3A_372 : i32 to index
          %get3A_374 = arith.index_cast %mul3A_337 : i32 to index
          %get3A_375 = tpu.vector_load %arg7[%get3A_373, %get3A_374] {strides = array<i32>} : memref<16x1024xf32, #tpu.memory_space<vmem>>, vector<1x16xf32>,
          %get3A_376 = vector.shape_cast %get3A_375 : vector<1x16xf32> to vector<16xf32>
          %get3A_377 = arith.constant 8 : i32
          %get3A_378 = arith.index_cast %get3A_377 : i32 to index
          %get3A_379 = arith.index_cast %mul3A_337 : i32 to index
          %get3A_380 = tpu.vector_load %arg7[%get3A_378, %get3A_379] {strides = array<i32>} : memref<16x1024xf32, #tpu.memory_space<vmem>>, vector<1x16xf32>,
          %get3A_381 = vector.shape_cast %get3A_380 : vector<1x16xf32> to vector<16xf32>
          %get3A_382 = arith.constant 9 : i32
          %get3A_383 = arith.index_cast %get3A_382 : i32 to index
          %get3A_384 = arith.index_cast %mul3A_337 : i32 to index
          %get3A_385 = tpu.vector_load %arg7[%get3A_383, %get3A_384] {strides = array<i32>} : memref<16x1024xf32, #tpu.memory_space<vmem>>, vector<1x16xf32>,
          %get3A_386 = vector.shape_cast %get3A_385 : vector<1x16xf32> to vector<16xf32>
          %get3A_387 = arith.constant 10 : i32
          %get3A_388 = arith.index_cast %get3A_387 : i32 to index
          %get3A_389 = arith.index_cast %mul3A_337 : i32 to index
          %get3A_390 = tpu.vector_load %arg7[%get3A_388, %get3A_389] {strides = array<i32>} : memref<16x1024xf32, #tpu.memory_space<vmem>>, vector<1x16xf32>,
          %get3A_391 = vector.shape_cast %get3A_390 : vector<1x16xf32> to vector<16xf32>
          %get3A_392 = arith.constant 11 : i32
          %get3A_393 = arith.index_cast %get3A_392 : i32 to index
          %get3A_394 = arith.index_cast %mul3A_337 : i32 to index
          %get3A_395 = tpu.vector_load %arg7[%get3A_393, %get3A_394] {strides = array<i32>} : memref<16x1024xf32, #tpu.memory_space<vmem>>, vector<1x16xf32>,
          %get3A_396 = vector.shape_cast %get3A_395 : vector<1x16xf32> to vector<16xf32>
          %get3A_397 = arith.constant 12 : i32
          %get3A_398 = arith.index_cast %get3A_397 : i32 to index
          %get3A_399 = arith.index_cast %mul3A_337 : i32 to index
          %get3A_400 = tpu.vector_load %arg7[%get3A_398, %get3A_399] {strides = array<i32>} : memref<16x1024xf32, #tpu.memory_space<vmem>>, vector<1x16xf32>,
          %get3A_401 = vector.shape_cast %get3A_400 : vector<1x16xf32> to vector<16xf32>
          %get3A_402 = arith.constant 13 : i32
          %get3A_403 = arith.index_cast %get3A_402 : i32 to index
          %get3A_404 = arith.index_cast %mul3A_337 : i32 to index
          %get3A_405 = tpu.vector_load %arg7[%get3A_403, %get3A_404] {strides = array<i32>} : memref<16x1024xf32, #tpu.memory_space<vmem>>, vector<1x16xf32>,
          %get3A_406 = vector.shape_cast %get3A_405 : vector<1x16xf32> to vector<16xf32>
          %get3A_407 = arith.constant 14 : i32
          %get3A_408 = arith.index_cast %get3A_407 : i32 to index
          %get3A_409 = arith.index_cast %mul3A_337 : i32 to index
          %get3A_410 = tpu.vector_load %arg7[%get3A_408, %get3A_409] {strides = array<i32>} : memref<16x1024xf32, #tpu.memory_space<vmem>>, vector<1x16xf32>,
          %get3A_411 = vector.shape_cast %get3A_410 : vector<1x16xf32> to vector<16xf32>
          %get3A_412 = arith.constant 15 : i32
          %get3A_413 = arith.index_cast %get3A_412 : i32 to index
          %get3A_414 = arith.index_cast %mul3A_337 : i32 to index
          %get3A_415 = tpu.vector_load %arg7[%get3A_413, %get3A_414] {strides = array<i32>} : memref<16x1024xf32, #tpu.memory_space<vmem>>, vector<1x16xf32>,
          %get3A_416 = vector.shape_cast %get3A_415 : vector<1x16xf32> to vector<16xf32>
          %mul3A_417 = arith.constant 2 : i32
          %mul3A_418 = arith.muli %scan3A_330, %mul3A_417 : i32
          %add3A_419 = arith.constant 1 : i32
          %add3A_420 = arith.addi %mul3A_418, %add3A_419 : i32
          %mul3A_421 = arith.constant 16 : i32
          %mul3A_422 = arith.muli %add3A_420, %mul3A_421 : i32
          %get3A_423 = arith.constant 0 : i32
          %get3A_424 = arith.index_cast %get3A_423 : i32 to index
          %get3A_425 = arith.index_cast %mul3A_422 : i32 to index
          %get3A_426 = tpu.vector_load %arg7[%get3A_424, %get3A_425] {strides = array<i32>} : memref<16x1024xf32, #tpu.memory_space<vmem>>, vector<1x16xf32>,
          %get3A_427 = vector.shape_cast %get3A_426 : vector<1x16xf32> to vector<16xf32>
          %get3A_428 = arith.constant 1 : i32
          %get3A_429 = arith.index_cast %get3A_428 : i32 to index
          %get3A_430 = arith.index_cast %mul3A_422 : i32 to index
          %get3A_431 = tpu.vector_load %arg7[%get3A_429, %get3A_430] {strides = array<i32>} : memref<16x1024xf32, #tpu.memory_space<vmem>>, vector<1x16xf32>,
          %get3A_432 = vector.shape_cast %get3A_431 : vector<1x16xf32> to vector<16xf32>
          %get3A_433 = arith.constant 2 : i32
          %get3A_434 = arith.index_cast %get3A_433 : i32 to index
          %get3A_435 = arith.index_cast %mul3A_422 : i32 to index
          %get3A_436 = tpu.vector_load %arg7[%get3A_434, %get3A_435] {strides = array<i32>} : memref<16x1024xf32, #tpu.memory_space<vmem>>, vector<1x16xf32>,
          %get3A_437 = vector.shape_cast %get3A_436 : vector<1x16xf32> to vector<16xf32>
          %get3A_438 = arith.constant 3 : i32
          %get3A_439 = arith.index_cast %get3A_438 : i32 to index
          %get3A_440 = arith.index_cast %mul3A_422 : i32 to index
          %get3A_441 = tpu.vector_load %arg7[%get3A_439, %get3A_440] {strides = array<i32>} : memref<16x1024xf32, #tpu.memory_space<vmem>>, vector<1x16xf32>,
          %get3A_442 = vector.shape_cast %get3A_441 : vector<1x16xf32> to vector<16xf32>
          %get3A_443 = arith.constant 4 : i32
          %get3A_444 = arith.index_cast %get3A_443 : i32 to index
          %get3A_445 = arith.index_cast %mul3A_422 : i32 to index
          %get3A_446 = tpu.vector_load %arg7[%get3A_444, %get3A_445] {strides = array<i32>} : memref<16x1024xf32, #tpu.memory_space<vmem>>, vector<1x16xf32>,
          %get3A_447 = vector.shape_cast %get3A_446 : vector<1x16xf32> to vector<16xf32>
          %get3A_448 = arith.constant 5 : i32
          %get3A_449 = arith.index_cast %get3A_448 : i32 to index
          %get3A_450 = arith.index_cast %mul3A_422 : i32 to index
          %get3A_451 = tpu.vector_load %arg7[%get3A_449, %get3A_450] {strides = array<i32>} : memref<16x1024xf32, #tpu.memory_space<vmem>>, vector<1x16xf32>,
          %get3A_452 = vector.shape_cast %get3A_451 : vector<1x16xf32> to vector<16xf32>
          %get3A_453 = arith.constant 6 : i32
          %get3A_454 = arith.index_cast %get3A_453 : i32 to index
          %get3A_455 = arith.index_cast %mul3A_422 : i32 to index
          %get3A_456 = tpu.vector_load %arg7[%get3A_454, %get3A_455] {strides = array<i32>} : memref<16x1024xf32, #tpu.memory_space<vmem>>, vector<1x16xf32>,
          %get3A_457 = vector.shape_cast %get3A_456 : vector<1x16xf32> to vector<16xf32>
          %get3A_458 = arith.constant 7 : i32
          %get3A_459 = arith.index_cast %get3A_458 : i32 to index
          %get3A_460 = arith.index_cast %mul3A_422 : i32 to index
          %get3A_461 = tpu.vector_load %arg7[%get3A_459, %get3A_460] {strides = array<i32>} : memref<16x1024xf32, #tpu.memory_space<vmem>>, vector<1x16xf32>,
          %get3A_462 = vector.shape_cast %get3A_461 : vector<1x16xf32> to vector<16xf32>
          %get3A_463 = arith.constant 8 : i32
          %get3A_464 = arith.index_cast %get3A_463 : i32 to index
          %get3A_465 = arith.index_cast %mul3A_422 : i32 to index
          %get3A_466 = tpu.vector_load %arg7[%get3A_464, %get3A_465] {strides = array<i32>} : memref<16x1024xf32, #tpu.memory_space<vmem>>, vector<1x16xf32>,
          %get3A_467 = vector.shape_cast %get3A_466 : vector<1x16xf32> to vector<16xf32>
          %get3A_468 = arith.constant 9 : i32
          %get3A_469 = arith.index_cast %get3A_468 : i32 to index
          %get3A_470 = arith.index_cast %mul3A_422 : i32 to index
          %get3A_471 = tpu.vector_load %arg7[%get3A_469, %get3A_470] {strides = array<i32>} : memref<16x1024xf32, #tpu.memory_space<vmem>>, vector<1x16xf32>,
          %get3A_472 = vector.shape_cast %get3A_471 : vector<1x16xf32> to vector<16xf32>
          %get3A_473 = arith.constant 10 : i32
          %get3A_474 = arith.index_cast %get3A_473 : i32 to index
          %get3A_475 = arith.index_cast %mul3A_422 : i32 to index
          %get3A_476 = tpu.vector_load %arg7[%get3A_474, %get3A_475] {strides = array<i32>} : memref<16x1024xf32, #tpu.memory_space<vmem>>, vector<1x16xf32>,
          %get3A_477 = vector.shape_cast %get3A_476 : vector<1x16xf32> to vector<16xf32>
          %get3A_478 = arith.constant 11 : i32
          %get3A_479 = arith.index_cast %get3A_478 : i32 to index
          %get3A_480 = arith.index_cast %mul3A_422 : i32 to index
          %get3A_481 = tpu.vector_load %arg7[%get3A_479, %get3A_480] {strides = array<i32>} : memref<16x1024xf32, #tpu.memory_space<vmem>>, vector<1x16xf32>,
          %get3A_482 = vector.shape_cast %get3A_481 : vector<1x16xf32> to vector<16xf32>
          %get3A_483 = arith.constant 12 : i32
          %get3A_484 = arith.index_cast %get3A_483 : i32 to index
          %get3A_485 = arith.index_cast %mul3A_422 : i32 to index
          %get3A_486 = tpu.vector_load %arg7[%get3A_484, %get3A_485] {strides = array<i32>} : memref<16x1024xf32, #tpu.memory_space<vmem>>, vector<1x16xf32>,
          %get3A_487 = vector.shape_cast %get3A_486 : vector<1x16xf32> to vector<16xf32>
          %get3A_488 = arith.constant 13 : i32
          %get3A_489 = arith.index_cast %get3A_488 : i32 to index
          %get3A_490 = arith.index_cast %mul3A_422 : i32 to index
          %get3A_491 = tpu.vector_load %arg7[%get3A_489, %get3A_490] {strides = array<i32>} : memref<16x1024xf32, #tpu.memory_space<vmem>>, vector<1x16xf32>,
          %get3A_492 = vector.shape_cast %get3A_491 : vector<1x16xf32> to vector<16xf32>
          %get3A_493 = arith.constant 14 : i32
          %get3A_494 = arith.index_cast %get3A_493 : i32 to index
          %get3A_495 = arith.index_cast %mul3A_422 : i32 to index
          %get3A_496 = tpu.vector_load %arg7[%get3A_494, %get3A_495] {strides = array<i32>} : memref<16x1024xf32, #tpu.memory_space<vmem>>, vector<1x16xf32>,
          %get3A_497 = vector.shape_cast %get3A_496 : vector<1x16xf32> to vector<16xf32>
          %get3A_498 = arith.constant 15 : i32
          %get3A_499 = arith.index_cast %get3A_498 : i32 to index
          %get3A_500 = arith.index_cast %mul3A_422 : i32 to index
          %get3A_501 = tpu.vector_load %arg7[%get3A_499, %get3A_500] {strides = array<i32>} : memref<16x1024xf32, #tpu.memory_space<vmem>>, vector<1x16xf32>,
          %get3A_502 = vector.shape_cast %get3A_501 : vector<1x16xf32> to vector<16xf32>
          %swap3A = arith.constant 0 : i32
          %swap3A_503 = arith.index_cast %swap3A : i32 to index
          %swap3A_504 = arith.index_cast %mul3A_337 : i32 to index
          %swap3A_505 = tpu.vector_load %arg10[%swap3A_503, %swap3A_504] {strides = array<i32>} : memref<16x1024xf32, #tpu.memory_space<vmem>>, vector<1x16xf32>,
          %swap3A_506 = vector.shape_cast %swap3A_505 : vector<1x16xf32> to vector<16xf32>
          %swap3A_507 = vector.shape_cast %get3A_341 : vector<16xf32> to vector<1x16xf32>
          tpu.vector_store %arg10[%swap3A_503, %swap3A_504], %swap3A_507 {add = true, strides = array<i32>} : memref<16x1024xf32, #tpu.memory_space<vmem>>, vector<1x16xf32>,
          %swap3A_508 = arith.constant 1 : i32
          %swap3A_509 = arith.index_cast %swap3A_508 : i32 to index
          %swap3A_510 = arith.index_cast %mul3A_337 : i32 to index
          %swap3A_511 = tpu.vector_load %arg10[%swap3A_509, %swap3A_510] {strides = array<i32>} : memref<16x1024xf32, #tpu.memory_space<vmem>>, vector<1x16xf32>,
          %swap3A_512 = vector.shape_cast %swap3A_511 : vector<1x16xf32> to vector<16xf32>
          %swap3A_513 = vector.shape_cast %get3A_346 : vector<16xf32> to vector<1x16xf32>
          tpu.vector_store %arg10[%swap3A_509, %swap3A_510], %swap3A_513 {add = true, strides = array<i32>} : memref<16x1024xf32, #tpu.memory_space<vmem>>, vector<1x16xf32>,
          %swap3A_514 = arith.constant 2 : i32
          %swap3A_515 = arith.index_cast %swap3A_514 : i32 to index
          %swap3A_516 = arith.index_cast %mul3A_337 : i32 to index
          %swap3A_517 = tpu.vector_load %arg10[%swap3A_515, %swap3A_516] {strides = array<i32>} : memref<16x1024xf32, #tpu.memory_space<vmem>>, vector<1x16xf32>,
          %swap3A_518 = vector.shape_cast %swap3A_517 : vector<1x16xf32> to vector<16xf32>
          %swap3A_519 = vector.shape_cast %get3A_351 : vector<16xf32> to vector<1x16xf32>
          tpu.vector_store %arg10[%swap3A_515, %swap3A_516], %swap3A_519 {add = true, strides = array<i32>} : memref<16x1024xf32, #tpu.memory_space<vmem>>, vector<1x16xf32>,
          %swap3A_520 = arith.constant 3 : i32
          %swap3A_521 = arith.index_cast %swap3A_520 : i32 to index
          %swap3A_522 = arith.index_cast %mul3A_337 : i32 to index
          %swap3A_523 = tpu.vector_load %arg10[%swap3A_521, %swap3A_522] {strides = array<i32>} : memref<16x1024xf32, #tpu.memory_space<vmem>>, vector<1x16xf32>,
          %swap3A_524 = vector.shape_cast %swap3A_523 : vector<1x16xf32> to vector<16xf32>
          %swap3A_525 = vector.shape_cast %get3A_356 : vector<16xf32> to vector<1x16xf32>
          tpu.vector_store %arg10[%swap3A_521, %swap3A_522], %swap3A_525 {add = true, strides = array<i32>} : memref<16x1024xf32, #tpu.memory_space<vmem>>, vector<1x16xf32>,
          %swap3A_526 = arith.constant 4 : i32
          %swap3A_527 = arith.index_cast %swap3A_526 : i32 to index
          %swap3A_528 = arith.index_cast %mul3A_337 : i32 to index
          %swap3A_529 = tpu.vector_load %arg10[%swap3A_527, %swap3A_528] {strides = array<i32>} : memref<16x1024xf32, #tpu.memory_space<vmem>>, vector<1x16xf32>,
          %swap3A_530 = vector.shape_cast %swap3A_529 : vector<1x16xf32> to vector<16xf32>
          %swap3A_531 = vector.shape_cast %get3A_361 : vector<16xf32> to vector<1x16xf32>
          tpu.vector_store %arg10[%swap3A_527, %swap3A_528], %swap3A_531 {add = true, strides = array<i32>} : memref<16x1024xf32, #tpu.memory_space<vmem>>, vector<1x16xf32>,
          %swap3A_532 = arith.constant 5 : i32
          %swap3A_533 = arith.index_cast %swap3A_532 : i32 to index
          %swap3A_534 = arith.index_cast %mul3A_337 : i32 to index
          %swap3A_535 = tpu.vector_load %arg10[%swap3A_533, %swap3A_534] {strides = array<i32>} : memref<16x1024xf32, #tpu.memory_space<vmem>>, vector<1x16xf32>,
          %swap3A_536 = vector.shape_cast %swap3A_535 : vector<1x16xf32> to vector<16xf32>
          %swap3A_537 = vector.shape_cast %get3A_366 : vector<16xf32> to vector<1x16xf32>
          tpu.vector_store %arg10[%swap3A_533, %swap3A_534], %swap3A_537 {add = true, strides = array<i32>} : memref<16x1024xf32, #tpu.memory_space<vmem>>, vector<1x16xf32>,
          %swap3A_538 = arith.constant 6 : i32
          %swap3A_539 = arith.index_cast %swap3A_538 : i32 to index
          %swap3A_540 = arith.index_cast %mul3A_337 : i32 to index
          %swap3A_541 = tpu.vector_load %arg10[%swap3A_539, %swap3A_540] {strides = array<i32>} : memref<16x1024xf32, #tpu.memory_space<vmem>>, vector<1x16xf32>,
          %swap3A_542 = vector.shape_cast %swap3A_541 : vector<1x16xf32> to vector<16xf32>
          %swap3A_543 = vector.shape_cast %get3A_371 : vector<16xf32> to vector<1x16xf32>
          tpu.vector_store %arg10[%swap3A_539, %swap3A_540], %swap3A_543 {add = true, strides = array<i32>} : memref<16x1024xf32, #tpu.memory_space<vmem>>, vector<1x16xf32>,
          %swap3A_544 = arith.constant 7 : i32
          %swap3A_545 = arith.index_cast %swap3A_544 : i32 to index
          %swap3A_546 = arith.index_cast %mul3A_337 : i32 to index
          %swap3A_547 = tpu.vector_load %arg10[%swap3A_545, %swap3A_546] {strides = array<i32>} : memref<16x1024xf32, #tpu.memory_space<vmem>>, vector<1x16xf32>,
          %swap3A_548 = vector.shape_cast %swap3A_547 : vector<1x16xf32> to vector<16xf32>
          %swap3A_549 = vector.shape_cast %get3A_376 : vector<16xf32> to vector<1x16xf32>
          tpu.vector_store %arg10[%swap3A_545, %swap3A_546], %swap3A_549 {add = true, strides = array<i32>} : memref<16x1024xf32, #tpu.memory_space<vmem>>, vector<1x16xf32>,
          %swap3A_550 = arith.constant 8 : i32
          %swap3A_551 = arith.index_cast %swap3A_550 : i32 to index
          %swap3A_552 = arith.index_cast %mul3A_337 : i32 to index
          %swap3A_553 = tpu.vector_load %arg10[%swap3A_551, %swap3A_552] {strides = array<i32>} : memref<16x1024xf32, #tpu.memory_space<vmem>>, vector<1x16xf32>,
          %swap3A_554 = vector.shape_cast %swap3A_553 : vector<1x16xf32> to vector<16xf32>
          %swap3A_555 = vector.shape_cast %get3A_381 : vector<16xf32> to vector<1x16xf32>
          tpu.vector_store %arg10[%swap3A_551, %swap3A_552], %swap3A_555 {add = true, strides = array<i32>} : memref<16x1024xf32, #tpu.memory_space<vmem>>, vector<1x16xf32>,
          %swap3A_556 = arith.constant 9 : i32
          %swap3A_557 = arith.index_cast %swap3A_556 : i32 to index
          %swap3A_558 = arith.index_cast %mul3A_337 : i32 to index
          %swap3A_559 = tpu.vector_load %arg10[%swap3A_557, %swap3A_558] {strides = array<i32>} : memref<16x1024xf32, #tpu.memory_space<vmem>>, vector<1x16xf32>,
          %swap3A_560 = vector.shape_cast %swap3A_559 : vector<1x16xf32> to vector<16xf32>
          %swap3A_561 = vector.shape_cast %get3A_386 : vector<16xf32> to vector<1x16xf32>
          tpu.vector_store %arg10[%swap3A_557, %swap3A_558], %swap3A_561 {add = true, strides = array<i32>} : memref<16x1024xf32, #tpu.memory_space<vmem>>, vector<1x16xf32>,
          %swap3A_562 = arith.constant 10 : i32
          %swap3A_563 = arith.index_cast %swap3A_562 : i32 to index
          %swap3A_564 = arith.index_cast %mul3A_337 : i32 to index
          %swap3A_565 = tpu.vector_load %arg10[%swap3A_563, %swap3A_564] {strides = array<i32>} : memref<16x1024xf32, #tpu.memory_space<vmem>>, vector<1x16xf32>,
          %swap3A_566 = vector.shape_cast %swap3A_565 : vector<1x16xf32> to vector<16xf32>
          %swap3A_567 = vector.shape_cast %get3A_391 : vector<16xf32> to vector<1x16xf32>
          tpu.vector_store %arg10[%swap3A_563, %swap3A_564], %swap3A_567 {add = true, strides = array<i32>} : memref<16x1024xf32, #tpu.memory_space<vmem>>, vector<1x16xf32>,
          %swap3A_568 = arith.constant 11 : i32
          %swap3A_569 = arith.index_cast %swap3A_568 : i32 to index
          %swap3A_570 = arith.index_cast %mul3A_337 : i32 to index
          %swap3A_571 = tpu.vector_load %arg10[%swap3A_569, %swap3A_570] {strides = array<i32>} : memref<16x1024xf32, #tpu.memory_space<vmem>>, vector<1x16xf32>,
          %swap3A_572 = vector.shape_cast %swap3A_571 : vector<1x16xf32> to vector<16xf32>
          %swap3A_573 = vector.shape_cast %get3A_396 : vector<16xf32> to vector<1x16xf32>
          tpu.vector_store %arg10[%swap3A_569, %swap3A_570], %swap3A_573 {add = true, strides = array<i32>} : memref<16x1024xf32, #tpu.memory_space<vmem>>, vector<1x16xf32>,
          %swap3A_574 = arith.constant 12 : i32
          %swap3A_575 = arith.index_cast %swap3A_574 : i32 to index
          %swap3A_576 = arith.index_cast %mul3A_337 : i32 to index
          %swap3A_577 = tpu.vector_load %arg10[%swap3A_575, %swap3A_576] {strides = array<i32>} : memref<16x1024xf32, #tpu.memory_space<vmem>>, vector<1x16xf32>,
          %swap3A_578 = vector.shape_cast %swap3A_577 : vector<1x16xf32> to vector<16xf32>
          %swap3A_579 = vector.shape_cast %get3A_401 : vector<16xf32> to vector<1x16xf32>
          tpu.vector_store %arg10[%swap3A_575, %swap3A_576], %swap3A_579 {add = true, strides = array<i32>} : memref<16x1024xf32, #tpu.memory_space<vmem>>, vector<1x16xf32>,
          %swap3A_580 = arith.constant 13 : i32
          %swap3A_581 = arith.index_cast %swap3A_580 : i32 to index
          %swap3A_582 = arith.index_cast %mul3A_337 : i32 to index
          %swap3A_583 = tpu.vector_load %arg10[%swap3A_581, %swap3A_582] {strides = array<i32>} : memref<16x1024xf32, #tpu.memory_space<vmem>>, vector<1x16xf32>,
          %swap3A_584 = vector.shape_cast %swap3A_583 : vector<1x16xf32> to vector<16xf32>
          %swap3A_585 = vector.shape_cast %get3A_406 : vector<16xf32> to vector<1x16xf32>
          tpu.vector_store %arg10[%swap3A_581, %swap3A_582], %swap3A_585 {add = true, strides = array<i32>} : memref<16x1024xf32, #tpu.memory_space<vmem>>, vector<1x16xf32>,
          %swap3A_586 = arith.constant 14 : i32
          %swap3A_587 = arith.index_cast %swap3A_586 : i32 to index
          %swap3A_588 = arith.index_cast %mul3A_337 : i32 to index
          %swap3A_589 = tpu.vector_load %arg10[%swap3A_587, %swap3A_588] {strides = array<i32>} : memref<16x1024xf32, #tpu.memory_space<vmem>>, vector<1x16xf32>,
          %swap3A_590 = vector.shape_cast %swap3A_589 : vector<1x16xf32> to vector<16xf32>
          %swap3A_591 = vector.shape_cast %get3A_411 : vector<16xf32> to vector<1x16xf32>
          tpu.vector_store %arg10[%swap3A_587, %swap3A_588], %swap3A_591 {add = true, strides = array<i32>} : memref<16x1024xf32, #tpu.memory_space<vmem>>, vector<1x16xf32>,
          %swap3A_592 = arith.constant 15 : i32
          %swap3A_593 = arith.index_cast %swap3A_592 : i32 to index
          %swap3A_594 = arith.index_cast %mul3A_337 : i32 to index
          %swap3A_595 = tpu.vector_load %arg10[%swap3A_593, %swap3A_594] {strides = array<i32>} : memref<16x1024xf32, #tpu.memory_space<vmem>>, vector<1x16xf32>,
          %swap3A_596 = vector.shape_cast %swap3A_595 : vector<1x16xf32> to vector<16xf32>
          %swap3A_597 = vector.shape_cast %get3A_416 : vector<16xf32> to vector<1x16xf32>
          tpu.vector_store %arg10[%swap3A_593, %swap3A_594], %swap3A_597 {add = true, strides = array<i32>} : memref<16x1024xf32, #tpu.memory_space<vmem>>, vector<1x16xf32>,
          %swap3A_598 = arith.constant 0 : i32
          %swap3A_599 = arith.index_cast %swap3A_598 : i32 to index
          %swap3A_600 = arith.index_cast %mul3A_422 : i32 to index
          %swap3A_601 = tpu.vector_load %arg10[%swap3A_599, %swap3A_600] {strides = array<i32>} : memref<16x1024xf32, #tpu.memory_space<vmem>>, vector<1x16xf32>,
          %swap3A_602 = vector.shape_cast %swap3A_601 : vector<1x16xf32> to vector<16xf32>
          %swap3A_603 = vector.shape_cast %get3A_427 : vector<16xf32> to vector<1x16xf32>
          tpu.vector_store %arg10[%swap3A_599, %swap3A_600], %swap3A_603 {add = true, strides = array<i32>} : memref<16x1024xf32, #tpu.memory_space<vmem>>, vector<1x16xf32>,
          %swap3A_604 = arith.constant 1 : i32
          %swap3A_605 = arith.index_cast %swap3A_604 : i32 to index
          %swap3A_606 = arith.index_cast %mul3A_422 : i32 to index
          %swap3A_607 = tpu.vector_load %arg10[%swap3A_605, %swap3A_606] {strides = array<i32>} : memref<16x1024xf32, #tpu.memory_space<vmem>>, vector<1x16xf32>,
          %swap3A_608 = vector.shape_cast %swap3A_607 : vector<1x16xf32> to vector<16xf32>
          %swap3A_609 = vector.shape_cast %get3A_432 : vector<16xf32> to vector<1x16xf32>
          tpu.vector_store %arg10[%swap3A_605, %swap3A_606], %swap3A_609 {add = true, strides = array<i32>} : memref<16x1024xf32, #tpu.memory_space<vmem>>, vector<1x16xf32>,
          %swap3A_610 = arith.constant 2 : i32
          %swap3A_611 = arith.index_cast %swap3A_610 : i32 to index
          %swap3A_612 = arith.index_cast %mul3A_422 : i32 to index
          %swap3A_613 = tpu.vector_load %arg10[%swap3A_611, %swap3A_612] {strides = array<i32>} : memref<16x1024xf32, #tpu.memory_space<vmem>>, vector<1x16xf32>,
          %swap3A_614 = vector.shape_cast %swap3A_613 : vector<1x16xf32> to vector<16xf32>
          %swap3A_615 = vector.shape_cast %get3A_437 : vector<16xf32> to vector<1x16xf32>
          tpu.vector_store %arg10[%swap3A_611, %swap3A_612], %swap3A_615 {add = true, strides = array<i32>} : memref<16x1024xf32, #tpu.memory_space<vmem>>, vector<1x16xf32>,
          %swap3A_616 = arith.constant 3 : i32
          %swap3A_617 = arith.index_cast %swap3A_616 : i32 to index
          %swap3A_618 = arith.index_cast %mul3A_422 : i32 to index
          %swap3A_619 = tpu.vector_load %arg10[%swap3A_617, %swap3A_618] {strides = array<i32>} : memref<16x1024xf32, #tpu.memory_space<vmem>>, vector<1x16xf32>,
          %swap3A_620 = vector.shape_cast %swap3A_619 : vector<1x16xf32> to vector<16xf32>
          %swap3A_621 = vector.shape_cast %get3A_442 : vector<16xf32> to vector<1x16xf32>
          tpu.vector_store %arg10[%swap3A_617, %swap3A_618], %swap3A_621 {add = true, strides = array<i32>} : memref<16x1024xf32, #tpu.memory_space<vmem>>, vector<1x16xf32>,
          %swap3A_622 = arith.constant 4 : i32
          %swap3A_623 = arith.index_cast %swap3A_622 : i32 to index
          %swap3A_624 = arith.index_cast %mul3A_422 : i32 to index
          %swap3A_625 = tpu.vector_load %arg10[%swap3A_623, %swap3A_624] {strides = array<i32>} : memref<16x1024xf32, #tpu.memory_space<vmem>>, vector<1x16xf32>,
          %swap3A_626 = vector.shape_cast %swap3A_625 : vector<1x16xf32> to vector<16xf32>
          %swap3A_627 = vector.shape_cast %get3A_447 : vector<16xf32> to vector<1x16xf32>
          tpu.vector_store %arg10[%swap3A_623, %swap3A_624], %swap3A_627 {add = true, strides = array<i32>} : memref<16x1024xf32, #tpu.memory_space<vmem>>, vector<1x16xf32>,
          %swap3A_628 = arith.constant 5 : i32
          %swap3A_629 = arith.index_cast %swap3A_628 : i32 to index
          %swap3A_630 = arith.index_cast %mul3A_422 : i32 to index
          %swap3A_631 = tpu.vector_load %arg10[%swap3A_629, %swap3A_630] {strides = array<i32>} : memref<16x1024xf32, #tpu.memory_space<vmem>>, vector<1x16xf32>,
          %swap3A_632 = vector.shape_cast %swap3A_631 : vector<1x16xf32> to vector<16xf32>
          %swap3A_633 = vector.shape_cast %get3A_452 : vector<16xf32> to vector<1x16xf32>
          tpu.vector_store %arg10[%swap3A_629, %swap3A_630], %swap3A_633 {add = true, strides = array<i32>} : memref<16x1024xf32, #tpu.memory_space<vmem>>, vector<1x16xf32>,
          %swap3A_634 = arith.constant 6 : i32
          %swap3A_635 = arith.index_cast %swap3A_634 : i32 to index
          %swap3A_636 = arith.index_cast %mul3A_422 : i32 to index
          %swap3A_637 = tpu.vector_load %arg10[%swap3A_635, %swap3A_636] {strides = array<i32>} : memref<16x1024xf32, #tpu.memory_space<vmem>>, vector<1x16xf32>,
          %swap3A_638 = vector.shape_cast %swap3A_637 : vector<1x16xf32> to vector<16xf32>
          %swap3A_639 = vector.shape_cast %get3A_457 : vector<16xf32> to vector<1x16xf32>
          tpu.vector_store %arg10[%swap3A_635, %swap3A_636], %swap3A_639 {add = true, strides = array<i32>} : memref<16x1024xf32, #tpu.memory_space<vmem>>, vector<1x16xf32>,
          %swap3A_640 = arith.constant 7 : i32
          %swap3A_641 = arith.index_cast %swap3A_640 : i32 to index
          %swap3A_642 = arith.index_cast %mul3A_422 : i32 to index
          %swap3A_643 = tpu.vector_load %arg10[%swap3A_641, %swap3A_642] {strides = array<i32>} : memref<16x1024xf32, #tpu.memory_space<vmem>>, vector<1x16xf32>,
          %swap3A_644 = vector.shape_cast %swap3A_643 : vector<1x16xf32> to vector<16xf32>
          %swap3A_645 = vector.shape_cast %get3A_462 : vector<16xf32> to vector<1x16xf32>
          tpu.vector_store %arg10[%swap3A_641, %swap3A_642], %swap3A_645 {add = true, strides = array<i32>} : memref<16x1024xf32, #tpu.memory_space<vmem>>, vector<1x16xf32>,
          %swap3A_646 = arith.constant 8 : i32
          %swap3A_647 = arith.index_cast %swap3A_646 : i32 to index
          %swap3A_648 = arith.index_cast %mul3A_422 : i32 to index
          %swap3A_649 = tpu.vector_load %arg10[%swap3A_647, %swap3A_648] {strides = array<i32>} : memref<16x1024xf32, #tpu.memory_space<vmem>>, vector<1x16xf32>,
          %swap3A_650 = vector.shape_cast %swap3A_649 : vector<1x16xf32> to vector<16xf32>
          %swap3A_651 = vector.shape_cast %get3A_467 : vector<16xf32> to vector<1x16xf32>
          tpu.vector_store %arg10[%swap3A_647, %swap3A_648], %swap3A_651 {add = true, strides = array<i32>} : memref<16x1024xf32, #tpu.memory_space<vmem>>, vector<1x16xf32>,
          %swap3A_652 = arith.constant 9 : i32
          %swap3A_653 = arith.index_cast %swap3A_652 : i32 to index
          %swap3A_654 = arith.index_cast %mul3A_422 : i32 to index
          %swap3A_655 = tpu.vector_load %arg10[%swap3A_653, %swap3A_654] {strides = array<i32>} : memref<16x1024xf32, #tpu.memory_space<vmem>>, vector<1x16xf32>,
          %swap3A_656 = vector.shape_cast %swap3A_655 : vector<1x16xf32> to vector<16xf32>
          %swap3A_657 = vector.shape_cast %get3A_472 : vector<16xf32> to vector<1x16xf32>
          tpu.vector_store %arg10[%swap3A_653, %swap3A_654], %swap3A_657 {add = true, strides = array<i32>} : memref<16x1024xf32, #tpu.memory_space<vmem>>, vector<1x16xf32>,
          %swap3A_658 = arith.constant 10 : i32
          %swap3A_659 = arith.index_cast %swap3A_658 : i32 to index
          %swap3A_660 = arith.index_cast %mul3A_422 : i32 to index
          %swap3A_661 = tpu.vector_load %arg10[%swap3A_659, %swap3A_660] {strides = array<i32>} : memref<16x1024xf32, #tpu.memory_space<vmem>>, vector<1x16xf32>,
          %swap3A_662 = vector.shape_cast %swap3A_661 : vector<1x16xf32> to vector<16xf32>
          %swap3A_663 = vector.shape_cast %get3A_477 : vector<16xf32> to vector<1x16xf32>
          tpu.vector_store %arg10[%swap3A_659, %swap3A_660], %swap3A_663 {add = true, strides = array<i32>} : memref<16x1024xf32, #tpu.memory_space<vmem>>, vector<1x16xf32>,
          %swap3A_664 = arith.constant 11 : i32
          %swap3A_665 = arith.index_cast %swap3A_664 : i32 to index
          %swap3A_666 = arith.index_cast %mul3A_422 : i32 to index
          %swap3A_667 = tpu.vector_load %arg10[%swap3A_665, %swap3A_666] {strides = array<i32>} : memref<16x1024xf32, #tpu.memory_space<vmem>>, vector<1x16xf32>,
          %swap3A_668 = vector.shape_cast %swap3A_667 : vector<1x16xf32> to vector<16xf32>
          %swap3A_669 = vector.shape_cast %get3A_482 : vector<16xf32> to vector<1x16xf32>
          tpu.vector_store %arg10[%swap3A_665, %swap3A_666], %swap3A_669 {add = true, strides = array<i32>} : memref<16x1024xf32, #tpu.memory_space<vmem>>, vector<1x16xf32>,
          %swap3A_670 = arith.constant 12 : i32
          %swap3A_671 = arith.index_cast %swap3A_670 : i32 to index
          %swap3A_672 = arith.index_cast %mul3A_422 : i32 to index
          %swap3A_673 = tpu.vector_load %arg10[%swap3A_671, %swap3A_672] {strides = array<i32>} : memref<16x1024xf32, #tpu.memory_space<vmem>>, vector<1x16xf32>,
          %swap3A_674 = vector.shape_cast %swap3A_673 : vector<1x16xf32> to vector<16xf32>
          %swap3A_675 = vector.shape_cast %get3A_487 : vector<16xf32> to vector<1x16xf32>
          tpu.vector_store %arg10[%swap3A_671, %swap3A_672], %swap3A_675 {add = true, strides = array<i32>} : memref<16x1024xf32, #tpu.memory_space<vmem>>, vector<1x16xf32>,
          %swap3A_676 = arith.constant 13 : i32
          %swap3A_677 = arith.index_cast %swap3A_676 : i32 to index
          %swap3A_678 = arith.index_cast %mul3A_422 : i32 to index
          %swap3A_679 = tpu.vector_load %arg10[%swap3A_677, %swap3A_678] {strides = array<i32>} : memref<16x1024xf32, #tpu.memory_space<vmem>>, vector<1x16xf32>,
          %swap3A_680 = vector.shape_cast %swap3A_679 : vector<1x16xf32> to vector<16xf32>
          %swap3A_681 = vector.shape_cast %get3A_492 : vector<16xf32> to vector<1x16xf32>
          tpu.vector_store %arg10[%swap3A_677, %swap3A_678], %swap3A_681 {add = true, strides = array<i32>} : memref<16x1024xf32, #tpu.memory_space<vmem>>, vector<1x16xf32>,
          %swap3A_682 = arith.constant 14 : i32
          %swap3A_683 = arith.index_cast %swap3A_682 : i32 to index
          %swap3A_684 = arith.index_cast %mul3A_422 : i32 to index
          %swap3A_685 = tpu.vector_load %arg10[%swap3A_683, %swap3A_684] {strides = array<i32>} : memref<16x1024xf32, #tpu.memory_space<vmem>>, vector<1x16xf32>,
          %swap3A_686 = vector.shape_cast %swap3A_685 : vector<1x16xf32> to vector<16xf32>
          %swap3A_687 = vector.shape_cast %get3A_497 : vector<16xf32> to vector<1x16xf32>
          tpu.vector_store %arg10[%swap3A_683, %swap3A_684], %swap3A_687 {add = true, strides = array<i32>} : memref<16x1024xf32, #tpu.memory_space<vmem>>, vector<1x16xf32>,
          %swap3A_688 = arith.constant 15 : i32
          %swap3A_689 = arith.index_cast %swap3A_688 : i32 to index
          %swap3A_690 = arith.index_cast %mul3A_422 : i32 to index
          %swap3A_691 = tpu.vector_load %arg10[%swap3A_689, %swap3A_690] {strides = array<i32>} : memref<16x1024xf32, #tpu.memory_space<vmem>>, vector<1x16xf32>,
          %swap3A_692 = vector.shape_cast %swap3A_691 : vector<1x16xf32> to vector<16xf32>
          %swap3A_693 = vector.shape_cast %get3A_502 : vector<16xf32> to vector<1x16xf32>
          tpu.vector_store %arg10[%swap3A_689, %swap3A_690], %swap3A_693 {add = true, strides = array<i32>} : memref<16x1024xf32, #tpu.memory_space<vmem>>, vector<1x16xf32>,
          %scan3A_694 = arith.constant 0 : i32
          scf.yield %scan3A_694 : i32
        }
        %scan3A_195 = arith.constant 32 : i32
        %mul3A_196 = arith.constant 128 : i32
        %mul3A_197 = arith.muli %sub3A_182, %mul3A_196 : i32
        %add3A_198 = arith.addi %mul3A_2, %mul3A_197 : i32
        %mul3A_199 = arith.constant 16 : i32
        %mul3A_200 = arith.muli %scan3A_11, %mul3A_199 : i32
        %add3A_201 = arith.addi %add3A_198, %mul3A_200 : i32
        %dma_start3A_202 = arith.constant 0 : i32
        %dma_start3A_203 = tpu.memref_slice %arg5[%add3A_201, %dma_start3A_202] : memref<524288x1024xf32, #tpu.memory_space<hbm>> -> memref<16x1024xf32, #tpu.memory_space<hbm>>
        %dma_start3A_204 = arith.constant 0 : i32
        %dma_start3A_205 = tpu.memref_slice %arg5[%add3A_201, %dma_start3A_204] : memref<524288x1024xf32, #tpu.memory_space<hbm>> -> memref<16x1024xf32, #tpu.memory_space<hbm>>
        tpu.enqueue_dma source(%arg10 : memref<16x1024xf32, #tpu.memory_space<vmem>>) target(%dma_start3A_205 : memref<16x1024xf32, #tpu.memory_space<hbm>>) target_semaphore(%arg19 : memref<!tpu.dma_semaphore, #tpu.memory_space<semaphore_mem>>)
        %mul3A_206 = arith.constant 4 : i32
        %mul3A_207 = arith.muli %scan3A_164, %mul3A_206 : i32
        %add3A_208 = arith.constant 1 : i32
        %add3A_209 = arith.addi %mul3A_207, %add3A_208 : i32
        %dma_wait3A_210 = arith.constant 0 : i32
        %dma_wait3A_211 = arith.constant 0 : i32
        %dma_wait3A_212 = tpu.memref_slice %arg5[%dma_wait3A_210, %dma_wait3A_211] : memref<524288x1024xf32, #tpu.memory_space<hbm>> -> memref<16x1024xf32, #tpu.memory_space<hbm>>
        %dma_wait3A_213 = arith.constant 0 : i32
        %dma_wait3A_214 = arith.constant 0 : i32
        %dma_wait3A_215 = tpu.memref_slice %arg5[%dma_wait3A_213, %dma_wait3A_214] : memref<524288x1024xf32, #tpu.memory_space<hbm>> -> memref<16x1024xf32, #tpu.memory_space<hbm>>
        tpu.wait_dma2 semaphore(%arg18 : memref<!tpu.dma_semaphore, #tpu.memory_space<semaphore_mem>>) src(%arg9 : memref<16x1024xf32, #tpu.memory_space<vmem>>) dst(%dma_wait3A_215 : memref<16x1024xf32, #tpu.memory_space<hbm>>)
        %dma_start3A_216 = arith.constant 0 : i32
        %dma_start3A_217 = tpu.memref_slice %arg6[%add3A_209, %dma_start3A_216] : memref<128x16xi32, #tpu.memory_space<vmem>> -> memref<1x16xi32, #tpu.memory_space<vmem>>
        %dma_start3A_218 = tpu.memref_squeeze %dma_start3A_217 : memref<1x16xi32, #tpu.memory_space<vmem>> -> memref<16xi32, #tpu.memory_space<vmem>>
        %dma_start3A_219 = arith.constant 0 : i32
        %dma_start3A_220 = arith.constant 0 : i32
        %dma_start3A_221 = tpu.memref_slice %arg3[%dma_start3A_219, %dma_start3A_220] : memref<16384x1024xf32, #tpu.memory_space<hbm>> -> memref<16384x1024xf32, #tpu.memory_space<hbm>>
        tpu.enqueue_indirect_dma source(%dma_start3A_221 : memref<16384x1024xf32, #tpu.memory_space<hbm>>) target(%arg9 : memref<16x1024xf32, #tpu.memory_space<vmem>>) offsets(%dma_start3A_218 : memref<16xi32, #tpu.memory_space<vmem>>) semaphore(%arg14 : memref<!tpu.dma_semaphore, #tpu.memory_space<semaphore_mem>>)
        %sub3A_222 = arith.constant 2 : i32
        %sub3A_223 = arith.subi %add3A_209, %sub3A_222 : i32
        %dma_wait3A_224 = arith.constant 0 : i32
        %dma_wait3A_225 = arith.constant 0 : i32
        %dma_wait3A_226 = tpu.memref_slice %arg3[%dma_wait3A_224, %dma_wait3A_225] : memref<16384x1024xf32, #tpu.memory_space<hbm>> -> memref<16x1024xf32, #tpu.memory_space<hbm>>
        %dma_wait3A_227 = arith.constant 0 : i32
        %dma_wait3A_228 = arith.constant 0 : i32
        %dma_wait3A_229 = tpu.memref_slice %arg3[%dma_wait3A_227, %dma_wait3A_228] : memref<16384x1024xf32, #tpu.memory_space<hbm>> -> memref<16x1024xf32, #tpu.memory_space<hbm>>
        tpu.wait_dma2 semaphore(%arg16 : memref<!tpu.dma_semaphore, #tpu.memory_space<semaphore_mem>>) src(%dma_wait3A_229 : memref<16x1024xf32, #tpu.memory_space<hbm>>) dst(%arg11 : memref<16x1024xf32, #tpu.memory_space<vmem>>)
        %scan3A_230 = arith.constant 0 : i32
        %scan3A_231 = arith.constant 0 : i32
        %scan3A_232 = arith.constant 32 : i32
        %scan3A_233 = arith.addi %scan3A_231, %scan3A_232 : i32
        %scan3A_234 = arith.constant 1 : i32
        %scan3A_235 = scf.for %scan3A_330 = %scan3A_231 to %scan3A_233 step %scan3A_234 iter_args(%scan3A_331 = %scan3A_230) -> (i32)  : i32 {
          %mul3A_332 = arith.constant 2 : i32
          %mul3A_333 = arith.muli %scan3A_330, %mul3A_332 : i32
          %add3A_334 = arith.constant 0 : i32
          %add3A_335 = arith.addi %mul3A_333, %add3A_334 : i32
          %mul3A_336 = arith.constant 16 : i32
          %mul3A_337 = arith.muli %add3A_335, %mul3A_336 : i32
          %get3A = arith.constant 0 : i32
          %get3A_338 = arith.index_cast %get3A : i32 to index
          %get3A_339 = arith.index_cast %mul3A_337 : i32 to index
          %get3A_340 = tpu.vector_load %arg7[%get3A_338, %get3A_339] {strides = array<i32>} : memref<16x1024xf32, #tpu.memory_space<vmem>>, vector<1x16xf32>,
          %get3A_341 = vector.shape_cast %get3A_340 : vector<1x16xf32> to vector<16xf32>
          %get3A_342 = arith.constant 1 : i32
          %get3A_343 = arith.index_cast %get3A_342 : i32 to index
          %get3A_344 = arith.index_cast %mul3A_337 : i32 to index
          %get3A_345 = tpu.vector_load %arg7[%get3A_343, %get3A_344] {strides = array<i32>} : memref<16x1024xf32, #tpu.memory_space<vmem>>, vector<1x16xf32>,
          %get3A_346 = vector.shape_cast %get3A_345 : vector<1x16xf32> to vector<16xf32>
          %get3A_347 = arith.constant 2 : i32
          %get3A_348 = arith.index_cast %get3A_347 : i32 to index
          %get3A_349 = arith.index_cast %mul3A_337 : i32 to index
          %get3A_350 = tpu.vector_load %arg7[%get3A_348, %get3A_349] {strides = array<i32>} : memref<16x1024xf32, #tpu.memory_space<vmem>>, vector<1x16xf32>,
          %get3A_351 = vector.shape_cast %get3A_350 : vector<1x16xf32> to vector<16xf32>
          %get3A_352 = arith.constant 3 : i32
          %get3A_353 = arith.index_cast %get3A_352 : i32 to index
          %get3A_354 = arith.index_cast %mul3A_337 : i32 to index
          %get3A_355 = tpu.vector_load %arg7[%get3A_353, %get3A_354] {strides = array<i32>} : memref<16x1024xf32, #tpu.memory_space<vmem>>, vector<1x16xf32>,
          %get3A_356 = vector.shape_cast %get3A_355 : vector<1x16xf32> to vector<16xf32>
          %get3A_357 = arith.constant 4 : i32
          %get3A_358 = arith.index_cast %get3A_357 : i32 to index
          %get3A_359 = arith.index_cast %mul3A_337 : i32 to index
          %get3A_360 = tpu.vector_load %arg7[%get3A_358, %get3A_359] {strides = array<i32>} : memref<16x1024xf32, #tpu.memory_space<vmem>>, vector<1x16xf32>,
          %get3A_361 = vector.shape_cast %get3A_360 : vector<1x16xf32> to vector<16xf32>
          %get3A_362 = arith.constant 5 : i32
          %get3A_363 = arith.index_cast %get3A_362 : i32 to index
          %get3A_364 = arith.index_cast %mul3A_337 : i32 to index
          %get3A_365 = tpu.vector_load %arg7[%get3A_363, %get3A_364] {strides = array<i32>} : memref<16x1024xf32, #tpu.memory_space<vmem>>, vector<1x16xf32>,
          %get3A_366 = vector.shape_cast %get3A_365 : vector<1x16xf32> to vector<16xf32>
          %get3A_367 = arith.constant 6 : i32
          %get3A_368 = arith.index_cast %get3A_367 : i32 to index
          %get3A_369 = arith.index_cast %mul3A_337 : i32 to index
          %get3A_370 = tpu.vector_load %arg7[%get3A_368, %get3A_369] {strides = array<i32>} : memref<16x1024xf32, #tpu.memory_space<vmem>>, vector<1x16xf32>,
          %get3A_371 = vector.shape_cast %get3A_370 : vector<1x16xf32> to vector<16xf32>
          %get3A_372 = arith.constant 7 : i32
          %get3A_373 = arith.index_cast %get3A_372 : i32 to index
          %get3A_374 = arith.index_cast %mul3A_337 : i32 to index
          %get3A_375 = tpu.vector_load %arg7[%get3A_373, %get3A_374] {strides = array<i32>} : memref<16x1024xf32, #tpu.memory_space<vmem>>, vector<1x16xf32>,
          %get3A_376 = vector.shape_cast %get3A_375 : vector<1x16xf32> to vector<16xf32>
          %get3A_377 = arith.constant 8 : i32
          %get3A_378 = arith.index_cast %get3A_377 : i32 to index
          %get3A_379 = arith.index_cast %mul3A_337 : i32 to index
          %get3A_380 = tpu.vector_load %arg7[%get3A_378, %get3A_379] {strides = array<i32>} : memref<16x1024xf32, #tpu.memory_space<vmem>>, vector<1x16xf32>,
          %get3A_381 = vector.shape_cast %get3A_380 : vector<1x16xf32> to vector<16xf32>
          %get3A_382 = arith.constant 9 : i32
          %get3A_383 = arith.index_cast %get3A_382 : i32 to index
          %get3A_384 = arith.index_cast %mul3A_337 : i32 to index
          %get3A_385 = tpu.vector_load %arg7[%get3A_383, %get3A_384] {strides = array<i32>} : memref<16x1024xf32, #tpu.memory_space<vmem>>, vector<1x16xf32>,
          %get3A_386 = vector.shape_cast %get3A_385 : vector<1x16xf32> to vector<16xf32>
          %get3A_387 = arith.constant 10 : i32
          %get3A_388 = arith.index_cast %get3A_387 : i32 to index
          %get3A_389 = arith.index_cast %mul3A_337 : i32 to index
          %get3A_390 = tpu.vector_load %arg7[%get3A_388, %get3A_389] {strides = array<i32>} : memref<16x1024xf32, #tpu.memory_space<vmem>>, vector<1x16xf32>,
          %get3A_391 = vector.shape_cast %get3A_390 : vector<1x16xf32> to vector<16xf32>
          %get3A_392 = arith.constant 11 : i32
          %get3A_393 = arith.index_cast %get3A_392 : i32 to index
          %get3A_394 = arith.index_cast %mul3A_337 : i32 to index
          %get3A_395 = tpu.vector_load %arg7[%get3A_393, %get3A_394] {strides = array<i32>} : memref<16x1024xf32, #tpu.memory_space<vmem>>, vector<1x16xf32>,
          %get3A_396 = vector.shape_cast %get3A_395 : vector<1x16xf32> to vector<16xf32>
          %get3A_397 = arith.constant 12 : i32
          %get3A_398 = arith.index_cast %get3A_397 : i32 to index
          %get3A_399 = arith.index_cast %mul3A_337 : i32 to index
          %get3A_400 = tpu.vector_load %arg7[%get3A_398, %get3A_399] {strides = array<i32>} : memref<16x1024xf32, #tpu.memory_space<vmem>>, vector<1x16xf32>,
          %get3A_401 = vector.shape_cast %get3A_400 : vector<1x16xf32> to vector<16xf32>
          %get3A_402 = arith.constant 13 : i32
          %get3A_403 = arith.index_cast %get3A_402 : i32 to index
          %get3A_404 = arith.index_cast %mul3A_337 : i32 to index
          %get3A_405 = tpu.vector_load %arg7[%get3A_403, %get3A_404] {strides = array<i32>} : memref<16x1024xf32, #tpu.memory_space<vmem>>, vector<1x16xf32>,
          %get3A_406 = vector.shape_cast %get3A_405 : vector<1x16xf32> to vector<16xf32>
          %get3A_407 = arith.constant 14 : i32
          %get3A_408 = arith.index_cast %get3A_407 : i32 to index
          %get3A_409 = arith.index_cast %mul3A_337 : i32 to index
          %get3A_410 = tpu.vector_load %arg7[%get3A_408, %get3A_409] {strides = array<i32>} : memref<16x1024xf32, #tpu.memory_space<vmem>>, vector<1x16xf32>,
          %get3A_411 = vector.shape_cast %get3A_410 : vector<1x16xf32> to vector<16xf32>
          %get3A_412 = arith.constant 15 : i32
          %get3A_413 = arith.index_cast %get3A_412 : i32 to index
          %get3A_414 = arith.index_cast %mul3A_337 : i32 to index
          %get3A_415 = tpu.vector_load %arg7[%get3A_413, %get3A_414] {strides = array<i32>} : memref<16x1024xf32, #tpu.memory_space<vmem>>, vector<1x16xf32>,
          %get3A_416 = vector.shape_cast %get3A_415 : vector<1x16xf32> to vector<16xf32>
          %mul3A_417 = arith.constant 2 : i32
          %mul3A_418 = arith.muli %scan3A_330, %mul3A_417 : i32
          %add3A_419 = arith.constant 1 : i32
          %add3A_420 = arith.addi %mul3A_418, %add3A_419 : i32
          %mul3A_421 = arith.constant 16 : i32
          %mul3A_422 = arith.muli %add3A_420, %mul3A_421 : i32
          %get3A_423 = arith.constant 0 : i32
          %get3A_424 = arith.index_cast %get3A_423 : i32 to index
          %get3A_425 = arith.index_cast %mul3A_422 : i32 to index
          %get3A_426 = tpu.vector_load %arg7[%get3A_424, %get3A_425] {strides = array<i32>} : memref<16x1024xf32, #tpu.memory_space<vmem>>, vector<1x16xf32>,
          %get3A_427 = vector.shape_cast %get3A_426 : vector<1x16xf32> to vector<16xf32>
          %get3A_428 = arith.constant 1 : i32
          %get3A_429 = arith.index_cast %get3A_428 : i32 to index
          %get3A_430 = arith.index_cast %mul3A_422 : i32 to index
          %get3A_431 = tpu.vector_load %arg7[%get3A_429, %get3A_430] {strides = array<i32>} : memref<16x1024xf32, #tpu.memory_space<vmem>>, vector<1x16xf32>,
          %get3A_432 = vector.shape_cast %get3A_431 : vector<1x16xf32> to vector<16xf32>
          %get3A_433 = arith.constant 2 : i32
          %get3A_434 = arith.index_cast %get3A_433 : i32 to index
          %get3A_435 = arith.index_cast %mul3A_422 : i32 to index
          %get3A_436 = tpu.vector_load %arg7[%get3A_434, %get3A_435] {strides = array<i32>} : memref<16x1024xf32, #tpu.memory_space<vmem>>, vector<1x16xf32>,
          %get3A_437 = vector.shape_cast %get3A_436 : vector<1x16xf32> to vector<16xf32>
          %get3A_438 = arith.constant 3 : i32
          %get3A_439 = arith.index_cast %get3A_438 : i32 to index
          %get3A_440 = arith.index_cast %mul3A_422 : i32 to index
          %get3A_441 = tpu.vector_load %arg7[%get3A_439, %get3A_440] {strides = array<i32>} : memref<16x1024xf32, #tpu.memory_space<vmem>>, vector<1x16xf32>,
          %get3A_442 = vector.shape_cast %get3A_441 : vector<1x16xf32> to vector<16xf32>
          %get3A_443 = arith.constant 4 : i32
          %get3A_444 = arith.index_cast %get3A_443 : i32 to index
          %get3A_445 = arith.index_cast %mul3A_422 : i32 to index
          %get3A_446 = tpu.vector_load %arg7[%get3A_444, %get3A_445] {strides = array<i32>} : memref<16x1024xf32, #tpu.memory_space<vmem>>, vector<1x16xf32>,
          %get3A_447 = vector.shape_cast %get3A_446 : vector<1x16xf32> to vector<16xf32>
          %get3A_448 = arith.constant 5 : i32
          %get3A_449 = arith.index_cast %get3A_448 : i32 to index
          %get3A_450 = arith.index_cast %mul3A_422 : i32 to index
          %get3A_451 = tpu.vector_load %arg7[%get3A_449, %get3A_450] {strides = array<i32>} : memref<16x1024xf32, #tpu.memory_space<vmem>>, vector<1x16xf32>,
          %get3A_452 = vector.shape_cast %get3A_451 : vector<1x16xf32> to vector<16xf32>
          %get3A_453 = arith.constant 6 : i32
          %get3A_454 = arith.index_cast %get3A_453 : i32 to index
          %get3A_455 = arith.index_cast %mul3A_422 : i32 to index
          %get3A_456 = tpu.vector_load %arg7[%get3A_454, %get3A_455] {strides = array<i32>} : memref<16x1024xf32, #tpu.memory_space<vmem>>, vector<1x16xf32>,
          %get3A_457 = vector.shape_cast %get3A_456 : vector<1x16xf32> to vector<16xf32>
          %get3A_458 = arith.constant 7 : i32
          %get3A_459 = arith.index_cast %get3A_458 : i32 to index
          %get3A_460 = arith.index_cast %mul3A_422 : i32 to index
          %get3A_461 = tpu.vector_load %arg7[%get3A_459, %get3A_460] {strides = array<i32>} : memref<16x1024xf32, #tpu.memory_space<vmem>>, vector<1x16xf32>,
          %get3A_462 = vector.shape_cast %get3A_461 : vector<1x16xf32> to vector<16xf32>
          %get3A_463 = arith.constant 8 : i32
          %get3A_464 = arith.index_cast %get3A_463 : i32 to index
          %get3A_465 = arith.index_cast %mul3A_422 : i32 to index
          %get3A_466 = tpu.vector_load %arg7[%get3A_464, %get3A_465] {strides = array<i32>} : memref<16x1024xf32, #tpu.memory_space<vmem>>, vector<1x16xf32>,
          %get3A_467 = vector.shape_cast %get3A_466 : vector<1x16xf32> to vector<16xf32>
          %get3A_468 = arith.constant 9 : i32
          %get3A_469 = arith.index_cast %get3A_468 : i32 to index
          %get3A_470 = arith.index_cast %mul3A_422 : i32 to index
          %get3A_471 = tpu.vector_load %arg7[%get3A_469, %get3A_470] {strides = array<i32>} : memref<16x1024xf32, #tpu.memory_space<vmem>>, vector<1x16xf32>,
          %get3A_472 = vector.shape_cast %get3A_471 : vector<1x16xf32> to vector<16xf32>
          %get3A_473 = arith.constant 10 : i32
          %get3A_474 = arith.index_cast %get3A_473 : i32 to index
          %get3A_475 = arith.index_cast %mul3A_422 : i32 to index
          %get3A_476 = tpu.vector_load %arg7[%get3A_474, %get3A_475] {strides = array<i32>} : memref<16x1024xf32, #tpu.memory_space<vmem>>, vector<1x16xf32>,
          %get3A_477 = vector.shape_cast %get3A_476 : vector<1x16xf32> to vector<16xf32>
          %get3A_478 = arith.constant 11 : i32
          %get3A_479 = arith.index_cast %get3A_478 : i32 to index
          %get3A_480 = arith.index_cast %mul3A_422 : i32 to index
          %get3A_481 = tpu.vector_load %arg7[%get3A_479, %get3A_480] {strides = array<i32>} : memref<16x1024xf32, #tpu.memory_space<vmem>>, vector<1x16xf32>,
          %get3A_482 = vector.shape_cast %get3A_481 : vector<1x16xf32> to vector<16xf32>
          %get3A_483 = arith.constant 12 : i32
          %get3A_484 = arith.index_cast %get3A_483 : i32 to index
          %get3A_485 = arith.index_cast %mul3A_422 : i32 to index
          %get3A_486 = tpu.vector_load %arg7[%get3A_484, %get3A_485] {strides = array<i32>} : memref<16x1024xf32, #tpu.memory_space<vmem>>, vector<1x16xf32>,
          %get3A_487 = vector.shape_cast %get3A_486 : vector<1x16xf32> to vector<16xf32>
          %get3A_488 = arith.constant 13 : i32
          %get3A_489 = arith.index_cast %get3A_488 : i32 to index
          %get3A_490 = arith.index_cast %mul3A_422 : i32 to index
          %get3A_491 = tpu.vector_load %arg7[%get3A_489, %get3A_490] {strides = array<i32>} : memref<16x1024xf32, #tpu.memory_space<vmem>>, vector<1x16xf32>,
          %get3A_492 = vector.shape_cast %get3A_491 : vector<1x16xf32> to vector<16xf32>
          %get3A_493 = arith.constant 14 : i32
          %get3A_494 = arith.index_cast %get3A_493 : i32 to index
          %get3A_495 = arith.index_cast %mul3A_422 : i32 to index
          %get3A_496 = tpu.vector_load %arg7[%get3A_494, %get3A_495] {strides = array<i32>} : memref<16x1024xf32, #tpu.memory_space<vmem>>, vector<1x16xf32>,
          %get3A_497 = vector.shape_cast %get3A_496 : vector<1x16xf32> to vector<16xf32>
          %get3A_498 = arith.constant 15 : i32
          %get3A_499 = arith.index_cast %get3A_498 : i32 to index
          %get3A_500 = arith.index_cast %mul3A_422 : i32 to index
          %get3A_501 = tpu.vector_load %arg7[%get3A_499, %get3A_500] {strides = array<i32>} : memref<16x1024xf32, #tpu.memory_space<vmem>>, vector<1x16xf32>,
          %get3A_502 = vector.shape_cast %get3A_501 : vector<1x16xf32> to vector<16xf32>
          %swap3A = arith.constant 0 : i32
          %swap3A_503 = arith.index_cast %swap3A : i32 to index
          %swap3A_504 = arith.index_cast %mul3A_337 : i32 to index
          %swap3A_505 = tpu.vector_load %arg11[%swap3A_503, %swap3A_504] {strides = array<i32>} : memref<16x1024xf32, #tpu.memory_space<vmem>>, vector<1x16xf32>,
          %swap3A_506 = vector.shape_cast %swap3A_505 : vector<1x16xf32> to vector<16xf32>
          %swap3A_507 = vector.shape_cast %get3A_341 : vector<16xf32> to vector<1x16xf32>
          tpu.vector_store %arg11[%swap3A_503, %swap3A_504], %swap3A_507 {add = true, strides = array<i32>} : memref<16x1024xf32, #tpu.memory_space<vmem>>, vector<1x16xf32>,
          %swap3A_508 = arith.constant 1 : i32
          %swap3A_509 = arith.index_cast %swap3A_508 : i32 to index
          %swap3A_510 = arith.index_cast %mul3A_337 : i32 to index
          %swap3A_511 = tpu.vector_load %arg11[%swap3A_509, %swap3A_510] {strides = array<i32>} : memref<16x1024xf32, #tpu.memory_space<vmem>>, vector<1x16xf32>,
          %swap3A_512 = vector.shape_cast %swap3A_511 : vector<1x16xf32> to vector<16xf32>
          %swap3A_513 = vector.shape_cast %get3A_346 : vector<16xf32> to vector<1x16xf32>
          tpu.vector_store %arg11[%swap3A_509, %swap3A_510], %swap3A_513 {add = true, strides = array<i32>} : memref<16x1024xf32, #tpu.memory_space<vmem>>, vector<1x16xf32>,
          %swap3A_514 = arith.constant 2 : i32
          %swap3A_515 = arith.index_cast %swap3A_514 : i32 to index
          %swap3A_516 = arith.index_cast %mul3A_337 : i32 to index
          %swap3A_517 = tpu.vector_load %arg11[%swap3A_515, %swap3A_516] {strides = array<i32>} : memref<16x1024xf32, #tpu.memory_space<vmem>>, vector<1x16xf32>,
          %swap3A_518 = vector.shape_cast %swap3A_517 : vector<1x16xf32> to vector<16xf32>
          %swap3A_519 = vector.shape_cast %get3A_351 : vector<16xf32> to vector<1x16xf32>
          tpu.vector_store %arg11[%swap3A_515, %swap3A_516], %swap3A_519 {add = true, strides = array<i32>} : memref<16x1024xf32, #tpu.memory_space<vmem>>, vector<1x16xf32>,
          %swap3A_520 = arith.constant 3 : i32
          %swap3A_521 = arith.index_cast %swap3A_520 : i32 to index
          %swap3A_522 = arith.index_cast %mul3A_337 : i32 to index
          %swap3A_523 = tpu.vector_load %arg11[%swap3A_521, %swap3A_522] {strides = array<i32>} : memref<16x1024xf32, #tpu.memory_space<vmem>>, vector<1x16xf32>,
          %swap3A_524 = vector.shape_cast %swap3A_523 : vector<1x16xf32> to vector<16xf32>
          %swap3A_525 = vector.shape_cast %get3A_356 : vector<16xf32> to vector<1x16xf32>
          tpu.vector_store %arg11[%swap3A_521, %swap3A_522], %swap3A_525 {add = true, strides = array<i32>} : memref<16x1024xf32, #tpu.memory_space<vmem>>, vector<1x16xf32>,
          %swap3A_526 = arith.constant 4 : i32
          %swap3A_527 = arith.index_cast %swap3A_526 : i32 to index
          %swap3A_528 = arith.index_cast %mul3A_337 : i32 to index
          %swap3A_529 = tpu.vector_load %arg11[%swap3A_527, %swap3A_528] {strides = array<i32>} : memref<16x1024xf32, #tpu.memory_space<vmem>>, vector<1x16xf32>,
          %swap3A_530 = vector.shape_cast %swap3A_529 : vector<1x16xf32> to vector<16xf32>
          %swap3A_531 = vector.shape_cast %get3A_361 : vector<16xf32> to vector<1x16xf32>
          tpu.vector_store %arg11[%swap3A_527, %swap3A_528], %swap3A_531 {add = true, strides = array<i32>} : memref<16x1024xf32, #tpu.memory_space<vmem>>, vector<1x16xf32>,
          %swap3A_532 = arith.constant 5 : i32
          %swap3A_533 = arith.index_cast %swap3A_532 : i32 to index
          %swap3A_534 = arith.index_cast %mul3A_337 : i32 to index
          %swap3A_535 = tpu.vector_load %arg11[%swap3A_533, %swap3A_534] {strides = array<i32>} : memref<16x1024xf32, #tpu.memory_space<vmem>>, vector<1x16xf32>,
          %swap3A_536 = vector.shape_cast %swap3A_535 : vector<1x16xf32> to vector<16xf32>
          %swap3A_537 = vector.shape_cast %get3A_366 : vector<16xf32> to vector<1x16xf32>
          tpu.vector_store %arg11[%swap3A_533, %swap3A_534], %swap3A_537 {add = true, strides = array<i32>} : memref<16x1024xf32, #tpu.memory_space<vmem>>, vector<1x16xf32>,
          %swap3A_538 = arith.constant 6 : i32
          %swap3A_539 = arith.index_cast %swap3A_538 : i32 to index
          %swap3A_540 = arith.index_cast %mul3A_337 : i32 to index
          %swap3A_541 = tpu.vector_load %arg11[%swap3A_539, %swap3A_540] {strides = array<i32>} : memref<16x1024xf32, #tpu.memory_space<vmem>>, vector<1x16xf32>,
          %swap3A_542 = vector.shape_cast %swap3A_541 : vector<1x16xf32> to vector<16xf32>
          %swap3A_543 = vector.shape_cast %get3A_371 : vector<16xf32> to vector<1x16xf32>
          tpu.vector_store %arg11[%swap3A_539, %swap3A_540], %swap3A_543 {add = true, strides = array<i32>} : memref<16x1024xf32, #tpu.memory_space<vmem>>, vector<1x16xf32>,
          %swap3A_544 = arith.constant 7 : i32
          %swap3A_545 = arith.index_cast %swap3A_544 : i32 to index
          %swap3A_546 = arith.index_cast %mul3A_337 : i32 to index
          %swap3A_547 = tpu.vector_load %arg11[%swap3A_545, %swap3A_546] {strides = array<i32>} : memref<16x1024xf32, #tpu.memory_space<vmem>>, vector<1x16xf32>,
          %swap3A_548 = vector.shape_cast %swap3A_547 : vector<1x16xf32> to vector<16xf32>
          %swap3A_549 = vector.shape_cast %get3A_376 : vector<16xf32> to vector<1x16xf32>
          tpu.vector_store %arg11[%swap3A_545, %swap3A_546], %swap3A_549 {add = true, strides = array<i32>} : memref<16x1024xf32, #tpu.memory_space<vmem>>, vector<1x16xf32>,
          %swap3A_550 = arith.constant 8 : i32
          %swap3A_551 = arith.index_cast %swap3A_550 : i32 to index
          %swap3A_552 = arith.index_cast %mul3A_337 : i32 to index
          %swap3A_553 = tpu.vector_load %arg11[%swap3A_551, %swap3A_552] {strides = array<i32>} : memref<16x1024xf32, #tpu.memory_space<vmem>>, vector<1x16xf32>,
          %swap3A_554 = vector.shape_cast %swap3A_553 : vector<1x16xf32> to vector<16xf32>
          %swap3A_555 = vector.shape_cast %get3A_381 : vector<16xf32> to vector<1x16xf32>
          tpu.vector_store %arg11[%swap3A_551, %swap3A_552], %swap3A_555 {add = true, strides = array<i32>} : memref<16x1024xf32, #tpu.memory_space<vmem>>, vector<1x16xf32>,
          %swap3A_556 = arith.constant 9 : i32
          %swap3A_557 = arith.index_cast %swap3A_556 : i32 to index
          %swap3A_558 = arith.index_cast %mul3A_337 : i32 to index
          %swap3A_559 = tpu.vector_load %arg11[%swap3A_557, %swap3A_558] {strides = array<i32>} : memref<16x1024xf32, #tpu.memory_space<vmem>>, vector<1x16xf32>,
          %swap3A_560 = vector.shape_cast %swap3A_559 : vector<1x16xf32> to vector<16xf32>
          %swap3A_561 = vector.shape_cast %get3A_386 : vector<16xf32> to vector<1x16xf32>
          tpu.vector_store %arg11[%swap3A_557, %swap3A_558], %swap3A_561 {add = true, strides = array<i32>} : memref<16x1024xf32, #tpu.memory_space<vmem>>, vector<1x16xf32>,
          %swap3A_562 = arith.constant 10 : i32
          %swap3A_563 = arith.index_cast %swap3A_562 : i32 to index
          %swap3A_564 = arith.index_cast %mul3A_337 : i32 to index
          %swap3A_565 = tpu.vector_load %arg11[%swap3A_563, %swap3A_564] {strides = array<i32>} : memref<16x1024xf32, #tpu.memory_space<vmem>>, vector<1x16xf32>,
          %swap3A_566 = vector.shape_cast %swap3A_565 : vector<1x16xf32> to vector<16xf32>
          %swap3A_567 = vector.shape_cast %get3A_391 : vector<16xf32> to vector<1x16xf32>
          tpu.vector_store %arg11[%swap3A_563, %swap3A_564], %swap3A_567 {add = true, strides = array<i32>} : memref<16x1024xf32, #tpu.memory_space<vmem>>, vector<1x16xf32>,
          %swap3A_568 = arith.constant 11 : i32
          %swap3A_569 = arith.index_cast %swap3A_568 : i32 to index
          %swap3A_570 = arith.index_cast %mul3A_337 : i32 to index
          %swap3A_571 = tpu.vector_load %arg11[%swap3A_569, %swap3A_570] {strides = array<i32>} : memref<16x1024xf32, #tpu.memory_space<vmem>>, vector<1x16xf32>,
          %swap3A_572 = vector.shape_cast %swap3A_571 : vector<1x16xf32> to vector<16xf32>
          %swap3A_573 = vector.shape_cast %get3A_396 : vector<16xf32> to vector<1x16xf32>
          tpu.vector_store %arg11[%swap3A_569, %swap3A_570], %swap3A_573 {add = true, strides = array<i32>} : memref<16x1024xf32, #tpu.memory_space<vmem>>, vector<1x16xf32>,
          %swap3A_574 = arith.constant 12 : i32
          %swap3A_575 = arith.index_cast %swap3A_574 : i32 to index
          %swap3A_576 = arith.index_cast %mul3A_337 : i32 to index
          %swap3A_577 = tpu.vector_load %arg11[%swap3A_575, %swap3A_576] {strides = array<i32>} : memref<16x1024xf32, #tpu.memory_space<vmem>>, vector<1x16xf32>,
          %swap3A_578 = vector.shape_cast %swap3A_577 : vector<1x16xf32> to vector<16xf32>
          %swap3A_579 = vector.shape_cast %get3A_401 : vector<16xf32> to vector<1x16xf32>
          tpu.vector_store %arg11[%swap3A_575, %swap3A_576], %swap3A_579 {add = true, strides = array<i32>} : memref<16x1024xf32, #tpu.memory_space<vmem>>, vector<1x16xf32>,
          %swap3A_580 = arith.constant 13 : i32
          %swap3A_581 = arith.index_cast %swap3A_580 : i32 to index
          %swap3A_582 = arith.index_cast %mul3A_337 : i32 to index
          %swap3A_583 = tpu.vector_load %arg11[%swap3A_581, %swap3A_582] {strides = array<i32>} : memref<16x1024xf32, #tpu.memory_space<vmem>>, vector<1x16xf32>,
          %swap3A_584 = vector.shape_cast %swap3A_583 : vector<1x16xf32> to vector<16xf32>
          %swap3A_585 = vector.shape_cast %get3A_406 : vector<16xf32> to vector<1x16xf32>
          tpu.vector_store %arg11[%swap3A_581, %swap3A_582], %swap3A_585 {add = true, strides = array<i32>} : memref<16x1024xf32, #tpu.memory_space<vmem>>, vector<1x16xf32>,
          %swap3A_586 = arith.constant 14 : i32
          %swap3A_587 = arith.index_cast %swap3A_586 : i32 to index
          %swap3A_588 = arith.index_cast %mul3A_337 : i32 to index
          %swap3A_589 = tpu.vector_load %arg11[%swap3A_587, %swap3A_588] {strides = array<i32>} : memref<16x1024xf32, #tpu.memory_space<vmem>>, vector<1x16xf32>,
          %swap3A_590 = vector.shape_cast %swap3A_589 : vector<1x16xf32> to vector<16xf32>
          %swap3A_591 = vector.shape_cast %get3A_411 : vector<16xf32> to vector<1x16xf32>
          tpu.vector_store %arg11[%swap3A_587, %swap3A_588], %swap3A_591 {add = true, strides = array<i32>} : memref<16x1024xf32, #tpu.memory_space<vmem>>, vector<1x16xf32>,
          %swap3A_592 = arith.constant 15 : i32
          %swap3A_593 = arith.index_cast %swap3A_592 : i32 to index
          %swap3A_594 = arith.index_cast %mul3A_337 : i32 to index
          %swap3A_595 = tpu.vector_load %arg11[%swap3A_593, %swap3A_594] {strides = array<i32>} : memref<16x1024xf32, #tpu.memory_space<vmem>>, vector<1x16xf32>,
          %swap3A_596 = vector.shape_cast %swap3A_595 : vector<1x16xf32> to vector<16xf32>
          %swap3A_597 = vector.shape_cast %get3A_416 : vector<16xf32> to vector<1x16xf32>
          tpu.vector_store %arg11[%swap3A_593, %swap3A_594], %swap3A_597 {add = true, strides = array<i32>} : memref<16x1024xf32, #tpu.memory_space<vmem>>, vector<1x16xf32>,
          %swap3A_598 = arith.constant 0 : i32
          %swap3A_599 = arith.index_cast %swap3A_598 : i32 to index
          %swap3A_600 = arith.index_cast %mul3A_422 : i32 to index
          %swap3A_601 = tpu.vector_load %arg11[%swap3A_599, %swap3A_600] {strides = array<i32>} : memref<16x1024xf32, #tpu.memory_space<vmem>>, vector<1x16xf32>,
          %swap3A_602 = vector.shape_cast %swap3A_601 : vector<1x16xf32> to vector<16xf32>
          %swap3A_603 = vector.shape_cast %get3A_427 : vector<16xf32> to vector<1x16xf32>
          tpu.vector_store %arg11[%swap3A_599, %swap3A_600], %swap3A_603 {add = true, strides = array<i32>} : memref<16x1024xf32, #tpu.memory_space<vmem>>, vector<1x16xf32>,
          %swap3A_604 = arith.constant 1 : i32
          %swap3A_605 = arith.index_cast %swap3A_604 : i32 to index
          %swap3A_606 = arith.index_cast %mul3A_422 : i32 to index
          %swap3A_607 = tpu.vector_load %arg11[%swap3A_605, %swap3A_606] {strides = array<i32>} : memref<16x1024xf32, #tpu.memory_space<vmem>>, vector<1x16xf32>,
          %swap3A_608 = vector.shape_cast %swap3A_607 : vector<1x16xf32> to vector<16xf32>
          %swap3A_609 = vector.shape_cast %get3A_432 : vector<16xf32> to vector<1x16xf32>
          tpu.vector_store %arg11[%swap3A_605, %swap3A_606], %swap3A_609 {add = true, strides = array<i32>} : memref<16x1024xf32, #tpu.memory_space<vmem>>, vector<1x16xf32>,
          %swap3A_610 = arith.constant 2 : i32
          %swap3A_611 = arith.index_cast %swap3A_610 : i32 to index
          %swap3A_612 = arith.index_cast %mul3A_422 : i32 to index
          %swap3A_613 = tpu.vector_load %arg11[%swap3A_611, %swap3A_612] {strides = array<i32>} : memref<16x1024xf32, #tpu.memory_space<vmem>>, vector<1x16xf32>,
          %swap3A_614 = vector.shape_cast %swap3A_613 : vector<1x16xf32> to vector<16xf32>
          %swap3A_615 = vector.shape_cast %get3A_437 : vector<16xf32> to vector<1x16xf32>
          tpu.vector_store %arg11[%swap3A_611, %swap3A_612], %swap3A_615 {add = true, strides = array<i32>} : memref<16x1024xf32, #tpu.memory_space<vmem>>, vector<1x16xf32>,
          %swap3A_616 = arith.constant 3 : i32
          %swap3A_617 = arith.index_cast %swap3A_616 : i32 to index
          %swap3A_618 = arith.index_cast %mul3A_422 : i32 to index
          %swap3A_619 = tpu.vector_load %arg11[%swap3A_617, %swap3A_618] {strides = array<i32>} : memref<16x1024xf32, #tpu.memory_space<vmem>>, vector<1x16xf32>,
          %swap3A_620 = vector.shape_cast %swap3A_619 : vector<1x16xf32> to vector<16xf32>
          %swap3A_621 = vector.shape_cast %get3A_442 : vector<16xf32> to vector<1x16xf32>
          tpu.vector_store %arg11[%swap3A_617, %swap3A_618], %swap3A_621 {add = true, strides = array<i32>} : memref<16x1024xf32, #tpu.memory_space<vmem>>, vector<1x16xf32>,
          %swap3A_622 = arith.constant 4 : i32
          %swap3A_623 = arith.index_cast %swap3A_622 : i32 to index
          %swap3A_624 = arith.index_cast %mul3A_422 : i32 to index
          %swap3A_625 = tpu.vector_load %arg11[%swap3A_623, %swap3A_624] {strides = array<i32>} : memref<16x1024xf32, #tpu.memory_space<vmem>>, vector<1x16xf32>,
          %swap3A_626 = vector.shape_cast %swap3A_625 : vector<1x16xf32> to vector<16xf32>
          %swap3A_627 = vector.shape_cast %get3A_447 : vector<16xf32> to vector<1x16xf32>
          tpu.vector_store %arg11[%swap3A_623, %swap3A_624], %swap3A_627 {add = true, strides = array<i32>} : memref<16x1024xf32, #tpu.memory_space<vmem>>, vector<1x16xf32>,
          %swap3A_628 = arith.constant 5 : i32
          %swap3A_629 = arith.index_cast %swap3A_628 : i32 to index
          %swap3A_630 = arith.index_cast %mul3A_422 : i32 to index
          %swap3A_631 = tpu.vector_load %arg11[%swap3A_629, %swap3A_630] {strides = array<i32>} : memref<16x1024xf32, #tpu.memory_space<vmem>>, vector<1x16xf32>,
          %swap3A_632 = vector.shape_cast %swap3A_631 : vector<1x16xf32> to vector<16xf32>
          %swap3A_633 = vector.shape_cast %get3A_452 : vector<16xf32> to vector<1x16xf32>
          tpu.vector_store %arg11[%swap3A_629, %swap3A_630], %swap3A_633 {add = true, strides = array<i32>} : memref<16x1024xf32, #tpu.memory_space<vmem>>, vector<1x16xf32>,
          %swap3A_634 = arith.constant 6 : i32
          %swap3A_635 = arith.index_cast %swap3A_634 : i32 to index
          %swap3A_636 = arith.index_cast %mul3A_422 : i32 to index
          %swap3A_637 = tpu.vector_load %arg11[%swap3A_635, %swap3A_636] {strides = array<i32>} : memref<16x1024xf32, #tpu.memory_space<vmem>>, vector<1x16xf32>,
          %swap3A_638 = vector.shape_cast %swap3A_637 : vector<1x16xf32> to vector<16xf32>
          %swap3A_639 = vector.shape_cast %get3A_457 : vector<16xf32> to vector<1x16xf32>
          tpu.vector_store %arg11[%swap3A_635, %swap3A_636], %swap3A_639 {add = true, strides = array<i32>} : memref<16x1024xf32, #tpu.memory_space<vmem>>, vector<1x16xf32>,
          %swap3A_640 = arith.constant 7 : i32
          %swap3A_641 = arith.index_cast %swap3A_640 : i32 to index
          %swap3A_642 = arith.index_cast %mul3A_422 : i32 to index
          %swap3A_643 = tpu.vector_load %arg11[%swap3A_641, %swap3A_642] {strides = array<i32>} : memref<16x1024xf32, #tpu.memory_space<vmem>>, vector<1x16xf32>,
          %swap3A_644 = vector.shape_cast %swap3A_643 : vector<1x16xf32> to vector<16xf32>
          %swap3A_645 = vector.shape_cast %get3A_462 : vector<16xf32> to vector<1x16xf32>
          tpu.vector_store %arg11[%swap3A_641, %swap3A_642], %swap3A_645 {add = true, strides = array<i32>} : memref<16x1024xf32, #tpu.memory_space<vmem>>, vector<1x16xf32>,
          %swap3A_646 = arith.constant 8 : i32
          %swap3A_647 = arith.index_cast %swap3A_646 : i32 to index
          %swap3A_648 = arith.index_cast %mul3A_422 : i32 to index
          %swap3A_649 = tpu.vector_load %arg11[%swap3A_647, %swap3A_648] {strides = array<i32>} : memref<16x1024xf32, #tpu.memory_space<vmem>>, vector<1x16xf32>,
          %swap3A_650 = vector.shape_cast %swap3A_649 : vector<1x16xf32> to vector<16xf32>
          %swap3A_651 = vector.shape_cast %get3A_467 : vector<16xf32> to vector<1x16xf32>
          tpu.vector_store %arg11[%swap3A_647, %swap3A_648], %swap3A_651 {add = true, strides = array<i32>} : memref<16x1024xf32, #tpu.memory_space<vmem>>, vector<1x16xf32>,
          %swap3A_652 = arith.constant 9 : i32
          %swap3A_653 = arith.index_cast %swap3A_652 : i32 to index
          %swap3A_654 = arith.index_cast %mul3A_422 : i32 to index
          %swap3A_655 = tpu.vector_load %arg11[%swap3A_653, %swap3A_654] {strides = array<i32>} : memref<16x1024xf32, #tpu.memory_space<vmem>>, vector<1x16xf32>,
          %swap3A_656 = vector.shape_cast %swap3A_655 : vector<1x16xf32> to vector<16xf32>
          %swap3A_657 = vector.shape_cast %get3A_472 : vector<16xf32> to vector<1x16xf32>
          tpu.vector_store %arg11[%swap3A_653, %swap3A_654], %swap3A_657 {add = true, strides = array<i32>} : memref<16x1024xf32, #tpu.memory_space<vmem>>, vector<1x16xf32>,
          %swap3A_658 = arith.constant 10 : i32
          %swap3A_659 = arith.index_cast %swap3A_658 : i32 to index
          %swap3A_660 = arith.index_cast %mul3A_422 : i32 to index
          %swap3A_661 = tpu.vector_load %arg11[%swap3A_659, %swap3A_660] {strides = array<i32>} : memref<16x1024xf32, #tpu.memory_space<vmem>>, vector<1x16xf32>,
          %swap3A_662 = vector.shape_cast %swap3A_661 : vector<1x16xf32> to vector<16xf32>
          %swap3A_663 = vector.shape_cast %get3A_477 : vector<16xf32> to vector<1x16xf32>
          tpu.vector_store %arg11[%swap3A_659, %swap3A_660], %swap3A_663 {add = true, strides = array<i32>} : memref<16x1024xf32, #tpu.memory_space<vmem>>, vector<1x16xf32>,
          %swap3A_664 = arith.constant 11 : i32
          %swap3A_665 = arith.index_cast %swap3A_664 : i32 to index
          %swap3A_666 = arith.index_cast %mul3A_422 : i32 to index
          %swap3A_667 = tpu.vector_load %arg11[%swap3A_665, %swap3A_666] {strides = array<i32>} : memref<16x1024xf32, #tpu.memory_space<vmem>>, vector<1x16xf32>,
          %swap3A_668 = vector.shape_cast %swap3A_667 : vector<1x16xf32> to vector<16xf32>
          %swap3A_669 = vector.shape_cast %get3A_482 : vector<16xf32> to vector<1x16xf32>
          tpu.vector_store %arg11[%swap3A_665, %swap3A_666], %swap3A_669 {add = true, strides = array<i32>} : memref<16x1024xf32, #tpu.memory_space<vmem>>, vector<1x16xf32>,
          %swap3A_670 = arith.constant 12 : i32
          %swap3A_671 = arith.index_cast %swap3A_670 : i32 to index
          %swap3A_672 = arith.index_cast %mul3A_422 : i32 to index
          %swap3A_673 = tpu.vector_load %arg11[%swap3A_671, %swap3A_672] {strides = array<i32>} : memref<16x1024xf32, #tpu.memory_space<vmem>>, vector<1x16xf32>,
          %swap3A_674 = vector.shape_cast %swap3A_673 : vector<1x16xf32> to vector<16xf32>
          %swap3A_675 = vector.shape_cast %get3A_487 : vector<16xf32> to vector<1x16xf32>
          tpu.vector_store %arg11[%swap3A_671, %swap3A_672], %swap3A_675 {add = true, strides = array<i32>} : memref<16x1024xf32, #tpu.memory_space<vmem>>, vector<1x16xf32>,
          %swap3A_676 = arith.constant 13 : i32
          %swap3A_677 = arith.index_cast %swap3A_676 : i32 to index
          %swap3A_678 = arith.index_cast %mul3A_422 : i32 to index
          %swap3A_679 = tpu.vector_load %arg11[%swap3A_677, %swap3A_678] {strides = array<i32>} : memref<16x1024xf32, #tpu.memory_space<vmem>>, vector<1x16xf32>,
          %swap3A_680 = vector.shape_cast %swap3A_679 : vector<1x16xf32> to vector<16xf32>
          %swap3A_681 = vector.shape_cast %get3A_492 : vector<16xf32> to vector<1x16xf32>
          tpu.vector_store %arg11[%swap3A_677, %swap3A_678], %swap3A_681 {add = true, strides = array<i32>} : memref<16x1024xf32, #tpu.memory_space<vmem>>, vector<1x16xf32>,
          %swap3A_682 = arith.constant 14 : i32
          %swap3A_683 = arith.index_cast %swap3A_682 : i32 to index
          %swap3A_684 = arith.index_cast %mul3A_422 : i32 to index
          %swap3A_685 = tpu.vector_load %arg11[%swap3A_683, %swap3A_684] {strides = array<i32>} : memref<16x1024xf32, #tpu.memory_space<vmem>>, vector<1x16xf32>,
          %swap3A_686 = vector.shape_cast %swap3A_685 : vector<1x16xf32> to vector<16xf32>
          %swap3A_687 = vector.shape_cast %get3A_497 : vector<16xf32> to vector<1x16xf32>
          tpu.vector_store %arg11[%swap3A_683, %swap3A_684], %swap3A_687 {add = true, strides = array<i32>} : memref<16x1024xf32, #tpu.memory_space<vmem>>, vector<1x16xf32>,
          %swap3A_688 = arith.constant 15 : i32
          %swap3A_689 = arith.index_cast %swap3A_688 : i32 to index
          %swap3A_690 = arith.index_cast %mul3A_422 : i32 to index
          %swap3A_691 = tpu.vector_load %arg11[%swap3A_689, %swap3A_690] {strides = array<i32>} : memref<16x1024xf32, #tpu.memory_space<vmem>>, vector<1x16xf32>,
          %swap3A_692 = vector.shape_cast %swap3A_691 : vector<1x16xf32> to vector<16xf32>
          %swap3A_693 = vector.shape_cast %get3A_502 : vector<16xf32> to vector<1x16xf32>
          tpu.vector_store %arg11[%swap3A_689, %swap3A_690], %swap3A_693 {add = true, strides = array<i32>} : memref<16x1024xf32, #tpu.memory_space<vmem>>, vector<1x16xf32>,
          %scan3A_694 = arith.constant 0 : i32
          scf.yield %scan3A_694 : i32
        }
        %scan3A_236 = arith.constant 32 : i32
        %mul3A_237 = arith.constant 128 : i32
        %mul3A_238 = arith.muli %sub3A_223, %mul3A_237 : i32
        %add3A_239 = arith.addi %mul3A_2, %mul3A_238 : i32
        %mul3A_240 = arith.constant 16 : i32
        %mul3A_241 = arith.muli %scan3A_11, %mul3A_240 : i32
        %add3A_242 = arith.addi %add3A_239, %mul3A_241 : i32
        %dma_start3A_243 = arith.constant 0 : i32
        %dma_start3A_244 = tpu.memref_slice %arg5[%add3A_242, %dma_start3A_243] : memref<524288x1024xf32, #tpu.memory_space<hbm>> -> memref<16x1024xf32, #tpu.memory_space<hbm>>
        %dma_start3A_245 = arith.constant 0 : i32
        %dma_start3A_246 = tpu.memref_slice %arg5[%add3A_242, %dma_start3A_245] : memref<524288x1024xf32, #tpu.memory_space<hbm>> -> memref<16x1024xf32, #tpu.memory_space<hbm>>
        tpu.enqueue_dma source(%arg11 : memref<16x1024xf32, #tpu.memory_space<vmem>>) target(%dma_start3A_246 : memref<16x1024xf32, #tpu.memory_space<hbm>>) target_semaphore(%arg20 : memref<!tpu.dma_semaphore, #tpu.memory_space<semaphore_mem>>)
        %mul3A_247 = arith.constant 4 : i32
        %mul3A_248 = arith.muli %scan3A_164, %mul3A_247 : i32
        %add3A_249 = arith.constant 2 : i32
        %add3A_250 = arith.addi %mul3A_248, %add3A_249 : i32
        %dma_wait3A_251 = arith.constant 0 : i32
        %dma_wait3A_252 = arith.constant 0 : i32
        %dma_wait3A_253 = tpu.memref_slice %arg5[%dma_wait3A_251, %dma_wait3A_252] : memref<524288x1024xf32, #tpu.memory_space<hbm>> -> memref<16x1024xf32, #tpu.memory_space<hbm>>
        %dma_wait3A_254 = arith.constant 0 : i32
        %dma_wait3A_255 = arith.constant 0 : i32
        %dma_wait3A_256 = tpu.memref_slice %arg5[%dma_wait3A_254, %dma_wait3A_255] : memref<524288x1024xf32, #tpu.memory_space<hbm>> -> memref<16x1024xf32, #tpu.memory_space<hbm>>
        tpu.wait_dma2 semaphore(%arg19 : memref<!tpu.dma_semaphore, #tpu.memory_space<semaphore_mem>>) src(%arg10 : memref<16x1024xf32, #tpu.memory_space<vmem>>) dst(%dma_wait3A_256 : memref<16x1024xf32, #tpu.memory_space<hbm>>)
        %dma_start3A_257 = arith.constant 0 : i32
        %dma_start3A_258 = tpu.memref_slice %arg6[%add3A_250, %dma_start3A_257] : memref<128x16xi32, #tpu.memory_space<vmem>> -> memref<1x16xi32, #tpu.memory_space<vmem>>
        %dma_start3A_259 = tpu.memref_squeeze %dma_start3A_258 : memref<1x16xi32, #tpu.memory_space<vmem>> -> memref<16xi32, #tpu.memory_space<vmem>>
        %dma_start3A_260 = arith.constant 0 : i32
        %dma_start3A_261 = arith.constant 0 : i32
        %dma_start3A_262 = tpu.memref_slice %arg3[%dma_start3A_260, %dma_start3A_261] : memref<16384x1024xf32, #tpu.memory_space<hbm>> -> memref<16384x1024xf32, #tpu.memory_space<hbm>>
        tpu.enqueue_indirect_dma source(%dma_start3A_262 : memref<16384x1024xf32, #tpu.memory_space<hbm>>) target(%arg10 : memref<16x1024xf32, #tpu.memory_space<vmem>>) offsets(%dma_start3A_259 : memref<16xi32, #tpu.memory_space<vmem>>) semaphore(%arg15 : memref<!tpu.dma_semaphore, #tpu.memory_space<semaphore_mem>>)
        %sub3A_263 = arith.constant 2 : i32
        %sub3A_264 = arith.subi %add3A_250, %sub3A_263 : i32
        %dma_wait3A_265 = arith.constant 0 : i32
        %dma_wait3A_266 = arith.constant 0 : i32
        %dma_wait3A_267 = tpu.memref_slice %arg3[%dma_wait3A_265, %dma_wait3A_266] : memref<16384x1024xf32, #tpu.memory_space<hbm>> -> memref<16x1024xf32, #tpu.memory_space<hbm>>
        %dma_wait3A_268 = arith.constant 0 : i32
        %dma_wait3A_269 = arith.constant 0 : i32
        %dma_wait3A_270 = tpu.memref_slice %arg3[%dma_wait3A_268, %dma_wait3A_269] : memref<16384x1024xf32, #tpu.memory_space<hbm>> -> memref<16x1024xf32, #tpu.memory_space<hbm>>
        tpu.wait_dma2 semaphore(%arg13 : memref<!tpu.dma_semaphore, #tpu.memory_space<semaphore_mem>>) src(%dma_wait3A_270 : memref<16x1024xf32, #tpu.memory_space<hbm>>) dst(%arg8 : memref<16x1024xf32, #tpu.memory_space<vmem>>)
        %scan3A_271 = arith.constant 0 : i32
        %scan3A_272 = arith.constant 0 : i32
        %scan3A_273 = arith.constant 32 : i32
        %scan3A_274 = arith.addi %scan3A_272, %scan3A_273 : i32
        %scan3A_275 = arith.constant 1 : i32
        %scan3A_276 = scf.for %scan3A_330 = %scan3A_272 to %scan3A_274 step %scan3A_275 iter_args(%scan3A_331 = %scan3A_271) -> (i32)  : i32 {
          %mul3A_332 = arith.constant 2 : i32
          %mul3A_333 = arith.muli %scan3A_330, %mul3A_332 : i32
          %add3A_334 = arith.constant 0 : i32
          %add3A_335 = arith.addi %mul3A_333, %add3A_334 : i32
          %mul3A_336 = arith.constant 16 : i32
          %mul3A_337 = arith.muli %add3A_335, %mul3A_336 : i32
          %get3A = arith.constant 0 : i32
          %get3A_338 = arith.index_cast %get3A : i32 to index
          %get3A_339 = arith.index_cast %mul3A_337 : i32 to index
          %get3A_340 = tpu.vector_load %arg7[%get3A_338, %get3A_339] {strides = array<i32>} : memref<16x1024xf32, #tpu.memory_space<vmem>>, vector<1x16xf32>,
          %get3A_341 = vector.shape_cast %get3A_340 : vector<1x16xf32> to vector<16xf32>
          %get3A_342 = arith.constant 1 : i32
          %get3A_343 = arith.index_cast %get3A_342 : i32 to index
          %get3A_344 = arith.index_cast %mul3A_337 : i32 to index
          %get3A_345 = tpu.vector_load %arg7[%get3A_343, %get3A_344] {strides = array<i32>} : memref<16x1024xf32, #tpu.memory_space<vmem>>, vector<1x16xf32>,
          %get3A_346 = vector.shape_cast %get3A_345 : vector<1x16xf32> to vector<16xf32>
          %get3A_347 = arith.constant 2 : i32
          %get3A_348 = arith.index_cast %get3A_347 : i32 to index
          %get3A_349 = arith.index_cast %mul3A_337 : i32 to index
          %get3A_350 = tpu.vector_load %arg7[%get3A_348, %get3A_349] {strides = array<i32>} : memref<16x1024xf32, #tpu.memory_space<vmem>>, vector<1x16xf32>,
          %get3A_351 = vector.shape_cast %get3A_350 : vector<1x16xf32> to vector<16xf32>
          %get3A_352 = arith.constant 3 : i32
          %get3A_353 = arith.index_cast %get3A_352 : i32 to index
          %get3A_354 = arith.index_cast %mul3A_337 : i32 to index
          %get3A_355 = tpu.vector_load %arg7[%get3A_353, %get3A_354] {strides = array<i32>} : memref<16x1024xf32, #tpu.memory_space<vmem>>, vector<1x16xf32>,
          %get3A_356 = vector.shape_cast %get3A_355 : vector<1x16xf32> to vector<16xf32>
          %get3A_357 = arith.constant 4 : i32
          %get3A_358 = arith.index_cast %get3A_357 : i32 to index
          %get3A_359 = arith.index_cast %mul3A_337 : i32 to index
          %get3A_360 = tpu.vector_load %arg7[%get3A_358, %get3A_359] {strides = array<i32>} : memref<16x1024xf32, #tpu.memory_space<vmem>>, vector<1x16xf32>,
          %get3A_361 = vector.shape_cast %get3A_360 : vector<1x16xf32> to vector<16xf32>
          %get3A_362 = arith.constant 5 : i32
          %get3A_363 = arith.index_cast %get3A_362 : i32 to index
          %get3A_364 = arith.index_cast %mul3A_337 : i32 to index
          %get3A_365 = tpu.vector_load %arg7[%get3A_363, %get3A_364] {strides = array<i32>} : memref<16x1024xf32, #tpu.memory_space<vmem>>, vector<1x16xf32>,
          %get3A_366 = vector.shape_cast %get3A_365 : vector<1x16xf32> to vector<16xf32>
          %get3A_367 = arith.constant 6 : i32
          %get3A_368 = arith.index_cast %get3A_367 : i32 to index
          %get3A_369 = arith.index_cast %mul3A_337 : i32 to index
          %get3A_370 = tpu.vector_load %arg7[%get3A_368, %get3A_369] {strides = array<i32>} : memref<16x1024xf32, #tpu.memory_space<vmem>>, vector<1x16xf32>,
          %get3A_371 = vector.shape_cast %get3A_370 : vector<1x16xf32> to vector<16xf32>
          %get3A_372 = arith.constant 7 : i32
          %get3A_373 = arith.index_cast %get3A_372 : i32 to index
          %get3A_374 = arith.index_cast %mul3A_337 : i32 to index
          %get3A_375 = tpu.vector_load %arg7[%get3A_373, %get3A_374] {strides = array<i32>} : memref<16x1024xf32, #tpu.memory_space<vmem>>, vector<1x16xf32>,
          %get3A_376 = vector.shape_cast %get3A_375 : vector<1x16xf32> to vector<16xf32>
          %get3A_377 = arith.constant 8 : i32
          %get3A_378 = arith.index_cast %get3A_377 : i32 to index
          %get3A_379 = arith.index_cast %mul3A_337 : i32 to index
          %get3A_380 = tpu.vector_load %arg7[%get3A_378, %get3A_379] {strides = array<i32>} : memref<16x1024xf32, #tpu.memory_space<vmem>>, vector<1x16xf32>,
          %get3A_381 = vector.shape_cast %get3A_380 : vector<1x16xf32> to vector<16xf32>
          %get3A_382 = arith.constant 9 : i32
          %get3A_383 = arith.index_cast %get3A_382 : i32 to index
          %get3A_384 = arith.index_cast %mul3A_337 : i32 to index
          %get3A_385 = tpu.vector_load %arg7[%get3A_383, %get3A_384] {strides = array<i32>} : memref<16x1024xf32, #tpu.memory_space<vmem>>, vector<1x16xf32>,
          %get3A_386 = vector.shape_cast %get3A_385 : vector<1x16xf32> to vector<16xf32>
          %get3A_387 = arith.constant 10 : i32
          %get3A_388 = arith.index_cast %get3A_387 : i32 to index
          %get3A_389 = arith.index_cast %mul3A_337 : i32 to index
          %get3A_390 = tpu.vector_load %arg7[%get3A_388, %get3A_389] {strides = array<i32>} : memref<16x1024xf32, #tpu.memory_space<vmem>>, vector<1x16xf32>,
          %get3A_391 = vector.shape_cast %get3A_390 : vector<1x16xf32> to vector<16xf32>
          %get3A_392 = arith.constant 11 : i32
          %get3A_393 = arith.index_cast %get3A_392 : i32 to index
          %get3A_394 = arith.index_cast %mul3A_337 : i32 to index
          %get3A_395 = tpu.vector_load %arg7[%get3A_393, %get3A_394] {strides = array<i32>} : memref<16x1024xf32, #tpu.memory_space<vmem>>, vector<1x16xf32>,
          %get3A_396 = vector.shape_cast %get3A_395 : vector<1x16xf32> to vector<16xf32>
          %get3A_397 = arith.constant 12 : i32
          %get3A_398 = arith.index_cast %get3A_397 : i32 to index
          %get3A_399 = arith.index_cast %mul3A_337 : i32 to index
          %get3A_400 = tpu.vector_load %arg7[%get3A_398, %get3A_399] {strides = array<i32>} : memref<16x1024xf32, #tpu.memory_space<vmem>>, vector<1x16xf32>,
          %get3A_401 = vector.shape_cast %get3A_400 : vector<1x16xf32> to vector<16xf32>
          %get3A_402 = arith.constant 13 : i32
          %get3A_403 = arith.index_cast %get3A_402 : i32 to index
          %get3A_404 = arith.index_cast %mul3A_337 : i32 to index
          %get3A_405 = tpu.vector_load %arg7[%get3A_403, %get3A_404] {strides = array<i32>} : memref<16x1024xf32, #tpu.memory_space<vmem>>, vector<1x16xf32>,
          %get3A_406 = vector.shape_cast %get3A_405 : vector<1x16xf32> to vector<16xf32>
          %get3A_407 = arith.constant 14 : i32
          %get3A_408 = arith.index_cast %get3A_407 : i32 to index
          %get3A_409 = arith.index_cast %mul3A_337 : i32 to index
          %get3A_410 = tpu.vector_load %arg7[%get3A_408, %get3A_409] {strides = array<i32>} : memref<16x1024xf32, #tpu.memory_space<vmem>>, vector<1x16xf32>,
          %get3A_411 = vector.shape_cast %get3A_410 : vector<1x16xf32> to vector<16xf32>
          %get3A_412 = arith.constant 15 : i32
          %get3A_413 = arith.index_cast %get3A_412 : i32 to index
          %get3A_414 = arith.index_cast %mul3A_337 : i32 to index
          %get3A_415 = tpu.vector_load %arg7[%get3A_413, %get3A_414] {strides = array<i32>} : memref<16x1024xf32, #tpu.memory_space<vmem>>, vector<1x16xf32>,
          %get3A_416 = vector.shape_cast %get3A_415 : vector<1x16xf32> to vector<16xf32>
          %mul3A_417 = arith.constant 2 : i32
          %mul3A_418 = arith.muli %scan3A_330, %mul3A_417 : i32
          %add3A_419 = arith.constant 1 : i32
          %add3A_420 = arith.addi %mul3A_418, %add3A_419 : i32
          %mul3A_421 = arith.constant 16 : i32
          %mul3A_422 = arith.muli %add3A_420, %mul3A_421 : i32
          %get3A_423 = arith.constant 0 : i32
          %get3A_424 = arith.index_cast %get3A_423 : i32 to index
          %get3A_425 = arith.index_cast %mul3A_422 : i32 to index
          %get3A_426 = tpu.vector_load %arg7[%get3A_424, %get3A_425] {strides = array<i32>} : memref<16x1024xf32, #tpu.memory_space<vmem>>, vector<1x16xf32>,
          %get3A_427 = vector.shape_cast %get3A_426 : vector<1x16xf32> to vector<16xf32>
          %get3A_428 = arith.constant 1 : i32
          %get3A_429 = arith.index_cast %get3A_428 : i32 to index
          %get3A_430 = arith.index_cast %mul3A_422 : i32 to index
          %get3A_431 = tpu.vector_load %arg7[%get3A_429, %get3A_430] {strides = array<i32>} : memref<16x1024xf32, #tpu.memory_space<vmem>>, vector<1x16xf32>,
          %get3A_432 = vector.shape_cast %get3A_431 : vector<1x16xf32> to vector<16xf32>
          %get3A_433 = arith.constant 2 : i32
          %get3A_434 = arith.index_cast %get3A_433 : i32 to index
          %get3A_435 = arith.index_cast %mul3A_422 : i32 to index
          %get3A_436 = tpu.vector_load %arg7[%get3A_434, %get3A_435] {strides = array<i32>} : memref<16x1024xf32, #tpu.memory_space<vmem>>, vector<1x16xf32>,
          %get3A_437 = vector.shape_cast %get3A_436 : vector<1x16xf32> to vector<16xf32>
          %get3A_438 = arith.constant 3 : i32
          %get3A_439 = arith.index_cast %get3A_438 : i32 to index
          %get3A_440 = arith.index_cast %mul3A_422 : i32 to index
          %get3A_441 = tpu.vector_load %arg7[%get3A_439, %get3A_440] {strides = array<i32>} : memref<16x1024xf32, #tpu.memory_space<vmem>>, vector<1x16xf32>,
          %get3A_442 = vector.shape_cast %get3A_441 : vector<1x16xf32> to vector<16xf32>
          %get3A_443 = arith.constant 4 : i32
          %get3A_444 = arith.index_cast %get3A_443 : i32 to index
          %get3A_445 = arith.index_cast %mul3A_422 : i32 to index
          %get3A_446 = tpu.vector_load %arg7[%get3A_444, %get3A_445] {strides = array<i32>} : memref<16x1024xf32, #tpu.memory_space<vmem>>, vector<1x16xf32>,
          %get3A_447 = vector.shape_cast %get3A_446 : vector<1x16xf32> to vector<16xf32>
          %get3A_448 = arith.constant 5 : i32
          %get3A_449 = arith.index_cast %get3A_448 : i32 to index
          %get3A_450 = arith.index_cast %mul3A_422 : i32 to index
          %get3A_451 = tpu.vector_load %arg7[%get3A_449, %get3A_450] {strides = array<i32>} : memref<16x1024xf32, #tpu.memory_space<vmem>>, vector<1x16xf32>,
          %get3A_452 = vector.shape_cast %get3A_451 : vector<1x16xf32> to vector<16xf32>
          %get3A_453 = arith.constant 6 : i32
          %get3A_454 = arith.index_cast %get3A_453 : i32 to index
          %get3A_455 = arith.index_cast %mul3A_422 : i32 to index
          %get3A_456 = tpu.vector_load %arg7[%get3A_454, %get3A_455] {strides = array<i32>} : memref<16x1024xf32, #tpu.memory_space<vmem>>, vector<1x16xf32>,
          %get3A_457 = vector.shape_cast %get3A_456 : vector<1x16xf32> to vector<16xf32>
          %get3A_458 = arith.constant 7 : i32
          %get3A_459 = arith.index_cast %get3A_458 : i32 to index
          %get3A_460 = arith.index_cast %mul3A_422 : i32 to index
          %get3A_461 = tpu.vector_load %arg7[%get3A_459, %get3A_460] {strides = array<i32>} : memref<16x1024xf32, #tpu.memory_space<vmem>>, vector<1x16xf32>,
          %get3A_462 = vector.shape_cast %get3A_461 : vector<1x16xf32> to vector<16xf32>
          %get3A_463 = arith.constant 8 : i32
          %get3A_464 = arith.index_cast %get3A_463 : i32 to index
          %get3A_465 = arith.index_cast %mul3A_422 : i32 to index
          %get3A_466 = tpu.vector_load %arg7[%get3A_464, %get3A_465] {strides = array<i32>} : memref<16x1024xf32, #tpu.memory_space<vmem>>, vector<1x16xf32>,
          %get3A_467 = vector.shape_cast %get3A_466 : vector<1x16xf32> to vector<16xf32>
          %get3A_468 = arith.constant 9 : i32
          %get3A_469 = arith.index_cast %get3A_468 : i32 to index
          %get3A_470 = arith.index_cast %mul3A_422 : i32 to index
          %get3A_471 = tpu.vector_load %arg7[%get3A_469, %get3A_470] {strides = array<i32>} : memref<16x1024xf32, #tpu.memory_space<vmem>>, vector<1x16xf32>,
          %get3A_472 = vector.shape_cast %get3A_471 : vector<1x16xf32> to vector<16xf32>
          %get3A_473 = arith.constant 10 : i32
          %get3A_474 = arith.index_cast %get3A_473 : i32 to index
          %get3A_475 = arith.index_cast %mul3A_422 : i32 to index
          %get3A_476 = tpu.vector_load %arg7[%get3A_474, %get3A_475] {strides = array<i32>} : memref<16x1024xf32, #tpu.memory_space<vmem>>, vector<1x16xf32>,
          %get3A_477 = vector.shape_cast %get3A_476 : vector<1x16xf32> to vector<16xf32>
          %get3A_478 = arith.constant 11 : i32
          %get3A_479 = arith.index_cast %get3A_478 : i32 to index
          %get3A_480 = arith.index_cast %mul3A_422 : i32 to index
          %get3A_481 = tpu.vector_load %arg7[%get3A_479, %get3A_480] {strides = array<i32>} : memref<16x1024xf32, #tpu.memory_space<vmem>>, vector<1x16xf32>,
          %get3A_482 = vector.shape_cast %get3A_481 : vector<1x16xf32> to vector<16xf32>
          %get3A_483 = arith.constant 12 : i32
          %get3A_484 = arith.index_cast %get3A_483 : i32 to index
          %get3A_485 = arith.index_cast %mul3A_422 : i32 to index
          %get3A_486 = tpu.vector_load %arg7[%get3A_484, %get3A_485] {strides = array<i32>} : memref<16x1024xf32, #tpu.memory_space<vmem>>, vector<1x16xf32>,
          %get3A_487 = vector.shape_cast %get3A_486 : vector<1x16xf32> to vector<16xf32>
          %get3A_488 = arith.constant 13 : i32
          %get3A_489 = arith.index_cast %get3A_488 : i32 to index
          %get3A_490 = arith.index_cast %mul3A_422 : i32 to index
          %get3A_491 = tpu.vector_load %arg7[%get3A_489, %get3A_490] {strides = array<i32>} : memref<16x1024xf32, #tpu.memory_space<vmem>>, vector<1x16xf32>,
          %get3A_492 = vector.shape_cast %get3A_491 : vector<1x16xf32> to vector<16xf32>
          %get3A_493 = arith.constant 14 : i32
          %get3A_494 = arith.index_cast %get3A_493 : i32 to index
          %get3A_495 = arith.index_cast %mul3A_422 : i32 to index
          %get3A_496 = tpu.vector_load %arg7[%get3A_494, %get3A_495] {strides = array<i32>} : memref<16x1024xf32, #tpu.memory_space<vmem>>, vector<1x16xf32>,
          %get3A_497 = vector.shape_cast %get3A_496 : vector<1x16xf32> to vector<16xf32>
          %get3A_498 = arith.constant 15 : i32
          %get3A_499 = arith.index_cast %get3A_498 : i32 to index
          %get3A_500 = arith.index_cast %mul3A_422 : i32 to index
          %get3A_501 = tpu.vector_load %arg7[%get3A_499, %get3A_500] {strides = array<i32>} : memref<16x1024xf32, #tpu.memory_space<vmem>>, vector<1x16xf32>,
          %get3A_502 = vector.shape_cast %get3A_501 : vector<1x16xf32> to vector<16xf32>
          %swap3A = arith.constant 0 : i32
          %swap3A_503 = arith.index_cast %swap3A : i32 to index
          %swap3A_504 = arith.index_cast %mul3A_337 : i32 to index
          %swap3A_505 = tpu.vector_load %arg8[%swap3A_503, %swap3A_504] {strides = array<i32>} : memref<16x1024xf32, #tpu.memory_space<vmem>>, vector<1x16xf32>,
          %swap3A_506 = vector.shape_cast %swap3A_505 : vector<1x16xf32> to vector<16xf32>
          %swap3A_507 = vector.shape_cast %get3A_341 : vector<16xf32> to vector<1x16xf32>
          tpu.vector_store %arg8[%swap3A_503, %swap3A_504], %swap3A_507 {add = true, strides = array<i32>} : memref<16x1024xf32, #tpu.memory_space<vmem>>, vector<1x16xf32>,
          %swap3A_508 = arith.constant 1 : i32
          %swap3A_509 = arith.index_cast %swap3A_508 : i32 to index
          %swap3A_510 = arith.index_cast %mul3A_337 : i32 to index
          %swap3A_511 = tpu.vector_load %arg8[%swap3A_509, %swap3A_510] {strides = array<i32>} : memref<16x1024xf32, #tpu.memory_space<vmem>>, vector<1x16xf32>,
          %swap3A_512 = vector.shape_cast %swap3A_511 : vector<1x16xf32> to vector<16xf32>
          %swap3A_513 = vector.shape_cast %get3A_346 : vector<16xf32> to vector<1x16xf32>
          tpu.vector_store %arg8[%swap3A_509, %swap3A_510], %swap3A_513 {add = true, strides = array<i32>} : memref<16x1024xf32, #tpu.memory_space<vmem>>, vector<1x16xf32>,
          %swap3A_514 = arith.constant 2 : i32
          %swap3A_515 = arith.index_cast %swap3A_514 : i32 to index
          %swap3A_516 = arith.index_cast %mul3A_337 : i32 to index
          %swap3A_517 = tpu.vector_load %arg8[%swap3A_515, %swap3A_516] {strides = array<i32>} : memref<16x1024xf32, #tpu.memory_space<vmem>>, vector<1x16xf32>,
          %swap3A_518 = vector.shape_cast %swap3A_517 : vector<1x16xf32> to vector<16xf32>
          %swap3A_519 = vector.shape_cast %get3A_351 : vector<16xf32> to vector<1x16xf32>
          tpu.vector_store %arg8[%swap3A_515, %swap3A_516], %swap3A_519 {add = true, strides = array<i32>} : memref<16x1024xf32, #tpu.memory_space<vmem>>, vector<1x16xf32>,
          %swap3A_520 = arith.constant 3 : i32
          %swap3A_521 = arith.index_cast %swap3A_520 : i32 to index
          %swap3A_522 = arith.index_cast %mul3A_337 : i32 to index
          %swap3A_523 = tpu.vector_load %arg8[%swap3A_521, %swap3A_522] {strides = array<i32>} : memref<16x1024xf32, #tpu.memory_space<vmem>>, vector<1x16xf32>,
          %swap3A_524 = vector.shape_cast %swap3A_523 : vector<1x16xf32> to vector<16xf32>
          %swap3A_525 = vector.shape_cast %get3A_356 : vector<16xf32> to vector<1x16xf32>
          tpu.vector_store %arg8[%swap3A_521, %swap3A_522], %swap3A_525 {add = true, strides = array<i32>} : memref<16x1024xf32, #tpu.memory_space<vmem>>, vector<1x16xf32>,
          %swap3A_526 = arith.constant 4 : i32
          %swap3A_527 = arith.index_cast %swap3A_526 : i32 to index
          %swap3A_528 = arith.index_cast %mul3A_337 : i32 to index
          %swap3A_529 = tpu.vector_load %arg8[%swap3A_527, %swap3A_528] {strides = array<i32>} : memref<16x1024xf32, #tpu.memory_space<vmem>>, vector<1x16xf32>,
          %swap3A_530 = vector.shape_cast %swap3A_529 : vector<1x16xf32> to vector<16xf32>
          %swap3A_531 = vector.shape_cast %get3A_361 : vector<16xf32> to vector<1x16xf32>
          tpu.vector_store %arg8[%swap3A_527, %swap3A_528], %swap3A_531 {add = true, strides = array<i32>} : memref<16x1024xf32, #tpu.memory_space<vmem>>, vector<1x16xf32>,
          %swap3A_532 = arith.constant 5 : i32
          %swap3A_533 = arith.index_cast %swap3A_532 : i32 to index
          %swap3A_534 = arith.index_cast %mul3A_337 : i32 to index
          %swap3A_535 = tpu.vector_load %arg8[%swap3A_533, %swap3A_534] {strides = array<i32>} : memref<16x1024xf32, #tpu.memory_space<vmem>>, vector<1x16xf32>,
          %swap3A_536 = vector.shape_cast %swap3A_535 : vector<1x16xf32> to vector<16xf32>
          %swap3A_537 = vector.shape_cast %get3A_366 : vector<16xf32> to vector<1x16xf32>
          tpu.vector_store %arg8[%swap3A_533, %swap3A_534], %swap3A_537 {add = true, strides = array<i32>} : memref<16x1024xf32, #tpu.memory_space<vmem>>, vector<1x16xf32>,
          %swap3A_538 = arith.constant 6 : i32
          %swap3A_539 = arith.index_cast %swap3A_538 : i32 to index
          %swap3A_540 = arith.index_cast %mul3A_337 : i32 to index
          %swap3A_541 = tpu.vector_load %arg8[%swap3A_539, %swap3A_540] {strides = array<i32>} : memref<16x1024xf32, #tpu.memory_space<vmem>>, vector<1x16xf32>,
          %swap3A_542 = vector.shape_cast %swap3A_541 : vector<1x16xf32> to vector<16xf32>
          %swap3A_543 = vector.shape_cast %get3A_371 : vector<16xf32> to vector<1x16xf32>
          tpu.vector_store %arg8[%swap3A_539, %swap3A_540], %swap3A_543 {add = true, strides = array<i32>} : memref<16x1024xf32, #tpu.memory_space<vmem>>, vector<1x16xf32>,
          %swap3A_544 = arith.constant 7 : i32
          %swap3A_545 = arith.index_cast %swap3A_544 : i32 to index
          %swap3A_546 = arith.index_cast %mul3A_337 : i32 to index
          %swap3A_547 = tpu.vector_load %arg8[%swap3A_545, %swap3A_546] {strides = array<i32>} : memref<16x1024xf32, #tpu.memory_space<vmem>>, vector<1x16xf32>,
          %swap3A_548 = vector.shape_cast %swap3A_547 : vector<1x16xf32> to vector<16xf32>
          %swap3A_549 = vector.shape_cast %get3A_376 : vector<16xf32> to vector<1x16xf32>
          tpu.vector_store %arg8[%swap3A_545, %swap3A_546], %swap3A_549 {add = true, strides = array<i32>} : memref<16x1024xf32, #tpu.memory_space<vmem>>, vector<1x16xf32>,
          %swap3A_550 = arith.constant 8 : i32
          %swap3A_551 = arith.index_cast %swap3A_550 : i32 to index
          %swap3A_552 = arith.index_cast %mul3A_337 : i32 to index
          %swap3A_553 = tpu.vector_load %arg8[%swap3A_551, %swap3A_552] {strides = array<i32>} : memref<16x1024xf32, #tpu.memory_space<vmem>>, vector<1x16xf32>,
          %swap3A_554 = vector.shape_cast %swap3A_553 : vector<1x16xf32> to vector<16xf32>
          %swap3A_555 = vector.shape_cast %get3A_381 : vector<16xf32> to vector<1x16xf32>
          tpu.vector_store %arg8[%swap3A_551, %swap3A_552], %swap3A_555 {add = true, strides = array<i32>} : memref<16x1024xf32, #tpu.memory_space<vmem>>, vector<1x16xf32>,
          %swap3A_556 = arith.constant 9 : i32
          %swap3A_557 = arith.index_cast %swap3A_556 : i32 to index
          %swap3A_558 = arith.index_cast %mul3A_337 : i32 to index
          %swap3A_559 = tpu.vector_load %arg8[%swap3A_557, %swap3A_558] {strides = array<i32>} : memref<16x1024xf32, #tpu.memory_space<vmem>>, vector<1x16xf32>,
          %swap3A_560 = vector.shape_cast %swap3A_559 : vector<1x16xf32> to vector<16xf32>
          %swap3A_561 = vector.shape_cast %get3A_386 : vector<16xf32> to vector<1x16xf32>
          tpu.vector_store %arg8[%swap3A_557, %swap3A_558], %swap3A_561 {add = true, strides = array<i32>} : memref<16x1024xf32, #tpu.memory_space<vmem>>, vector<1x16xf32>,
          %swap3A_562 = arith.constant 10 : i32
          %swap3A_563 = arith.index_cast %swap3A_562 : i32 to index
          %swap3A_564 = arith.index_cast %mul3A_337 : i32 to index
          %swap3A_565 = tpu.vector_load %arg8[%swap3A_563, %swap3A_564] {strides = array<i32>} : memref<16x1024xf32, #tpu.memory_space<vmem>>, vector<1x16xf32>,
          %swap3A_566 = vector.shape_cast %swap3A_565 : vector<1x16xf32> to vector<16xf32>
          %swap3A_567 = vector.shape_cast %get3A_391 : vector<16xf32> to vector<1x16xf32>
          tpu.vector_store %arg8[%swap3A_563, %swap3A_564], %swap3A_567 {add = true, strides = array<i32>} : memref<16x1024xf32, #tpu.memory_space<vmem>>, vector<1x16xf32>,
          %swap3A_568 = arith.constant 11 : i32
          %swap3A_569 = arith.index_cast %swap3A_568 : i32 to index
          %swap3A_570 = arith.index_cast %mul3A_337 : i32 to index
          %swap3A_571 = tpu.vector_load %arg8[%swap3A_569, %swap3A_570] {strides = array<i32>} : memref<16x1024xf32, #tpu.memory_space<vmem>>, vector<1x16xf32>,
          %swap3A_572 = vector.shape_cast %swap3A_571 : vector<1x16xf32> to vector<16xf32>
          %swap3A_573 = vector.shape_cast %get3A_396 : vector<16xf32> to vector<1x16xf32>
          tpu.vector_store %arg8[%swap3A_569, %swap3A_570], %swap3A_573 {add = true, strides = array<i32>} : memref<16x1024xf32, #tpu.memory_space<vmem>>, vector<1x16xf32>,
          %swap3A_574 = arith.constant 12 : i32
          %swap3A_575 = arith.index_cast %swap3A_574 : i32 to index
          %swap3A_576 = arith.index_cast %mul3A_337 : i32 to index
          %swap3A_577 = tpu.vector_load %arg8[%swap3A_575, %swap3A_576] {strides = array<i32>} : memref<16x1024xf32, #tpu.memory_space<vmem>>, vector<1x16xf32>,
          %swap3A_578 = vector.shape_cast %swap3A_577 : vector<1x16xf32> to vector<16xf32>
          %swap3A_579 = vector.shape_cast %get3A_401 : vector<16xf32> to vector<1x16xf32>
          tpu.vector_store %arg8[%swap3A_575, %swap3A_576], %swap3A_579 {add = true, strides = array<i32>} : memref<16x1024xf32, #tpu.memory_space<vmem>>, vector<1x16xf32>,
          %swap3A_580 = arith.constant 13 : i32
          %swap3A_581 = arith.index_cast %swap3A_580 : i32 to index
          %swap3A_582 = arith.index_cast %mul3A_337 : i32 to index
          %swap3A_583 = tpu.vector_load %arg8[%swap3A_581, %swap3A_582] {strides = array<i32>} : memref<16x1024xf32, #tpu.memory_space<vmem>>, vector<1x16xf32>,
          %swap3A_584 = vector.shape_cast %swap3A_583 : vector<1x16xf32> to vector<16xf32>
          %swap3A_585 = vector.shape_cast %get3A_406 : vector<16xf32> to vector<1x16xf32>
          tpu.vector_store %arg8[%swap3A_581, %swap3A_582], %swap3A_585 {add = true, strides = array<i32>} : memref<16x1024xf32, #tpu.memory_space<vmem>>, vector<1x16xf32>,
          %swap3A_586 = arith.constant 14 : i32
          %swap3A_587 = arith.index_cast %swap3A_586 : i32 to index
          %swap3A_588 = arith.index_cast %mul3A_337 : i32 to index
          %swap3A_589 = tpu.vector_load %arg8[%swap3A_587, %swap3A_588] {strides = array<i32>} : memref<16x1024xf32, #tpu.memory_space<vmem>>, vector<1x16xf32>,
          %swap3A_590 = vector.shape_cast %swap3A_589 : vector<1x16xf32> to vector<16xf32>
          %swap3A_591 = vector.shape_cast %get3A_411 : vector<16xf32> to vector<1x16xf32>
          tpu.vector_store %arg8[%swap3A_587, %swap3A_588], %swap3A_591 {add = true, strides = array<i32>} : memref<16x1024xf32, #tpu.memory_space<vmem>>, vector<1x16xf32>,
          %swap3A_592 = arith.constant 15 : i32
          %swap3A_593 = arith.index_cast %swap3A_592 : i32 to index
          %swap3A_594 = arith.index_cast %mul3A_337 : i32 to index
          %swap3A_595 = tpu.vector_load %arg8[%swap3A_593, %swap3A_594] {strides = array<i32>} : memref<16x1024xf32, #tpu.memory_space<vmem>>, vector<1x16xf32>,
          %swap3A_596 = vector.shape_cast %swap3A_595 : vector<1x16xf32> to vector<16xf32>
          %swap3A_597 = vector.shape_cast %get3A_416 : vector<16xf32> to vector<1x16xf32>
          tpu.vector_store %arg8[%swap3A_593, %swap3A_594], %swap3A_597 {add = true, strides = array<i32>} : memref<16x1024xf32, #tpu.memory_space<vmem>>, vector<1x16xf32>,
          %swap3A_598 = arith.constant 0 : i32
          %swap3A_599 = arith.index_cast %swap3A_598 : i32 to index
          %swap3A_600 = arith.index_cast %mul3A_422 : i32 to index
          %swap3A_601 = tpu.vector_load %arg8[%swap3A_599, %swap3A_600] {strides = array<i32>} : memref<16x1024xf32, #tpu.memory_space<vmem>>, vector<1x16xf32>,
          %swap3A_602 = vector.shape_cast %swap3A_601 : vector<1x16xf32> to vector<16xf32>
          %swap3A_603 = vector.shape_cast %get3A_427 : vector<16xf32> to vector<1x16xf32>
          tpu.vector_store %arg8[%swap3A_599, %swap3A_600], %swap3A_603 {add = true, strides = array<i32>} : memref<16x1024xf32, #tpu.memory_space<vmem>>, vector<1x16xf32>,
          %swap3A_604 = arith.constant 1 : i32
          %swap3A_605 = arith.index_cast %swap3A_604 : i32 to index
          %swap3A_606 = arith.index_cast %mul3A_422 : i32 to index
          %swap3A_607 = tpu.vector_load %arg8[%swap3A_605, %swap3A_606] {strides = array<i32>} : memref<16x1024xf32, #tpu.memory_space<vmem>>, vector<1x16xf32>,
          %swap3A_608 = vector.shape_cast %swap3A_607 : vector<1x16xf32> to vector<16xf32>
          %swap3A_609 = vector.shape_cast %get3A_432 : vector<16xf32> to vector<1x16xf32>
          tpu.vector_store %arg8[%swap3A_605, %swap3A_606], %swap3A_609 {add = true, strides = array<i32>} : memref<16x1024xf32, #tpu.memory_space<vmem>>, vector<1x16xf32>,
          %swap3A_610 = arith.constant 2 : i32
          %swap3A_611 = arith.index_cast %swap3A_610 : i32 to index
          %swap3A_612 = arith.index_cast %mul3A_422 : i32 to index
          %swap3A_613 = tpu.vector_load %arg8[%swap3A_611, %swap3A_612] {strides = array<i32>} : memref<16x1024xf32, #tpu.memory_space<vmem>>, vector<1x16xf32>,
          %swap3A_614 = vector.shape_cast %swap3A_613 : vector<1x16xf32> to vector<16xf32>
          %swap3A_615 = vector.shape_cast %get3A_437 : vector<16xf32> to vector<1x16xf32>
          tpu.vector_store %arg8[%swap3A_611, %swap3A_612], %swap3A_615 {add = true, strides = array<i32>} : memref<16x1024xf32, #tpu.memory_space<vmem>>, vector<1x16xf32>,
          %swap3A_616 = arith.constant 3 : i32
          %swap3A_617 = arith.index_cast %swap3A_616 : i32 to index
          %swap3A_618 = arith.index_cast %mul3A_422 : i32 to index
          %swap3A_619 = tpu.vector_load %arg8[%swap3A_617, %swap3A_618] {strides = array<i32>} : memref<16x1024xf32, #tpu.memory_space<vmem>>, vector<1x16xf32>,
          %swap3A_620 = vector.shape_cast %swap3A_619 : vector<1x16xf32> to vector<16xf32>
          %swap3A_621 = vector.shape_cast %get3A_442 : vector<16xf32> to vector<1x16xf32>
          tpu.vector_store %arg8[%swap3A_617, %swap3A_618], %swap3A_621 {add = true, strides = array<i32>} : memref<16x1024xf32, #tpu.memory_space<vmem>>, vector<1x16xf32>,
          %swap3A_622 = arith.constant 4 : i32
          %swap3A_623 = arith.index_cast %swap3A_622 : i32 to index
          %swap3A_624 = arith.index_cast %mul3A_422 : i32 to index
          %swap3A_625 = tpu.vector_load %arg8[%swap3A_623, %swap3A_624] {strides = array<i32>} : memref<16x1024xf32, #tpu.memory_space<vmem>>, vector<1x16xf32>,
          %swap3A_626 = vector.shape_cast %swap3A_625 : vector<1x16xf32> to vector<16xf32>
          %swap3A_627 = vector.shape_cast %get3A_447 : vector<16xf32> to vector<1x16xf32>
          tpu.vector_store %arg8[%swap3A_623, %swap3A_624], %swap3A_627 {add = true, strides = array<i32>} : memref<16x1024xf32, #tpu.memory_space<vmem>>, vector<1x16xf32>,
          %swap3A_628 = arith.constant 5 : i32
          %swap3A_629 = arith.index_cast %swap3A_628 : i32 to index
          %swap3A_630 = arith.index_cast %mul3A_422 : i32 to index
          %swap3A_631 = tpu.vector_load %arg8[%swap3A_629, %swap3A_630] {strides = array<i32>} : memref<16x1024xf32, #tpu.memory_space<vmem>>, vector<1x16xf32>,
          %swap3A_632 = vector.shape_cast %swap3A_631 : vector<1x16xf32> to vector<16xf32>
          %swap3A_633 = vector.shape_cast %get3A_452 : vector<16xf32> to vector<1x16xf32>
          tpu.vector_store %arg8[%swap3A_629, %swap3A_630], %swap3A_633 {add = true, strides = array<i32>} : memref<16x1024xf32, #tpu.memory_space<vmem>>, vector<1x16xf32>,
          %swap3A_634 = arith.constant 6 : i32
          %swap3A_635 = arith.index_cast %swap3A_634 : i32 to index
          %swap3A_636 = arith.index_cast %mul3A_422 : i32 to index
          %swap3A_637 = tpu.vector_load %arg8[%swap3A_635, %swap3A_636] {strides = array<i32>} : memref<16x1024xf32, #tpu.memory_space<vmem>>, vector<1x16xf32>,
          %swap3A_638 = vector.shape_cast %swap3A_637 : vector<1x16xf32> to vector<16xf32>
          %swap3A_639 = vector.shape_cast %get3A_457 : vector<16xf32> to vector<1x16xf32>
          tpu.vector_store %arg8[%swap3A_635, %swap3A_636], %swap3A_639 {add = true, strides = array<i32>} : memref<16x1024xf32, #tpu.memory_space<vmem>>, vector<1x16xf32>,
          %swap3A_640 = arith.constant 7 : i32
          %swap3A_641 = arith.index_cast %swap3A_640 : i32 to index
          %swap3A_642 = arith.index_cast %mul3A_422 : i32 to index
          %swap3A_643 = tpu.vector_load %arg8[%swap3A_641, %swap3A_642] {strides = array<i32>} : memref<16x1024xf32, #tpu.memory_space<vmem>>, vector<1x16xf32>,
          %swap3A_644 = vector.shape_cast %swap3A_643 : vector<1x16xf32> to vector<16xf32>
          %swap3A_645 = vector.shape_cast %get3A_462 : vector<16xf32> to vector<1x16xf32>
          tpu.vector_store %arg8[%swap3A_641, %swap3A_642], %swap3A_645 {add = true, strides = array<i32>} : memref<16x1024xf32, #tpu.memory_space<vmem>>, vector<1x16xf32>,
          %swap3A_646 = arith.constant 8 : i32
          %swap3A_647 = arith.index_cast %swap3A_646 : i32 to index
          %swap3A_648 = arith.index_cast %mul3A_422 : i32 to index
          %swap3A_649 = tpu.vector_load %arg8[%swap3A_647, %swap3A_648] {strides = array<i32>} : memref<16x1024xf32, #tpu.memory_space<vmem>>, vector<1x16xf32>,
          %swap3A_650 = vector.shape_cast %swap3A_649 : vector<1x16xf32> to vector<16xf32>
          %swap3A_651 = vector.shape_cast %get3A_467 : vector<16xf32> to vector<1x16xf32>
          tpu.vector_store %arg8[%swap3A_647, %swap3A_648], %swap3A_651 {add = true, strides = array<i32>} : memref<16x1024xf32, #tpu.memory_space<vmem>>, vector<1x16xf32>,
          %swap3A_652 = arith.constant 9 : i32
          %swap3A_653 = arith.index_cast %swap3A_652 : i32 to index
          %swap3A_654 = arith.index_cast %mul3A_422 : i32 to index
          %swap3A_655 = tpu.vector_load %arg8[%swap3A_653, %swap3A_654] {strides = array<i32>} : memref<16x1024xf32, #tpu.memory_space<vmem>>, vector<1x16xf32>,
          %swap3A_656 = vector.shape_cast %swap3A_655 : vector<1x16xf32> to vector<16xf32>
          %swap3A_657 = vector.shape_cast %get3A_472 : vector<16xf32> to vector<1x16xf32>
          tpu.vector_store %arg8[%swap3A_653, %swap3A_654], %swap3A_657 {add = true, strides = array<i32>} : memref<16x1024xf32, #tpu.memory_space<vmem>>, vector<1x16xf32>,
          %swap3A_658 = arith.constant 10 : i32
          %swap3A_659 = arith.index_cast %swap3A_658 : i32 to index
          %swap3A_660 = arith.index_cast %mul3A_422 : i32 to index
          %swap3A_661 = tpu.vector_load %arg8[%swap3A_659, %swap3A_660] {strides = array<i32>} : memref<16x1024xf32, #tpu.memory_space<vmem>>, vector<1x16xf32>,
          %swap3A_662 = vector.shape_cast %swap3A_661 : vector<1x16xf32> to vector<16xf32>
          %swap3A_663 = vector.shape_cast %get3A_477 : vector<16xf32> to vector<1x16xf32>
          tpu.vector_store %arg8[%swap3A_659, %swap3A_660], %swap3A_663 {add = true, strides = array<i32>} : memref<16x1024xf32, #tpu.memory_space<vmem>>, vector<1x16xf32>,
          %swap3A_664 = arith.constant 11 : i32
          %swap3A_665 = arith.index_cast %swap3A_664 : i32 to index
          %swap3A_666 = arith.index_cast %mul3A_422 : i32 to index
          %swap3A_667 = tpu.vector_load %arg8[%swap3A_665, %swap3A_666] {strides = array<i32>} : memref<16x1024xf32, #tpu.memory_space<vmem>>, vector<1x16xf32>,
          %swap3A_668 = vector.shape_cast %swap3A_667 : vector<1x16xf32> to vector<16xf32>
          %swap3A_669 = vector.shape_cast %get3A_482 : vector<16xf32> to vector<1x16xf32>
          tpu.vector_store %arg8[%swap3A_665, %swap3A_666], %swap3A_669 {add = true, strides = array<i32>} : memref<16x1024xf32, #tpu.memory_space<vmem>>, vector<1x16xf32>,
          %swap3A_670 = arith.constant 12 : i32
          %swap3A_671 = arith.index_cast %swap3A_670 : i32 to index
          %swap3A_672 = arith.index_cast %mul3A_422 : i32 to index
          %swap3A_673 = tpu.vector_load %arg8[%swap3A_671, %swap3A_672] {strides = array<i32>} : memref<16x1024xf32, #tpu.memory_space<vmem>>, vector<1x16xf32>,
          %swap3A_674 = vector.shape_cast %swap3A_673 : vector<1x16xf32> to vector<16xf32>
          %swap3A_675 = vector.shape_cast %get3A_487 : vector<16xf32> to vector<1x16xf32>
          tpu.vector_store %arg8[%swap3A_671, %swap3A_672], %swap3A_675 {add = true, strides = array<i32>} : memref<16x1024xf32, #tpu.memory_space<vmem>>, vector<1x16xf32>,
          %swap3A_676 = arith.constant 13 : i32
          %swap3A_677 = arith.index_cast %swap3A_676 : i32 to index
          %swap3A_678 = arith.index_cast %mul3A_422 : i32 to index
          %swap3A_679 = tpu.vector_load %arg8[%swap3A_677, %swap3A_678] {strides = array<i32>} : memref<16x1024xf32, #tpu.memory_space<vmem>>, vector<1x16xf32>,
          %swap3A_680 = vector.shape_cast %swap3A_679 : vector<1x16xf32> to vector<16xf32>
          %swap3A_681 = vector.shape_cast %get3A_492 : vector<16xf32> to vector<1x16xf32>
          tpu.vector_store %arg8[%swap3A_677, %swap3A_678], %swap3A_681 {add = true, strides = array<i32>} : memref<16x1024xf32, #tpu.memory_space<vmem>>, vector<1x16xf32>,
          %swap3A_682 = arith.constant 14 : i32
          %swap3A_683 = arith.index_cast %swap3A_682 : i32 to index
          %swap3A_684 = arith.index_cast %mul3A_422 : i32 to index
          %swap3A_685 = tpu.vector_load %arg8[%swap3A_683, %swap3A_684] {strides = array<i32>} : memref<16x1024xf32, #tpu.memory_space<vmem>>, vector<1x16xf32>,
          %swap3A_686 = vector.shape_cast %swap3A_685 : vector<1x16xf32> to vector<16xf32>
          %swap3A_687 = vector.shape_cast %get3A_497 : vector<16xf32> to vector<1x16xf32>
          tpu.vector_store %arg8[%swap3A_683, %swap3A_684], %swap3A_687 {add = true, strides = array<i32>} : memref<16x1024xf32, #tpu.memory_space<vmem>>, vector<1x16xf32>,
          %swap3A_688 = arith.constant 15 : i32
          %swap3A_689 = arith.index_cast %swap3A_688 : i32 to index
          %swap3A_690 = arith.index_cast %mul3A_422 : i32 to index
          %swap3A_691 = tpu.vector_load %arg8[%swap3A_689, %swap3A_690] {strides = array<i32>} : memref<16x1024xf32, #tpu.memory_space<vmem>>, vector<1x16xf32>,
          %swap3A_692 = vector.shape_cast %swap3A_691 : vector<1x16xf32> to vector<16xf32>
          %swap3A_693 = vector.shape_cast %get3A_502 : vector<16xf32> to vector<1x16xf32>
          tpu.vector_store %arg8[%swap3A_689, %swap3A_690], %swap3A_693 {add = true, strides = array<i32>} : memref<16x1024xf32, #tpu.memory_space<vmem>>, vector<1x16xf32>,
          %scan3A_694 = arith.constant 0 : i32
          scf.yield %scan3A_694 : i32
        }
        %scan3A_277 = arith.constant 32 : i32
        %mul3A_278 = arith.constant 128 : i32
        %mul3A_279 = arith.muli %sub3A_264, %mul3A_278 : i32
        %add3A_280 = arith.addi %mul3A_2, %mul3A_279 : i32
        %mul3A_281 = arith.constant 16 : i32
        %mul3A_282 = arith.muli %scan3A_11, %mul3A_281 : i32
        %add3A_283 = arith.addi %add3A_280, %mul3A_282 : i32
        %dma_start3A_284 = arith.constant 0 : i32
        %dma_start3A_285 = tpu.memref_slice %arg5[%add3A_283, %dma_start3A_284] : memref<524288x1024xf32, #tpu.memory_space<hbm>> -> memref<16x1024xf32, #tpu.memory_space<hbm>>
        %dma_start3A_286 = arith.constant 0 : i32
        %dma_start3A_287 = tpu.memref_slice %arg5[%add3A_283, %dma_start3A_286] : memref<524288x1024xf32, #tpu.memory_space<hbm>> -> memref<16x1024xf32, #tpu.memory_space<hbm>>
        tpu.enqueue_dma source(%arg8 : memref<16x1024xf32, #tpu.memory_space<vmem>>) target(%dma_start3A_287 : memref<16x1024xf32, #tpu.memory_space<hbm>>) target_semaphore(%arg17 : memref<!tpu.dma_semaphore, #tpu.memory_space<semaphore_mem>>)
        %mul3A_288 = arith.constant 4 : i32
        %mul3A_289 = arith.muli %scan3A_164, %mul3A_288 : i32
        %add3A_290 = arith.constant 3 : i32
        %add3A_291 = arith.addi %mul3A_289, %add3A_290 : i32
        %dma_wait3A_292 = arith.constant 0 : i32
        %dma_wait3A_293 = arith.constant 0 : i32
        %dma_wait3A_294 = tpu.memref_slice %arg5[%dma_wait3A_292, %dma_wait3A_293] : memref<524288x1024xf32, #tpu.memory_space<hbm>> -> memref<16x1024xf32, #tpu.memory_space<hbm>>
        %dma_wait3A_295 = arith.constant 0 : i32
        %dma_wait3A_296 = arith.constant 0 : i32
        %dma_wait3A_297 = tpu.memref_slice %arg5[%dma_wait3A_295, %dma_wait3A_296] : memref<524288x1024xf32, #tpu.memory_space<hbm>> -> memref<16x1024xf32, #tpu.memory_space<hbm>>
        tpu.wait_dma2 semaphore(%arg20 : memref<!tpu.dma_semaphore, #tpu.memory_space<semaphore_mem>>) src(%arg11 : memref<16x1024xf32, #tpu.memory_space<vmem>>) dst(%dma_wait3A_297 : memref<16x1024xf32, #tpu.memory_space<hbm>>)
        %dma_start3A_298 = arith.constant 0 : i32
        %dma_start3A_299 = tpu.memref_slice %arg6[%add3A_291, %dma_start3A_298] : memref<128x16xi32, #tpu.memory_space<vmem>> -> memref<1x16xi32, #tpu.memory_space<vmem>>
        %dma_start3A_300 = tpu.memref_squeeze %dma_start3A_299 : memref<1x16xi32, #tpu.memory_space<vmem>> -> memref<16xi32, #tpu.memory_space<vmem>>
        %dma_start3A_301 = arith.constant 0 : i32
        %dma_start3A_302 = arith.constant 0 : i32
        %dma_start3A_303 = tpu.memref_slice %arg3[%dma_start3A_301, %dma_start3A_302] : memref<16384x1024xf32, #tpu.memory_space<hbm>> -> memref<16384x1024xf32, #tpu.memory_space<hbm>>
        tpu.enqueue_indirect_dma source(%dma_start3A_303 : memref<16384x1024xf32, #tpu.memory_space<hbm>>) target(%arg11 : memref<16x1024xf32, #tpu.memory_space<vmem>>) offsets(%dma_start3A_300 : memref<16xi32, #tpu.memory_space<vmem>>) semaphore(%arg16 : memref<!tpu.dma_semaphore, #tpu.memory_space<semaphore_mem>>)
        %sub3A_304 = arith.constant 2 : i32
        %sub3A_305 = arith.subi %add3A_291, %sub3A_304 : i32
        %dma_wait3A_306 = arith.constant 0 : i32
        %dma_wait3A_307 = arith.constant 0 : i32
        %dma_wait3A_308 = tpu.memref_slice %arg3[%dma_wait3A_306, %dma_wait3A_307] : memref<16384x1024xf32, #tpu.memory_space<hbm>> -> memref<16x1024xf32, #tpu.memory_space<hbm>>
        %dma_wait3A_309 = arith.constant 0 : i32
        %dma_wait3A_310 = arith.constant 0 : i32
        %dma_wait3A_311 = tpu.memref_slice %arg3[%dma_wait3A_309, %dma_wait3A_310] : memref<16384x1024xf32, #tpu.memory_space<hbm>> -> memref<16x1024xf32, #tpu.memory_space<hbm>>
        tpu.wait_dma2 semaphore(%arg14 : memref<!tpu.dma_semaphore, #tpu.memory_space<semaphore_mem>>) src(%dma_wait3A_311 : memref<16x1024xf32, #tpu.memory_space<hbm>>) dst(%arg9 : memref<16x1024xf32, #tpu.memory_space<vmem>>)
        %scan3A_312 = arith.constant 0 : i32
        %scan3A_313 = arith.constant 0 : i32
        %scan3A_314 = arith.constant 32 : i32
        %scan3A_315 = arith.addi %scan3A_313, %scan3A_314 : i32
        %scan3A_316 = arith.constant 1 : i32
        %scan3A_317 = scf.for %scan3A_330 = %scan3A_313 to %scan3A_315 step %scan3A_316 iter_args(%scan3A_331 = %scan3A_312) -> (i32)  : i32 {
          %mul3A_332 = arith.constant 2 : i32
          %mul3A_333 = arith.muli %scan3A_330, %mul3A_332 : i32
          %add3A_334 = arith.constant 0 : i32
          %add3A_335 = arith.addi %mul3A_333, %add3A_334 : i32
          %mul3A_336 = arith.constant 16 : i32
          %mul3A_337 = arith.muli %add3A_335, %mul3A_336 : i32
          %get3A = arith.constant 0 : i32
          %get3A_338 = arith.index_cast %get3A : i32 to index
          %get3A_339 = arith.index_cast %mul3A_337 : i32 to index
          %get3A_340 = tpu.vector_load %arg7[%get3A_338, %get3A_339] {strides = array<i32>} : memref<16x1024xf32, #tpu.memory_space<vmem>>, vector<1x16xf32>,
          %get3A_341 = vector.shape_cast %get3A_340 : vector<1x16xf32> to vector<16xf32>
          %get3A_342 = arith.constant 1 : i32
          %get3A_343 = arith.index_cast %get3A_342 : i32 to index
          %get3A_344 = arith.index_cast %mul3A_337 : i32 to index
          %get3A_345 = tpu.vector_load %arg7[%get3A_343, %get3A_344] {strides = array<i32>} : memref<16x1024xf32, #tpu.memory_space<vmem>>, vector<1x16xf32>,
          %get3A_346 = vector.shape_cast %get3A_345 : vector<1x16xf32> to vector<16xf32>
          %get3A_347 = arith.constant 2 : i32
          %get3A_348 = arith.index_cast %get3A_347 : i32 to index
          %get3A_349 = arith.index_cast %mul3A_337 : i32 to index
          %get3A_350 = tpu.vector_load %arg7[%get3A_348, %get3A_349] {strides = array<i32>} : memref<16x1024xf32, #tpu.memory_space<vmem>>, vector<1x16xf32>,
          %get3A_351 = vector.shape_cast %get3A_350 : vector<1x16xf32> to vector<16xf32>
          %get3A_352 = arith.constant 3 : i32
          %get3A_353 = arith.index_cast %get3A_352 : i32 to index
          %get3A_354 = arith.index_cast %mul3A_337 : i32 to index
          %get3A_355 = tpu.vector_load %arg7[%get3A_353, %get3A_354] {strides = array<i32>} : memref<16x1024xf32, #tpu.memory_space<vmem>>, vector<1x16xf32>,
          %get3A_356 = vector.shape_cast %get3A_355 : vector<1x16xf32> to vector<16xf32>
          %get3A_357 = arith.constant 4 : i32
          %get3A_358 = arith.index_cast %get3A_357 : i32 to index
          %get3A_359 = arith.index_cast %mul3A_337 : i32 to index
          %get3A_360 = tpu.vector_load %arg7[%get3A_358, %get3A_359] {strides = array<i32>} : memref<16x1024xf32, #tpu.memory_space<vmem>>, vector<1x16xf32>,
          %get3A_361 = vector.shape_cast %get3A_360 : vector<1x16xf32> to vector<16xf32>
          %get3A_362 = arith.constant 5 : i32
          %get3A_363 = arith.index_cast %get3A_362 : i32 to index
          %get3A_364 = arith.index_cast %mul3A_337 : i32 to index
          %get3A_365 = tpu.vector_load %arg7[%get3A_363, %get3A_364] {strides = array<i32>} : memref<16x1024xf32, #tpu.memory_space<vmem>>, vector<1x16xf32>,
          %get3A_366 = vector.shape_cast %get3A_365 : vector<1x16xf32> to vector<16xf32>
          %get3A_367 = arith.constant 6 : i32
          %get3A_368 = arith.index_cast %get3A_367 : i32 to index
          %get3A_369 = arith.index_cast %mul3A_337 : i32 to index
          %get3A_370 = tpu.vector_load %arg7[%get3A_368, %get3A_369] {strides = array<i32>} : memref<16x1024xf32, #tpu.memory_space<vmem>>, vector<1x16xf32>,
          %get3A_371 = vector.shape_cast %get3A_370 : vector<1x16xf32> to vector<16xf32>
          %get3A_372 = arith.constant 7 : i32
          %get3A_373 = arith.index_cast %get3A_372 : i32 to index
          %get3A_374 = arith.index_cast %mul3A_337 : i32 to index
          %get3A_375 = tpu.vector_load %arg7[%get3A_373, %get3A_374] {strides = array<i32>} : memref<16x1024xf32, #tpu.memory_space<vmem>>, vector<1x16xf32>,
          %get3A_376 = vector.shape_cast %get3A_375 : vector<1x16xf32> to vector<16xf32>
          %get3A_377 = arith.constant 8 : i32
          %get3A_378 = arith.index_cast %get3A_377 : i32 to index
          %get3A_379 = arith.index_cast %mul3A_337 : i32 to index
          %get3A_380 = tpu.vector_load %arg7[%get3A_378, %get3A_379] {strides = array<i32>} : memref<16x1024xf32, #tpu.memory_space<vmem>>, vector<1x16xf32>,
          %get3A_381 = vector.shape_cast %get3A_380 : vector<1x16xf32> to vector<16xf32>
          %get3A_382 = arith.constant 9 : i32
          %get3A_383 = arith.index_cast %get3A_382 : i32 to index
          %get3A_384 = arith.index_cast %mul3A_337 : i32 to index
          %get3A_385 = tpu.vector_load %arg7[%get3A_383, %get3A_384] {strides = array<i32>} : memref<16x1024xf32, #tpu.memory_space<vmem>>, vector<1x16xf32>,
          %get3A_386 = vector.shape_cast %get3A_385 : vector<1x16xf32> to vector<16xf32>
          %get3A_387 = arith.constant 10 : i32
          %get3A_388 = arith.index_cast %get3A_387 : i32 to index
          %get3A_389 = arith.index_cast %mul3A_337 : i32 to index
          %get3A_390 = tpu.vector_load %arg7[%get3A_388, %get3A_389] {strides = array<i32>} : memref<16x1024xf32, #tpu.memory_space<vmem>>, vector<1x16xf32>,
          %get3A_391 = vector.shape_cast %get3A_390 : vector<1x16xf32> to vector<16xf32>
          %get3A_392 = arith.constant 11 : i32
          %get3A_393 = arith.index_cast %get3A_392 : i32 to index
          %get3A_394 = arith.index_cast %mul3A_337 : i32 to index
          %get3A_395 = tpu.vector_load %arg7[%get3A_393, %get3A_394] {strides = array<i32>} : memref<16x1024xf32, #tpu.memory_space<vmem>>, vector<1x16xf32>,
          %get3A_396 = vector.shape_cast %get3A_395 : vector<1x16xf32> to vector<16xf32>
          %get3A_397 = arith.constant 12 : i32
          %get3A_398 = arith.index_cast %get3A_397 : i32 to index
          %get3A_399 = arith.index_cast %mul3A_337 : i32 to index
          %get3A_400 = tpu.vector_load %arg7[%get3A_398, %get3A_399] {strides = array<i32>} : memref<16x1024xf32, #tpu.memory_space<vmem>>, vector<1x16xf32>,
          %get3A_401 = vector.shape_cast %get3A_400 : vector<1x16xf32> to vector<16xf32>
          %get3A_402 = arith.constant 13 : i32
          %get3A_403 = arith.index_cast %get3A_402 : i32 to index
          %get3A_404 = arith.index_cast %mul3A_337 : i32 to index
          %get3A_405 = tpu.vector_load %arg7[%get3A_403, %get3A_404] {strides = array<i32>} : memref<16x1024xf32, #tpu.memory_space<vmem>>, vector<1x16xf32>,
          %get3A_406 = vector.shape_cast %get3A_405 : vector<1x16xf32> to vector<16xf32>
          %get3A_407 = arith.constant 14 : i32
          %get3A_408 = arith.index_cast %get3A_407 : i32 to index
          %get3A_409 = arith.index_cast %mul3A_337 : i32 to index
          %get3A_410 = tpu.vector_load %arg7[%get3A_408, %get3A_409] {strides = array<i32>} : memref<16x1024xf32, #tpu.memory_space<vmem>>, vector<1x16xf32>,
          %get3A_411 = vector.shape_cast %get3A_410 : vector<1x16xf32> to vector<16xf32>
          %get3A_412 = arith.constant 15 : i32
          %get3A_413 = arith.index_cast %get3A_412 : i32 to index
          %get3A_414 = arith.index_cast %mul3A_337 : i32 to index
          %get3A_415 = tpu.vector_load %arg7[%get3A_413, %get3A_414] {strides = array<i32>} : memref<16x1024xf32, #tpu.memory_space<vmem>>, vector<1x16xf32>,
          %get3A_416 = vector.shape_cast %get3A_415 : vector<1x16xf32> to vector<16xf32>
          %mul3A_417 = arith.constant 2 : i32
          %mul3A_418 = arith.muli %scan3A_330, %mul3A_417 : i32
          %add3A_419 = arith.constant 1 : i32
          %add3A_420 = arith.addi %mul3A_418, %add3A_419 : i32
          %mul3A_421 = arith.constant 16 : i32
          %mul3A_422 = arith.muli %add3A_420, %mul3A_421 : i32
          %get3A_423 = arith.constant 0 : i32
          %get3A_424 = arith.index_cast %get3A_423 : i32 to index
          %get3A_425 = arith.index_cast %mul3A_422 : i32 to index
          %get3A_426 = tpu.vector_load %arg7[%get3A_424, %get3A_425] {strides = array<i32>} : memref<16x1024xf32, #tpu.memory_space<vmem>>, vector<1x16xf32>,
          %get3A_427 = vector.shape_cast %get3A_426 : vector<1x16xf32> to vector<16xf32>
          %get3A_428 = arith.constant 1 : i32
          %get3A_429 = arith.index_cast %get3A_428 : i32 to index
          %get3A_430 = arith.index_cast %mul3A_422 : i32 to index
          %get3A_431 = tpu.vector_load %arg7[%get3A_429, %get3A_430] {strides = array<i32>} : memref<16x1024xf32, #tpu.memory_space<vmem>>, vector<1x16xf32>,
          %get3A_432 = vector.shape_cast %get3A_431 : vector<1x16xf32> to vector<16xf32>
          %get3A_433 = arith.constant 2 : i32
          %get3A_434 = arith.index_cast %get3A_433 : i32 to index
          %get3A_435 = arith.index_cast %mul3A_422 : i32 to index
          %get3A_436 = tpu.vector_load %arg7[%get3A_434, %get3A_435] {strides = array<i32>} : memref<16x1024xf32, #tpu.memory_space<vmem>>, vector<1x16xf32>,
          %get3A_437 = vector.shape_cast %get3A_436 : vector<1x16xf32> to vector<16xf32>
          %get3A_438 = arith.constant 3 : i32
          %get3A_439 = arith.index_cast %get3A_438 : i32 to index
          %get3A_440 = arith.index_cast %mul3A_422 : i32 to index
          %get3A_441 = tpu.vector_load %arg7[%get3A_439, %get3A_440] {strides = array<i32>} : memref<16x1024xf32, #tpu.memory_space<vmem>>, vector<1x16xf32>,
          %get3A_442 = vector.shape_cast %get3A_441 : vector<1x16xf32> to vector<16xf32>
          %get3A_443 = arith.constant 4 : i32
          %get3A_444 = arith.index_cast %get3A_443 : i32 to index
          %get3A_445 = arith.index_cast %mul3A_422 : i32 to index
          %get3A_446 = tpu.vector_load %arg7[%get3A_444, %get3A_445] {strides = array<i32>} : memref<16x1024xf32, #tpu.memory_space<vmem>>, vector<1x16xf32>,
          %get3A_447 = vector.shape_cast %get3A_446 : vector<1x16xf32> to vector<16xf32>
          %get3A_448 = arith.constant 5 : i32
          %get3A_449 = arith.index_cast %get3A_448 : i32 to index
          %get3A_450 = arith.index_cast %mul3A_422 : i32 to index
          %get3A_451 = tpu.vector_load %arg7[%get3A_449, %get3A_450] {strides = array<i32>} : memref<16x1024xf32, #tpu.memory_space<vmem>>, vector<1x16xf32>,
          %get3A_452 = vector.shape_cast %get3A_451 : vector<1x16xf32> to vector<16xf32>
          %get3A_453 = arith.constant 6 : i32
          %get3A_454 = arith.index_cast %get3A_453 : i32 to index
          %get3A_455 = arith.index_cast %mul3A_422 : i32 to index
          %get3A_456 = tpu.vector_load %arg7[%get3A_454, %get3A_455] {strides = array<i32>} : memref<16x1024xf32, #tpu.memory_space<vmem>>, vector<1x16xf32>,
          %get3A_457 = vector.shape_cast %get3A_456 : vector<1x16xf32> to vector<16xf32>
          %get3A_458 = arith.constant 7 : i32
          %get3A_459 = arith.index_cast %get3A_458 : i32 to index
          %get3A_460 = arith.index_cast %mul3A_422 : i32 to index
          %get3A_461 = tpu.vector_load %arg7[%get3A_459, %get3A_460] {strides = array<i32>} : memref<16x1024xf32, #tpu.memory_space<vmem>>, vector<1x16xf32>,
          %get3A_462 = vector.shape_cast %get3A_461 : vector<1x16xf32> to vector<16xf32>
          %get3A_463 = arith.constant 8 : i32
          %get3A_464 = arith.index_cast %get3A_463 : i32 to index
          %get3A_465 = arith.index_cast %mul3A_422 : i32 to index
          %get3A_466 = tpu.vector_load %arg7[%get3A_464, %get3A_465] {strides = array<i32>} : memref<16x1024xf32, #tpu.memory_space<vmem>>, vector<1x16xf32>,
          %get3A_467 = vector.shape_cast %get3A_466 : vector<1x16xf32> to vector<16xf32>
          %get3A_468 = arith.constant 9 : i32
          %get3A_469 = arith.index_cast %get3A_468 : i32 to index
          %get3A_470 = arith.index_cast %mul3A_422 : i32 to index
          %get3A_471 = tpu.vector_load %arg7[%get3A_469, %get3A_470] {strides = array<i32>} : memref<16x1024xf32, #tpu.memory_space<vmem>>, vector<1x16xf32>,
          %get3A_472 = vector.shape_cast %get3A_471 : vector<1x16xf32> to vector<16xf32>
          %get3A_473 = arith.constant 10 : i32
          %get3A_474 = arith.index_cast %get3A_473 : i32 to index
          %get3A_475 = arith.index_cast %mul3A_422 : i32 to index
          %get3A_476 = tpu.vector_load %arg7[%get3A_474, %get3A_475] {strides = array<i32>} : memref<16x1024xf32, #tpu.memory_space<vmem>>, vector<1x16xf32>,
          %get3A_477 = vector.shape_cast %get3A_476 : vector<1x16xf32> to vector<16xf32>
          %get3A_478 = arith.constant 11 : i32
          %get3A_479 = arith.index_cast %get3A_478 : i32 to index
          %get3A_480 = arith.index_cast %mul3A_422 : i32 to index
          %get3A_481 = tpu.vector_load %arg7[%get3A_479, %get3A_480] {strides = array<i32>} : memref<16x1024xf32, #tpu.memory_space<vmem>>, vector<1x16xf32>,
          %get3A_482 = vector.shape_cast %get3A_481 : vector<1x16xf32> to vector<16xf32>
          %get3A_483 = arith.constant 12 : i32
          %get3A_484 = arith.index_cast %get3A_483 : i32 to index
          %get3A_485 = arith.index_cast %mul3A_422 : i32 to index
          %get3A_486 = tpu.vector_load %arg7[%get3A_484, %get3A_485] {strides = array<i32>} : memref<16x1024xf32, #tpu.memory_space<vmem>>, vector<1x16xf32>,
          %get3A_487 = vector.shape_cast %get3A_486 : vector<1x16xf32> to vector<16xf32>
          %get3A_488 = arith.constant 13 : i32
          %get3A_489 = arith.index_cast %get3A_488 : i32 to index
          %get3A_490 = arith.index_cast %mul3A_422 : i32 to index
          %get3A_491 = tpu.vector_load %arg7[%get3A_489, %get3A_490] {strides = array<i32>} : memref<16x1024xf32, #tpu.memory_space<vmem>>, vector<1x16xf32>,
          %get3A_492 = vector.shape_cast %get3A_491 : vector<1x16xf32> to vector<16xf32>
          %get3A_493 = arith.constant 14 : i32
          %get3A_494 = arith.index_cast %get3A_493 : i32 to index
          %get3A_495 = arith.index_cast %mul3A_422 : i32 to index
          %get3A_496 = tpu.vector_load %arg7[%get3A_494, %get3A_495] {strides = array<i32>} : memref<16x1024xf32, #tpu.memory_space<vmem>>, vector<1x16xf32>,
          %get3A_497 = vector.shape_cast %get3A_496 : vector<1x16xf32> to vector<16xf32>
          %get3A_498 = arith.constant 15 : i32
          %get3A_499 = arith.index_cast %get3A_498 : i32 to index
          %get3A_500 = arith.index_cast %mul3A_422 : i32 to index
          %get3A_501 = tpu.vector_load %arg7[%get3A_499, %get3A_500] {strides = array<i32>} : memref<16x1024xf32, #tpu.memory_space<vmem>>, vector<1x16xf32>,
          %get3A_502 = vector.shape_cast %get3A_501 : vector<1x16xf32> to vector<16xf32>
          %swap3A = arith.constant 0 : i32
          %swap3A_503 = arith.index_cast %swap3A : i32 to index
          %swap3A_504 = arith.index_cast %mul3A_337 : i32 to index
          %swap3A_505 = tpu.vector_load %arg9[%swap3A_503, %swap3A_504] {strides = array<i32>} : memref<16x1024xf32, #tpu.memory_space<vmem>>, vector<1x16xf32>,
          %swap3A_506 = vector.shape_cast %swap3A_505 : vector<1x16xf32> to vector<16xf32>
          %swap3A_507 = vector.shape_cast %get3A_341 : vector<16xf32> to vector<1x16xf32>
          tpu.vector_store %arg9[%swap3A_503, %swap3A_504], %swap3A_507 {add = true, strides = array<i32>} : memref<16x1024xf32, #tpu.memory_space<vmem>>, vector<1x16xf32>,
          %swap3A_508 = arith.constant 1 : i32
          %swap3A_509 = arith.index_cast %swap3A_508 : i32 to index
          %swap3A_510 = arith.index_cast %mul3A_337 : i32 to index
          %swap3A_511 = tpu.vector_load %arg9[%swap3A_509, %swap3A_510] {strides = array<i32>} : memref<16x1024xf32, #tpu.memory_space<vmem>>, vector<1x16xf32>,
          %swap3A_512 = vector.shape_cast %swap3A_511 : vector<1x16xf32> to vector<16xf32>
          %swap3A_513 = vector.shape_cast %get3A_346 : vector<16xf32> to vector<1x16xf32>
          tpu.vector_store %arg9[%swap3A_509, %swap3A_510], %swap3A_513 {add = true, strides = array<i32>} : memref<16x1024xf32, #tpu.memory_space<vmem>>, vector<1x16xf32>,
          %swap3A_514 = arith.constant 2 : i32
          %swap3A_515 = arith.index_cast %swap3A_514 : i32 to index
          %swap3A_516 = arith.index_cast %mul3A_337 : i32 to index
          %swap3A_517 = tpu.vector_load %arg9[%swap3A_515, %swap3A_516] {strides = array<i32>} : memref<16x1024xf32, #tpu.memory_space<vmem>>, vector<1x16xf32>,
          %swap3A_518 = vector.shape_cast %swap3A_517 : vector<1x16xf32> to vector<16xf32>
          %swap3A_519 = vector.shape_cast %get3A_351 : vector<16xf32> to vector<1x16xf32>
          tpu.vector_store %arg9[%swap3A_515, %swap3A_516], %swap3A_519 {add = true, strides = array<i32>} : memref<16x1024xf32, #tpu.memory_space<vmem>>, vector<1x16xf32>,
          %swap3A_520 = arith.constant 3 : i32
          %swap3A_521 = arith.index_cast %swap3A_520 : i32 to index
          %swap3A_522 = arith.index_cast %mul3A_337 : i32 to index
          %swap3A_523 = tpu.vector_load %arg9[%swap3A_521, %swap3A_522] {strides = array<i32>} : memref<16x1024xf32, #tpu.memory_space<vmem>>, vector<1x16xf32>,
          %swap3A_524 = vector.shape_cast %swap3A_523 : vector<1x16xf32> to vector<16xf32>
          %swap3A_525 = vector.shape_cast %get3A_356 : vector<16xf32> to vector<1x16xf32>
          tpu.vector_store %arg9[%swap3A_521, %swap3A_522], %swap3A_525 {add = true, strides = array<i32>} : memref<16x1024xf32, #tpu.memory_space<vmem>>, vector<1x16xf32>,
          %swap3A_526 = arith.constant 4 : i32
          %swap3A_527 = arith.index_cast %swap3A_526 : i32 to index
          %swap3A_528 = arith.index_cast %mul3A_337 : i32 to index
          %swap3A_529 = tpu.vector_load %arg9[%swap3A_527, %swap3A_528] {strides = array<i32>} : memref<16x1024xf32, #tpu.memory_space<vmem>>, vector<1x16xf32>,
          %swap3A_530 = vector.shape_cast %swap3A_529 : vector<1x16xf32> to vector<16xf32>
          %swap3A_531 = vector.shape_cast %get3A_361 : vector<16xf32> to vector<1x16xf32>
          tpu.vector_store %arg9[%swap3A_527, %swap3A_528], %swap3A_531 {add = true, strides = array<i32>} : memref<16x1024xf32, #tpu.memory_space<vmem>>, vector<1x16xf32>,
          %swap3A_532 = arith.constant 5 : i32
          %swap3A_533 = arith.index_cast %swap3A_532 : i32 to index
          %swap3A_534 = arith.index_cast %mul3A_337 : i32 to index
          %swap3A_535 = tpu.vector_load %arg9[%swap3A_533, %swap3A_534] {strides = array<i32>} : memref<16x1024xf32, #tpu.memory_space<vmem>>, vector<1x16xf32>,
          %swap3A_536 = vector.shape_cast %swap3A_535 : vector<1x16xf32> to vector<16xf32>
          %swap3A_537 = vector.shape_cast %get3A_366 : vector<16xf32> to vector<1x16xf32>
          tpu.vector_store %arg9[%swap3A_533, %swap3A_534], %swap3A_537 {add = true, strides = array<i32>} : memref<16x1024xf32, #tpu.memory_space<vmem>>, vector<1x16xf32>,
          %swap3A_538 = arith.constant 6 : i32
          %swap3A_539 = arith.index_cast %swap3A_538 : i32 to index
          %swap3A_540 = arith.index_cast %mul3A_337 : i32 to index
          %swap3A_541 = tpu.vector_load %arg9[%swap3A_539, %swap3A_540] {strides = array<i32>} : memref<16x1024xf32, #tpu.memory_space<vmem>>, vector<1x16xf32>,
          %swap3A_542 = vector.shape_cast %swap3A_541 : vector<1x16xf32> to vector<16xf32>
          %swap3A_543 = vector.shape_cast %get3A_371 : vector<16xf32> to vector<1x16xf32>
          tpu.vector_store %arg9[%swap3A_539, %swap3A_540], %swap3A_543 {add = true, strides = array<i32>} : memref<16x1024xf32, #tpu.memory_space<vmem>>, vector<1x16xf32>,
          %swap3A_544 = arith.constant 7 : i32
          %swap3A_545 = arith.index_cast %swap3A_544 : i32 to index
          %swap3A_546 = arith.index_cast %mul3A_337 : i32 to index
          %swap3A_547 = tpu.vector_load %arg9[%swap3A_545, %swap3A_546] {strides = array<i32>} : memref<16x1024xf32, #tpu.memory_space<vmem>>, vector<1x16xf32>,
          %swap3A_548 = vector.shape_cast %swap3A_547 : vector<1x16xf32> to vector<16xf32>
          %swap3A_549 = vector.shape_cast %get3A_376 : vector<16xf32> to vector<1x16xf32>
          tpu.vector_store %arg9[%swap3A_545, %swap3A_546], %swap3A_549 {add = true, strides = array<i32>} : memref<16x1024xf32, #tpu.memory_space<vmem>>, vector<1x16xf32>,
          %swap3A_550 = arith.constant 8 : i32
          %swap3A_551 = arith.index_cast %swap3A_550 : i32 to index
          %swap3A_552 = arith.index_cast %mul3A_337 : i32 to index
          %swap3A_553 = tpu.vector_load %arg9[%swap3A_551, %swap3A_552] {strides = array<i32>} : memref<16x1024xf32, #tpu.memory_space<vmem>>, vector<1x16xf32>,
          %swap3A_554 = vector.shape_cast %swap3A_553 : vector<1x16xf32> to vector<16xf32>
          %swap3A_555 = vector.shape_cast %get3A_381 : vector<16xf32> to vector<1x16xf32>
          tpu.vector_store %arg9[%swap3A_551, %swap3A_552], %swap3A_555 {add = true, strides = array<i32>} : memref<16x1024xf32, #tpu.memory_space<vmem>>, vector<1x16xf32>,
          %swap3A_556 = arith.constant 9 : i32
          %swap3A_557 = arith.index_cast %swap3A_556 : i32 to index
          %swap3A_558 = arith.index_cast %mul3A_337 : i32 to index
          %swap3A_559 = tpu.vector_load %arg9[%swap3A_557, %swap3A_558] {strides = array<i32>} : memref<16x1024xf32, #tpu.memory_space<vmem>>, vector<1x16xf32>,
          %swap3A_560 = vector.shape_cast %swap3A_559 : vector<1x16xf32> to vector<16xf32>
          %swap3A_561 = vector.shape_cast %get3A_386 : vector<16xf32> to vector<1x16xf32>
          tpu.vector_store %arg9[%swap3A_557, %swap3A_558], %swap3A_561 {add = true, strides = array<i32>} : memref<16x1024xf32, #tpu.memory_space<vmem>>, vector<1x16xf32>,
          %swap3A_562 = arith.constant 10 : i32
          %swap3A_563 = arith.index_cast %swap3A_562 : i32 to index
          %swap3A_564 = arith.index_cast %mul3A_337 : i32 to index
          %swap3A_565 = tpu.vector_load %arg9[%swap3A_563, %swap3A_564] {strides = array<i32>} : memref<16x1024xf32, #tpu.memory_space<vmem>>, vector<1x16xf32>,
          %swap3A_566 = vector.shape_cast %swap3A_565 : vector<1x16xf32> to vector<16xf32>
          %swap3A_567 = vector.shape_cast %get3A_391 : vector<16xf32> to vector<1x16xf32>
          tpu.vector_store %arg9[%swap3A_563, %swap3A_564], %swap3A_567 {add = true, strides = array<i32>} : memref<16x1024xf32, #tpu.memory_space<vmem>>, vector<1x16xf32>,
          %swap3A_568 = arith.constant 11 : i32
          %swap3A_569 = arith.index_cast %swap3A_568 : i32 to index
          %swap3A_570 = arith.index_cast %mul3A_337 : i32 to index
          %swap3A_571 = tpu.vector_load %arg9[%swap3A_569, %swap3A_570] {strides = array<i32>} : memref<16x1024xf32, #tpu.memory_space<vmem>>, vector<1x16xf32>,
          %swap3A_572 = vector.shape_cast %swap3A_571 : vector<1x16xf32> to vector<16xf32>
          %swap3A_573 = vector.shape_cast %get3A_396 : vector<16xf32> to vector<1x16xf32>
          tpu.vector_store %arg9[%swap3A_569, %swap3A_570], %swap3A_573 {add = true, strides = array<i32>} : memref<16x1024xf32, #tpu.memory_space<vmem>>, vector<1x16xf32>,
          %swap3A_574 = arith.constant 12 : i32
          %swap3A_575 = arith.index_cast %swap3A_574 : i32 to index
          %swap3A_576 = arith.index_cast %mul3A_337 : i32 to index
          %swap3A_577 = tpu.vector_load %arg9[%swap3A_575, %swap3A_576] {strides = array<i32>} : memref<16x1024xf32, #tpu.memory_space<vmem>>, vector<1x16xf32>,
          %swap3A_578 = vector.shape_cast %swap3A_577 : vector<1x16xf32> to vector<16xf32>
          %swap3A_579 = vector.shape_cast %get3A_401 : vector<16xf32> to vector<1x16xf32>
          tpu.vector_store %arg9[%swap3A_575, %swap3A_576], %swap3A_579 {add = true, strides = array<i32>} : memref<16x1024xf32, #tpu.memory_space<vmem>>, vector<1x16xf32>,
          %swap3A_580 = arith.constant 13 : i32
          %swap3A_581 = arith.index_cast %swap3A_580 : i32 to index
          %swap3A_582 = arith.index_cast %mul3A_337 : i32 to index
          %swap3A_583 = tpu.vector_load %arg9[%swap3A_581, %swap3A_582] {strides = array<i32>} : memref<16x1024xf32, #tpu.memory_space<vmem>>, vector<1x16xf32>,
          %swap3A_584 = vector.shape_cast %swap3A_583 : vector<1x16xf32> to vector<16xf32>
          %swap3A_585 = vector.shape_cast %get3A_406 : vector<16xf32> to vector<1x16xf32>
          tpu.vector_store %arg9[%swap3A_581, %swap3A_582], %swap3A_585 {add = true, strides = array<i32>} : memref<16x1024xf32, #tpu.memory_space<vmem>>, vector<1x16xf32>,
          %swap3A_586 = arith.constant 14 : i32
          %swap3A_587 = arith.index_cast %swap3A_586 : i32 to index
          %swap3A_588 = arith.index_cast %mul3A_337 : i32 to index
          %swap3A_589 = tpu.vector_load %arg9[%swap3A_587, %swap3A_588] {strides = array<i32>} : memref<16x1024xf32, #tpu.memory_space<vmem>>, vector<1x16xf32>,
          %swap3A_590 = vector.shape_cast %swap3A_589 : vector<1x16xf32> to vector<16xf32>
          %swap3A_591 = vector.shape_cast %get3A_411 : vector<16xf32> to vector<1x16xf32>
          tpu.vector_store %arg9[%swap3A_587, %swap3A_588], %swap3A_591 {add = true, strides = array<i32>} : memref<16x1024xf32, #tpu.memory_space<vmem>>, vector<1x16xf32>,
          %swap3A_592 = arith.constant 15 : i32
          %swap3A_593 = arith.index_cast %swap3A_592 : i32 to index
          %swap3A_594 = arith.index_cast %mul3A_337 : i32 to index
          %swap3A_595 = tpu.vector_load %arg9[%swap3A_593, %swap3A_594] {strides = array<i32>} : memref<16x1024xf32, #tpu.memory_space<vmem>>, vector<1x16xf32>,
          %swap3A_596 = vector.shape_cast %swap3A_595 : vector<1x16xf32> to vector<16xf32>
          %swap3A_597 = vector.shape_cast %get3A_416 : vector<16xf32> to vector<1x16xf32>
          tpu.vector_store %arg9[%swap3A_593, %swap3A_594], %swap3A_597 {add = true, strides = array<i32>} : memref<16x1024xf32, #tpu.memory_space<vmem>>, vector<1x16xf32>,
          %swap3A_598 = arith.constant 0 : i32
          %swap3A_599 = arith.index_cast %swap3A_598 : i32 to index
          %swap3A_600 = arith.index_cast %mul3A_422 : i32 to index
          %swap3A_601 = tpu.vector_load %arg9[%swap3A_599, %swap3A_600] {strides = array<i32>} : memref<16x1024xf32, #tpu.memory_space<vmem>>, vector<1x16xf32>,
          %swap3A_602 = vector.shape_cast %swap3A_601 : vector<1x16xf32> to vector<16xf32>
          %swap3A_603 = vector.shape_cast %get3A_427 : vector<16xf32> to vector<1x16xf32>
          tpu.vector_store %arg9[%swap3A_599, %swap3A_600], %swap3A_603 {add = true, strides = array<i32>} : memref<16x1024xf32, #tpu.memory_space<vmem>>, vector<1x16xf32>,
          %swap3A_604 = arith.constant 1 : i32
          %swap3A_605 = arith.index_cast %swap3A_604 : i32 to index
          %swap3A_606 = arith.index_cast %mul3A_422 : i32 to index
          %swap3A_607 = tpu.vector_load %arg9[%swap3A_605, %swap3A_606] {strides = array<i32>} : memref<16x1024xf32, #tpu.memory_space<vmem>>, vector<1x16xf32>,
          %swap3A_608 = vector.shape_cast %swap3A_607 : vector<1x16xf32> to vector<16xf32>
          %swap3A_609 = vector.shape_cast %get3A_432 : vector<16xf32> to vector<1x16xf32>
          tpu.vector_store %arg9[%swap3A_605, %swap3A_606], %swap3A_609 {add = true, strides = array<i32>} : memref<16x1024xf32, #tpu.memory_space<vmem>>, vector<1x16xf32>,
          %swap3A_610 = arith.constant 2 : i32
          %swap3A_611 = arith.index_cast %swap3A_610 : i32 to index
          %swap3A_612 = arith.index_cast %mul3A_422 : i32 to index
          %swap3A_613 = tpu.vector_load %arg9[%swap3A_611, %swap3A_612] {strides = array<i32>} : memref<16x1024xf32, #tpu.memory_space<vmem>>, vector<1x16xf32>,
          %swap3A_614 = vector.shape_cast %swap3A_613 : vector<1x16xf32> to vector<16xf32>
          %swap3A_615 = vector.shape_cast %get3A_437 : vector<16xf32> to vector<1x16xf32>
          tpu.vector_store %arg9[%swap3A_611, %swap3A_612], %swap3A_615 {add = true, strides = array<i32>} : memref<16x1024xf32, #tpu.memory_space<vmem>>, vector<1x16xf32>,
          %swap3A_616 = arith.constant 3 : i32
          %swap3A_617 = arith.index_cast %swap3A_616 : i32 to index
          %swap3A_618 = arith.index_cast %mul3A_422 : i32 to index
          %swap3A_619 = tpu.vector_load %arg9[%swap3A_617, %swap3A_618] {strides = array<i32>} : memref<16x1024xf32, #tpu.memory_space<vmem>>, vector<1x16xf32>,
          %swap3A_620 = vector.shape_cast %swap3A_619 : vector<1x16xf32> to vector<16xf32>
          %swap3A_621 = vector.shape_cast %get3A_442 : vector<16xf32> to vector<1x16xf32>
          tpu.vector_store %arg9[%swap3A_617, %swap3A_618], %swap3A_621 {add = true, strides = array<i32>} : memref<16x1024xf32, #tpu.memory_space<vmem>>, vector<1x16xf32>,
          %swap3A_622 = arith.constant 4 : i32
          %swap3A_623 = arith.index_cast %swap3A_622 : i32 to index
          %swap3A_624 = arith.index_cast %mul3A_422 : i32 to index
          %swap3A_625 = tpu.vector_load %arg9[%swap3A_623, %swap3A_624] {strides = array<i32>} : memref<16x1024xf32, #tpu.memory_space<vmem>>, vector<1x16xf32>,
          %swap3A_626 = vector.shape_cast %swap3A_625 : vector<1x16xf32> to vector<16xf32>
          %swap3A_627 = vector.shape_cast %get3A_447 : vector<16xf32> to vector<1x16xf32>
          tpu.vector_store %arg9[%swap3A_623, %swap3A_624], %swap3A_627 {add = true, strides = array<i32>} : memref<16x1024xf32, #tpu.memory_space<vmem>>, vector<1x16xf32>,
          %swap3A_628 = arith.constant 5 : i32
          %swap3A_629 = arith.index_cast %swap3A_628 : i32 to index
          %swap3A_630 = arith.index_cast %mul3A_422 : i32 to index
          %swap3A_631 = tpu.vector_load %arg9[%swap3A_629, %swap3A_630] {strides = array<i32>} : memref<16x1024xf32, #tpu.memory_space<vmem>>, vector<1x16xf32>,
          %swap3A_632 = vector.shape_cast %swap3A_631 : vector<1x16xf32> to vector<16xf32>
          %swap3A_633 = vector.shape_cast %get3A_452 : vector<16xf32> to vector<1x16xf32>
          tpu.vector_store %arg9[%swap3A_629, %swap3A_630], %swap3A_633 {add = true, strides = array<i32>} : memref<16x1024xf32, #tpu.memory_space<vmem>>, vector<1x16xf32>,
          %swap3A_634 = arith.constant 6 : i32
          %swap3A_635 = arith.index_cast %swap3A_634 : i32 to index
          %swap3A_636 = arith.index_cast %mul3A_422 : i32 to index
          %swap3A_637 = tpu.vector_load %arg9[%swap3A_635, %swap3A_636] {strides = array<i32>} : memref<16x1024xf32, #tpu.memory_space<vmem>>, vector<1x16xf32>,
          %swap3A_638 = vector.shape_cast %swap3A_637 : vector<1x16xf32> to vector<16xf32>
          %swap3A_639 = vector.shape_cast %get3A_457 : vector<16xf32> to vector<1x16xf32>
          tpu.vector_store %arg9[%swap3A_635, %swap3A_636], %swap3A_639 {add = true, strides = array<i32>} : memref<16x1024xf32, #tpu.memory_space<vmem>>, vector<1x16xf32>,
          %swap3A_640 = arith.constant 7 : i32
          %swap3A_641 = arith.index_cast %swap3A_640 : i32 to index
          %swap3A_642 = arith.index_cast %mul3A_422 : i32 to index
          %swap3A_643 = tpu.vector_load %arg9[%swap3A_641, %swap3A_642] {strides = array<i32>} : memref<16x1024xf32, #tpu.memory_space<vmem>>, vector<1x16xf32>,
          %swap3A_644 = vector.shape_cast %swap3A_643 : vector<1x16xf32> to vector<16xf32>
          %swap3A_645 = vector.shape_cast %get3A_462 : vector<16xf32> to vector<1x16xf32>
          tpu.vector_store %arg9[%swap3A_641, %swap3A_642], %swap3A_645 {add = true, strides = array<i32>} : memref<16x1024xf32, #tpu.memory_space<vmem>>, vector<1x16xf32>,
          %swap3A_646 = arith.constant 8 : i32
          %swap3A_647 = arith.index_cast %swap3A_646 : i32 to index
          %swap3A_648 = arith.index_cast %mul3A_422 : i32 to index
          %swap3A_649 = tpu.vector_load %arg9[%swap3A_647, %swap3A_648] {strides = array<i32>} : memref<16x1024xf32, #tpu.memory_space<vmem>>, vector<1x16xf32>,
          %swap3A_650 = vector.shape_cast %swap3A_649 : vector<1x16xf32> to vector<16xf32>
          %swap3A_651 = vector.shape_cast %get3A_467 : vector<16xf32> to vector<1x16xf32>
          tpu.vector_store %arg9[%swap3A_647, %swap3A_648], %swap3A_651 {add = true, strides = array<i32>} : memref<16x1024xf32, #tpu.memory_space<vmem>>, vector<1x16xf32>,
          %swap3A_652 = arith.constant 9 : i32
          %swap3A_653 = arith.index_cast %swap3A_652 : i32 to index
          %swap3A_654 = arith.index_cast %mul3A_422 : i32 to index
          %swap3A_655 = tpu.vector_load %arg9[%swap3A_653, %swap3A_654] {strides = array<i32>} : memref<16x1024xf32, #tpu.memory_space<vmem>>, vector<1x16xf32>,
          %swap3A_656 = vector.shape_cast %swap3A_655 : vector<1x16xf32> to vector<16xf32>
          %swap3A_657 = vector.shape_cast %get3A_472 : vector<16xf32> to vector<1x16xf32>
          tpu.vector_store %arg9[%swap3A_653, %swap3A_654], %swap3A_657 {add = true, strides = array<i32>} : memref<16x1024xf32, #tpu.memory_space<vmem>>, vector<1x16xf32>,
          %swap3A_658 = arith.constant 10 : i32
          %swap3A_659 = arith.index_cast %swap3A_658 : i32 to index
          %swap3A_660 = arith.index_cast %mul3A_422 : i32 to index
          %swap3A_661 = tpu.vector_load %arg9[%swap3A_659, %swap3A_660] {strides = array<i32>} : memref<16x1024xf32, #tpu.memory_space<vmem>>, vector<1x16xf32>,
          %swap3A_662 = vector.shape_cast %swap3A_661 : vector<1x16xf32> to vector<16xf32>
          %swap3A_663 = vector.shape_cast %get3A_477 : vector<16xf32> to vector<1x16xf32>
          tpu.vector_store %arg9[%swap3A_659, %swap3A_660], %swap3A_663 {add = true, strides = array<i32>} : memref<16x1024xf32, #tpu.memory_space<vmem>>, vector<1x16xf32>,
          %swap3A_664 = arith.constant 11 : i32
          %swap3A_665 = arith.index_cast %swap3A_664 : i32 to index
          %swap3A_666 = arith.index_cast %mul3A_422 : i32 to index
          %swap3A_667 = tpu.vector_load %arg9[%swap3A_665, %swap3A_666] {strides = array<i32>} : memref<16x1024xf32, #tpu.memory_space<vmem>>, vector<1x16xf32>,
          %swap3A_668 = vector.shape_cast %swap3A_667 : vector<1x16xf32> to vector<16xf32>
          %swap3A_669 = vector.shape_cast %get3A_482 : vector<16xf32> to vector<1x16xf32>
          tpu.vector_store %arg9[%swap3A_665, %swap3A_666], %swap3A_669 {add = true, strides = array<i32>} : memref<16x1024xf32, #tpu.memory_space<vmem>>, vector<1x16xf32>,
          %swap3A_670 = arith.constant 12 : i32
          %swap3A_671 = arith.index_cast %swap3A_670 : i32 to index
          %swap3A_672 = arith.index_cast %mul3A_422 : i32 to index
          %swap3A_673 = tpu.vector_load %arg9[%swap3A_671, %swap3A_672] {strides = array<i32>} : memref<16x1024xf32, #tpu.memory_space<vmem>>, vector<1x16xf32>,
          %swap3A_674 = vector.shape_cast %swap3A_673 : vector<1x16xf32> to vector<16xf32>
          %swap3A_675 = vector.shape_cast %get3A_487 : vector<16xf32> to vector<1x16xf32>
          tpu.vector_store %arg9[%swap3A_671, %swap3A_672], %swap3A_675 {add = true, strides = array<i32>} : memref<16x1024xf32, #tpu.memory_space<vmem>>, vector<1x16xf32>,
          %swap3A_676 = arith.constant 13 : i32
          %swap3A_677 = arith.index_cast %swap3A_676 : i32 to index
          %swap3A_678 = arith.index_cast %mul3A_422 : i32 to index
          %swap3A_679 = tpu.vector_load %arg9[%swap3A_677, %swap3A_678] {strides = array<i32>} : memref<16x1024xf32, #tpu.memory_space<vmem>>, vector<1x16xf32>,
          %swap3A_680 = vector.shape_cast %swap3A_679 : vector<1x16xf32> to vector<16xf32>
          %swap3A_681 = vector.shape_cast %get3A_492 : vector<16xf32> to vector<1x16xf32>
          tpu.vector_store %arg9[%swap3A_677, %swap3A_678], %swap3A_681 {add = true, strides = array<i32>} : memref<16x1024xf32, #tpu.memory_space<vmem>>, vector<1x16xf32>,
          %swap3A_682 = arith.constant 14 : i32
          %swap3A_683 = arith.index_cast %swap3A_682 : i32 to index
          %swap3A_684 = arith.index_cast %mul3A_422 : i32 to index
          %swap3A_685 = tpu.vector_load %arg9[%swap3A_683, %swap3A_684] {strides = array<i32>} : memref<16x1024xf32, #tpu.memory_space<vmem>>, vector<1x16xf32>,
          %swap3A_686 = vector.shape_cast %swap3A_685 : vector<1x16xf32> to vector<16xf32>
          %swap3A_687 = vector.shape_cast %get3A_497 : vector<16xf32> to vector<1x16xf32>
          tpu.vector_store %arg9[%swap3A_683, %swap3A_684], %swap3A_687 {add = true, strides = array<i32>} : memref<16x1024xf32, #tpu.memory_space<vmem>>, vector<1x16xf32>,
          %swap3A_688 = arith.constant 15 : i32
          %swap3A_689 = arith.index_cast %swap3A_688 : i32 to index
          %swap3A_690 = arith.index_cast %mul3A_422 : i32 to index
          %swap3A_691 = tpu.vector_load %arg9[%swap3A_689, %swap3A_690] {strides = array<i32>} : memref<16x1024xf32, #tpu.memory_space<vmem>>, vector<1x16xf32>,
          %swap3A_692 = vector.shape_cast %swap3A_691 : vector<1x16xf32> to vector<16xf32>
          %swap3A_693 = vector.shape_cast %get3A_502 : vector<16xf32> to vector<1x16xf32>
          tpu.vector_store %arg9[%swap3A_689, %swap3A_690], %swap3A_693 {add = true, strides = array<i32>} : memref<16x1024xf32, #tpu.memory_space<vmem>>, vector<1x16xf32>,
          %scan3A_694 = arith.constant 0 : i32
          scf.yield %scan3A_694 : i32
        }
        %scan3A_318 = arith.constant 32 : i32
        %mul3A_319 = arith.constant 128 : i32
        %mul3A_320 = arith.muli %sub3A_305, %mul3A_319 : i32
        %add3A_321 = arith.addi %mul3A_2, %mul3A_320 : i32
        %mul3A_322 = arith.constant 16 : i32
        %mul3A_323 = arith.muli %scan3A_11, %mul3A_322 : i32
        %add3A_324 = arith.addi %add3A_321, %mul3A_323 : i32
        %dma_start3A_325 = arith.constant 0 : i32
        %dma_start3A_326 = tpu.memref_slice %arg5[%add3A_324, %dma_start3A_325] : memref<524288x1024xf32, #tpu.memory_space<hbm>> -> memref<16x1024xf32, #tpu.memory_space<hbm>>
        %dma_start3A_327 = arith.constant 0 : i32
        %dma_start3A_328 = tpu.memref_slice %arg5[%add3A_324, %dma_start3A_327] : memref<524288x1024xf32, #tpu.memory_space<hbm>> -> memref<16x1024xf32, #tpu.memory_space<hbm>>
        tpu.enqueue_dma source(%arg9 : memref<16x1024xf32, #tpu.memory_space<vmem>>) target(%dma_start3A_328 : memref<16x1024xf32, #tpu.memory_space<hbm>>) target_semaphore(%arg18 : memref<!tpu.dma_semaphore, #tpu.memory_space<semaphore_mem>>)
        %scan3A_329 = arith.constant 0 : i32
        scf.yield %scan3A_329 : i32
      }
      %scan3A_94 = arith.constant 31 : i32
      %dma_wait3A_95 = arith.constant 0 : i32
      %dma_wait3A_96 = arith.constant 0 : i32
      %dma_wait3A_97 = tpu.memref_slice %arg3[%dma_wait3A_95, %dma_wait3A_96] : memref<16384x1024xf32, #tpu.memory_space<hbm>> -> memref<16x1024xf32, #tpu.memory_space<hbm>>
      %dma_wait3A_98 = arith.constant 0 : i32
      %dma_wait3A_99 = arith.constant 0 : i32
      %dma_wait3A_100 = tpu.memref_slice %arg3[%dma_wait3A_98, %dma_wait3A_99] : memref<16384x1024xf32, #tpu.memory_space<hbm>> -> memref<16x1024xf32, #tpu.memory_space<hbm>>
      tpu.wait_dma2 semaphore(%arg15 : memref<!tpu.dma_semaphore, #tpu.memory_space<semaphore_mem>>) src(%dma_wait3A_100 : memref<16x1024xf32, #tpu.memory_space<hbm>>) dst(%arg10 : memref<16x1024xf32, #tpu.memory_space<vmem>>)
      %scan3A_101 = arith.constant 0 : i32
      %scan3A_102 = arith.constant 0 : i32
      %scan3A_103 = arith.constant 32 : i32
      %scan3A_104 = arith.addi %scan3A_102, %scan3A_103 : i32
      %scan3A_105 = arith.constant 1 : i32
      %scan3A_106 = scf.for %scan3A_164 = %scan3A_102 to %scan3A_104 step %scan3A_105 iter_args(%scan3A_165 = %scan3A_101) -> (i32)  : i32 {
        %mul3A_166 = arith.constant 2 : i32
        %mul3A_167 = arith.muli %scan3A_164, %mul3A_166 : i32
        %add3A_168 = arith.constant 0 : i32
        %add3A_169 = arith.addi %mul3A_167, %add3A_168 : i32
        %mul3A_170 = arith.constant 16 : i32
        %mul3A_171 = arith.muli %add3A_169, %mul3A_170 : i32
        %get3A = arith.constant 0 : i32
        %get3A_172 = arith.index_cast %get3A : i32 to index
        %get3A_173 = arith.index_cast %mul3A_171 : i32 to index
        %get3A_174 = tpu.vector_load %arg7[%get3A_172, %get3A_173] {strides = array<i32>} : memref<16x1024xf32, #tpu.memory_space<vmem>>, vector<1x16xf32>,
        %get3A_175 = vector.shape_cast %get3A_174 : vector<1x16xf32> to vector<16xf32>
        %get3A_176 = arith.constant 1 : i32
        %get3A_177 = arith.index_cast %get3A_176 : i32 to index
        %get3A_178 = arith.index_cast %mul3A_171 : i32 to index
        %get3A_179 = tpu.vector_load %arg7[%get3A_177, %get3A_178] {strides = array<i32>} : memref<16x1024xf32, #tpu.memory_space<vmem>>, vector<1x16xf32>,
        %get3A_180 = vector.shape_cast %get3A_179 : vector<1x16xf32> to vector<16xf32>
        %get3A_181 = arith.constant 2 : i32
        %get3A_182 = arith.index_cast %get3A_181 : i32 to index
        %get3A_183 = arith.index_cast %mul3A_171 : i32 to index
        %get3A_184 = tpu.vector_load %arg7[%get3A_182, %get3A_183] {strides = array<i32>} : memref<16x1024xf32, #tpu.memory_space<vmem>>, vector<1x16xf32>,
        %get3A_185 = vector.shape_cast %get3A_184 : vector<1x16xf32> to vector<16xf32>
        %get3A_186 = arith.constant 3 : i32
        %get3A_187 = arith.index_cast %get3A_186 : i32 to index
        %get3A_188 = arith.index_cast %mul3A_171 : i32 to index
        %get3A_189 = tpu.vector_load %arg7[%get3A_187, %get3A_188] {strides = array<i32>} : memref<16x1024xf32, #tpu.memory_space<vmem>>, vector<1x16xf32>,
        %get3A_190 = vector.shape_cast %get3A_189 : vector<1x16xf32> to vector<16xf32>
        %get3A_191 = arith.constant 4 : i32
        %get3A_192 = arith.index_cast %get3A_191 : i32 to index
        %get3A_193 = arith.index_cast %mul3A_171 : i32 to index
        %get3A_194 = tpu.vector_load %arg7[%get3A_192, %get3A_193] {strides = array<i32>} : memref<16x1024xf32, #tpu.memory_space<vmem>>, vector<1x16xf32>,
        %get3A_195 = vector.shape_cast %get3A_194 : vector<1x16xf32> to vector<16xf32>
        %get3A_196 = arith.constant 5 : i32
        %get3A_197 = arith.index_cast %get3A_196 : i32 to index
        %get3A_198 = arith.index_cast %mul3A_171 : i32 to index
        %get3A_199 = tpu.vector_load %arg7[%get3A_197, %get3A_198] {strides = array<i32>} : memref<16x1024xf32, #tpu.memory_space<vmem>>, vector<1x16xf32>,
        %get3A_200 = vector.shape_cast %get3A_199 : vector<1x16xf32> to vector<16xf32>
        %get3A_201 = arith.constant 6 : i32
        %get3A_202 = arith.index_cast %get3A_201 : i32 to index
        %get3A_203 = arith.index_cast %mul3A_171 : i32 to index
        %get3A_204 = tpu.vector_load %arg7[%get3A_202, %get3A_203] {strides = array<i32>} : memref<16x1024xf32, #tpu.memory_space<vmem>>, vector<1x16xf32>,
        %get3A_205 = vector.shape_cast %get3A_204 : vector<1x16xf32> to vector<16xf32>
        %get3A_206 = arith.constant 7 : i32
        %get3A_207 = arith.index_cast %get3A_206 : i32 to index
        %get3A_208 = arith.index_cast %mul3A_171 : i32 to index
        %get3A_209 = tpu.vector_load %arg7[%get3A_207, %get3A_208] {strides = array<i32>} : memref<16x1024xf32, #tpu.memory_space<vmem>>, vector<1x16xf32>,
        %get3A_210 = vector.shape_cast %get3A_209 : vector<1x16xf32> to vector<16xf32>
        %get3A_211 = arith.constant 8 : i32
        %get3A_212 = arith.index_cast %get3A_211 : i32 to index
        %get3A_213 = arith.index_cast %mul3A_171 : i32 to index
        %get3A_214 = tpu.vector_load %arg7[%get3A_212, %get3A_213] {strides = array<i32>} : memref<16x1024xf32, #tpu.memory_space<vmem>>, vector<1x16xf32>,
        %get3A_215 = vector.shape_cast %get3A_214 : vector<1x16xf32> to vector<16xf32>
        %get3A_216 = arith.constant 9 : i32
        %get3A_217 = arith.index_cast %get3A_216 : i32 to index
        %get3A_218 = arith.index_cast %mul3A_171 : i32 to index
        %get3A_219 = tpu.vector_load %arg7[%get3A_217, %get3A_218] {strides = array<i32>} : memref<16x1024xf32, #tpu.memory_space<vmem>>, vector<1x16xf32>,
        %get3A_220 = vector.shape_cast %get3A_219 : vector<1x16xf32> to vector<16xf32>
        %get3A_221 = arith.constant 10 : i32
        %get3A_222 = arith.index_cast %get3A_221 : i32 to index
        %get3A_223 = arith.index_cast %mul3A_171 : i32 to index
        %get3A_224 = tpu.vector_load %arg7[%get3A_222, %get3A_223] {strides = array<i32>} : memref<16x1024xf32, #tpu.memory_space<vmem>>, vector<1x16xf32>,
        %get3A_225 = vector.shape_cast %get3A_224 : vector<1x16xf32> to vector<16xf32>
        %get3A_226 = arith.constant 11 : i32
        %get3A_227 = arith.index_cast %get3A_226 : i32 to index
        %get3A_228 = arith.index_cast %mul3A_171 : i32 to index
        %get3A_229 = tpu.vector_load %arg7[%get3A_227, %get3A_228] {strides = array<i32>} : memref<16x1024xf32, #tpu.memory_space<vmem>>, vector<1x16xf32>,
        %get3A_230 = vector.shape_cast %get3A_229 : vector<1x16xf32> to vector<16xf32>
        %get3A_231 = arith.constant 12 : i32
        %get3A_232 = arith.index_cast %get3A_231 : i32 to index
        %get3A_233 = arith.index_cast %mul3A_171 : i32 to index
        %get3A_234 = tpu.vector_load %arg7[%get3A_232, %get3A_233] {strides = array<i32>} : memref<16x1024xf32, #tpu.memory_space<vmem>>, vector<1x16xf32>,
        %get3A_235 = vector.shape_cast %get3A_234 : vector<1x16xf32> to vector<16xf32>
        %get3A_236 = arith.constant 13 : i32
        %get3A_237 = arith.index_cast %get3A_236 : i32 to index
        %get3A_238 = arith.index_cast %mul3A_171 : i32 to index
        %get3A_239 = tpu.vector_load %arg7[%get3A_237, %get3A_238] {strides = array<i32>} : memref<16x1024xf32, #tpu.memory_space<vmem>>, vector<1x16xf32>,
        %get3A_240 = vector.shape_cast %get3A_239 : vector<1x16xf32> to vector<16xf32>
        %get3A_241 = arith.constant 14 : i32
        %get3A_242 = arith.index_cast %get3A_241 : i32 to index
        %get3A_243 = arith.index_cast %mul3A_171 : i32 to index
        %get3A_244 = tpu.vector_load %arg7[%get3A_242, %get3A_243] {strides = array<i32>} : memref<16x1024xf32, #tpu.memory_space<vmem>>, vector<1x16xf32>,
        %get3A_245 = vector.shape_cast %get3A_244 : vector<1x16xf32> to vector<16xf32>
        %get3A_246 = arith.constant 15 : i32
        %get3A_247 = arith.index_cast %get3A_246 : i32 to index
        %get3A_248 = arith.index_cast %mul3A_171 : i32 to index
        %get3A_249 = tpu.vector_load %arg7[%get3A_247, %get3A_248] {strides = array<i32>} : memref<16x1024xf32, #tpu.memory_space<vmem>>, vector<1x16xf32>,
        %get3A_250 = vector.shape_cast %get3A_249 : vector<1x16xf32> to vector<16xf32>
        %mul3A_251 = arith.constant 2 : i32
        %mul3A_252 = arith.muli %scan3A_164, %mul3A_251 : i32
        %add3A_253 = arith.constant 1 : i32
        %add3A_254 = arith.addi %mul3A_252, %add3A_253 : i32
        %mul3A_255 = arith.constant 16 : i32
        %mul3A_256 = arith.muli %add3A_254, %mul3A_255 : i32
        %get3A_257 = arith.constant 0 : i32
        %get3A_258 = arith.index_cast %get3A_257 : i32 to index
        %get3A_259 = arith.index_cast %mul3A_256 : i32 to index
        %get3A_260 = tpu.vector_load %arg7[%get3A_258, %get3A_259] {strides = array<i32>} : memref<16x1024xf32, #tpu.memory_space<vmem>>, vector<1x16xf32>,
        %get3A_261 = vector.shape_cast %get3A_260 : vector<1x16xf32> to vector<16xf32>
        %get3A_262 = arith.constant 1 : i32
        %get3A_263 = arith.index_cast %get3A_262 : i32 to index
        %get3A_264 = arith.index_cast %mul3A_256 : i32 to index
        %get3A_265 = tpu.vector_load %arg7[%get3A_263, %get3A_264] {strides = array<i32>} : memref<16x1024xf32, #tpu.memory_space<vmem>>, vector<1x16xf32>,
        %get3A_266 = vector.shape_cast %get3A_265 : vector<1x16xf32> to vector<16xf32>
        %get3A_267 = arith.constant 2 : i32
        %get3A_268 = arith.index_cast %get3A_267 : i32 to index
        %get3A_269 = arith.index_cast %mul3A_256 : i32 to index
        %get3A_270 = tpu.vector_load %arg7[%get3A_268, %get3A_269] {strides = array<i32>} : memref<16x1024xf32, #tpu.memory_space<vmem>>, vector<1x16xf32>,
        %get3A_271 = vector.shape_cast %get3A_270 : vector<1x16xf32> to vector<16xf32>
        %get3A_272 = arith.constant 3 : i32
        %get3A_273 = arith.index_cast %get3A_272 : i32 to index
        %get3A_274 = arith.index_cast %mul3A_256 : i32 to index
        %get3A_275 = tpu.vector_load %arg7[%get3A_273, %get3A_274] {strides = array<i32>} : memref<16x1024xf32, #tpu.memory_space<vmem>>, vector<1x16xf32>,
        %get3A_276 = vector.shape_cast %get3A_275 : vector<1x16xf32> to vector<16xf32>
        %get3A_277 = arith.constant 4 : i32
        %get3A_278 = arith.index_cast %get3A_277 : i32 to index
        %get3A_279 = arith.index_cast %mul3A_256 : i32 to index
        %get3A_280 = tpu.vector_load %arg7[%get3A_278, %get3A_279] {strides = array<i32>} : memref<16x1024xf32, #tpu.memory_space<vmem>>, vector<1x16xf32>,
        %get3A_281 = vector.shape_cast %get3A_280 : vector<1x16xf32> to vector<16xf32>
        %get3A_282 = arith.constant 5 : i32
        %get3A_283 = arith.index_cast %get3A_282 : i32 to index
        %get3A_284 = arith.index_cast %mul3A_256 : i32 to index
        %get3A_285 = tpu.vector_load %arg7[%get3A_283, %get3A_284] {strides = array<i32>} : memref<16x1024xf32, #tpu.memory_space<vmem>>, vector<1x16xf32>,
        %get3A_286 = vector.shape_cast %get3A_285 : vector<1x16xf32> to vector<16xf32>
        %get3A_287 = arith.constant 6 : i32
        %get3A_288 = arith.index_cast %get3A_287 : i32 to index
        %get3A_289 = arith.index_cast %mul3A_256 : i32 to index
        %get3A_290 = tpu.vector_load %arg7[%get3A_288, %get3A_289] {strides = array<i32>} : memref<16x1024xf32, #tpu.memory_space<vmem>>, vector<1x16xf32>,
        %get3A_291 = vector.shape_cast %get3A_290 : vector<1x16xf32> to vector<16xf32>
        %get3A_292 = arith.constant 7 : i32
        %get3A_293 = arith.index_cast %get3A_292 : i32 to index
        %get3A_294 = arith.index_cast %mul3A_256 : i32 to index
        %get3A_295 = tpu.vector_load %arg7[%get3A_293, %get3A_294] {strides = array<i32>} : memref<16x1024xf32, #tpu.memory_space<vmem>>, vector<1x16xf32>,
        %get3A_296 = vector.shape_cast %get3A_295 : vector<1x16xf32> to vector<16xf32>
        %get3A_297 = arith.constant 8 : i32
        %get3A_298 = arith.index_cast %get3A_297 : i32 to index
        %get3A_299 = arith.index_cast %mul3A_256 : i32 to index
        %get3A_300 = tpu.vector_load %arg7[%get3A_298, %get3A_299] {strides = array<i32>} : memref<16x1024xf32, #tpu.memory_space<vmem>>, vector<1x16xf32>,
        %get3A_301 = vector.shape_cast %get3A_300 : vector<1x16xf32> to vector<16xf32>
        %get3A_302 = arith.constant 9 : i32
        %get3A_303 = arith.index_cast %get3A_302 : i32 to index
        %get3A_304 = arith.index_cast %mul3A_256 : i32 to index
        %get3A_305 = tpu.vector_load %arg7[%get3A_303, %get3A_304] {strides = array<i32>} : memref<16x1024xf32, #tpu.memory_space<vmem>>, vector<1x16xf32>,
        %get3A_306 = vector.shape_cast %get3A_305 : vector<1x16xf32> to vector<16xf32>
        %get3A_307 = arith.constant 10 : i32
        %get3A_308 = arith.index_cast %get3A_307 : i32 to index
        %get3A_309 = arith.index_cast %mul3A_256 : i32 to index
        %get3A_310 = tpu.vector_load %arg7[%get3A_308, %get3A_309] {strides = array<i32>} : memref<16x1024xf32, #tpu.memory_space<vmem>>, vector<1x16xf32>,
        %get3A_311 = vector.shape_cast %get3A_310 : vector<1x16xf32> to vector<16xf32>
        %get3A_312 = arith.constant 11 : i32
        %get3A_313 = arith.index_cast %get3A_312 : i32 to index
        %get3A_314 = arith.index_cast %mul3A_256 : i32 to index
        %get3A_315 = tpu.vector_load %arg7[%get3A_313, %get3A_314] {strides = array<i32>} : memref<16x1024xf32, #tpu.memory_space<vmem>>, vector<1x16xf32>,
        %get3A_316 = vector.shape_cast %get3A_315 : vector<1x16xf32> to vector<16xf32>
        %get3A_317 = arith.constant 12 : i32
        %get3A_318 = arith.index_cast %get3A_317 : i32 to index
        %get3A_319 = arith.index_cast %mul3A_256 : i32 to index
        %get3A_320 = tpu.vector_load %arg7[%get3A_318, %get3A_319] {strides = array<i32>} : memref<16x1024xf32, #tpu.memory_space<vmem>>, vector<1x16xf32>,
        %get3A_321 = vector.shape_cast %get3A_320 : vector<1x16xf32> to vector<16xf32>
        %get3A_322 = arith.constant 13 : i32
        %get3A_323 = arith.index_cast %get3A_322 : i32 to index
        %get3A_324 = arith.index_cast %mul3A_256 : i32 to index
        %get3A_325 = tpu.vector_load %arg7[%get3A_323, %get3A_324] {strides = array<i32>} : memref<16x1024xf32, #tpu.memory_space<vmem>>, vector<1x16xf32>,
        %get3A_326 = vector.shape_cast %get3A_325 : vector<1x16xf32> to vector<16xf32>
        %get3A_327 = arith.constant 14 : i32
        %get3A_328 = arith.index_cast %get3A_327 : i32 to index
        %get3A_329 = arith.index_cast %mul3A_256 : i32 to index
        %get3A_330 = tpu.vector_load %arg7[%get3A_328, %get3A_329] {strides = array<i32>} : memref<16x1024xf32, #tpu.memory_space<vmem>>, vector<1x16xf32>,
        %get3A_331 = vector.shape_cast %get3A_330 : vector<1x16xf32> to vector<16xf32>
        %get3A_332 = arith.constant 15 : i32
        %get3A_333 = arith.index_cast %get3A_332 : i32 to index
        %get3A_334 = arith.index_cast %mul3A_256 : i32 to index
        %get3A_335 = tpu.vector_load %arg7[%get3A_333, %get3A_334] {strides = array<i32>} : memref<16x1024xf32, #tpu.memory_space<vmem>>, vector<1x16xf32>,
        %get3A_336 = vector.shape_cast %get3A_335 : vector<1x16xf32> to vector<16xf32>
        %swap3A = arith.constant 0 : i32
        %swap3A_337 = arith.index_cast %swap3A : i32 to index
        %swap3A_338 = arith.index_cast %mul3A_171 : i32 to index
        %swap3A_339 = tpu.vector_load %arg10[%swap3A_337, %swap3A_338] {strides = array<i32>} : memref<16x1024xf32, #tpu.memory_space<vmem>>, vector<1x16xf32>,
        %swap3A_340 = vector.shape_cast %swap3A_339 : vector<1x16xf32> to vector<16xf32>
        %swap3A_341 = vector.shape_cast %get3A_175 : vector<16xf32> to vector<1x16xf32>
        tpu.vector_store %arg10[%swap3A_337, %swap3A_338], %swap3A_341 {add = true, strides = array<i32>} : memref<16x1024xf32, #tpu.memory_space<vmem>>, vector<1x16xf32>,
        %swap3A_342 = arith.constant 1 : i32
        %swap3A_343 = arith.index_cast %swap3A_342 : i32 to index
        %swap3A_344 = arith.index_cast %mul3A_171 : i32 to index
        %swap3A_345 = tpu.vector_load %arg10[%swap3A_343, %swap3A_344] {strides = array<i32>} : memref<16x1024xf32, #tpu.memory_space<vmem>>, vector<1x16xf32>,
        %swap3A_346 = vector.shape_cast %swap3A_345 : vector<1x16xf32> to vector<16xf32>
        %swap3A_347 = vector.shape_cast %get3A_180 : vector<16xf32> to vector<1x16xf32>
        tpu.vector_store %arg10[%swap3A_343, %swap3A_344], %swap3A_347 {add = true, strides = array<i32>} : memref<16x1024xf32, #tpu.memory_space<vmem>>, vector<1x16xf32>,
        %swap3A_348 = arith.constant 2 : i32
        %swap3A_349 = arith.index_cast %swap3A_348 : i32 to index
        %swap3A_350 = arith.index_cast %mul3A_171 : i32 to index
        %swap3A_351 = tpu.vector_load %arg10[%swap3A_349, %swap3A_350] {strides = array<i32>} : memref<16x1024xf32, #tpu.memory_space<vmem>>, vector<1x16xf32>,
        %swap3A_352 = vector.shape_cast %swap3A_351 : vector<1x16xf32> to vector<16xf32>
        %swap3A_353 = vector.shape_cast %get3A_185 : vector<16xf32> to vector<1x16xf32>
        tpu.vector_store %arg10[%swap3A_349, %swap3A_350], %swap3A_353 {add = true, strides = array<i32>} : memref<16x1024xf32, #tpu.memory_space<vmem>>, vector<1x16xf32>,
        %swap3A_354 = arith.constant 3 : i32
        %swap3A_355 = arith.index_cast %swap3A_354 : i32 to index
        %swap3A_356 = arith.index_cast %mul3A_171 : i32 to index
        %swap3A_357 = tpu.vector_load %arg10[%swap3A_355, %swap3A_356] {strides = array<i32>} : memref<16x1024xf32, #tpu.memory_space<vmem>>, vector<1x16xf32>,
        %swap3A_358 = vector.shape_cast %swap3A_357 : vector<1x16xf32> to vector<16xf32>
        %swap3A_359 = vector.shape_cast %get3A_190 : vector<16xf32> to vector<1x16xf32>
        tpu.vector_store %arg10[%swap3A_355, %swap3A_356], %swap3A_359 {add = true, strides = array<i32>} : memref<16x1024xf32, #tpu.memory_space<vmem>>, vector<1x16xf32>,
        %swap3A_360 = arith.constant 4 : i32
        %swap3A_361 = arith.index_cast %swap3A_360 : i32 to index
        %swap3A_362 = arith.index_cast %mul3A_171 : i32 to index
        %swap3A_363 = tpu.vector_load %arg10[%swap3A_361, %swap3A_362] {strides = array<i32>} : memref<16x1024xf32, #tpu.memory_space<vmem>>, vector<1x16xf32>,
        %swap3A_364 = vector.shape_cast %swap3A_363 : vector<1x16xf32> to vector<16xf32>
        %swap3A_365 = vector.shape_cast %get3A_195 : vector<16xf32> to vector<1x16xf32>
        tpu.vector_store %arg10[%swap3A_361, %swap3A_362], %swap3A_365 {add = true, strides = array<i32>} : memref<16x1024xf32, #tpu.memory_space<vmem>>, vector<1x16xf32>,
        %swap3A_366 = arith.constant 5 : i32
        %swap3A_367 = arith.index_cast %swap3A_366 : i32 to index
        %swap3A_368 = arith.index_cast %mul3A_171 : i32 to index
        %swap3A_369 = tpu.vector_load %arg10[%swap3A_367, %swap3A_368] {strides = array<i32>} : memref<16x1024xf32, #tpu.memory_space<vmem>>, vector<1x16xf32>,
        %swap3A_370 = vector.shape_cast %swap3A_369 : vector<1x16xf32> to vector<16xf32>
        %swap3A_371 = vector.shape_cast %get3A_200 : vector<16xf32> to vector<1x16xf32>
        tpu.vector_store %arg10[%swap3A_367, %swap3A_368], %swap3A_371 {add = true, strides = array<i32>} : memref<16x1024xf32, #tpu.memory_space<vmem>>, vector<1x16xf32>,
        %swap3A_372 = arith.constant 6 : i32
        %swap3A_373 = arith.index_cast %swap3A_372 : i32 to index
        %swap3A_374 = arith.index_cast %mul3A_171 : i32 to index
        %swap3A_375 = tpu.vector_load %arg10[%swap3A_373, %swap3A_374] {strides = array<i32>} : memref<16x1024xf32, #tpu.memory_space<vmem>>, vector<1x16xf32>,
        %swap3A_376 = vector.shape_cast %swap3A_375 : vector<1x16xf32> to vector<16xf32>
        %swap3A_377 = vector.shape_cast %get3A_205 : vector<16xf32> to vector<1x16xf32>
        tpu.vector_store %arg10[%swap3A_373, %swap3A_374], %swap3A_377 {add = true, strides = array<i32>} : memref<16x1024xf32, #tpu.memory_space<vmem>>, vector<1x16xf32>,
        %swap3A_378 = arith.constant 7 : i32
        %swap3A_379 = arith.index_cast %swap3A_378 : i32 to index
        %swap3A_380 = arith.index_cast %mul3A_171 : i32 to index
        %swap3A_381 = tpu.vector_load %arg10[%swap3A_379, %swap3A_380] {strides = array<i32>} : memref<16x1024xf32, #tpu.memory_space<vmem>>, vector<1x16xf32>,
        %swap3A_382 = vector.shape_cast %swap3A_381 : vector<1x16xf32> to vector<16xf32>
        %swap3A_383 = vector.shape_cast %get3A_210 : vector<16xf32> to vector<1x16xf32>
        tpu.vector_store %arg10[%swap3A_379, %swap3A_380], %swap3A_383 {add = true, strides = array<i32>} : memref<16x1024xf32, #tpu.memory_space<vmem>>, vector<1x16xf32>,
        %swap3A_384 = arith.constant 8 : i32
        %swap3A_385 = arith.index_cast %swap3A_384 : i32 to index
        %swap3A_386 = arith.index_cast %mul3A_171 : i32 to index
        %swap3A_387 = tpu.vector_load %arg10[%swap3A_385, %swap3A_386] {strides = array<i32>} : memref<16x1024xf32, #tpu.memory_space<vmem>>, vector<1x16xf32>,
        %swap3A_388 = vector.shape_cast %swap3A_387 : vector<1x16xf32> to vector<16xf32>
        %swap3A_389 = vector.shape_cast %get3A_215 : vector<16xf32> to vector<1x16xf32>
        tpu.vector_store %arg10[%swap3A_385, %swap3A_386], %swap3A_389 {add = true, strides = array<i32>} : memref<16x1024xf32, #tpu.memory_space<vmem>>, vector<1x16xf32>,
        %swap3A_390 = arith.constant 9 : i32
        %swap3A_391 = arith.index_cast %swap3A_390 : i32 to index
        %swap3A_392 = arith.index_cast %mul3A_171 : i32 to index
        %swap3A_393 = tpu.vector_load %arg10[%swap3A_391, %swap3A_392] {strides = array<i32>} : memref<16x1024xf32, #tpu.memory_space<vmem>>, vector<1x16xf32>,
        %swap3A_394 = vector.shape_cast %swap3A_393 : vector<1x16xf32> to vector<16xf32>
        %swap3A_395 = vector.shape_cast %get3A_220 : vector<16xf32> to vector<1x16xf32>
        tpu.vector_store %arg10[%swap3A_391, %swap3A_392], %swap3A_395 {add = true, strides = array<i32>} : memref<16x1024xf32, #tpu.memory_space<vmem>>, vector<1x16xf32>,
        %swap3A_396 = arith.constant 10 : i32
        %swap3A_397 = arith.index_cast %swap3A_396 : i32 to index
        %swap3A_398 = arith.index_cast %mul3A_171 : i32 to index
        %swap3A_399 = tpu.vector_load %arg10[%swap3A_397, %swap3A_398] {strides = array<i32>} : memref<16x1024xf32, #tpu.memory_space<vmem>>, vector<1x16xf32>,
        %swap3A_400 = vector.shape_cast %swap3A_399 : vector<1x16xf32> to vector<16xf32>
        %swap3A_401 = vector.shape_cast %get3A_225 : vector<16xf32> to vector<1x16xf32>
        tpu.vector_store %arg10[%swap3A_397, %swap3A_398], %swap3A_401 {add = true, strides = array<i32>} : memref<16x1024xf32, #tpu.memory_space<vmem>>, vector<1x16xf32>,
        %swap3A_402 = arith.constant 11 : i32
        %swap3A_403 = arith.index_cast %swap3A_402 : i32 to index
        %swap3A_404 = arith.index_cast %mul3A_171 : i32 to index
        %swap3A_405 = tpu.vector_load %arg10[%swap3A_403, %swap3A_404] {strides = array<i32>} : memref<16x1024xf32, #tpu.memory_space<vmem>>, vector<1x16xf32>,
        %swap3A_406 = vector.shape_cast %swap3A_405 : vector<1x16xf32> to vector<16xf32>
        %swap3A_407 = vector.shape_cast %get3A_230 : vector<16xf32> to vector<1x16xf32>
        tpu.vector_store %arg10[%swap3A_403, %swap3A_404], %swap3A_407 {add = true, strides = array<i32>} : memref<16x1024xf32, #tpu.memory_space<vmem>>, vector<1x16xf32>,
        %swap3A_408 = arith.constant 12 : i32
        %swap3A_409 = arith.index_cast %swap3A_408 : i32 to index
        %swap3A_410 = arith.index_cast %mul3A_171 : i32 to index
        %swap3A_411 = tpu.vector_load %arg10[%swap3A_409, %swap3A_410] {strides = array<i32>} : memref<16x1024xf32, #tpu.memory_space<vmem>>, vector<1x16xf32>,
        %swap3A_412 = vector.shape_cast %swap3A_411 : vector<1x16xf32> to vector<16xf32>
        %swap3A_413 = vector.shape_cast %get3A_235 : vector<16xf32> to vector<1x16xf32>
        tpu.vector_store %arg10[%swap3A_409, %swap3A_410], %swap3A_413 {add = true, strides = array<i32>} : memref<16x1024xf32, #tpu.memory_space<vmem>>, vector<1x16xf32>,
        %swap3A_414 = arith.constant 13 : i32
        %swap3A_415 = arith.index_cast %swap3A_414 : i32 to index
        %swap3A_416 = arith.index_cast %mul3A_171 : i32 to index
        %swap3A_417 = tpu.vector_load %arg10[%swap3A_415, %swap3A_416] {strides = array<i32>} : memref<16x1024xf32, #tpu.memory_space<vmem>>, vector<1x16xf32>,
        %swap3A_418 = vector.shape_cast %swap3A_417 : vector<1x16xf32> to vector<16xf32>
        %swap3A_419 = vector.shape_cast %get3A_240 : vector<16xf32> to vector<1x16xf32>
        tpu.vector_store %arg10[%swap3A_415, %swap3A_416], %swap3A_419 {add = true, strides = array<i32>} : memref<16x1024xf32, #tpu.memory_space<vmem>>, vector<1x16xf32>,
        %swap3A_420 = arith.constant 14 : i32
        %swap3A_421 = arith.index_cast %swap3A_420 : i32 to index
        %swap3A_422 = arith.index_cast %mul3A_171 : i32 to index
        %swap3A_423 = tpu.vector_load %arg10[%swap3A_421, %swap3A_422] {strides = array<i32>} : memref<16x1024xf32, #tpu.memory_space<vmem>>, vector<1x16xf32>,
        %swap3A_424 = vector.shape_cast %swap3A_423 : vector<1x16xf32> to vector<16xf32>
        %swap3A_425 = vector.shape_cast %get3A_245 : vector<16xf32> to vector<1x16xf32>
        tpu.vector_store %arg10[%swap3A_421, %swap3A_422], %swap3A_425 {add = true, strides = array<i32>} : memref<16x1024xf32, #tpu.memory_space<vmem>>, vector<1x16xf32>,
        %swap3A_426 = arith.constant 15 : i32
        %swap3A_427 = arith.index_cast %swap3A_426 : i32 to index
        %swap3A_428 = arith.index_cast %mul3A_171 : i32 to index
        %swap3A_429 = tpu.vector_load %arg10[%swap3A_427, %swap3A_428] {strides = array<i32>} : memref<16x1024xf32, #tpu.memory_space<vmem>>, vector<1x16xf32>,
        %swap3A_430 = vector.shape_cast %swap3A_429 : vector<1x16xf32> to vector<16xf32>
        %swap3A_431 = vector.shape_cast %get3A_250 : vector<16xf32> to vector<1x16xf32>
        tpu.vector_store %arg10[%swap3A_427, %swap3A_428], %swap3A_431 {add = true, strides = array<i32>} : memref<16x1024xf32, #tpu.memory_space<vmem>>, vector<1x16xf32>,
        %swap3A_432 = arith.constant 0 : i32
        %swap3A_433 = arith.index_cast %swap3A_432 : i32 to index
        %swap3A_434 = arith.index_cast %mul3A_256 : i32 to index
        %swap3A_435 = tpu.vector_load %arg10[%swap3A_433, %swap3A_434] {strides = array<i32>} : memref<16x1024xf32, #tpu.memory_space<vmem>>, vector<1x16xf32>,
        %swap3A_436 = vector.shape_cast %swap3A_435 : vector<1x16xf32> to vector<16xf32>
        %swap3A_437 = vector.shape_cast %get3A_261 : vector<16xf32> to vector<1x16xf32>
        tpu.vector_store %arg10[%swap3A_433, %swap3A_434], %swap3A_437 {add = true, strides = array<i32>} : memref<16x1024xf32, #tpu.memory_space<vmem>>, vector<1x16xf32>,
        %swap3A_438 = arith.constant 1 : i32
        %swap3A_439 = arith.index_cast %swap3A_438 : i32 to index
        %swap3A_440 = arith.index_cast %mul3A_256 : i32 to index
        %swap3A_441 = tpu.vector_load %arg10[%swap3A_439, %swap3A_440] {strides = array<i32>} : memref<16x1024xf32, #tpu.memory_space<vmem>>, vector<1x16xf32>,
        %swap3A_442 = vector.shape_cast %swap3A_441 : vector<1x16xf32> to vector<16xf32>
        %swap3A_443 = vector.shape_cast %get3A_266 : vector<16xf32> to vector<1x16xf32>
        tpu.vector_store %arg10[%swap3A_439, %swap3A_440], %swap3A_443 {add = true, strides = array<i32>} : memref<16x1024xf32, #tpu.memory_space<vmem>>, vector<1x16xf32>,
        %swap3A_444 = arith.constant 2 : i32
        %swap3A_445 = arith.index_cast %swap3A_444 : i32 to index
        %swap3A_446 = arith.index_cast %mul3A_256 : i32 to index
        %swap3A_447 = tpu.vector_load %arg10[%swap3A_445, %swap3A_446] {strides = array<i32>} : memref<16x1024xf32, #tpu.memory_space<vmem>>, vector<1x16xf32>,
        %swap3A_448 = vector.shape_cast %swap3A_447 : vector<1x16xf32> to vector<16xf32>
        %swap3A_449 = vector.shape_cast %get3A_271 : vector<16xf32> to vector<1x16xf32>
        tpu.vector_store %arg10[%swap3A_445, %swap3A_446], %swap3A_449 {add = true, strides = array<i32>} : memref<16x1024xf32, #tpu.memory_space<vmem>>, vector<1x16xf32>,
        %swap3A_450 = arith.constant 3 : i32
        %swap3A_451 = arith.index_cast %swap3A_450 : i32 to index
        %swap3A_452 = arith.index_cast %mul3A_256 : i32 to index
        %swap3A_453 = tpu.vector_load %arg10[%swap3A_451, %swap3A_452] {strides = array<i32>} : memref<16x1024xf32, #tpu.memory_space<vmem>>, vector<1x16xf32>,
        %swap3A_454 = vector.shape_cast %swap3A_453 : vector<1x16xf32> to vector<16xf32>
        %swap3A_455 = vector.shape_cast %get3A_276 : vector<16xf32> to vector<1x16xf32>
        tpu.vector_store %arg10[%swap3A_451, %swap3A_452], %swap3A_455 {add = true, strides = array<i32>} : memref<16x1024xf32, #tpu.memory_space<vmem>>, vector<1x16xf32>,
        %swap3A_456 = arith.constant 4 : i32
        %swap3A_457 = arith.index_cast %swap3A_456 : i32 to index
        %swap3A_458 = arith.index_cast %mul3A_256 : i32 to index
        %swap3A_459 = tpu.vector_load %arg10[%swap3A_457, %swap3A_458] {strides = array<i32>} : memref<16x1024xf32, #tpu.memory_space<vmem>>, vector<1x16xf32>,
        %swap3A_460 = vector.shape_cast %swap3A_459 : vector<1x16xf32> to vector<16xf32>
        %swap3A_461 = vector.shape_cast %get3A_281 : vector<16xf32> to vector<1x16xf32>
        tpu.vector_store %arg10[%swap3A_457, %swap3A_458], %swap3A_461 {add = true, strides = array<i32>} : memref<16x1024xf32, #tpu.memory_space<vmem>>, vector<1x16xf32>,
        %swap3A_462 = arith.constant 5 : i32
        %swap3A_463 = arith.index_cast %swap3A_462 : i32 to index
        %swap3A_464 = arith.index_cast %mul3A_256 : i32 to index
        %swap3A_465 = tpu.vector_load %arg10[%swap3A_463, %swap3A_464] {strides = array<i32>} : memref<16x1024xf32, #tpu.memory_space<vmem>>, vector<1x16xf32>,
        %swap3A_466 = vector.shape_cast %swap3A_465 : vector<1x16xf32> to vector<16xf32>
        %swap3A_467 = vector.shape_cast %get3A_286 : vector<16xf32> to vector<1x16xf32>
        tpu.vector_store %arg10[%swap3A_463, %swap3A_464], %swap3A_467 {add = true, strides = array<i32>} : memref<16x1024xf32, #tpu.memory_space<vmem>>, vector<1x16xf32>,
        %swap3A_468 = arith.constant 6 : i32
        %swap3A_469 = arith.index_cast %swap3A_468 : i32 to index
        %swap3A_470 = arith.index_cast %mul3A_256 : i32 to index
        %swap3A_471 = tpu.vector_load %arg10[%swap3A_469, %swap3A_470] {strides = array<i32>} : memref<16x1024xf32, #tpu.memory_space<vmem>>, vector<1x16xf32>,
        %swap3A_472 = vector.shape_cast %swap3A_471 : vector<1x16xf32> to vector<16xf32>
        %swap3A_473 = vector.shape_cast %get3A_291 : vector<16xf32> to vector<1x16xf32>
        tpu.vector_store %arg10[%swap3A_469, %swap3A_470], %swap3A_473 {add = true, strides = array<i32>} : memref<16x1024xf32, #tpu.memory_space<vmem>>, vector<1x16xf32>,
        %swap3A_474 = arith.constant 7 : i32
        %swap3A_475 = arith.index_cast %swap3A_474 : i32 to index
        %swap3A_476 = arith.index_cast %mul3A_256 : i32 to index
        %swap3A_477 = tpu.vector_load %arg10[%swap3A_475, %swap3A_476] {strides = array<i32>} : memref<16x1024xf32, #tpu.memory_space<vmem>>, vector<1x16xf32>,
        %swap3A_478 = vector.shape_cast %swap3A_477 : vector<1x16xf32> to vector<16xf32>
        %swap3A_479 = vector.shape_cast %get3A_296 : vector<16xf32> to vector<1x16xf32>
        tpu.vector_store %arg10[%swap3A_475, %swap3A_476], %swap3A_479 {add = true, strides = array<i32>} : memref<16x1024xf32, #tpu.memory_space<vmem>>, vector<1x16xf32>,
        %swap3A_480 = arith.constant 8 : i32
        %swap3A_481 = arith.index_cast %swap3A_480 : i32 to index
        %swap3A_482 = arith.index_cast %mul3A_256 : i32 to index
        %swap3A_483 = tpu.vector_load %arg10[%swap3A_481, %swap3A_482] {strides = array<i32>} : memref<16x1024xf32, #tpu.memory_space<vmem>>, vector<1x16xf32>,
        %swap3A_484 = vector.shape_cast %swap3A_483 : vector<1x16xf32> to vector<16xf32>
        %swap3A_485 = vector.shape_cast %get3A_301 : vector<16xf32> to vector<1x16xf32>
        tpu.vector_store %arg10[%swap3A_481, %swap3A_482], %swap3A_485 {add = true, strides = array<i32>} : memref<16x1024xf32, #tpu.memory_space<vmem>>, vector<1x16xf32>,
        %swap3A_486 = arith.constant 9 : i32
        %swap3A_487 = arith.index_cast %swap3A_486 : i32 to index
        %swap3A_488 = arith.index_cast %mul3A_256 : i32 to index
        %swap3A_489 = tpu.vector_load %arg10[%swap3A_487, %swap3A_488] {strides = array<i32>} : memref<16x1024xf32, #tpu.memory_space<vmem>>, vector<1x16xf32>,
        %swap3A_490 = vector.shape_cast %swap3A_489 : vector<1x16xf32> to vector<16xf32>
        %swap3A_491 = vector.shape_cast %get3A_306 : vector<16xf32> to vector<1x16xf32>
        tpu.vector_store %arg10[%swap3A_487, %swap3A_488], %swap3A_491 {add = true, strides = array<i32>} : memref<16x1024xf32, #tpu.memory_space<vmem>>, vector<1x16xf32>,
        %swap3A_492 = arith.constant 10 : i32
        %swap3A_493 = arith.index_cast %swap3A_492 : i32 to index
        %swap3A_494 = arith.index_cast %mul3A_256 : i32 to index
        %swap3A_495 = tpu.vector_load %arg10[%swap3A_493, %swap3A_494] {strides = array<i32>} : memref<16x1024xf32, #tpu.memory_space<vmem>>, vector<1x16xf32>,
        %swap3A_496 = vector.shape_cast %swap3A_495 : vector<1x16xf32> to vector<16xf32>
        %swap3A_497 = vector.shape_cast %get3A_311 : vector<16xf32> to vector<1x16xf32>
        tpu.vector_store %arg10[%swap3A_493, %swap3A_494], %swap3A_497 {add = true, strides = array<i32>} : memref<16x1024xf32, #tpu.memory_space<vmem>>, vector<1x16xf32>,
        %swap3A_498 = arith.constant 11 : i32
        %swap3A_499 = arith.index_cast %swap3A_498 : i32 to index
        %swap3A_500 = arith.index_cast %mul3A_256 : i32 to index
        %swap3A_501 = tpu.vector_load %arg10[%swap3A_499, %swap3A_500] {strides = array<i32>} : memref<16x1024xf32, #tpu.memory_space<vmem>>, vector<1x16xf32>,
        %swap3A_502 = vector.shape_cast %swap3A_501 : vector<1x16xf32> to vector<16xf32>
        %swap3A_503 = vector.shape_cast %get3A_316 : vector<16xf32> to vector<1x16xf32>
        tpu.vector_store %arg10[%swap3A_499, %swap3A_500], %swap3A_503 {add = true, strides = array<i32>} : memref<16x1024xf32, #tpu.memory_space<vmem>>, vector<1x16xf32>,
        %swap3A_504 = arith.constant 12 : i32
        %swap3A_505 = arith.index_cast %swap3A_504 : i32 to index
        %swap3A_506 = arith.index_cast %mul3A_256 : i32 to index
        %swap3A_507 = tpu.vector_load %arg10[%swap3A_505, %swap3A_506] {strides = array<i32>} : memref<16x1024xf32, #tpu.memory_space<vmem>>, vector<1x16xf32>,
        %swap3A_508 = vector.shape_cast %swap3A_507 : vector<1x16xf32> to vector<16xf32>
        %swap3A_509 = vector.shape_cast %get3A_321 : vector<16xf32> to vector<1x16xf32>
        tpu.vector_store %arg10[%swap3A_505, %swap3A_506], %swap3A_509 {add = true, strides = array<i32>} : memref<16x1024xf32, #tpu.memory_space<vmem>>, vector<1x16xf32>,
        %swap3A_510 = arith.constant 13 : i32
        %swap3A_511 = arith.index_cast %swap3A_510 : i32 to index
        %swap3A_512 = arith.index_cast %mul3A_256 : i32 to index
        %swap3A_513 = tpu.vector_load %arg10[%swap3A_511, %swap3A_512] {strides = array<i32>} : memref<16x1024xf32, #tpu.memory_space<vmem>>, vector<1x16xf32>,
        %swap3A_514 = vector.shape_cast %swap3A_513 : vector<1x16xf32> to vector<16xf32>
        %swap3A_515 = vector.shape_cast %get3A_326 : vector<16xf32> to vector<1x16xf32>
        tpu.vector_store %arg10[%swap3A_511, %swap3A_512], %swap3A_515 {add = true, strides = array<i32>} : memref<16x1024xf32, #tpu.memory_space<vmem>>, vector<1x16xf32>,
        %swap3A_516 = arith.constant 14 : i32
        %swap3A_517 = arith.index_cast %swap3A_516 : i32 to index
        %swap3A_518 = arith.index_cast %mul3A_256 : i32 to index
        %swap3A_519 = tpu.vector_load %arg10[%swap3A_517, %swap3A_518] {strides = array<i32>} : memref<16x1024xf32, #tpu.memory_space<vmem>>, vector<1x16xf32>,
        %swap3A_520 = vector.shape_cast %swap3A_519 : vector<1x16xf32> to vector<16xf32>
        %swap3A_521 = vector.shape_cast %get3A_331 : vector<16xf32> to vector<1x16xf32>
        tpu.vector_store %arg10[%swap3A_517, %swap3A_518], %swap3A_521 {add = true, strides = array<i32>} : memref<16x1024xf32, #tpu.memory_space<vmem>>, vector<1x16xf32>,
        %swap3A_522 = arith.constant 15 : i32
        %swap3A_523 = arith.index_cast %swap3A_522 : i32 to index
        %swap3A_524 = arith.index_cast %mul3A_256 : i32 to index
        %swap3A_525 = tpu.vector_load %arg10[%swap3A_523, %swap3A_524] {strides = array<i32>} : memref<16x1024xf32, #tpu.memory_space<vmem>>, vector<1x16xf32>,
        %swap3A_526 = vector.shape_cast %swap3A_525 : vector<1x16xf32> to vector<16xf32>
        %swap3A_527 = vector.shape_cast %get3A_336 : vector<16xf32> to vector<1x16xf32>
        tpu.vector_store %arg10[%swap3A_523, %swap3A_524], %swap3A_527 {add = true, strides = array<i32>} : memref<16x1024xf32, #tpu.memory_space<vmem>>, vector<1x16xf32>,
        %scan3A_528 = arith.constant 0 : i32
        scf.yield %scan3A_528 : i32
      }
      %scan3A_107 = arith.constant 32 : i32
      %add3A_108 = arith.constant 16128 : i32
      %add3A_109 = arith.addi %mul3A_2, %add3A_108 : i32
      %mul3A_110 = arith.constant 16 : i32
      %mul3A_111 = arith.muli %scan3A_11, %mul3A_110 : i32
      %add3A_112 = arith.addi %add3A_109, %mul3A_111 : i32
      %dma_start3A_113 = arith.constant 0 : i32
      %dma_start3A_114 = tpu.memref_slice %arg5[%add3A_112, %dma_start3A_113] : memref<524288x1024xf32, #tpu.memory_space<hbm>> -> memref<16x1024xf32, #tpu.memory_space<hbm>>
      %dma_start3A_115 = arith.constant 0 : i32
      %dma_start3A_116 = tpu.memref_slice %arg5[%add3A_112, %dma_start3A_115] : memref<524288x1024xf32, #tpu.memory_space<hbm>> -> memref<16x1024xf32, #tpu.memory_space<hbm>>
      tpu.enqueue_dma source(%arg10 : memref<16x1024xf32, #tpu.memory_space<vmem>>) target(%dma_start3A_116 : memref<16x1024xf32, #tpu.memory_space<hbm>>) target_semaphore(%arg19 : memref<!tpu.dma_semaphore, #tpu.memory_space<semaphore_mem>>)
      %dma_wait3A_117 = arith.constant 0 : i32
      %dma_wait3A_118 = arith.constant 0 : i32
      %dma_wait3A_119 = tpu.memref_slice %arg3[%dma_wait3A_117, %dma_wait3A_118] : memref<16384x1024xf32, #tpu.memory_space<hbm>> -> memref<16x1024xf32, #tpu.memory_space<hbm>>
      %dma_wait3A_120 = arith.constant 0 : i32
      %dma_wait3A_121 = arith.constant 0 : i32
      %dma_wait3A_122 = tpu.memref_slice %arg3[%dma_wait3A_120, %dma_wait3A_121] : memref<16384x1024xf32, #tpu.memory_space<hbm>> -> memref<16x1024xf32, #tpu.memory_space<hbm>>
      tpu.wait_dma2 semaphore(%arg16 : memref<!tpu.dma_semaphore, #tpu.memory_space<semaphore_mem>>) src(%dma_wait3A_122 : memref<16x1024xf32, #tpu.memory_space<hbm>>) dst(%arg11 : memref<16x1024xf32, #tpu.memory_space<vmem>>)
      %scan3A_123 = arith.constant 0 : i32
      %scan3A_124 = arith.constant 0 : i32
      %scan3A_125 = arith.constant 32 : i32
      %scan3A_126 = arith.addi %scan3A_124, %scan3A_125 : i32
      %scan3A_127 = arith.constant 1 : i32
      %scan3A_128 = scf.for %scan3A_164 = %scan3A_124 to %scan3A_126 step %scan3A_127 iter_args(%scan3A_165 = %scan3A_123) -> (i32)  : i32 {
        %mul3A_166 = arith.constant 2 : i32
        %mul3A_167 = arith.muli %scan3A_164, %mul3A_166 : i32
        %add3A_168 = arith.constant 0 : i32
        %add3A_169 = arith.addi %mul3A_167, %add3A_168 : i32
        %mul3A_170 = arith.constant 16 : i32
        %mul3A_171 = arith.muli %add3A_169, %mul3A_170 : i32
        %get3A = arith.constant 0 : i32
        %get3A_172 = arith.index_cast %get3A : i32 to index
        %get3A_173 = arith.index_cast %mul3A_171 : i32 to index
        %get3A_174 = tpu.vector_load %arg7[%get3A_172, %get3A_173] {strides = array<i32>} : memref<16x1024xf32, #tpu.memory_space<vmem>>, vector<1x16xf32>,
        %get3A_175 = vector.shape_cast %get3A_174 : vector<1x16xf32> to vector<16xf32>
        %get3A_176 = arith.constant 1 : i32
        %get3A_177 = arith.index_cast %get3A_176 : i32 to index
        %get3A_178 = arith.index_cast %mul3A_171 : i32 to index
        %get3A_179 = tpu.vector_load %arg7[%get3A_177, %get3A_178] {strides = array<i32>} : memref<16x1024xf32, #tpu.memory_space<vmem>>, vector<1x16xf32>,
        %get3A_180 = vector.shape_cast %get3A_179 : vector<1x16xf32> to vector<16xf32>
        %get3A_181 = arith.constant 2 : i32
        %get3A_182 = arith.index_cast %get3A_181 : i32 to index
        %get3A_183 = arith.index_cast %mul3A_171 : i32 to index
        %get3A_184 = tpu.vector_load %arg7[%get3A_182, %get3A_183] {strides = array<i32>} : memref<16x1024xf32, #tpu.memory_space<vmem>>, vector<1x16xf32>,
        %get3A_185 = vector.shape_cast %get3A_184 : vector<1x16xf32> to vector<16xf32>
        %get3A_186 = arith.constant 3 : i32
        %get3A_187 = arith.index_cast %get3A_186 : i32 to index
        %get3A_188 = arith.index_cast %mul3A_171 : i32 to index
        %get3A_189 = tpu.vector_load %arg7[%get3A_187, %get3A_188] {strides = array<i32>} : memref<16x1024xf32, #tpu.memory_space<vmem>>, vector<1x16xf32>,
        %get3A_190 = vector.shape_cast %get3A_189 : vector<1x16xf32> to vector<16xf32>
        %get3A_191 = arith.constant 4 : i32
        %get3A_192 = arith.index_cast %get3A_191 : i32 to index
        %get3A_193 = arith.index_cast %mul3A_171 : i32 to index
        %get3A_194 = tpu.vector_load %arg7[%get3A_192, %get3A_193] {strides = array<i32>} : memref<16x1024xf32, #tpu.memory_space<vmem>>, vector<1x16xf32>,
        %get3A_195 = vector.shape_cast %get3A_194 : vector<1x16xf32> to vector<16xf32>
        %get3A_196 = arith.constant 5 : i32
        %get3A_197 = arith.index_cast %get3A_196 : i32 to index
        %get3A_198 = arith.index_cast %mul3A_171 : i32 to index
        %get3A_199 = tpu.vector_load %arg7[%get3A_197, %get3A_198] {strides = array<i32>} : memref<16x1024xf32, #tpu.memory_space<vmem>>, vector<1x16xf32>,
        %get3A_200 = vector.shape_cast %get3A_199 : vector<1x16xf32> to vector<16xf32>
        %get3A_201 = arith.constant 6 : i32
        %get3A_202 = arith.index_cast %get3A_201 : i32 to index
        %get3A_203 = arith.index_cast %mul3A_171 : i32 to index
        %get3A_204 = tpu.vector_load %arg7[%get3A_202, %get3A_203] {strides = array<i32>} : memref<16x1024xf32, #tpu.memory_space<vmem>>, vector<1x16xf32>,
        %get3A_205 = vector.shape_cast %get3A_204 : vector<1x16xf32> to vector<16xf32>
        %get3A_206 = arith.constant 7 : i32
        %get3A_207 = arith.index_cast %get3A_206 : i32 to index
        %get3A_208 = arith.index_cast %mul3A_171 : i32 to index
        %get3A_209 = tpu.vector_load %arg7[%get3A_207, %get3A_208] {strides = array<i32>} : memref<16x1024xf32, #tpu.memory_space<vmem>>, vector<1x16xf32>,
        %get3A_210 = vector.shape_cast %get3A_209 : vector<1x16xf32> to vector<16xf32>
        %get3A_211 = arith.constant 8 : i32
        %get3A_212 = arith.index_cast %get3A_211 : i32 to index
        %get3A_213 = arith.index_cast %mul3A_171 : i32 to index
        %get3A_214 = tpu.vector_load %arg7[%get3A_212, %get3A_213] {strides = array<i32>} : memref<16x1024xf32, #tpu.memory_space<vmem>>, vector<1x16xf32>,
        %get3A_215 = vector.shape_cast %get3A_214 : vector<1x16xf32> to vector<16xf32>
        %get3A_216 = arith.constant 9 : i32
        %get3A_217 = arith.index_cast %get3A_216 : i32 to index
        %get3A_218 = arith.index_cast %mul3A_171 : i32 to index
        %get3A_219 = tpu.vector_load %arg7[%get3A_217, %get3A_218] {strides = array<i32>} : memref<16x1024xf32, #tpu.memory_space<vmem>>, vector<1x16xf32>,
        %get3A_220 = vector.shape_cast %get3A_219 : vector<1x16xf32> to vector<16xf32>
        %get3A_221 = arith.constant 10 : i32
        %get3A_222 = arith.index_cast %get3A_221 : i32 to index
        %get3A_223 = arith.index_cast %mul3A_171 : i32 to index
        %get3A_224 = tpu.vector_load %arg7[%get3A_222, %get3A_223] {strides = array<i32>} : memref<16x1024xf32, #tpu.memory_space<vmem>>, vector<1x16xf32>,
        %get3A_225 = vector.shape_cast %get3A_224 : vector<1x16xf32> to vector<16xf32>
        %get3A_226 = arith.constant 11 : i32
        %get3A_227 = arith.index_cast %get3A_226 : i32 to index
        %get3A_228 = arith.index_cast %mul3A_171 : i32 to index
        %get3A_229 = tpu.vector_load %arg7[%get3A_227, %get3A_228] {strides = array<i32>} : memref<16x1024xf32, #tpu.memory_space<vmem>>, vector<1x16xf32>,
        %get3A_230 = vector.shape_cast %get3A_229 : vector<1x16xf32> to vector<16xf32>
        %get3A_231 = arith.constant 12 : i32
        %get3A_232 = arith.index_cast %get3A_231 : i32 to index
        %get3A_233 = arith.index_cast %mul3A_171 : i32 to index
        %get3A_234 = tpu.vector_load %arg7[%get3A_232, %get3A_233] {strides = array<i32>} : memref<16x1024xf32, #tpu.memory_space<vmem>>, vector<1x16xf32>,
        %get3A_235 = vector.shape_cast %get3A_234 : vector<1x16xf32> to vector<16xf32>
        %get3A_236 = arith.constant 13 : i32
        %get3A_237 = arith.index_cast %get3A_236 : i32 to index
        %get3A_238 = arith.index_cast %mul3A_171 : i32 to index
        %get3A_239 = tpu.vector_load %arg7[%get3A_237, %get3A_238] {strides = array<i32>} : memref<16x1024xf32, #tpu.memory_space<vmem>>, vector<1x16xf32>,
        %get3A_240 = vector.shape_cast %get3A_239 : vector<1x16xf32> to vector<16xf32>
        %get3A_241 = arith.constant 14 : i32
        %get3A_242 = arith.index_cast %get3A_241 : i32 to index
        %get3A_243 = arith.index_cast %mul3A_171 : i32 to index
        %get3A_244 = tpu.vector_load %arg7[%get3A_242, %get3A_243] {strides = array<i32>} : memref<16x1024xf32, #tpu.memory_space<vmem>>, vector<1x16xf32>,
        %get3A_245 = vector.shape_cast %get3A_244 : vector<1x16xf32> to vector<16xf32>
        %get3A_246 = arith.constant 15 : i32
        %get3A_247 = arith.index_cast %get3A_246 : i32 to index
        %get3A_248 = arith.index_cast %mul3A_171 : i32 to index
        %get3A_249 = tpu.vector_load %arg7[%get3A_247, %get3A_248] {strides = array<i32>} : memref<16x1024xf32, #tpu.memory_space<vmem>>, vector<1x16xf32>,
        %get3A_250 = vector.shape_cast %get3A_249 : vector<1x16xf32> to vector<16xf32>
        %mul3A_251 = arith.constant 2 : i32
        %mul3A_252 = arith.muli %scan3A_164, %mul3A_251 : i32
        %add3A_253 = arith.constant 1 : i32
        %add3A_254 = arith.addi %mul3A_252, %add3A_253 : i32
        %mul3A_255 = arith.constant 16 : i32
        %mul3A_256 = arith.muli %add3A_254, %mul3A_255 : i32
        %get3A_257 = arith.constant 0 : i32
        %get3A_258 = arith.index_cast %get3A_257 : i32 to index
        %get3A_259 = arith.index_cast %mul3A_256 : i32 to index
        %get3A_260 = tpu.vector_load %arg7[%get3A_258, %get3A_259] {strides = array<i32>} : memref<16x1024xf32, #tpu.memory_space<vmem>>, vector<1x16xf32>,
        %get3A_261 = vector.shape_cast %get3A_260 : vector<1x16xf32> to vector<16xf32>
        %get3A_262 = arith.constant 1 : i32
        %get3A_263 = arith.index_cast %get3A_262 : i32 to index
        %get3A_264 = arith.index_cast %mul3A_256 : i32 to index
        %get3A_265 = tpu.vector_load %arg7[%get3A_263, %get3A_264] {strides = array<i32>} : memref<16x1024xf32, #tpu.memory_space<vmem>>, vector<1x16xf32>,
        %get3A_266 = vector.shape_cast %get3A_265 : vector<1x16xf32> to vector<16xf32>
        %get3A_267 = arith.constant 2 : i32
        %get3A_268 = arith.index_cast %get3A_267 : i32 to index
        %get3A_269 = arith.index_cast %mul3A_256 : i32 to index
        %get3A_270 = tpu.vector_load %arg7[%get3A_268, %get3A_269] {strides = array<i32>} : memref<16x1024xf32, #tpu.memory_space<vmem>>, vector<1x16xf32>,
        %get3A_271 = vector.shape_cast %get3A_270 : vector<1x16xf32> to vector<16xf32>
        %get3A_272 = arith.constant 3 : i32
        %get3A_273 = arith.index_cast %get3A_272 : i32 to index
        %get3A_274 = arith.index_cast %mul3A_256 : i32 to index
        %get3A_275 = tpu.vector_load %arg7[%get3A_273, %get3A_274] {strides = array<i32>} : memref<16x1024xf32, #tpu.memory_space<vmem>>, vector<1x16xf32>,
        %get3A_276 = vector.shape_cast %get3A_275 : vector<1x16xf32> to vector<16xf32>
        %get3A_277 = arith.constant 4 : i32
        %get3A_278 = arith.index_cast %get3A_277 : i32 to index
        %get3A_279 = arith.index_cast %mul3A_256 : i32 to index
        %get3A_280 = tpu.vector_load %arg7[%get3A_278, %get3A_279] {strides = array<i32>} : memref<16x1024xf32, #tpu.memory_space<vmem>>, vector<1x16xf32>,
        %get3A_281 = vector.shape_cast %get3A_280 : vector<1x16xf32> to vector<16xf32>
        %get3A_282 = arith.constant 5 : i32
        %get3A_283 = arith.index_cast %get3A_282 : i32 to index
        %get3A_284 = arith.index_cast %mul3A_256 : i32 to index
        %get3A_285 = tpu.vector_load %arg7[%get3A_283, %get3A_284] {strides = array<i32>} : memref<16x1024xf32, #tpu.memory_space<vmem>>, vector<1x16xf32>,
        %get3A_286 = vector.shape_cast %get3A_285 : vector<1x16xf32> to vector<16xf32>
        %get3A_287 = arith.constant 6 : i32
        %get3A_288 = arith.index_cast %get3A_287 : i32 to index
        %get3A_289 = arith.index_cast %mul3A_256 : i32 to index
        %get3A_290 = tpu.vector_load %arg7[%get3A_288, %get3A_289] {strides = array<i32>} : memref<16x1024xf32, #tpu.memory_space<vmem>>, vector<1x16xf32>,
        %get3A_291 = vector.shape_cast %get3A_290 : vector<1x16xf32> to vector<16xf32>
        %get3A_292 = arith.constant 7 : i32
        %get3A_293 = arith.index_cast %get3A_292 : i32 to index
        %get3A_294 = arith.index_cast %mul3A_256 : i32 to index
        %get3A_295 = tpu.vector_load %arg7[%get3A_293, %get3A_294] {strides = array<i32>} : memref<16x1024xf32, #tpu.memory_space<vmem>>, vector<1x16xf32>,
        %get3A_296 = vector.shape_cast %get3A_295 : vector<1x16xf32> to vector<16xf32>
        %get3A_297 = arith.constant 8 : i32
        %get3A_298 = arith.index_cast %get3A_297 : i32 to index
        %get3A_299 = arith.index_cast %mul3A_256 : i32 to index
        %get3A_300 = tpu.vector_load %arg7[%get3A_298, %get3A_299] {strides = array<i32>} : memref<16x1024xf32, #tpu.memory_space<vmem>>, vector<1x16xf32>,
        %get3A_301 = vector.shape_cast %get3A_300 : vector<1x16xf32> to vector<16xf32>
        %get3A_302 = arith.constant 9 : i32
        %get3A_303 = arith.index_cast %get3A_302 : i32 to index
        %get3A_304 = arith.index_cast %mul3A_256 : i32 to index
        %get3A_305 = tpu.vector_load %arg7[%get3A_303, %get3A_304] {strides = array<i32>} : memref<16x1024xf32, #tpu.memory_space<vmem>>, vector<1x16xf32>,
        %get3A_306 = vector.shape_cast %get3A_305 : vector<1x16xf32> to vector<16xf32>
        %get3A_307 = arith.constant 10 : i32
        %get3A_308 = arith.index_cast %get3A_307 : i32 to index
        %get3A_309 = arith.index_cast %mul3A_256 : i32 to index
        %get3A_310 = tpu.vector_load %arg7[%get3A_308, %get3A_309] {strides = array<i32>} : memref<16x1024xf32, #tpu.memory_space<vmem>>, vector<1x16xf32>,
        %get3A_311 = vector.shape_cast %get3A_310 : vector<1x16xf32> to vector<16xf32>
        %get3A_312 = arith.constant 11 : i32
        %get3A_313 = arith.index_cast %get3A_312 : i32 to index
        %get3A_314 = arith.index_cast %mul3A_256 : i32 to index
        %get3A_315 = tpu.vector_load %arg7[%get3A_313, %get3A_314] {strides = array<i32>} : memref<16x1024xf32, #tpu.memory_space<vmem>>, vector<1x16xf32>,
        %get3A_316 = vector.shape_cast %get3A_315 : vector<1x16xf32> to vector<16xf32>
        %get3A_317 = arith.constant 12 : i32
        %get3A_318 = arith.index_cast %get3A_317 : i32 to index
        %get3A_319 = arith.index_cast %mul3A_256 : i32 to index
        %get3A_320 = tpu.vector_load %arg7[%get3A_318, %get3A_319] {strides = array<i32>} : memref<16x1024xf32, #tpu.memory_space<vmem>>, vector<1x16xf32>,
        %get3A_321 = vector.shape_cast %get3A_320 : vector<1x16xf32> to vector<16xf32>
        %get3A_322 = arith.constant 13 : i32
        %get3A_323 = arith.index_cast %get3A_322 : i32 to index
        %get3A_324 = arith.index_cast %mul3A_256 : i32 to index
        %get3A_325 = tpu.vector_load %arg7[%get3A_323, %get3A_324] {strides = array<i32>} : memref<16x1024xf32, #tpu.memory_space<vmem>>, vector<1x16xf32>,
        %get3A_326 = vector.shape_cast %get3A_325 : vector<1x16xf32> to vector<16xf32>
        %get3A_327 = arith.constant 14 : i32
        %get3A_328 = arith.index_cast %get3A_327 : i32 to index
        %get3A_329 = arith.index_cast %mul3A_256 : i32 to index
        %get3A_330 = tpu.vector_load %arg7[%get3A_328, %get3A_329] {strides = array<i32>} : memref<16x1024xf32, #tpu.memory_space<vmem>>, vector<1x16xf32>,
        %get3A_331 = vector.shape_cast %get3A_330 : vector<1x16xf32> to vector<16xf32>
        %get3A_332 = arith.constant 15 : i32
        %get3A_333 = arith.index_cast %get3A_332 : i32 to index
        %get3A_334 = arith.index_cast %mul3A_256 : i32 to index
        %get3A_335 = tpu.vector_load %arg7[%get3A_333, %get3A_334] {strides = array<i32>} : memref<16x1024xf32, #tpu.memory_space<vmem>>, vector<1x16xf32>,
        %get3A_336 = vector.shape_cast %get3A_335 : vector<1x16xf32> to vector<16xf32>
        %swap3A = arith.constant 0 : i32
        %swap3A_337 = arith.index_cast %swap3A : i32 to index
        %swap3A_338 = arith.index_cast %mul3A_171 : i32 to index
        %swap3A_339 = tpu.vector_load %arg11[%swap3A_337, %swap3A_338] {strides = array<i32>} : memref<16x1024xf32, #tpu.memory_space<vmem>>, vector<1x16xf32>,
        %swap3A_340 = vector.shape_cast %swap3A_339 : vector<1x16xf32> to vector<16xf32>
        %swap3A_341 = vector.shape_cast %get3A_175 : vector<16xf32> to vector<1x16xf32>
        tpu.vector_store %arg11[%swap3A_337, %swap3A_338], %swap3A_341 {add = true, strides = array<i32>} : memref<16x1024xf32, #tpu.memory_space<vmem>>, vector<1x16xf32>,
        %swap3A_342 = arith.constant 1 : i32
        %swap3A_343 = arith.index_cast %swap3A_342 : i32 to index
        %swap3A_344 = arith.index_cast %mul3A_171 : i32 to index
        %swap3A_345 = tpu.vector_load %arg11[%swap3A_343, %swap3A_344] {strides = array<i32>} : memref<16x1024xf32, #tpu.memory_space<vmem>>, vector<1x16xf32>,
        %swap3A_346 = vector.shape_cast %swap3A_345 : vector<1x16xf32> to vector<16xf32>
        %swap3A_347 = vector.shape_cast %get3A_180 : vector<16xf32> to vector<1x16xf32>
        tpu.vector_store %arg11[%swap3A_343, %swap3A_344], %swap3A_347 {add = true, strides = array<i32>} : memref<16x1024xf32, #tpu.memory_space<vmem>>, vector<1x16xf32>,
        %swap3A_348 = arith.constant 2 : i32
        %swap3A_349 = arith.index_cast %swap3A_348 : i32 to index
        %swap3A_350 = arith.index_cast %mul3A_171 : i32 to index
        %swap3A_351 = tpu.vector_load %arg11[%swap3A_349, %swap3A_350] {strides = array<i32>} : memref<16x1024xf32, #tpu.memory_space<vmem>>, vector<1x16xf32>,
        %swap3A_352 = vector.shape_cast %swap3A_351 : vector<1x16xf32> to vector<16xf32>
        %swap3A_353 = vector.shape_cast %get3A_185 : vector<16xf32> to vector<1x16xf32>
        tpu.vector_store %arg11[%swap3A_349, %swap3A_350], %swap3A_353 {add = true, strides = array<i32>} : memref<16x1024xf32, #tpu.memory_space<vmem>>, vector<1x16xf32>,
        %swap3A_354 = arith.constant 3 : i32
        %swap3A_355 = arith.index_cast %swap3A_354 : i32 to index
        %swap3A_356 = arith.index_cast %mul3A_171 : i32 to index
        %swap3A_357 = tpu.vector_load %arg11[%swap3A_355, %swap3A_356] {strides = array<i32>} : memref<16x1024xf32, #tpu.memory_space<vmem>>, vector<1x16xf32>,
        %swap3A_358 = vector.shape_cast %swap3A_357 : vector<1x16xf32> to vector<16xf32>
        %swap3A_359 = vector.shape_cast %get3A_190 : vector<16xf32> to vector<1x16xf32>
        tpu.vector_store %arg11[%swap3A_355, %swap3A_356], %swap3A_359 {add = true, strides = array<i32>} : memref<16x1024xf32, #tpu.memory_space<vmem>>, vector<1x16xf32>,
        %swap3A_360 = arith.constant 4 : i32
        %swap3A_361 = arith.index_cast %swap3A_360 : i32 to index
        %swap3A_362 = arith.index_cast %mul3A_171 : i32 to index
        %swap3A_363 = tpu.vector_load %arg11[%swap3A_361, %swap3A_362] {strides = array<i32>} : memref<16x1024xf32, #tpu.memory_space<vmem>>, vector<1x16xf32>,
        %swap3A_364 = vector.shape_cast %swap3A_363 : vector<1x16xf32> to vector<16xf32>
        %swap3A_365 = vector.shape_cast %get3A_195 : vector<16xf32> to vector<1x16xf32>
        tpu.vector_store %arg11[%swap3A_361, %swap3A_362], %swap3A_365 {add = true, strides = array<i32>} : memref<16x1024xf32, #tpu.memory_space<vmem>>, vector<1x16xf32>,
        %swap3A_366 = arith.constant 5 : i32
        %swap3A_367 = arith.index_cast %swap3A_366 : i32 to index
        %swap3A_368 = arith.index_cast %mul3A_171 : i32 to index
        %swap3A_369 = tpu.vector_load %arg11[%swap3A_367, %swap3A_368] {strides = array<i32>} : memref<16x1024xf32, #tpu.memory_space<vmem>>, vector<1x16xf32>,
        %swap3A_370 = vector.shape_cast %swap3A_369 : vector<1x16xf32> to vector<16xf32>
        %swap3A_371 = vector.shape_cast %get3A_200 : vector<16xf32> to vector<1x16xf32>
        tpu.vector_store %arg11[%swap3A_367, %swap3A_368], %swap3A_371 {add = true, strides = array<i32>} : memref<16x1024xf32, #tpu.memory_space<vmem>>, vector<1x16xf32>,
        %swap3A_372 = arith.constant 6 : i32
        %swap3A_373 = arith.index_cast %swap3A_372 : i32 to index
        %swap3A_374 = arith.index_cast %mul3A_171 : i32 to index
        %swap3A_375 = tpu.vector_load %arg11[%swap3A_373, %swap3A_374] {strides = array<i32>} : memref<16x1024xf32, #tpu.memory_space<vmem>>, vector<1x16xf32>,
        %swap3A_376 = vector.shape_cast %swap3A_375 : vector<1x16xf32> to vector<16xf32>
        %swap3A_377 = vector.shape_cast %get3A_205 : vector<16xf32> to vector<1x16xf32>
        tpu.vector_store %arg11[%swap3A_373, %swap3A_374], %swap3A_377 {add = true, strides = array<i32>} : memref<16x1024xf32, #tpu.memory_space<vmem>>, vector<1x16xf32>,
        %swap3A_378 = arith.constant 7 : i32
        %swap3A_379 = arith.index_cast %swap3A_378 : i32 to index
        %swap3A_380 = arith.index_cast %mul3A_171 : i32 to index
        %swap3A_381 = tpu.vector_load %arg11[%swap3A_379, %swap3A_380] {strides = array<i32>} : memref<16x1024xf32, #tpu.memory_space<vmem>>, vector<1x16xf32>,
        %swap3A_382 = vector.shape_cast %swap3A_381 : vector<1x16xf32> to vector<16xf32>
        %swap3A_383 = vector.shape_cast %get3A_210 : vector<16xf32> to vector<1x16xf32>
        tpu.vector_store %arg11[%swap3A_379, %swap3A_380], %swap3A_383 {add = true, strides = array<i32>} : memref<16x1024xf32, #tpu.memory_space<vmem>>, vector<1x16xf32>,
        %swap3A_384 = arith.constant 8 : i32
        %swap3A_385 = arith.index_cast %swap3A_384 : i32 to index
        %swap3A_386 = arith.index_cast %mul3A_171 : i32 to index
        %swap3A_387 = tpu.vector_load %arg11[%swap3A_385, %swap3A_386] {strides = array<i32>} : memref<16x1024xf32, #tpu.memory_space<vmem>>, vector<1x16xf32>,
        %swap3A_388 = vector.shape_cast %swap3A_387 : vector<1x16xf32> to vector<16xf32>
        %swap3A_389 = vector.shape_cast %get3A_215 : vector<16xf32> to vector<1x16xf32>
        tpu.vector_store %arg11[%swap3A_385, %swap3A_386], %swap3A_389 {add = true, strides = array<i32>} : memref<16x1024xf32, #tpu.memory_space<vmem>>, vector<1x16xf32>,
        %swap3A_390 = arith.constant 9 : i32
        %swap3A_391 = arith.index_cast %swap3A_390 : i32 to index
        %swap3A_392 = arith.index_cast %mul3A_171 : i32 to index
        %swap3A_393 = tpu.vector_load %arg11[%swap3A_391, %swap3A_392] {strides = array<i32>} : memref<16x1024xf32, #tpu.memory_space<vmem>>, vector<1x16xf32>,
        %swap3A_394 = vector.shape_cast %swap3A_393 : vector<1x16xf32> to vector<16xf32>
        %swap3A_395 = vector.shape_cast %get3A_220 : vector<16xf32> to vector<1x16xf32>
        tpu.vector_store %arg11[%swap3A_391, %swap3A_392], %swap3A_395 {add = true, strides = array<i32>} : memref<16x1024xf32, #tpu.memory_space<vmem>>, vector<1x16xf32>,
        %swap3A_396 = arith.constant 10 : i32
        %swap3A_397 = arith.index_cast %swap3A_396 : i32 to index
        %swap3A_398 = arith.index_cast %mul3A_171 : i32 to index
        %swap3A_399 = tpu.vector_load %arg11[%swap3A_397, %swap3A_398] {strides = array<i32>} : memref<16x1024xf32, #tpu.memory_space<vmem>>, vector<1x16xf32>,
        %swap3A_400 = vector.shape_cast %swap3A_399 : vector<1x16xf32> to vector<16xf32>
        %swap3A_401 = vector.shape_cast %get3A_225 : vector<16xf32> to vector<1x16xf32>
        tpu.vector_store %arg11[%swap3A_397, %swap3A_398], %swap3A_401 {add = true, strides = array<i32>} : memref<16x1024xf32, #tpu.memory_space<vmem>>, vector<1x16xf32>,
        %swap3A_402 = arith.constant 11 : i32
        %swap3A_403 = arith.index_cast %swap3A_402 : i32 to index
        %swap3A_404 = arith.index_cast %mul3A_171 : i32 to index
        %swap3A_405 = tpu.vector_load %arg11[%swap3A_403, %swap3A_404] {strides = array<i32>} : memref<16x1024xf32, #tpu.memory_space<vmem>>, vector<1x16xf32>,
        %swap3A_406 = vector.shape_cast %swap3A_405 : vector<1x16xf32> to vector<16xf32>
        %swap3A_407 = vector.shape_cast %get3A_230 : vector<16xf32> to vector<1x16xf32>
        tpu.vector_store %arg11[%swap3A_403, %swap3A_404], %swap3A_407 {add = true, strides = array<i32>} : memref<16x1024xf32, #tpu.memory_space<vmem>>, vector<1x16xf32>,
        %swap3A_408 = arith.constant 12 : i32
        %swap3A_409 = arith.index_cast %swap3A_408 : i32 to index
        %swap3A_410 = arith.index_cast %mul3A_171 : i32 to index
        %swap3A_411 = tpu.vector_load %arg11[%swap3A_409, %swap3A_410] {strides = array<i32>} : memref<16x1024xf32, #tpu.memory_space<vmem>>, vector<1x16xf32>,
        %swap3A_412 = vector.shape_cast %swap3A_411 : vector<1x16xf32> to vector<16xf32>
        %swap3A_413 = vector.shape_cast %get3A_235 : vector<16xf32> to vector<1x16xf32>
        tpu.vector_store %arg11[%swap3A_409, %swap3A_410], %swap3A_413 {add = true, strides = array<i32>} : memref<16x1024xf32, #tpu.memory_space<vmem>>, vector<1x16xf32>,
        %swap3A_414 = arith.constant 13 : i32
        %swap3A_415 = arith.index_cast %swap3A_414 : i32 to index
        %swap3A_416 = arith.index_cast %mul3A_171 : i32 to index
        %swap3A_417 = tpu.vector_load %arg11[%swap3A_415, %swap3A_416] {strides = array<i32>} : memref<16x1024xf32, #tpu.memory_space<vmem>>, vector<1x16xf32>,
        %swap3A_418 = vector.shape_cast %swap3A_417 : vector<1x16xf32> to vector<16xf32>
        %swap3A_419 = vector.shape_cast %get3A_240 : vector<16xf32> to vector<1x16xf32>
        tpu.vector_store %arg11[%swap3A_415, %swap3A_416], %swap3A_419 {add = true, strides = array<i32>} : memref<16x1024xf32, #tpu.memory_space<vmem>>, vector<1x16xf32>,
        %swap3A_420 = arith.constant 14 : i32
        %swap3A_421 = arith.index_cast %swap3A_420 : i32 to index
        %swap3A_422 = arith.index_cast %mul3A_171 : i32 to index
        %swap3A_423 = tpu.vector_load %arg11[%swap3A_421, %swap3A_422] {strides = array<i32>} : memref<16x1024xf32, #tpu.memory_space<vmem>>, vector<1x16xf32>,
        %swap3A_424 = vector.shape_cast %swap3A_423 : vector<1x16xf32> to vector<16xf32>
        %swap3A_425 = vector.shape_cast %get3A_245 : vector<16xf32> to vector<1x16xf32>
        tpu.vector_store %arg11[%swap3A_421, %swap3A_422], %swap3A_425 {add = true, strides = array<i32>} : memref<16x1024xf32, #tpu.memory_space<vmem>>, vector<1x16xf32>,
        %swap3A_426 = arith.constant 15 : i32
        %swap3A_427 = arith.index_cast %swap3A_426 : i32 to index
        %swap3A_428 = arith.index_cast %mul3A_171 : i32 to index
        %swap3A_429 = tpu.vector_load %arg11[%swap3A_427, %swap3A_428] {strides = array<i32>} : memref<16x1024xf32, #tpu.memory_space<vmem>>, vector<1x16xf32>,
        %swap3A_430 = vector.shape_cast %swap3A_429 : vector<1x16xf32> to vector<16xf32>
        %swap3A_431 = vector.shape_cast %get3A_250 : vector<16xf32> to vector<1x16xf32>
        tpu.vector_store %arg11[%swap3A_427, %swap3A_428], %swap3A_431 {add = true, strides = array<i32>} : memref<16x1024xf32, #tpu.memory_space<vmem>>, vector<1x16xf32>,
        %swap3A_432 = arith.constant 0 : i32
        %swap3A_433 = arith.index_cast %swap3A_432 : i32 to index
        %swap3A_434 = arith.index_cast %mul3A_256 : i32 to index
        %swap3A_435 = tpu.vector_load %arg11[%swap3A_433, %swap3A_434] {strides = array<i32>} : memref<16x1024xf32, #tpu.memory_space<vmem>>, vector<1x16xf32>,
        %swap3A_436 = vector.shape_cast %swap3A_435 : vector<1x16xf32> to vector<16xf32>
        %swap3A_437 = vector.shape_cast %get3A_261 : vector<16xf32> to vector<1x16xf32>
        tpu.vector_store %arg11[%swap3A_433, %swap3A_434], %swap3A_437 {add = true, strides = array<i32>} : memref<16x1024xf32, #tpu.memory_space<vmem>>, vector<1x16xf32>,
        %swap3A_438 = arith.constant 1 : i32
        %swap3A_439 = arith.index_cast %swap3A_438 : i32 to index
        %swap3A_440 = arith.index_cast %mul3A_256 : i32 to index
        %swap3A_441 = tpu.vector_load %arg11[%swap3A_439, %swap3A_440] {strides = array<i32>} : memref<16x1024xf32, #tpu.memory_space<vmem>>, vector<1x16xf32>,
        %swap3A_442 = vector.shape_cast %swap3A_441 : vector<1x16xf32> to vector<16xf32>
        %swap3A_443 = vector.shape_cast %get3A_266 : vector<16xf32> to vector<1x16xf32>
        tpu.vector_store %arg11[%swap3A_439, %swap3A_440], %swap3A_443 {add = true, strides = array<i32>} : memref<16x1024xf32, #tpu.memory_space<vmem>>, vector<1x16xf32>,
        %swap3A_444 = arith.constant 2 : i32
        %swap3A_445 = arith.index_cast %swap3A_444 : i32 to index
        %swap3A_446 = arith.index_cast %mul3A_256 : i32 to index
        %swap3A_447 = tpu.vector_load %arg11[%swap3A_445, %swap3A_446] {strides = array<i32>} : memref<16x1024xf32, #tpu.memory_space<vmem>>, vector<1x16xf32>,
        %swap3A_448 = vector.shape_cast %swap3A_447 : vector<1x16xf32> to vector<16xf32>
        %swap3A_449 = vector.shape_cast %get3A_271 : vector<16xf32> to vector<1x16xf32>
        tpu.vector_store %arg11[%swap3A_445, %swap3A_446], %swap3A_449 {add = true, strides = array<i32>} : memref<16x1024xf32, #tpu.memory_space<vmem>>, vector<1x16xf32>,
        %swap3A_450 = arith.constant 3 : i32
        %swap3A_451 = arith.index_cast %swap3A_450 : i32 to index
        %swap3A_452 = arith.index_cast %mul3A_256 : i32 to index
        %swap3A_453 = tpu.vector_load %arg11[%swap3A_451, %swap3A_452] {strides = array<i32>} : memref<16x1024xf32, #tpu.memory_space<vmem>>, vector<1x16xf32>,
        %swap3A_454 = vector.shape_cast %swap3A_453 : vector<1x16xf32> to vector<16xf32>
        %swap3A_455 = vector.shape_cast %get3A_276 : vector<16xf32> to vector<1x16xf32>
        tpu.vector_store %arg11[%swap3A_451, %swap3A_452], %swap3A_455 {add = true, strides = array<i32>} : memref<16x1024xf32, #tpu.memory_space<vmem>>, vector<1x16xf32>,
        %swap3A_456 = arith.constant 4 : i32
        %swap3A_457 = arith.index_cast %swap3A_456 : i32 to index
        %swap3A_458 = arith.index_cast %mul3A_256 : i32 to index
        %swap3A_459 = tpu.vector_load %arg11[%swap3A_457, %swap3A_458] {strides = array<i32>} : memref<16x1024xf32, #tpu.memory_space<vmem>>, vector<1x16xf32>,
        %swap3A_460 = vector.shape_cast %swap3A_459 : vector<1x16xf32> to vector<16xf32>
        %swap3A_461 = vector.shape_cast %get3A_281 : vector<16xf32> to vector<1x16xf32>
        tpu.vector_store %arg11[%swap3A_457, %swap3A_458], %swap3A_461 {add = true, strides = array<i32>} : memref<16x1024xf32, #tpu.memory_space<vmem>>, vector<1x16xf32>,
        %swap3A_462 = arith.constant 5 : i32
        %swap3A_463 = arith.index_cast %swap3A_462 : i32 to index
        %swap3A_464 = arith.index_cast %mul3A_256 : i32 to index
        %swap3A_465 = tpu.vector_load %arg11[%swap3A_463, %swap3A_464] {strides = array<i32>} : memref<16x1024xf32, #tpu.memory_space<vmem>>, vector<1x16xf32>,
        %swap3A_466 = vector.shape_cast %swap3A_465 : vector<1x16xf32> to vector<16xf32>
        %swap3A_467 = vector.shape_cast %get3A_286 : vector<16xf32> to vector<1x16xf32>
        tpu.vector_store %arg11[%swap3A_463, %swap3A_464], %swap3A_467 {add = true, strides = array<i32>} : memref<16x1024xf32, #tpu.memory_space<vmem>>, vector<1x16xf32>,
        %swap3A_468 = arith.constant 6 : i32
        %swap3A_469 = arith.index_cast %swap3A_468 : i32 to index
        %swap3A_470 = arith.index_cast %mul3A_256 : i32 to index
        %swap3A_471 = tpu.vector_load %arg11[%swap3A_469, %swap3A_470] {strides = array<i32>} : memref<16x1024xf32, #tpu.memory_space<vmem>>, vector<1x16xf32>,
        %swap3A_472 = vector.shape_cast %swap3A_471 : vector<1x16xf32> to vector<16xf32>
        %swap3A_473 = vector.shape_cast %get3A_291 : vector<16xf32> to vector<1x16xf32>
        tpu.vector_store %arg11[%swap3A_469, %swap3A_470], %swap3A_473 {add = true, strides = array<i32>} : memref<16x1024xf32, #tpu.memory_space<vmem>>, vector<1x16xf32>,
        %swap3A_474 = arith.constant 7 : i32
        %swap3A_475 = arith.index_cast %swap3A_474 : i32 to index
        %swap3A_476 = arith.index_cast %mul3A_256 : i32 to index
        %swap3A_477 = tpu.vector_load %arg11[%swap3A_475, %swap3A_476] {strides = array<i32>} : memref<16x1024xf32, #tpu.memory_space<vmem>>, vector<1x16xf32>,
        %swap3A_478 = vector.shape_cast %swap3A_477 : vector<1x16xf32> to vector<16xf32>
        %swap3A_479 = vector.shape_cast %get3A_296 : vector<16xf32> to vector<1x16xf32>
        tpu.vector_store %arg11[%swap3A_475, %swap3A_476], %swap3A_479 {add = true, strides = array<i32>} : memref<16x1024xf32, #tpu.memory_space<vmem>>, vector<1x16xf32>,
        %swap3A_480 = arith.constant 8 : i32
        %swap3A_481 = arith.index_cast %swap3A_480 : i32 to index
        %swap3A_482 = arith.index_cast %mul3A_256 : i32 to index
        %swap3A_483 = tpu.vector_load %arg11[%swap3A_481, %swap3A_482] {strides = array<i32>} : memref<16x1024xf32, #tpu.memory_space<vmem>>, vector<1x16xf32>,
        %swap3A_484 = vector.shape_cast %swap3A_483 : vector<1x16xf32> to vector<16xf32>
        %swap3A_485 = vector.shape_cast %get3A_301 : vector<16xf32> to vector<1x16xf32>
        tpu.vector_store %arg11[%swap3A_481, %swap3A_482], %swap3A_485 {add = true, strides = array<i32>} : memref<16x1024xf32, #tpu.memory_space<vmem>>, vector<1x16xf32>,
        %swap3A_486 = arith.constant 9 : i32
        %swap3A_487 = arith.index_cast %swap3A_486 : i32 to index
        %swap3A_488 = arith.index_cast %mul3A_256 : i32 to index
        %swap3A_489 = tpu.vector_load %arg11[%swap3A_487, %swap3A_488] {strides = array<i32>} : memref<16x1024xf32, #tpu.memory_space<vmem>>, vector<1x16xf32>,
        %swap3A_490 = vector.shape_cast %swap3A_489 : vector<1x16xf32> to vector<16xf32>
        %swap3A_491 = vector.shape_cast %get3A_306 : vector<16xf32> to vector<1x16xf32>
        tpu.vector_store %arg11[%swap3A_487, %swap3A_488], %swap3A_491 {add = true, strides = array<i32>} : memref<16x1024xf32, #tpu.memory_space<vmem>>, vector<1x16xf32>,
        %swap3A_492 = arith.constant 10 : i32
        %swap3A_493 = arith.index_cast %swap3A_492 : i32 to index
        %swap3A_494 = arith.index_cast %mul3A_256 : i32 to index
        %swap3A_495 = tpu.vector_load %arg11[%swap3A_493, %swap3A_494] {strides = array<i32>} : memref<16x1024xf32, #tpu.memory_space<vmem>>, vector<1x16xf32>,
        %swap3A_496 = vector.shape_cast %swap3A_495 : vector<1x16xf32> to vector<16xf32>
        %swap3A_497 = vector.shape_cast %get3A_311 : vector<16xf32> to vector<1x16xf32>
        tpu.vector_store %arg11[%swap3A_493, %swap3A_494], %swap3A_497 {add = true, strides = array<i32>} : memref<16x1024xf32, #tpu.memory_space<vmem>>, vector<1x16xf32>,
        %swap3A_498 = arith.constant 11 : i32
        %swap3A_499 = arith.index_cast %swap3A_498 : i32 to index
        %swap3A_500 = arith.index_cast %mul3A_256 : i32 to index
        %swap3A_501 = tpu.vector_load %arg11[%swap3A_499, %swap3A_500] {strides = array<i32>} : memref<16x1024xf32, #tpu.memory_space<vmem>>, vector<1x16xf32>,
        %swap3A_502 = vector.shape_cast %swap3A_501 : vector<1x16xf32> to vector<16xf32>
        %swap3A_503 = vector.shape_cast %get3A_316 : vector<16xf32> to vector<1x16xf32>
        tpu.vector_store %arg11[%swap3A_499, %swap3A_500], %swap3A_503 {add = true, strides = array<i32>} : memref<16x1024xf32, #tpu.memory_space<vmem>>, vector<1x16xf32>,
        %swap3A_504 = arith.constant 12 : i32
        %swap3A_505 = arith.index_cast %swap3A_504 : i32 to index
        %swap3A_506 = arith.index_cast %mul3A_256 : i32 to index
        %swap3A_507 = tpu.vector_load %arg11[%swap3A_505, %swap3A_506] {strides = array<i32>} : memref<16x1024xf32, #tpu.memory_space<vmem>>, vector<1x16xf32>,
        %swap3A_508 = vector.shape_cast %swap3A_507 : vector<1x16xf32> to vector<16xf32>
        %swap3A_509 = vector.shape_cast %get3A_321 : vector<16xf32> to vector<1x16xf32>
        tpu.vector_store %arg11[%swap3A_505, %swap3A_506], %swap3A_509 {add = true, strides = array<i32>} : memref<16x1024xf32, #tpu.memory_space<vmem>>, vector<1x16xf32>,
        %swap3A_510 = arith.constant 13 : i32
        %swap3A_511 = arith.index_cast %swap3A_510 : i32 to index
        %swap3A_512 = arith.index_cast %mul3A_256 : i32 to index
        %swap3A_513 = tpu.vector_load %arg11[%swap3A_511, %swap3A_512] {strides = array<i32>} : memref<16x1024xf32, #tpu.memory_space<vmem>>, vector<1x16xf32>,
        %swap3A_514 = vector.shape_cast %swap3A_513 : vector<1x16xf32> to vector<16xf32>
        %swap3A_515 = vector.shape_cast %get3A_326 : vector<16xf32> to vector<1x16xf32>
        tpu.vector_store %arg11[%swap3A_511, %swap3A_512], %swap3A_515 {add = true, strides = array<i32>} : memref<16x1024xf32, #tpu.memory_space<vmem>>, vector<1x16xf32>,
        %swap3A_516 = arith.constant 14 : i32
        %swap3A_517 = arith.index_cast %swap3A_516 : i32 to index
        %swap3A_518 = arith.index_cast %mul3A_256 : i32 to index
        %swap3A_519 = tpu.vector_load %arg11[%swap3A_517, %swap3A_518] {strides = array<i32>} : memref<16x1024xf32, #tpu.memory_space<vmem>>, vector<1x16xf32>,
        %swap3A_520 = vector.shape_cast %swap3A_519 : vector<1x16xf32> to vector<16xf32>
        %swap3A_521 = vector.shape_cast %get3A_331 : vector<16xf32> to vector<1x16xf32>
        tpu.vector_store %arg11[%swap3A_517, %swap3A_518], %swap3A_521 {add = true, strides = array<i32>} : memref<16x1024xf32, #tpu.memory_space<vmem>>, vector<1x16xf32>,
        %swap3A_522 = arith.constant 15 : i32
        %swap3A_523 = arith.index_cast %swap3A_522 : i32 to index
        %swap3A_524 = arith.index_cast %mul3A_256 : i32 to index
        %swap3A_525 = tpu.vector_load %arg11[%swap3A_523, %swap3A_524] {strides = array<i32>} : memref<16x1024xf32, #tpu.memory_space<vmem>>, vector<1x16xf32>,
        %swap3A_526 = vector.shape_cast %swap3A_525 : vector<1x16xf32> to vector<16xf32>
        %swap3A_527 = vector.shape_cast %get3A_336 : vector<16xf32> to vector<1x16xf32>
        tpu.vector_store %arg11[%swap3A_523, %swap3A_524], %swap3A_527 {add = true, strides = array<i32>} : memref<16x1024xf32, #tpu.memory_space<vmem>>, vector<1x16xf32>,
        %scan3A_528 = arith.constant 0 : i32
        scf.yield %scan3A_528 : i32
      }
      %scan3A_129 = arith.constant 32 : i32
      %add3A_130 = arith.constant 16256 : i32
      %add3A_131 = arith.addi %mul3A_2, %add3A_130 : i32
      %mul3A_132 = arith.constant 16 : i32
      %mul3A_133 = arith.muli %scan3A_11, %mul3A_132 : i32
      %add3A_134 = arith.addi %add3A_131, %mul3A_133 : i32
      %dma_start3A_135 = arith.constant 0 : i32
      %dma_start3A_136 = tpu.memref_slice %arg5[%add3A_134, %dma_start3A_135] : memref<524288x1024xf32, #tpu.memory_space<hbm>> -> memref<16x1024xf32, #tpu.memory_space<hbm>>
      %dma_start3A_137 = arith.constant 0 : i32
      %dma_start3A_138 = tpu.memref_slice %arg5[%add3A_134, %dma_start3A_137] : memref<524288x1024xf32, #tpu.memory_space<hbm>> -> memref<16x1024xf32, #tpu.memory_space<hbm>>
      tpu.enqueue_dma source(%arg11 : memref<16x1024xf32, #tpu.memory_space<vmem>>) target(%dma_start3A_138 : memref<16x1024xf32, #tpu.memory_space<hbm>>) target_semaphore(%arg20 : memref<!tpu.dma_semaphore, #tpu.memory_space<semaphore_mem>>)
      %dma_wait3A_139 = arith.constant 0 : i32
      %dma_wait3A_140 = arith.constant 0 : i32
      %dma_wait3A_141 = tpu.memref_slice %arg5[%dma_wait3A_139, %dma_wait3A_140] : memref<524288x1024xf32, #tpu.memory_space<hbm>> -> memref<16x1024xf32, #tpu.memory_space<hbm>>
      %dma_wait3A_142 = arith.constant 0 : i32
      %dma_wait3A_143 = arith.constant 0 : i32
      %dma_wait3A_144 = tpu.memref_slice %arg5[%dma_wait3A_142, %dma_wait3A_143] : memref<524288x1024xf32, #tpu.memory_space<hbm>> -> memref<16x1024xf32, #tpu.memory_space<hbm>>
      tpu.wait_dma2 semaphore(%arg17 : memref<!tpu.dma_semaphore, #tpu.memory_space<semaphore_mem>>) src(%arg8 : memref<16x1024xf32, #tpu.memory_space<vmem>>) dst(%dma_wait3A_144 : memref<16x1024xf32, #tpu.memory_space<hbm>>)
      %dma_wait3A_145 = arith.constant 0 : i32
      %dma_wait3A_146 = arith.constant 0 : i32
      %dma_wait3A_147 = tpu.memref_slice %arg5[%dma_wait3A_145, %dma_wait3A_146] : memref<524288x1024xf32, #tpu.memory_space<hbm>> -> memref<16x1024xf32, #tpu.memory_space<hbm>>
      %dma_wait3A_148 = arith.constant 0 : i32
      %dma_wait3A_149 = arith.constant 0 : i32
      %dma_wait3A_150 = tpu.memref_slice %arg5[%dma_wait3A_148, %dma_wait3A_149] : memref<524288x1024xf32, #tpu.memory_space<hbm>> -> memref<16x1024xf32, #tpu.memory_space<hbm>>
      tpu.wait_dma2 semaphore(%arg18 : memref<!tpu.dma_semaphore, #tpu.memory_space<semaphore_mem>>) src(%arg9 : memref<16x1024xf32, #tpu.memory_space<vmem>>) dst(%dma_wait3A_150 : memref<16x1024xf32, #tpu.memory_space<hbm>>)
      %dma_wait3A_151 = arith.constant 0 : i32
      %dma_wait3A_152 = arith.constant 0 : i32
      %dma_wait3A_153 = tpu.memref_slice %arg5[%dma_wait3A_151, %dma_wait3A_152] : memref<524288x1024xf32, #tpu.memory_space<hbm>> -> memref<16x1024xf32, #tpu.memory_space<hbm>>
      %dma_wait3A_154 = arith.constant 0 : i32
      %dma_wait3A_155 = arith.constant 0 : i32
      %dma_wait3A_156 = tpu.memref_slice %arg5[%dma_wait3A_154, %dma_wait3A_155] : memref<524288x1024xf32, #tpu.memory_space<hbm>> -> memref<16x1024xf32, #tpu.memory_space<hbm>>
      tpu.wait_dma2 semaphore(%arg19 : memref<!tpu.dma_semaphore, #tpu.memory_space<semaphore_mem>>) src(%arg10 : memref<16x1024xf32, #tpu.memory_space<vmem>>) dst(%dma_wait3A_156 : memref<16x1024xf32, #tpu.memory_space<hbm>>)
      %dma_wait3A_157 = arith.constant 0 : i32
      %dma_wait3A_158 = arith.constant 0 : i32
      %dma_wait3A_159 = tpu.memref_slice %arg5[%dma_wait3A_157, %dma_wait3A_158] : memref<524288x1024xf32, #tpu.memory_space<hbm>> -> memref<16x1024xf32, #tpu.memory_space<hbm>>
      %dma_wait3A_160 = arith.constant 0 : i32
      %dma_wait3A_161 = arith.constant 0 : i32
      %dma_wait3A_162 = tpu.memref_slice %arg5[%dma_wait3A_160, %dma_wait3A_161] : memref<524288x1024xf32, #tpu.memory_space<hbm>> -> memref<16x1024xf32, #tpu.memory_space<hbm>>
      tpu.wait_dma2 semaphore(%arg20 : memref<!tpu.dma_semaphore, #tpu.memory_space<semaphore_mem>>) src(%arg11 : memref<16x1024xf32, #tpu.memory_space<vmem>>) dst(%dma_wait3A_162 : memref<16x1024xf32, #tpu.memory_space<hbm>>)
      %scan3A_163 = arith.constant 0 : i32
      scf.yield %scan3A_163 : i32
    }
    %scan3A_10 = arith.constant 8 : i32
    return
  }
}

</mosaic_0001>

<sc_bundles>
// kernel: _run.3.cloned.1.call-start
scs
__scs_entry_jumppad:
0x0: {  	(pc) =	sbr.rel $0x88, $3  }
0x1: {  	(tag) =	ssettag $0x0;
	lr =	simm.s32 $0x1  }
0x2: {  	[smem:$0x3F9E] =	sst lr;
	_ =	strace $0xD0000000  }
0x3: {  	_ = 	snop  }
0x4: {  	_ = 	snop  }
0x5: {  	_ = 	snop  }
0x6: {  	_ = 	snop  }
0x7: {  	_ = 	snop  }
__scs_overlays_trampoline_lowered:
0x8: {  	[smem:$0x3FAD] =	sst s0  }
0x9: {  	[smem:$0x3FAE] =	sst s1  }
0xa: {  	[smem:$0x3FAF] =	sst s2  }
0xb: {  	[smem:$0x3FB0] =	sst s3  }
0xc: {  	[smem:$0x3FB1] =	sst s4  }
0xd: {  	[smem:$0x3FB2] =	sst s5  }
0xe: {  	[smem:$0x3FB3] =	sst s6  }
0xf: {  	[smem:$0x3FB4] =	sst s7  }
0x10: {  	[smem:$0x3FB5] =	sst s8  }
0x11: {  	[smem:$0x3FB6] =	sst s9;
	s0 =	simm.s32 @!p0 $0x0  }
0x12: {  	s1 =	sld [smem:$0x3F9C];
	s0 =	simm.s32 @p0 $0x1  }
0x13: {  	[smem:$0x3FB7] =	sst s0;
	s0 =	simm.s32 @!p1 $0x0  }
0x14: {  	s2 =	sld [smem:$0x3F9B];
	s0 =	simm.s32 @p1 $0x1  }
0x15: {  	[smem:$0x3FB8] =	sst s0;
	s0 =	simm.s32 @!p2 $0x0  }
0x16: {  	s3 =	sld [smem:$0x3FDB];
	s0 =	simm.s32 @p2 $0x1  }
0x17: {  	s4 =	simm.s32 $0x1BF5;
	[smem:$0x3FBA] =	sst s0  }
0x18: {  	s0 =	sld [smem:$0x3F9D];
	_ =	swait.ge [sflag:s4], $0x0  }
0x19: {  	s7 =	sld [smem:$0x3F9E]  }
0x1a: {  	s8 =	sadd.s32 $0xFFFFE003, lr  }
0x1b: {  	s9 =	sadd.s32 $0xFFFFFEF7, lr;
	s5 =	simm.s32 $0xFFFFFFFF;
	p2 =	slt.u32 s8, $0xFFFFF086  }
0x1c: {  	p1 =	slt.u32 s9, $0xF7A;
	s5 =	simm.s32 @!p2 $0x0  }
0x1d: {  	s5 =	simm.s32 @p1 $0x1;
	p0 =	seq.s32 s7, s2  }
0x1e: {  	s7 =	smul.u32 @!p0 $0xF7A, s2;
	p2 =	seq.s32 @!p0 s5, $0x0  }
0x1f: {  	s9 =	smul.u32 $0xF7A, s1;
	s8 =	simm.s32 @!p0 $0x1BF5;
	p2 =	por !p2, p0  }
0x20: {  	[sflag:s8] =	ssyncset.s32 @!p0 $0xFFFFF086;
	s6 =	sadd.s32 @!p0 s3, s7;
	s7 =	simm.s32 @!p0 $0x108  }
0x21: {  	s3 =	sadd.s32 s3, s9;
	s6 =	sadd.s32 @!p0 $0x88, s6;
	s7 =	simm.s32 @p2 $0x1082  }
0x22: {  	[simem:s7], [sflag:s8] =	dma.local @!p0 [hbm:s6], $0xF7A  }
0x23: {  	s9 =	sor.u32 $0xD0000000, s2;
	s6 =	simm.s32 $0x108;
	_ =	swait.ge @!p0 [sflag:s8], $0x0  }
0x24: {  	s3 =	sadd.s32 $0x88, s3;
	s6 =	simm.s32 @!p1 $0x1082;
	[sflag:s4] =	ssyncset.s32 $0xFFFFF086  }
0x25: {  	[simem:s6], [sflag:s4] =	dma.local [hbm:s3], $0xF7A  }
0x26: {  	[smem:$0x3F9E] =	sst s1;
	(tag) =	ssettag s2;
	_ =	strace s9  }
0x27: {  	s1 =	sld [smem:$0x3FAE]  }
0x28: {  	s2 =	sld [smem:$0x3FAF]  }
0x29: {  	s4 =	sld [smem:$0x3FB1]  }
0x2a: {  	p0 =	seq.s32 s5, $0x0;
	s5 =	sld [smem:$0x3FB2]  }
0x2b: {  	s6 =	sld [smem:$0x3FB3]  }
0x2c: {  	s7 =	sld [smem:$0x3FB4]  }
0x2d: {  	s3 =	simm.s32 $0x108;
	s8 =	sld [smem:$0x3FB5]  }
0x2e: {  	s3 =	simm.s32 @!p0 $0x1082;
	s9 =	sld [smem:$0x3FB6]  }
0x2f: {  	lr =	sadd.s32 s0, s3;
	s0 =	sld [smem:$0x3FAD]  }
0x30: {  	s3 =	sld [smem:$0x3FB0]  }
0x31: {  	[smem:$0x3FB9] =	sst s10  }
0x32: {  	s10 =	sld [smem:$0x3FB7];
	_ =	sdelay $0x3  }
0x33: {  	p0 =	seq.s32 s10, $0x1;
	s10 =	sld [smem:$0x3FB9];
	_ =	sdelay $0x3  }
0x34: {  	[smem:$0x3FB9] =	sst s10  }
0x35: {  	s10 =	sld [smem:$0x3FB8];
	_ =	sdelay $0x3  }
0x36: {  	p1 =	seq.s32 s10, $0x1;
	s10 =	sld [smem:$0x3FB9];
	_ =	sdelay $0x3  }
0x37: {  	[smem:$0x3FB9] =	sst s10  }
0x38: {  	s10 =	sld [smem:$0x3FBA]  }
0x39: {  	_ = 	snop;
	(pc) =	sbr.ind lr, $3  }
0x3a: {  	_ = 	snop  }
0x3b: {  	_ = 	snop  }
0x3c: {  	p2 =	seq.s32 s10, $0x1;
	s10 =	sld [smem:$0x3FB9]  }
0x3d: {  	_ =	shalt  }
0x3e: {  	_ =	shalt  }
0x3f: {  	_ =	shalt  }
0x40: {  	_ =	shalt  }
0x41: {  	_ =	shalt  }
0x42: {  	_ =	shalt  }
0x43: {  	_ =	shalt  }
0x44: {  	_ =	shalt  }
0x45: {  	_ =	shalt  }
0x46: {  	_ =	shalt  }
0x47: {  	_ =	shalt  }
0x48: {  	_ =	shalt  }
0x49: {  	_ =	shalt  }
0x4a: {  	_ =	shalt  }
0x4b: {  	_ =	shalt  }
0x4c: {  	_ =	shalt  }
0x4d: {  	_ =	shalt  }
0x4e: {  	_ =	shalt  }
0x4f: {  	_ =	shalt  }
0x50: {  	_ =	shalt  }
0x51: {  	_ =	shalt  }
0x52: {  	_ =	shalt  }
0x53: {  	_ =	shalt  }
0x54: {  	_ =	shalt  }
0x55: {  	_ =	shalt  }
0x56: {  	_ =	shalt  }
0x57: {  	_ =	shalt  }
0x58: {  	_ =	shalt  }
0x59: {  	_ =	shalt  }
0x5a: {  	_ =	shalt  }
0x5b: {  	_ =	shalt  }
0x5c: {  	_ =	shalt  }
0x5d: {  	_ =	shalt  }
0x5e: {  	_ =	shalt  }
0x5f: {  	_ =	shalt  }
0x60: {  	_ =	shalt  }
0x61: {  	_ =	shalt  }
0x62: {  	_ =	shalt  }
0x63: {  	_ =	shalt  }
0x64: {  	_ =	shalt  }
0x65: {  	_ =	shalt  }
0x66: {  	_ =	shalt  }
0x67: {  	_ =	shalt  }
0x68: {  	_ =	shalt  }
0x69: {  	_ =	shalt  }
0x6a: {  	_ =	shalt  }
0x6b: {  	_ =	shalt  }
0x6c: {  	_ =	shalt  }
0x6d: {  	_ =	shalt  }
0x6e: {  	_ =	shalt  }
0x6f: {  	_ =	shalt  }
0x70: {  	_ =	shalt  }
0x71: {  	_ =	shalt  }
0x72: {  	_ =	shalt  }
0x73: {  	_ =	shalt  }
0x74: {  	_ =	shalt  }
0x75: {  	_ =	shalt  }
0x76: {  	_ =	shalt  }
0x77: {  	_ =	shalt  }
0x78: {  	_ =	shalt  }
0x79: {  	_ =	shalt  }
0x7a: {  	_ =	shalt  }
0x7b: {  	_ =	shalt  }
0x7c: {  	_ =	shalt  }
0x7d: {  	_ =	shalt  }
0x7e: {  	_ =	shalt  }
0x7f: {  	_ =	shalt  }
0x80: {  	_ =	shalt  }
0x81: {  	_ =	shalt  }
0x82: {  	_ =	shalt  }
0x83: {  	_ =	shalt  }
0x84: {  	_ =	shalt  }
0x85: {  	_ =	shalt  }
0x86: {  	_ =	shalt  }
0x87: {  	_ =	shalt  }
.Lfunc_end0:
.L_simem_size_0:
called_computation_lowered:
.L_overlay_start_0:
0x88: {  	s2 =	sld [smem:$0x3FD9]  }
0x89: {  	s3 =	sld [smem:$0x3FFE];
	_ =	sdelay $0x1  }
0x8a: {  	s1 =	srdreg.scid  }
0x8b: {  	s0 =	sand.u32 $0x1, s1  }
0x8c: {  	s17 =	sshll.u32 s0, $0xA;
	s2 =	sadd.s32 s3, s2  }
0x8d: {  	s2 =	sadd.s32 s2, s17  }
0x8e: {  	[smem:$0x3FC5] =	sst s2  }
0x8f: {  	_ = 	snop  }
0x90: {  	s2 =	sld [smem:$0x3FC8]  }
0x91: {  	s18 =	sld [smem:$0x3FC7]  }
0x92: {  	s4 =	sld [smem:$0x3FD0];
	(tm) =	ssettm $0x1  }
0x93: {  	s5 =	sld [smem:$0x3FFB];
	_ =	sdelay $0x3  }
0x94: {  	_ =	strace s5  }
0x95: {  	s5 =	sld [smem:$0x3FFC];
	_ =	sdelay $0x3  }
0x96: {  	_ =	strace s5  }
0x97: {  	s5 =	sld [smem:$0x3FFD];
	_ =	sdelay $0x3  }
0x98: {  	_ =	strace s5  }
0x99: {  	_ =	strace $0x8FFFFFFF  }
0x9a: {  	s19 =	sld [smem:$0x3FDB];
	_ =	sdelay $0x1  }
0x9b: {  	s6 =	simm.s32 $_scs_section_size  }
0x9c: {  	s7 =	simm.s32 $_size__tile_overlayer_lowered;
	s8 =	simm.s32 $_tile_overlayer_lowered  }
0x9d: {  	s22 =	simm.s32 $0x1BFF;
	s21 =	sshll.u32 s8, $0x1;
	s5 =	sadd.s32 s6, s19  }
0x9e: {  	s9 =	simm.s32 $0x0;
	s20 =	sshll.u32 s7, $0x1;
	s7 =	sadd.s32 s21, s5  }
0x9f: {  	[timem:s9], [sflag:s22] =	dma.local [hbm:s7], s20  }
0xa0: {  	_ =	swait.ge [sflag:s22], s20  }
0xa1: {  	s6 =	ssub.s32 $0x0, s20;
	[sflag:s22] =	ssyncset.done $0x0  }
0xa2: {  	[sflag:s22] =	ssyncadd.s32 s6;
	_ =	sdelay $0x1  }
0xa3: {  	s23 =	simm.s32 $0x1B8B  }
0xa4: {  	_ =	swait.ge [sflag:s23], $0x1  }
0xa5: {  	[sflag:s23] =	ssyncset.done $0x0  }
0xa6: {  	s25 =	simm.s32 $0x1B8E;
	s24 =	sld [smem:$0x3FFE];
	[sflag:s23] =	ssyncadd.s32 $0xFFFFFFFF  }
0xa7: {  	s26 =	simm.s32 $execute0_lowered;
	[smem:$0x3FD2] =	sst s25  }
0xa8: {  	s7 =	sshll.u32 s26, $0x1;
	_ =	strace $0x80000046;
	[dreg:$0x1] =	wrdreg $0xFFFFFFFF  }
0xa9: {  	s28 =	simm.s32 $_size_execute0_lowered;
	s5 =	sadd.s32 s5, s7;
	[dreg:$0x0] =	wrdreg $0x0  }
0xaa: {  	s7 =	sshll.u32 s28, $0x1;
	[dreg:$0x2] =	wrdreg s5  }
0xab: {  	[dreg:$0x3] =	wrdreg s7  }
0xac: {  	[dreg:$0x4] =	wrdreg $0xC0  }
0xad: {  	_ =	task [dreg:s9], $0x5FFFF  }
0xae: {  	[dreg:$0x1] =	wrdreg $0xFFFFFFFF  }
0xaf: {  	[dreg:$0x0] =	wrdreg $0x60  }
0xb0: {  	[dreg:$0x2] =	wrdreg s24  }
0xb1: {  	[dreg:$0x3] =	wrdreg s2  }
0xb2: {  	[dreg:$0x4] =	wrdreg s18  }
0xb3: {  	[dreg:$0x5] =	wrdreg s4  }
0xb4: {  	[dreg:$0x6] =	wrdreg $0x9  }
0xb5: {  	_ =	task.clear_ibuf [dreg:s9], $0x7FFFF;
	_ =	strace $0x90000046  }
0xb6: {  	s29 =	simm.s32 $0x9;
	_ =	strace $0x80000048  }
0xb7: {  	_ =	swait.ge [sflag:s29], $0x1  }
0xb8: {  	[sflag:s29] =	ssyncadd.s32 $0xFFFFFFFF  }
0xb9: {  	_ =	strace $0x90000048  }
0xba: {  	_ =	sfence  }
0xbb: {  	s30 =	sld [smem:$0x0];
	_ =	sdelay $0x2  }
0xbc: {  	s31 =	sshll.u32 s1, $0xD;
	s1 =	sshrl.u32 s1, $0x2  }
0xbd: {  	s3 =	sand.u32 $0x4000, s31;
	s1 =	sadd.s32 s1, s30  }
0xbe: {  	s0 =	sor.u32 s3, s0;
	s1 =	sshll.u32 s1, $0x11  }
0xbf: {  	s0 =	sor.u32 s1, s0  }
0xc0: {  	s0 =	sadd.s32 $0x8F2B, s0  }
0xc1: {  	[sflag:s0] =	ssyncadd.remote.s32 $0x1  }
0xc2: {  	_ =	sfence.sel $0xFFFF  }
0xc3: {  	[dreg:$0x0] =	wrdreg $0xFFFFFFFF;
	(pc) =	sbr.abs _section_cstart, $3  }
0xc4: {  	[dreg:$0x1] =	wrdreg $0xFFFFFFFF  }
0xc5: {  	_ =	task.clear_ibuf [dreg:s9], $0x2FFFF;
	_ =	strace $0x9FFFFFFF  }
0xc6: {  	(tm) =	ssettm $0x7FFFFFFF  }
0xc7: {  	_ =	shalt  }
tec
execute0_lowered:
.L_overlay_start_1:
0x0: {  	(tag) =	ssettag $0x1  }
0x1: {  	s0 =	rddreg [dreg:$0x0]  }
0x2: {  	s1 =	rddreg [dreg:$0x1]  }
0x3: {  	s4 =	rddreg [dreg:$0x3]  }
0x4: {  	s2 =	srdreg.scid;
	s3 =	stileid.u32;
	s6 =	simm.s32 $0x0  }
0x5: {  	s30 =	simm.s32 $0x8000;
	s31 =	simm.s32 $0x14000;
	s7 =	simm.s32 $0x7  }
0x6: {  	s11 =	simm.s32 $0x8;
	s2 =	sand.u32 $0x1, s2;
	s3 =	sshll.u32 s3, $0xF  }
0x7: {  	[smem:$0x7FF] =	sst s6;
	s8 =	sadd.s32 $0x100, s1;
	s9 =	sadd.s32 $0x200, s1  }
0x8: {  	s23 =	sadd.s32 $0x4000, s4;
	s26 =	sadd.s32 $0x1F8000, s4;
	s28 =	sadd.s32 $0x1FC000, s4  }
0x9: {  	s5 =	sshll.u32 s2, $0xE;
	_ =	strace $0x80000047;
	[dreg:$0x6] =	wrdreg s23  }
0xa: {  	s2 =	ssub.s32 $0x2, s2;
	[dreg:$0x9] =	wrdreg s26;
	s6 =	sor.u32 s5, s3  }
0xb: {  	[dreg:$0xa] =	wrdreg s28;
	s22 =	sshrl.u32 s2, $0x1;
	s24 =	sadd.s32 $0xFFFFFF00, s6  }
0xc: {  	s0 =	sadd.s32 s6, s0;
	s25 =	sadd.s32 $0xFFFFFF80, s6;
	[dreg:$0x7] =	wrdreg s24  }
0xd: {  	v2 =	vlaneseq.u32;
	s2 =	ssub.s32 s2, s22;
	s0 =	sadd.s32 $0x400, s0;
	[dreg:$0x8] =	wrdreg s25  }
0xe: {  	vm0 =	vmmov $0xffff;
	s10 =	sadd.s32 $0x300, s1;
	v1 =	vshrl.u32 v2, $0x3;
	s29 =	smax.u32 s2, $0x1;
	[dreg:$0x5] =	wrdreg s0  }
0xf: {  	v0 =	vand.u32 $0x7, v2;
	v2 =	vor.u32 $0x8, v2;
	v1 =	vmul.u32 $0x8, v1;
	s3 =	simm.s32 $0x4;
	s2 =	simm.s32 $0x0;
	[dreg:$0xb] =	wrdreg s29  }
.LBB2_1:
0x10: {  	[dreg:$0xc] =	wrdreg s2;
	s16 =	simm.s32 $0x0  }
.LBB2_2:
0x11: {  	s12 =	sshll.u32 s16, $0xB;
	s0 =	rddreg [dreg:$0x5]  }
0x12: {  	s5 =	simm.s32 $0x0;
	s2 =	simm.s32 $0x9;
	s13 =	sadd.s32 s12, s0  }
0x13: {  	[tilespmem:s5], [sflag:$0x9] =	stream.linear.gather [hbm4b:s13+s5], $0x4000, $0x38;
	[tilespmem:$0x18000] =	vst v63  }
0x14: {  	_ =	swait.ge [sflag:s2], $0x4000  }
0x15: {  	[sflag:s2] =	ssyncset.done $0x0  }
0x16: {  	[sflag:s2] =	ssyncadd.s32 $0xFFFFC000  }
0x17: {  	s28 =	rddreg [dreg:$0x2]  }
0x18: {  	s29 =	simm.s32 $0x4000;
	s12 =	sadd.s32 s28, s12  }
0x19: {  	[tilespmem:s29], [sflag:$0x9] =	stream.linear.gather [hbm4b:s12+s5], $0x4000, $0x38;
	[tilespmem:$0x18000] =	vst v63  }
0x1a: {  	_ =	swait.ge [sflag:s2], $0x4000  }
0x1b: {  	[sflag:s2] =	ssyncset.done $0x0  }
0x1c: {  	[sflag:s2] =	ssyncadd.s32 $0xFFFFC000  }
0x1d: {  	v3 =	vld [tilespmem:$0x0];
	_ =	sdelay $0x4  }
0x1e: {  	v4 =	vshll.u32 v3, $0x3  }
0x1f: {  	v3 =	vand.u32 $0x7, v3;
	v4 =	vand.u32 $0xFFFFFFC0, v4  }
0x20: {  	v3 =	vor.u32 v3, v4  }
0x21: {  	v4 =	vperm.xlane v3, v0;
	_ =	sdelay $0x1  }
0x22: {  	v4 =	vadd.s32 v1, v4;
	_ =	sdelay $0x4  }
0x23: {  	[tilespmem:s30], [sflag:$0x1] =	stream.indirect_vreg.gather [hbm4b:s1+s5], $0x80, v4, vm0, $0xb8;
	[tilespmem:$0x18000] =	vst v63  }
0x24: {  	s13 =	simm.s32 $0x8800;
	v3 =	vperm.xlane v3, v2  }
0x25: {  	[tilespmem:s13], [sflag:$0x1] =	stream.indirect_vreg.gather [hbm4b:s8+s5], $0x80, v4, vm0, $0xb8;
	[tilespmem:$0x18000] =	vst v63  }
0x26: {  	s14 =	simm.s32 $0x9000;
	v3 =	vadd.s32 v1, v3  }
0x27: {  	[tilespmem:s14], [sflag:$0x1] =	stream.indirect_vreg.gather [hbm4b:s9+s5], $0x80, v4, vm0, $0xb8;
	[tilespmem:$0x18000] =	vst v63  }
0x28: {  	s15 =	simm.s32 $0x9800  }
0x29: {  	[tilespmem:s15], [sflag:$0x1] =	stream.indirect_vreg.gather [hbm4b:s10+s5], $0x80, v4, vm0, $0xb8;
	[tilespmem:$0x18000] =	vst v63  }
0x2a: {  	s17 =	simm.s32 $0xA000  }
0x2b: {  	[tilespmem:s17], [sflag:$0x1] =	stream.indirect_vreg.gather [hbm4b:s1+s5], $0x80, v3, vm0, $0xb8;
	[tilespmem:$0x18000] =	vst v63  }
0x2c: {  	s18 =	simm.s32 $0xA800  }
0x2d: {  	[tilespmem:s18], [sflag:$0x1] =	stream.indirect_vreg.gather [hbm4b:s8+s5], $0x80, v3, vm0, $0xb8;
	[tilespmem:$0x18000] =	vst v63  }
0x2e: {  	s19 =	simm.s32 $0xB000  }
0x2f: {  	[tilespmem:s19], [sflag:$0x1] =	stream.indirect_vreg.gather [hbm4b:s9+s5], $0x80, v3, vm0, $0xb8;
	[tilespmem:$0x18000] =	vst v63  }
0x30: {  	s20 =	simm.s32 $0xB800  }
0x31: {  	[tilespmem:s20], [sflag:$0x1] =	stream.indirect_vreg.gather [hbm4b:s10+s5], $0x80, v3, vm0, $0xb8;
	[tilespmem:$0x18000] =	vst v63  }
0x32: {  	v3 =	vld [tilespmem:$0x80];
	_ =	sdelay $0x4  }
0x33: {  	v4 =	vshll.u32 v3, $0x3  }
0x34: {  	v3 =	vand.u32 $0x7, v3;
	v4 =	vand.u32 $0xFFFFFFC0, v4  }
0x35: {  	v3 =	vor.u32 v3, v4  }
0x36: {  	v4 =	vperm.xlane v3, v0;
	_ =	sdelay $0x1  }
0x37: {  	v4 =	vadd.s32 v1, v4;
	_ =	sdelay $0x3  }
0x38: {  	s21 =	simm.s32 $0xC000  }
0x39: {  	[tilespmem:s21], [sflag:$0x2] =	stream.indirect_vreg.gather [hbm4b:s1+s5], $0x80, v4, vm0, $0xb8;
	[tilespmem:$0x18000] =	vst v63  }
0x3a: {  	s22 =	simm.s32 $0xC800;
	v3 =	vperm.xlane v3, v2  }
0x3b: {  	[tilespmem:s22], [sflag:$0x2] =	stream.indirect_vreg.gather [hbm4b:s8+s5], $0x80, v4, vm0, $0xb8;
	[tilespmem:$0x18000] =	vst v63  }
0x3c: {  	s23 =	simm.s32 $0xD000;
	v3 =	vadd.s32 v1, v3  }
0x3d: {  	[tilespmem:s23], [sflag:$0x2] =	stream.indirect_vreg.gather [hbm4b:s9+s5], $0x80, v4, vm0, $0xb8;
	[tilespmem:$0x18000] =	vst v63  }
0x3e: {  	s24 =	simm.s32 $0xD800  }
0x3f: {  	[tilespmem:s24], [sflag:$0x2] =	stream.indirect_vreg.gather [hbm4b:s10+s5], $0x80, v4, vm0, $0xb8;
	[tilespmem:$0x18000] =	vst v63  }
0x40: {  	s25 =	simm.s32 $0xE000  }
0x41: {  	[tilespmem:s25], [sflag:$0x2] =	stream.indirect_vreg.gather [hbm4b:s1+s5], $0x80, v3, vm0, $0xb8;
	[tilespmem:$0x18000] =	vst v63  }
0x42: {  	s26 =	simm.s32 $0xE800  }
0x43: {  	[tilespmem:s26], [sflag:$0x2] =	stream.indirect_vreg.gather [hbm4b:s8+s5], $0x80, v3, vm0, $0xb8;
	[tilespmem:$0x18000] =	vst v63  }
0x44: {  	s28 =	simm.s32 $0xF000  }
0x45: {  	[tilespmem:s28], [sflag:$0x2] =	stream.indirect_vreg.gather [hbm4b:s9+s5], $0x80, v3, vm0, $0xb8;
	[tilespmem:$0x18000] =	vst v63  }
0x46: {  	s29 =	simm.s32 $0xF800  }
0x47: {  	[tilespmem:s29], [sflag:$0x2] =	stream.indirect_vreg.gather [hbm4b:s10+s5], $0x80, v3, vm0, $0xb8;
	[tilespmem:$0x18000] =	vst v63  }
0x48: {  	v3 =	vld [tilespmem:$0x100];
	_ =	sdelay $0x4  }
0x49: {  	v4 =	vshll.u32 v3, $0x3  }
0x4a: {  	v3 =	vand.u32 $0x7, v3;
	v4 =	vand.u32 $0xFFFFFFC0, v4  }
0x4b: {  	v3 =	vor.u32 v3, v4  }
0x4c: {  	v4 =	vperm.xlane v3, v0;
	_ =	sdelay $0x1  }
0x4d: {  	v4 =	vadd.s32 v1, v4;
	_ =	sdelay $0x3  }
0x4e: {  	s2 =	simm.s32 $0x10000  }
0x4f: {  	[tilespmem:s2], [sflag:$0x3] =	stream.indirect_vreg.gather [hbm4b:s1+s5], $0x80, v4, vm0, $0xb8;
	[tilespmem:$0x18000] =	vst v63  }
0x50: {  	s12 =	simm.s32 $0x10800;
	v3 =	vperm.xlane v3, v2  }
0x51: {  	[tilespmem:s12], [sflag:$0x3] =	stream.indirect_vreg.gather [hbm4b:s8+s5], $0x80, v4, vm0, $0xb8;
	[tilespmem:$0x18000] =	vst v63  }
0x52: {  	s13 =	simm.s32 $0x11000;
	v3 =	vadd.s32 v1, v3  }
0x53: {  	[tilespmem:s13], [sflag:$0x3] =	stream.indirect_vreg.gather [hbm4b:s9+s5], $0x80, v4, vm0, $0xb8;
	[tilespmem:$0x18000] =	vst v63  }
0x54: {  	s14 =	simm.s32 $0x11800  }
0x55: {  	[tilespmem:s14], [sflag:$0x3] =	stream.indirect_vreg.gather [hbm4b:s10+s5], $0x80, v4, vm0, $0xb8;
	[tilespmem:$0x18000] =	vst v63  }
0x56: {  	s15 =	simm.s32 $0x12000  }
0x57: {  	[tilespmem:s15], [sflag:$0x3] =	stream.indirect_vreg.gather [hbm4b:s1+s5], $0x80, v3, vm0, $0xb8;
	[tilespmem:$0x18000] =	vst v63  }
0x58: {  	s17 =	simm.s32 $0x12800  }
0x59: {  	[tilespmem:s17], [sflag:$0x3] =	stream.indirect_vreg.gather [hbm4b:s8+s5], $0x80, v3, vm0, $0xb8;
	[tilespmem:$0x18000] =	vst v63  }
0x5a: {  	s18 =	simm.s32 $0x13000  }
0x5b: {  	[tilespmem:s18], [sflag:$0x3] =	stream.indirect_vreg.gather [hbm4b:s9+s5], $0x80, v3, vm0, $0xb8;
	[tilespmem:$0x18000] =	vst v63  }
0x5c: {  	s19 =	simm.s32 $0x13800  }
0x5d: {  	[tilespmem:s19], [sflag:$0x3] =	stream.indirect_vreg.gather [hbm4b:s10+s5], $0x80, v3, vm0, $0xb8;
	[tilespmem:$0x18000] =	vst v63  }
0x5e: {  	v3 =	vld [tilespmem:$0x180];
	_ =	sdelay $0x4  }
0x5f: {  	v4 =	vshll.u32 v3, $0x3  }
0x60: {  	v3 =	vand.u32 $0x7, v3;
	v4 =	vand.u32 $0xFFFFFFC0, v4  }
0x61: {  	v3 =	vor.u32 v3, v4  }
0x62: {  	v4 =	vperm.xlane v3, v0;
	_ =	sdelay $0x1  }
0x63: {  	v4 =	vadd.s32 v1, v4;
	_ =	sdelay $0x4  }
0x64: {  	[tilespmem:s31], [sflag:$0x4] =	stream.indirect_vreg.gather [hbm4b:s1+s5], $0x80, v4, vm0, $0xb8;
	[tilespmem:$0x18000] =	vst v63  }
0x65: {  	s20 =	simm.s32 $0x14800;
	v3 =	vperm.xlane v3, v2  }
0x66: {  	[tilespmem:s20], [sflag:$0x4] =	stream.indirect_vreg.gather [hbm4b:s8+s5], $0x80, v4, vm0, $0xb8;
	[tilespmem:$0x18000] =	vst v63  }
0x67: {  	s21 =	simm.s32 $0x15000;
	v3 =	vadd.s32 v1, v3  }
0x68: {  	[tilespmem:s21], [sflag:$0x4] =	stream.indirect_vreg.gather [hbm4b:s9+s5], $0x80, v4, vm0, $0xb8;
	[tilespmem:$0x18000] =	vst v63  }
0x69: {  	s22 =	simm.s32 $0x15800  }
0x6a: {  	[tilespmem:s22], [sflag:$0x4] =	stream.indirect_vreg.gather [hbm4b:s10+s5], $0x80, v4, vm0, $0xb8;
	[tilespmem:$0x18000] =	vst v63  }
0x6b: {  	s23 =	simm.s32 $0x16000  }
0x6c: {  	[tilespmem:s23], [sflag:$0x4] =	stream.indirect_vreg.gather [hbm4b:s1+s5], $0x80, v3, vm0, $0xb8;
	[tilespmem:$0x18000] =	vst v63  }
0x6d: {  	s24 =	simm.s32 $0x16800  }
0x6e: {  	[tilespmem:s24], [sflag:$0x4] =	stream.indirect_vreg.gather [hbm4b:s8+s5], $0x80, v3, vm0, $0xb8;
	[tilespmem:$0x18000] =	vst v63  }
0x6f: {  	s25 =	simm.s32 $0x17000  }
0x70: {  	[tilespmem:s25], [sflag:$0x4] =	stream.indirect_vreg.gather [hbm4b:s9+s5], $0x80, v3, vm0, $0xb8;
	[tilespmem:$0x18000] =	vst v63  }
0x71: {  	s26 =	simm.s32 $0x17800;
	s28 =	simm.s32 $0x1  }
0x72: {  	[tilespmem:s26], [sflag:$0x4] =	stream.indirect_vreg.gather [hbm4b:s10+s5], $0x80, v3, vm0, $0xb8;
	[tilespmem:$0x18000] =	vst v63  }
0x73: {  	_ =	swait.ge [sflag:s28], $0x4000  }
0x74: {  	s29 =	sand.u32 $0x60, s5;
	s31 =	sand.u32 $0x1C00, s5;
	[sflag:s28] =	ssyncset.done $0x0  }
0x75: {  	s12 =	sor.u32 s29, s31;
	[sflag:s28] =	ssyncadd.s32 $0xFFFFC000  }
0x76: {  	v5 =	vld [tilespmem:s12+$0x6210]  }
0x77: {  	v6 =	vld [tilespmem:s12+$0x6290]  }
0x78: {  	v7 =	vld [tilespmem:s12+$0x6190]  }
0x79: {  	v8 =	vld [tilespmem:s12+$0x6090]  }
0x7a: {  	v9 =	vld [tilespmem:s12+$0x6110]  }
0x7b: {  	v10 =	vld [tilespmem:s12+$0x6010]  }
0x7c: {  	v11 =	vld [tilespmem:s12+$0x4290]  }
0x7d: {  	v12 =	vld [tilespmem:s12+$0x4210]  }
0x7e: {  	v13 =	vld [tilespmem:s12+$0x4110]  }
0x7f: {  	v14 =	vld [tilespmem:s12+$0x4190]  }
0x80: {  	v15 =	vld [tilespmem:s12+$0x4090]  }
0x81: {  	v16 =	vld [tilespmem:s12+$0x4010]  }
0x82: {  	v17 =	vld [tilespmem:s12+$0x6280]  }
0x83: {  	s0 =	sor.u32 s5, s5;
	v18 =	vld [tilespmem:s12+$0x6100]  }
0x84: {  	s15 =	sor.u32 $0x2380, s0;
	v19 =	vld [tilespmem:s12+$0x6080]  }
0x85: {  	v20 =	vld [tilespmem:s15+$0x4000]  }
0x86: {  	v21 =	vld [tilespmem:s12+$0x6200]  }
0x87: {  	v22 =	vld [tilespmem:s12+$0x6000]  }
0x88: {  	v23 =	vld [tilespmem:s12+$0x6180]  }
0x89: {  	s17 =	sor.u32 $0x380, s0;
	v24 =	vld [tilespmem:s12+$0x4280]  }
0x8a: {  	v25 =	vld [tilespmem:s17+$0x4000]  }
0x8b: {  	s5 =	sand.u32 $0x3, s5;
	v26 =	vld [tilespmem:s12+$0x4200]  }
0x8c: {  	s5 =	sshll.u32 s5, $0x5;
	v27 =	vld [tilespmem:s12+$0x4180]  }
0x8d: {  	s5 =	sadd.s32 $0x0, s5;
	v28 =	vld [tilespmem:s12+$0x4080]  }
0x8e: {  	s18 =	sor.u32 $0x2300, s5;
	v29 =	vld [tilespmem:s12+$0x4000]  }
0x8f: {  	v30 =	vld [tilespmem:s18+$0x4000]  }
0x90: {  	s19 =	sadd.s32 $0x10, s5;
	s5 =	sor.u32 $0x300, s5;
	v31 =	vld [tilespmem:s12+$0x4100]  }
0x91: {  	s14 =	sor.u32 $0x2300, s19;
	v33 =	vld [tilespmem:s5+$0x4000]  }
0x92: {  	s13 =	sor.u32 $0x2380, s19;
	v4 =	vld [tilespmem:s14+$0x4000]  }
0x93: {  	s20 =	sor.u32 $0x300, s19;
	v3 =	vld [tilespmem:s13+$0x4000]  }
0x94: {  	s19 =	sor.u32 $0x380, s19;
	v32 =	vld [tilespmem:s20+$0x4000]  }
0x95: {  	s21 =	sor.u32 $0x8000, s12;
	v34 =	vld [tilespmem:s19+$0x4000]  }
0x96: {  	s2 =	sor.u32 $0x8080, s12;
	[tilespmem:s21+$0x0] =	vst.add.f32.msk $0xffff, v29  }
0x97: {  	s22 =	sor.u32 $0x8100, s12;
	[tilespmem:s2+$0x0] =	vst.add.f32.msk $0xffff, v28  }
0x98: {  	s23 =	sor.u32 $0x8180, s12;
	[tilespmem:s22+$0x0] =	vst.add.f32.msk $0xffff, v31  }
0x99: {  	s24 =	sor.u32 $0x8200, s12;
	[tilespmem:s23+$0x0] =	vst.add.f32.msk $0xffff, v27  }
0x9a: {  	s25 =	sor.u32 $0x8280, s12;
	[tilespmem:s24+$0x0] =	vst.add.f32.msk $0xffff, v26  }
0x9b: {  	[tilespmem:s25+$0x0] =	vst.add.f32.msk $0xffff, v24  }
0x9c: {  	[tilespmem:s5+$0x8000] =	vst.add.f32.msk $0xffff, v33  }
0x9d: {  	s26 =	sor.u32 $0xA000, s12;
	[tilespmem:s17+$0x8000] =	vst.add.f32.msk $0xffff, v25  }
0x9e: {  	s28 =	sor.u32 $0xA080, s12;
	[tilespmem:s26+$0x0] =	vst.add.f32.msk $0xffff, v22  }
0x9f: {  	s29 =	sor.u32 $0xA100, s12;
	[tilespmem:s28+$0x0] =	vst.add.f32.msk $0xffff, v19  }
0xa0: {  	s31 =	sor.u32 $0xA180, s12;
	[tilespmem:s29+$0x0] =	vst.add.f32.msk $0xffff, v18  }
0xa1: {  	s0 =	sor.u32 $0xA200, s12;
	[tilespmem:s31+$0x0] =	vst.add.f32.msk $0xffff, v23  }
0xa2: {  	s2 =	sor.u32 $0xA280, s12;
	[tilespmem:s0+$0x0] =	vst.add.f32.msk $0xffff, v21  }
0xa3: {  	[tilespmem:s2+$0x0] =	vst.add.f32.msk $0xffff, v17  }
0xa4: {  	[tilespmem:s18+$0x8000] =	vst.add.f32.msk $0xffff, v30  }
0xa5: {  	[tilespmem:s15+$0x8000] =	vst.add.f32.msk $0xffff, v20;
	s15 =	sor.u32 $0x8010, s12  }
0xa6: {  	s17 =	sor.u32 $0x8090, s12;
	[tilespmem:s15+$0x0] =	vst.add.f32.msk $0xffff, v16  }
0xa7: {  	s18 =	sor.u32 $0x8110, s12;
	[tilespmem:s17+$0x0] =	vst.add.f32.msk $0xffff, v15  }
0xa8: {  	s21 =	sor.u32 $0x8190, s12;
	[tilespmem:s18+$0x0] =	vst.add.f32.msk $0xffff, v13  }
0xa9: {  	s22 =	sor.u32 $0x8210, s12;
	[tilespmem:s21+$0x0] =	vst.add.f32.msk $0xffff, v14  }
0xaa: {  	s23 =	sor.u32 $0x8290, s12;
	[tilespmem:s22+$0x0] =	vst.add.f32.msk $0xffff, v12  }
0xab: {  	[tilespmem:s23+$0x0] =	vst.add.f32.msk $0xffff, v11  }
0xac: {  	[tilespmem:s20+$0x8000] =	vst.add.f32.msk $0xffff, v32  }
0xad: {  	s24 =	sor.u32 $0xA010, s12;
	[tilespmem:s19+$0x8000] =	vst.add.f32.msk $0xffff, v34  }
0xae: {  	s25 =	sor.u32 $0xA090, s12;
	[tilespmem:s24+$0x0] =	vst.add.f32.msk $0xffff, v10  }
0xaf: {  	s26 =	sor.u32 $0xA110, s12;
	[tilespmem:s25+$0x0] =	vst.add.f32.msk $0xffff, v8  }
0xb0: {  	s28 =	sor.u32 $0xA190, s12;
	[tilespmem:s26+$0x0] =	vst.add.f32.msk $0xffff, v9  }
0xb1: {  	s29 =	sor.u32 $0xA210, s12;
	[tilespmem:s28+$0x0] =	vst.add.f32.msk $0xffff, v7  }
0xb2: {  	s31 =	sor.u32 $0xA290, s12;
	[tilespmem:s29+$0x0] =	vst.add.f32.msk $0xffff, v5  }
0xb3: {  	s12 =	simm.s32 $0x20;
	s15 =	simm.s32 $0x100;
	s17 =	simm.s32 $0x1;
	[tilespmem:s31+$0x0] =	vst.add.f32.msk $0xffff, v6  }
.LBB2_3:
0xb4: {  	s5 =	sand.u32 $0x3, s17;
	s18 =	sand.u32 $0x60, s12;
	s19 =	sand.u32 $0x1C00, s15;
	[tilespmem:s14+$0x8000] =	vst.add.f32.msk $0xffff, v4  }
0xb5: {  	s14 =	sor.u32 s12, s15;
	s5 =	sshll.u32 s5, $0x5;
	s21 =	sor.u32 s18, s19;
	[tilespmem:s13+$0x8000] =	vst.add.f32.msk $0xffff, v3  }
0xb6: {  	s20 =	sor.u32 $0x380, s14;
	s22 =	sor.u32 $0x2380, s14;
	s5 =	sadd.s32 s5, s15;
	v5 =	vld [tilespmem:s21+$0x6210]  }
0xb7: {  	s23 =	sor.u32 $0x300, s5;
	s18 =	sor.u32 $0x2300, s5;
	s19 =	sadd.s32 $0x10, s5;
	v6 =	vld [tilespmem:s21+$0x6290]  }
0xb8: {  	s5 =	sor.u32 $0x300, s19;
	v7 =	vld [tilespmem:s21+$0x6190];
	s14 =	sor.u32 $0x2300, s19;
	s13 =	sor.u32 $0x2380, s19  }
0xb9: {  	p0 =	sne.s32 s12, $0x3E0;
	s12 =	sadd.s32 $0x20, s12;
	s19 =	sor.u32 $0x380, s19;
	v8 =	vld [tilespmem:s21+$0x6090]  }
0xba: {  	v9 =	vld [tilespmem:s21+$0x6110]  }
0xbb: {  	v10 =	vld [tilespmem:s21+$0x6010]  }
0xbc: {  	v11 =	vld [tilespmem:s21+$0x4290]  }
0xbd: {  	v12 =	vld [tilespmem:s21+$0x4210]  }
0xbe: {  	v13 =	vld [tilespmem:s21+$0x4110]  }
0xbf: {  	v14 =	vld [tilespmem:s21+$0x4190]  }
0xc0: {  	v15 =	vld [tilespmem:s21+$0x4090]  }
0xc1: {  	v16 =	vld [tilespmem:s21+$0x4010]  }
0xc2: {  	v17 =	vld [tilespmem:s21+$0x6280]  }
0xc3: {  	v18 =	vld [tilespmem:s21+$0x6100]  }
0xc4: {  	v19 =	vld [tilespmem:s21+$0x6080]  }
0xc5: {  	v20 =	vld [tilespmem:s22+$0x4000]  }
0xc6: {  	v21 =	vld [tilespmem:s21+$0x6200]  }
0xc7: {  	v22 =	vld [tilespmem:s21+$0x6000]  }
0xc8: {  	v23 =	vld [tilespmem:s21+$0x6180]  }
0xc9: {  	v24 =	vld [tilespmem:s21+$0x4280]  }
0xca: {  	v25 =	vld [tilespmem:s20+$0x4000]  }
0xcb: {  	v26 =	vld [tilespmem:s21+$0x4200]  }
0xcc: {  	v27 =	vld [tilespmem:s21+$0x4180]  }
0xcd: {  	v28 =	vld [tilespmem:s21+$0x4080]  }
0xce: {  	v29 =	vld [tilespmem:s21+$0x4000]  }
0xcf: {  	v30 =	vld [tilespmem:s18+$0x4000]  }
0xd0: {  	v4 =	vld [tilespmem:s14+$0x4000]  }
0xd1: {  	v3 =	vld [tilespmem:s13+$0x4000]  }
0xd2: {  	v31 =	vld [tilespmem:s21+$0x4100]  }
0xd3: {  	v32 =	vld [tilespmem:s5+$0x4000]  }
0xd4: {  	s24 =	sor.u32 $0x8000, s21;
	v33 =	vld [tilespmem:s23+$0x4000]  }
0xd5: {  	s25 =	sor.u32 $0x8080, s21;
	v34 =	vld [tilespmem:s19+$0x4000]  }
0xd6: {  	[tilespmem:s24+$0x0] =	vst.add.f32.msk $0xffff, v29;
	s24 =	sor.u32 $0x8100, s21  }
0xd7: {  	[tilespmem:s25+$0x0] =	vst.add.f32.msk $0xffff, v28;
	s25 =	sor.u32 $0x8180, s21  }
0xd8: {  	[tilespmem:s24+$0x0] =	vst.add.f32.msk $0xffff, v31;
	s24 =	sor.u32 $0x8200, s21  }
0xd9: {  	[tilespmem:s25+$0x0] =	vst.add.f32.msk $0xffff, v27;
	s25 =	sor.u32 $0x8280, s21  }
0xda: {  	[tilespmem:s24+$0x0] =	vst.add.f32.msk $0xffff, v26  }
0xdb: {  	[tilespmem:s25+$0x0] =	vst.add.f32.msk $0xffff, v24  }
0xdc: {  	[tilespmem:s23+$0x8000] =	vst.add.f32.msk $0xffff, v33;
	s23 =	sor.u32 $0xA000, s21  }
0xdd: {  	[tilespmem:s20+$0x8000] =	vst.add.f32.msk $0xffff, v25;
	s20 =	sor.u32 $0xA080, s21  }
0xde: {  	[tilespmem:s23+$0x0] =	vst.add.f32.msk $0xffff, v22;
	s23 =	sor.u32 $0xA100, s21  }
0xdf: {  	[tilespmem:s20+$0x0] =	vst.add.f32.msk $0xffff, v19;
	s20 =	sor.u32 $0xA180, s21  }
0xe0: {  	[tilespmem:s23+$0x0] =	vst.add.f32.msk $0xffff, v18;
	s23 =	sor.u32 $0xA200, s21  }
0xe1: {  	[tilespmem:s20+$0x0] =	vst.add.f32.msk $0xffff, v23;
	s20 =	sor.u32 $0xA280, s21  }
0xe2: {  	[tilespmem:s23+$0x0] =	vst.add.f32.msk $0xffff, v21  }
0xe3: {  	[tilespmem:s20+$0x0] =	vst.add.f32.msk $0xffff, v17  }
0xe4: {  	[tilespmem:s18+$0x8000] =	vst.add.f32.msk $0xffff, v30;
	s18 =	sor.u32 $0x8010, s21  }
0xe5: {  	s20 =	sor.u32 $0x8090, s21;
	[tilespmem:s22+$0x8000] =	vst.add.f32.msk $0xffff, v20  }
0xe6: {  	[tilespmem:s18+$0x0] =	vst.add.f32.msk $0xffff, v16;
	s18 =	sor.u32 $0x8110, s21  }
0xe7: {  	[tilespmem:s20+$0x0] =	vst.add.f32.msk $0xffff, v15;
	s20 =	sor.u32 $0x8190, s21  }
0xe8: {  	[tilespmem:s18+$0x0] =	vst.add.f32.msk $0xffff, v13;
	s18 =	sor.u32 $0x8210, s21  }
0xe9: {  	[tilespmem:s20+$0x0] =	vst.add.f32.msk $0xffff, v14;
	s20 =	sor.u32 $0x8290, s21  }
0xea: {  	[tilespmem:s18+$0x0] =	vst.add.f32.msk $0xffff, v12  }
0xeb: {  	[tilespmem:s20+$0x0] =	vst.add.f32.msk $0xffff, v11  }
0xec: {  	[tilespmem:s5+$0x8000] =	vst.add.f32.msk $0xffff, v32;
	s5 =	sor.u32 $0xA010, s21  }
0xed: {  	s18 =	sor.u32 $0xA090, s21;
	[tilespmem:s19+$0x8000] =	vst.add.f32.msk $0xffff, v34  }
0xee: {  	[tilespmem:s5+$0x0] =	vst.add.f32.msk $0xffff, v10;
	s5 =	sor.u32 $0xA110, s21  }
.Ltmp0:
0xef: {  	[tilespmem:s18+$0x0] =	vst.add.f32.msk $0xffff, v8;
	s18 =	sor.u32 $0xA190, s21;
	(pc) =	sbr.rel @p0 .LBB2_3-.Ltmp0, $4  }
0xf0: {  	[tilespmem:s5+$0x0] =	vst.add.f32.msk $0xffff, v9;
	s5 =	sor.u32 $0xA210, s21  }
0xf1: {  	[tilespmem:s18+$0x0] =	vst.add.f32.msk $0xffff, v7;
	s18 =	sor.u32 $0xA290, s21  }
0xf2: {  	[tilespmem:s5+$0x0] =	vst.add.f32.msk $0xffff, v5  }
0xf3: {  	s17 =	sadd.s32 $0x1, s17;
	s15 =	sadd.s32 $0x100, s15;
	[tilespmem:s18+$0x0] =	vst.add.f32.msk $0xffff, v6  }
0xf4: {  	s12 =	sshll.u32 s16, $0x4  }
0xf5: {  	s5 =	sor.u32 s6, s12  }
0xf6: {  	[dreg:$0xd] =	wrdreg s16;
	[tilespmem:s14+$0x8000] =	vst.add.f32.msk $0xffff, v4;
	s2 =	sshll.u32 s5, $0x7  }
0xf7: {  	s25 =	simm.s32 $0x0;
	s0 =	simm.s32 $0x2;
	[tilespmem:s13+$0x8000] =	vst.add.f32.msk $0xffff, v3;
	s5 =	sadd.s32 s4, s2  }
0xf8: {  	[hbm4b:s5+s25] =	stream.linear.scatter [tilespmem:s30], [sflag:$0x5], $0x4000, $0x38;
	[tilespmem:$0x18000] =	vst v63  }
0xf9: {  	_ =	swait.ge [sflag:s0], $0x4000  }
0xfa: {  	s26 =	sand.u32 $0x60, s25;
	s28 =	sand.u32 $0x1C00, s25;
	[sflag:s0] =	ssyncset.done $0x0  }
0xfb: {  	s5 =	sor.u32 s26, s28;
	[sflag:s0] =	ssyncadd.s32 $0xFFFFC000  }
0xfc: {  	v5 =	vld [tilespmem:s5+$0x6210]  }
0xfd: {  	v6 =	vld [tilespmem:s5+$0x6290]  }
0xfe: {  	v7 =	vld [tilespmem:s5+$0x6190]  }
0xff: {  	v8 =	vld [tilespmem:s5+$0x6090]  }
0x100: {  	v9 =	vld [tilespmem:s5+$0x6110]  }
0x101: {  	v10 =	vld [tilespmem:s5+$0x6010]  }
0x102: {  	v11 =	vld [tilespmem:s5+$0x4290]  }
0x103: {  	v12 =	vld [tilespmem:s5+$0x4210]  }
0x104: {  	v13 =	vld [tilespmem:s5+$0x4110]  }
0x105: {  	v14 =	vld [tilespmem:s5+$0x4190]  }
0x106: {  	v15 =	vld [tilespmem:s5+$0x4090]  }
0x107: {  	v16 =	vld [tilespmem:s5+$0x4010]  }
0x108: {  	v17 =	vld [tilespmem:s5+$0x6280]  }
0x109: {  	s29 =	sor.u32 s25, s25;
	v18 =	vld [tilespmem:s5+$0x6100]  }
0x10a: {  	s15 =	sor.u32 $0x2380, s29;
	v19 =	vld [tilespmem:s5+$0x6080]  }
0x10b: {  	v20 =	vld [tilespmem:s15+$0x4000]  }
0x10c: {  	v21 =	vld [tilespmem:s5+$0x6200]  }
0x10d: {  	v22 =	vld [tilespmem:s5+$0x6000]  }
0x10e: {  	v23 =	vld [tilespmem:s5+$0x6180]  }
0x10f: {  	s17 =	sor.u32 $0x380, s29;
	v24 =	vld [tilespmem:s5+$0x4280]  }
0x110: {  	v25 =	vld [tilespmem:s17+$0x4000]  }
0x111: {  	s13 =	sand.u32 $0x3, s25;
	v26 =	vld [tilespmem:s5+$0x4200]  }
0x112: {  	s13 =	sshll.u32 s13, $0x5;
	v27 =	vld [tilespmem:s5+$0x4180]  }
0x113: {  	s18 =	sadd.s32 $0x0, s13;
	v28 =	vld [tilespmem:s5+$0x4080]  }
0x114: {  	s19 =	sor.u32 $0x2300, s18;
	s20 =	sadd.s32 $0x10, s18;
	v29 =	vld [tilespmem:s5+$0x4000]  }
0x115: {  	s14 =	sor.u32 $0x2300, s20;
	v30 =	vld [tilespmem:s19+$0x4000]  }
0x116: {  	s13 =	sor.u32 $0x2380, s20;
	v4 =	vld [tilespmem:s14+$0x4000]  }
0x117: {  	v3 =	vld [tilespmem:s13+$0x4000]  }
0x118: {  	s21 =	sor.u32 $0x300, s20;
	v31 =	vld [tilespmem:s5+$0x4100]  }
0x119: {  	s18 =	sor.u32 $0x300, s18;
	v32 =	vld [tilespmem:s21+$0x4000]  }
0x11a: {  	s20 =	sor.u32 $0x380, s20;
	v33 =	vld [tilespmem:s18+$0x4000]  }
0x11b: {  	s22 =	sor.u32 $0xC000, s5;
	v34 =	vld [tilespmem:s20+$0x4000]  }
0x11c: {  	s23 =	sor.u32 $0xC080, s5;
	[tilespmem:s22+$0x0] =	vst.add.f32.msk $0xffff, v29  }
0x11d: {  	s31 =	sor.u32 $0xC100, s5;
	[tilespmem:s23+$0x0] =	vst.add.f32.msk $0xffff, v28  }
0x11e: {  	s0 =	sor.u32 $0xC180, s5;
	[tilespmem:s31+$0x0] =	vst.add.f32.msk $0xffff, v31  }
0x11f: {  	s16 =	sor.u32 $0xC200, s5;
	[tilespmem:s0+$0x0] =	vst.add.f32.msk $0xffff, v27  }
0x120: {  	s24 =	sor.u32 $0xC280, s5;
	[tilespmem:s16+$0x0] =	vst.add.f32.msk $0xffff, v26  }
0x121: {  	[tilespmem:s24+$0x0] =	vst.add.f32.msk $0xffff, v24  }
0x122: {  	[tilespmem:s18+$0xC000] =	vst.add.f32.msk $0xffff, v33  }
0x123: {  	s25 =	sor.u32 $0xE000, s5;
	[tilespmem:s17+$0xC000] =	vst.add.f32.msk $0xffff, v25  }
0x124: {  	s26 =	sor.u32 $0xE080, s5;
	[tilespmem:s25+$0x0] =	vst.add.f32.msk $0xffff, v22  }
0x125: {  	s28 =	sor.u32 $0xE100, s5;
	[tilespmem:s26+$0x0] =	vst.add.f32.msk $0xffff, v19  }
0x126: {  	s29 =	sor.u32 $0xE180, s5;
	[tilespmem:s28+$0x0] =	vst.add.f32.msk $0xffff, v18  }
0x127: {  	s31 =	sor.u32 $0xE200, s5;
	[tilespmem:s29+$0x0] =	vst.add.f32.msk $0xffff, v23  }
0x128: {  	s0 =	sor.u32 $0xE280, s5;
	[tilespmem:s31+$0x0] =	vst.add.f32.msk $0xffff, v21  }
0x129: {  	[tilespmem:s0+$0x0] =	vst.add.f32.msk $0xffff, v17  }
0x12a: {  	[tilespmem:s19+$0xC000] =	vst.add.f32.msk $0xffff, v30  }
0x12b: {  	s16 =	sor.u32 $0xC010, s5;
	[tilespmem:s15+$0xC000] =	vst.add.f32.msk $0xffff, v20  }
0x12c: {  	s18 =	sor.u32 $0xC090, s5;
	[tilespmem:s16+$0x0] =	vst.add.f32.msk $0xffff, v16  }
0x12d: {  	s19 =	sor.u32 $0xC110, s5;
	[tilespmem:s18+$0x0] =	vst.add.f32.msk $0xffff, v15  }
0x12e: {  	s22 =	sor.u32 $0xC190, s5;
	[tilespmem:s19+$0x0] =	vst.add.f32.msk $0xffff, v13  }
0x12f: {  	s23 =	sor.u32 $0xC210, s5;
	[tilespmem:s22+$0x0] =	vst.add.f32.msk $0xffff, v14  }
0x130: {  	s24 =	sor.u32 $0xC290, s5;
	[tilespmem:s23+$0x0] =	vst.add.f32.msk $0xffff, v12  }
0x131: {  	[tilespmem:s24+$0x0] =	vst.add.f32.msk $0xffff, v11  }
0x132: {  	[tilespmem:s21+$0xC000] =	vst.add.f32.msk $0xffff, v32  }
0x133: {  	s25 =	sor.u32 $0xE010, s5;
	[tilespmem:s20+$0xC000] =	vst.add.f32.msk $0xffff, v34  }
0x134: {  	s26 =	sor.u32 $0xE090, s5;
	[tilespmem:s25+$0x0] =	vst.add.f32.msk $0xffff, v10  }
0x135: {  	s28 =	sor.u32 $0xE110, s5;
	[tilespmem:s26+$0x0] =	vst.add.f32.msk $0xffff, v8  }
0x136: {  	s29 =	sor.u32 $0xE190, s5;
	[tilespmem:s28+$0x0] =	vst.add.f32.msk $0xffff, v9  }
0x137: {  	s31 =	sor.u32 $0xE210, s5;
	[tilespmem:s29+$0x0] =	vst.add.f32.msk $0xffff, v7  }
0x138: {  	s5 =	sor.u32 $0xE290, s5;
	[tilespmem:s31+$0x0] =	vst.add.f32.msk $0xffff, v5  }
0x139: {  	s17 =	simm.s32 $0x100;
	s15 =	simm.s32 $0x20;
	s21 =	simm.s32 $0x1;
	[tilespmem:s5+$0x0] =	vst.add.f32.msk $0xffff, v6  }
.LBB2_5:
0x13a: {  	s5 =	sand.u32 $0x3, s21;
	s18 =	sand.u32 $0x60, s15;
	s19 =	sand.u32 $0x1C00, s17;
	[tilespmem:s14+$0xC000] =	vst.add.f32.msk $0xffff, v4  }
0x13b: {  	s14 =	sor.u32 s15, s17;
	s5 =	sshll.u32 s5, $0x5;
	s22 =	sor.u32 s18, s19;
	[tilespmem:s13+$0xC000] =	vst.add.f32.msk $0xffff, v3  }
0x13c: {  	s20 =	sor.u32 $0x380, s14;
	s23 =	sor.u32 $0x2380, s14;
	s5 =	sadd.s32 s5, s17;
	v5 =	vld [tilespmem:s22+$0x6210]  }
0x13d: {  	s24 =	sor.u32 $0x300, s5;
	s18 =	sor.u32 $0x2300, s5;
	s19 =	sadd.s32 $0x10, s5;
	v6 =	vld [tilespmem:s22+$0x6290]  }
0x13e: {  	s5 =	sor.u32 $0x300, s19;
	v7 =	vld [tilespmem:s22+$0x6190];
	s14 =	sor.u32 $0x2300, s19;
	s13 =	sor.u32 $0x2380, s19  }
0x13f: {  	p0 =	sne.s32 s15, $0x3E0;
	s15 =	sadd.s32 $0x20, s15;
	s19 =	sor.u32 $0x380, s19;
	v8 =	vld [tilespmem:s22+$0x6090]  }
0x140: {  	v9 =	vld [tilespmem:s22+$0x6110]  }
0x141: {  	v10 =	vld [tilespmem:s22+$0x6010]  }
0x142: {  	v11 =	vld [tilespmem:s22+$0x4290]  }
0x143: {  	v12 =	vld [tilespmem:s22+$0x4210]  }
0x144: {  	v13 =	vld [tilespmem:s22+$0x4110]  }
0x145: {  	v14 =	vld [tilespmem:s22+$0x4190]  }
0x146: {  	v15 =	vld [tilespmem:s22+$0x4090]  }
0x147: {  	v16 =	vld [tilespmem:s22+$0x4010]  }
0x148: {  	v17 =	vld [tilespmem:s22+$0x6280]  }
0x149: {  	v18 =	vld [tilespmem:s22+$0x6100]  }
0x14a: {  	v19 =	vld [tilespmem:s22+$0x6080]  }
0x14b: {  	v20 =	vld [tilespmem:s23+$0x4000]  }
0x14c: {  	v21 =	vld [tilespmem:s22+$0x6200]  }
0x14d: {  	v22 =	vld [tilespmem:s22+$0x6000]  }
0x14e: {  	v23 =	vld [tilespmem:s22+$0x6180]  }
0x14f: {  	v24 =	vld [tilespmem:s22+$0x4280]  }
0x150: {  	v25 =	vld [tilespmem:s20+$0x4000]  }
0x151: {  	v26 =	vld [tilespmem:s22+$0x4200]  }
0x152: {  	v27 =	vld [tilespmem:s22+$0x4180]  }
0x153: {  	v28 =	vld [tilespmem:s22+$0x4080]  }
0x154: {  	v29 =	vld [tilespmem:s22+$0x4000]  }
0x155: {  	v30 =	vld [tilespmem:s18+$0x4000]  }
0x156: {  	v4 =	vld [tilespmem:s14+$0x4000]  }
0x157: {  	v3 =	vld [tilespmem:s13+$0x4000]  }
0x158: {  	v31 =	vld [tilespmem:s22+$0x4100]  }
0x159: {  	v32 =	vld [tilespmem:s5+$0x4000]  }
0x15a: {  	s25 =	sor.u32 $0xC000, s22;
	v33 =	vld [tilespmem:s24+$0x4000]  }
0x15b: {  	s26 =	sor.u32 $0xC080, s22;
	v34 =	vld [tilespmem:s19+$0x4000]  }
0x15c: {  	[tilespmem:s25+$0x0] =	vst.add.f32.msk $0xffff, v29;
	s25 =	sor.u32 $0xC100, s22  }
0x15d: {  	[tilespmem:s26+$0x0] =	vst.add.f32.msk $0xffff, v28;
	s26 =	sor.u32 $0xC180, s22  }
0x15e: {  	[tilespmem:s25+$0x0] =	vst.add.f32.msk $0xffff, v31;
	s25 =	sor.u32 $0xC200, s22  }
0x15f: {  	[tilespmem:s26+$0x0] =	vst.add.f32.msk $0xffff, v27;
	s26 =	sor.u32 $0xC280, s22  }
0x160: {  	[tilespmem:s25+$0x0] =	vst.add.f32.msk $0xffff, v26  }
0x161: {  	[tilespmem:s26+$0x0] =	vst.add.f32.msk $0xffff, v24  }
0x162: {  	[tilespmem:s24+$0xC000] =	vst.add.f32.msk $0xffff, v33;
	s24 =	sor.u32 $0xE000, s22  }
0x163: {  	[tilespmem:s20+$0xC000] =	vst.add.f32.msk $0xffff, v25;
	s20 =	sor.u32 $0xE080, s22  }
0x164: {  	[tilespmem:s24+$0x0] =	vst.add.f32.msk $0xffff, v22;
	s24 =	sor.u32 $0xE100, s22  }
0x165: {  	[tilespmem:s20+$0x0] =	vst.add.f32.msk $0xffff, v19;
	s20 =	sor.u32 $0xE180, s22  }
0x166: {  	[tilespmem:s24+$0x0] =	vst.add.f32.msk $0xffff, v18;
	s24 =	sor.u32 $0xE200, s22  }
0x167: {  	[tilespmem:s20+$0x0] =	vst.add.f32.msk $0xffff, v23;
	s20 =	sor.u32 $0xE280, s22  }
0x168: {  	[tilespmem:s24+$0x0] =	vst.add.f32.msk $0xffff, v21  }
0x169: {  	[tilespmem:s20+$0x0] =	vst.add.f32.msk $0xffff, v17  }
0x16a: {  	[tilespmem:s18+$0xC000] =	vst.add.f32.msk $0xffff, v30;
	s18 =	sor.u32 $0xC010, s22  }
0x16b: {  	s20 =	sor.u32 $0xC090, s22;
	[tilespmem:s23+$0xC000] =	vst.add.f32.msk $0xffff, v20  }
0x16c: {  	[tilespmem:s18+$0x0] =	vst.add.f32.msk $0xffff, v16;
	s18 =	sor.u32 $0xC110, s22  }
0x16d: {  	[tilespmem:s20+$0x0] =	vst.add.f32.msk $0xffff, v15;
	s20 =	sor.u32 $0xC190, s22  }
0x16e: {  	[tilespmem:s18+$0x0] =	vst.add.f32.msk $0xffff, v13;
	s18 =	sor.u32 $0xC210, s22  }
0x16f: {  	[tilespmem:s20+$0x0] =	vst.add.f32.msk $0xffff, v14;
	s20 =	sor.u32 $0xC290, s22  }
0x170: {  	[tilespmem:s18+$0x0] =	vst.add.f32.msk $0xffff, v12  }
0x171: {  	[tilespmem:s20+$0x0] =	vst.add.f32.msk $0xffff, v11  }
0x172: {  	[tilespmem:s5+$0xC000] =	vst.add.f32.msk $0xffff, v32;
	s5 =	sor.u32 $0xE010, s22  }
0x173: {  	s18 =	sor.u32 $0xE090, s22;
	[tilespmem:s19+$0xC000] =	vst.add.f32.msk $0xffff, v34  }
0x174: {  	[tilespmem:s5+$0x0] =	vst.add.f32.msk $0xffff, v10;
	s5 =	sor.u32 $0xE110, s22  }
.Ltmp1:
0x175: {  	[tilespmem:s18+$0x0] =	vst.add.f32.msk $0xffff, v8;
	s18 =	sor.u32 $0xE190, s22;
	(pc) =	sbr.rel @p0 .LBB2_5-.Ltmp1, $4  }
0x176: {  	[tilespmem:s5+$0x0] =	vst.add.f32.msk $0xffff, v9;
	s5 =	sor.u32 $0xE210, s22  }
0x177: {  	[tilespmem:s18+$0x0] =	vst.add.f32.msk $0xffff, v7;
	s18 =	sor.u32 $0xE290, s22  }
0x178: {  	[tilespmem:s5+$0x0] =	vst.add.f32.msk $0xffff, v5  }
0x179: {  	s21 =	sadd.s32 $0x1, s21;
	s17 =	sadd.s32 $0x100, s17;
	[tilespmem:s18+$0x0] =	vst.add.f32.msk $0xffff, v6  }
0x17a: {  	s0 =	rddreg [dreg:$0x6]  }
0x17b: {  	[dreg:$0xe] =	wrdreg s2  }
0x17c: {  	s26 =	simm.s32 $0x0;
	s29 =	rddreg [dreg:$0x7]  }
0x17d: {  	[tilespmem:s14+$0xC000] =	vst.add.f32.msk $0xffff, v4;
	s28 =	simm.s32 $0xC000;
	s31 =	rddreg [dreg:$0x8];
	s15 =	simm.s32 $0x1  }
0x17e: {  	[tilespmem:s13+$0xC000] =	vst.add.f32.msk $0xffff, v3;
	s5 =	sadd.s32 s2, s0;
	s13 =	sadd.s32 s12, s29;
	s14 =	sadd.s32 s12, s31  }
0x17f: {  	[hbm4b:s5+s26] =	stream.linear.scatter [tilespmem:s28], [sflag:$0x6], $0x4000, $0x38;
	[tilespmem:$0x18000] =	vst v63  }
.LBB2_7:
0x180: {  	s0 =	simm.s32 $0x5  }
0x181: {  	_ =	swait.ge [sflag:s0], $0x4000  }
0x182: {  	s21 =	sshll.u32 s15, $0x9;
	[sflag:s0] =	ssyncset.done $0x0  }
0x183: {  	s17 =	sand.u32 $0x3FFFFE00, s21;
	[sflag:s0] =	ssyncadd.s32 $0xFFFFC000  }
0x184: {  	v3 =	vld [tilespmem:s17+$0x0];
	_ =	sdelay $0x4  }
0x185: {  	v4 =	vshll.u32 v3, $0x3  }
0x186: {  	v3 =	vand.u32 $0x7, v3;
	v4 =	vand.u32 $0xFFFFFFC0, v4  }
0x187: {  	v3 =	vor.u32 v3, v4  }
0x188: {  	v4 =	vperm.xlane v3, v0;
	_ =	sdelay $0x1  }
0x189: {  	v4 =	vadd.s32 v1, v4;
	_ =	sdelay $0x3  }
0x18a: {  	s18 =	simm.s32 $0x0  }
0x18b: {  	[tilespmem:s30], [sflag:$0x1] =	stream.indirect_vreg.gather [hbm4b:s1+s18], $0x80, v4, vm0, $0xb8;
	[tilespmem:$0x18000] =	vst v63  }
0x18c: {  	s22 =	simm.s32 $0x8800;
	v3 =	vperm.xlane v3, v2  }
0x18d: {  	[tilespmem:s22], [sflag:$0x1] =	stream.indirect_vreg.gather [hbm4b:s8+s18], $0x80, v4, vm0, $0xb8;
	[tilespmem:$0x18000] =	vst v63  }
0x18e: {  	s23 =	simm.s32 $0x9000;
	v3 =	vadd.s32 v1, v3  }
0x18f: {  	[tilespmem:s23], [sflag:$0x1] =	stream.indirect_vreg.gather [hbm4b:s9+s18], $0x80, v4, vm0, $0xb8;
	[tilespmem:$0x18000] =	vst v63  }
0x190: {  	s24 =	simm.s32 $0x9800  }
0x191: {  	[tilespmem:s24], [sflag:$0x1] =	stream.indirect_vreg.gather [hbm4b:s10+s18], $0x80, v4, vm0, $0xb8;
	[tilespmem:$0x18000] =	vst v63  }
0x192: {  	s25 =	simm.s32 $0xA000  }
0x193: {  	[tilespmem:s25], [sflag:$0x1] =	stream.indirect_vreg.gather [hbm4b:s1+s18], $0x80, v3, vm0, $0xb8;
	[tilespmem:$0x18000] =	vst v63  }
0x194: {  	s26 =	simm.s32 $0xA800  }
0x195: {  	[tilespmem:s26], [sflag:$0x1] =	stream.indirect_vreg.gather [hbm4b:s8+s18], $0x80, v3, vm0, $0xb8;
	[tilespmem:$0x18000] =	vst v63  }
0x196: {  	s28 =	simm.s32 $0xB000  }
0x197: {  	[tilespmem:s28], [sflag:$0x1] =	stream.indirect_vreg.gather [hbm4b:s9+s18], $0x80, v3, vm0, $0xb8;
	[tilespmem:$0x18000] =	vst v63  }
0x198: {  	s29 =	simm.s32 $0xB800;
	s30 =	simm.s32 $0x3  }
0x199: {  	[tilespmem:s29], [sflag:$0x1] =	stream.indirect_vreg.gather [hbm4b:s10+s18], $0x80, v3, vm0, $0xb8;
	[tilespmem:$0x18000] =	vst v63  }
0x19a: {  	_ =	swait.ge [sflag:s30], $0x4000  }
0x19b: {  	s5 =	sand.u32 $0x60, s18;
	s19 =	sand.u32 $0x1C00, s18;
	[sflag:s30] =	ssyncset.done $0x0  }
0x19c: {  	s5 =	sor.u32 s5, s19;
	[sflag:s30] =	ssyncadd.s32 $0xFFFFC000  }
0x19d: {  	v5 =	vld [tilespmem:s5+$0x6210]  }
0x19e: {  	v6 =	vld [tilespmem:s5+$0x6290]  }
0x19f: {  	v7 =	vld [tilespmem:s5+$0x6190]  }
0x1a0: {  	v8 =	vld [tilespmem:s5+$0x6090]  }
0x1a1: {  	v9 =	vld [tilespmem:s5+$0x6110]  }
0x1a2: {  	v10 =	vld [tilespmem:s5+$0x6010]  }
0x1a3: {  	v11 =	vld [tilespmem:s5+$0x4290]  }
0x1a4: {  	v12 =	vld [tilespmem:s5+$0x4210]  }
0x1a5: {  	v13 =	vld [tilespmem:s5+$0x4110]  }
0x1a6: {  	v14 =	vld [tilespmem:s5+$0x4190]  }
0x1a7: {  	v15 =	vld [tilespmem:s5+$0x4090]  }
0x1a8: {  	v16 =	vld [tilespmem:s5+$0x4010]  }
0x1a9: {  	v17 =	vld [tilespmem:s5+$0x6280]  }
0x1aa: {  	s31 =	sor.u32 s18, s18;
	v18 =	vld [tilespmem:s5+$0x6100]  }
0x1ab: {  	s20 =	sor.u32 $0x2380, s31;
	v19 =	vld [tilespmem:s5+$0x6080]  }
0x1ac: {  	v20 =	vld [tilespmem:s20+$0x4000]  }
0x1ad: {  	v21 =	vld [tilespmem:s5+$0x6200]  }
0x1ae: {  	v22 =	vld [tilespmem:s5+$0x6000]  }
0x1af: {  	v23 =	vld [tilespmem:s5+$0x6180]  }
0x1b0: {  	s19 =	sor.u32 $0x380, s31;
	v24 =	vld [tilespmem:s5+$0x4280]  }
0x1b1: {  	v25 =	vld [tilespmem:s19+$0x4000]  }
0x1b2: {  	s18 =	sand.u32 $0x3, s18;
	v26 =	vld [tilespmem:s5+$0x4200]  }
0x1b3: {  	s18 =	sshll.u32 s18, $0x5;
	v27 =	vld [tilespmem:s5+$0x4180]  }
0x1b4: {  	s18 =	sadd.s32 $0x0, s18;
	v28 =	vld [tilespmem:s5+$0x4080]  }
0x1b5: {  	s24 =	sor.u32 $0x2300, s18;
	v29 =	vld [tilespmem:s5+$0x4000]  }
0x1b6: {  	v30 =	vld [tilespmem:s24+$0x4000]  }
0x1b7: {  	s25 =	sadd.s32 $0x10, s18;
	s18 =	sor.u32 $0x300, s18;
	v31 =	vld [tilespmem:s5+$0x4100]  }
0x1b8: {  	s23 =	sor.u32 $0x2300, s25;
	v33 =	vld [tilespmem:s18+$0x4000]  }
0x1b9: {  	s22 =	sor.u32 $0x2380, s25;
	v4 =	vld [tilespmem:s23+$0x4000]  }
0x1ba: {  	s26 =	sor.u32 $0x300, s25;
	v3 =	vld [tilespmem:s22+$0x4000]  }
0x1bb: {  	s25 =	sor.u32 $0x380, s25;
	v32 =	vld [tilespmem:s26+$0x4000]  }
0x1bc: {  	s28 =	sor.u32 $0x10000, s5;
	v34 =	vld [tilespmem:s25+$0x4000]  }
0x1bd: {  	s0 =	sor.u32 $0x10080, s5;
	[tilespmem:s28+$0x0] =	vst.add.f32.msk $0xffff, v29  }
0x1be: {  	s2 =	sor.u32 $0x10100, s5;
	[tilespmem:s0+$0x0] =	vst.add.f32.msk $0xffff, v28  }
0x1bf: {  	s29 =	sor.u32 $0x10180, s5;
	[tilespmem:s2+$0x0] =	vst.add.f32.msk $0xffff, v31  }
0x1c0: {  	s30 =	sor.u32 $0x10200, s5;
	[tilespmem:s29+$0x0] =	vst.add.f32.msk $0xffff, v27  }
0x1c1: {  	s31 =	sor.u32 $0x10280, s5;
	[tilespmem:s30+$0x0] =	vst.add.f32.msk $0xffff, v26  }
0x1c2: {  	[tilespmem:s31+$0x0] =	vst.add.f32.msk $0xffff, v24  }
0x1c3: {  	[tilespmem:s18+$0x10000] =	vst.add.f32.msk $0xffff, v33  }
0x1c4: {  	s0 =	sor.u32 $0x12000, s5;
	[tilespmem:s19+$0x10000] =	vst.add.f32.msk $0xffff, v25  }
0x1c5: {  	s2 =	sor.u32 $0x12080, s5;
	[tilespmem:s0+$0x0] =	vst.add.f32.msk $0xffff, v22  }
0x1c6: {  	s19 =	sor.u32 $0x12100, s5;
	[tilespmem:s2+$0x0] =	vst.add.f32.msk $0xffff, v19  }
0x1c7: {  	s28 =	sor.u32 $0x12180, s5;
	[tilespmem:s19+$0x0] =	vst.add.f32.msk $0xffff, v18  }
0x1c8: {  	s29 =	sor.u32 $0x12200, s5;
	[tilespmem:s28+$0x0] =	vst.add.f32.msk $0xffff, v23  }
0x1c9: {  	s30 =	sor.u32 $0x12280, s5;
	[tilespmem:s29+$0x0] =	vst.add.f32.msk $0xffff, v21  }
0x1ca: {  	[tilespmem:s30+$0x0] =	vst.add.f32.msk $0xffff, v17  }
0x1cb: {  	[tilespmem:s24+$0x10000] =	vst.add.f32.msk $0xffff, v30  }
0x1cc: {  	s31 =	sor.u32 $0x10010, s5;
	[tilespmem:s20+$0x10000] =	vst.add.f32.msk $0xffff, v20  }
0x1cd: {  	s0 =	sor.u32 $0x10090, s5;
	[tilespmem:s31+$0x0] =	vst.add.f32.msk $0xffff, v16  }
0x1ce: {  	s2 =	sor.u32 $0x10110, s5;
	[tilespmem:s0+$0x0] =	vst.add.f32.msk $0xffff, v15  }
0x1cf: {  	s19 =	sor.u32 $0x10190, s5;
	[tilespmem:s2+$0x0] =	vst.add.f32.msk $0xffff, v13  }
0x1d0: {  	s20 =	sor.u32 $0x10210, s5;
	[tilespmem:s19+$0x0] =	vst.add.f32.msk $0xffff, v14  }
0x1d1: {  	s24 =	sor.u32 $0x10290, s5;
	[tilespmem:s20+$0x0] =	vst.add.f32.msk $0xffff, v12  }
0x1d2: {  	[tilespmem:s24+$0x0] =	vst.add.f32.msk $0xffff, v11  }
0x1d3: {  	[tilespmem:s26+$0x10000] =	vst.add.f32.msk $0xffff, v32  }
0x1d4: {  	s26 =	sor.u32 $0x12010, s5;
	[tilespmem:s25+$0x10000] =	vst.add.f32.msk $0xffff, v34  }
0x1d5: {  	s28 =	sor.u32 $0x12090, s5;
	[tilespmem:s26+$0x0] =	vst.add.f32.msk $0xffff, v10  }
0x1d6: {  	s29 =	sor.u32 $0x12110, s5;
	[tilespmem:s28+$0x0] =	vst.add.f32.msk $0xffff, v8  }
0x1d7: {  	s30 =	sor.u32 $0x12190, s5;
	[tilespmem:s29+$0x0] =	vst.add.f32.msk $0xffff, v9  }
0x1d8: {  	s31 =	sor.u32 $0x12210, s5;
	[tilespmem:s30+$0x0] =	vst.add.f32.msk $0xffff, v7  }
0x1d9: {  	s16 =	simm.s32 $0x14000;
	s5 =	sor.u32 $0x12290, s5;
	[tilespmem:s31+$0x0] =	vst.add.f32.msk $0xffff, v5  }
0x1da: {  	s24 =	simm.s32 $0x20;
	s25 =	simm.s32 $0x100;
	s26 =	simm.s32 $0x1;
	[tilespmem:s5+$0x0] =	vst.add.f32.msk $0xffff, v6  }
.LBB2_8:
0x1db: {  	s5 =	sand.u32 $0x3, s26;
	s18 =	sand.u32 $0x60, s24;
	s19 =	sand.u32 $0x1C00, s25;
	[tilespmem:s23+$0x10000] =	vst.add.f32.msk $0xffff, v4  }
0x1dc: {  	s5 =	sshll.u32 s5, $0x5;
	s29 =	sor.u32 s18, s19;
	s18 =	sor.u32 s24, s25;
	[tilespmem:s22+$0x10000] =	vst.add.f32.msk $0xffff, v3  }
0x1dd: {  	s5 =	sadd.s32 s5, s25;
	s20 =	sor.u32 $0x380, s18;
	s28 =	sor.u32 $0x2380, s18;
	v5 =	vld [tilespmem:s29+$0x6210]  }
0x1de: {  	s30 =	sor.u32 $0x300, s5;
	s18 =	sor.u32 $0x2300, s5;
	s19 =	sadd.s32 $0x10, s5;
	v6 =	vld [tilespmem:s29+$0x6290]  }
0x1df: {  	s5 =	sor.u32 $0x300, s19;
	v7 =	vld [tilespmem:s29+$0x6190];
	s23 =	sor.u32 $0x2300, s19;
	s22 =	sor.u32 $0x2380, s19  }
0x1e0: {  	p0 =	sne.s32 s24, $0x3E0;
	s24 =	sadd.s32 $0x20, s24;
	s19 =	sor.u32 $0x380, s19;
	v8 =	vld [tilespmem:s29+$0x6090]  }
0x1e1: {  	v9 =	vld [tilespmem:s29+$0x6110]  }
0x1e2: {  	v10 =	vld [tilespmem:s29+$0x6010]  }
0x1e3: {  	v11 =	vld [tilespmem:s29+$0x4290]  }
0x1e4: {  	v12 =	vld [tilespmem:s29+$0x4210]  }
0x1e5: {  	v13 =	vld [tilespmem:s29+$0x4110]  }
0x1e6: {  	v14 =	vld [tilespmem:s29+$0x4190]  }
0x1e7: {  	v15 =	vld [tilespmem:s29+$0x4090]  }
0x1e8: {  	v16 =	vld [tilespmem:s29+$0x4010]  }
0x1e9: {  	v17 =	vld [tilespmem:s29+$0x6280]  }
0x1ea: {  	v18 =	vld [tilespmem:s29+$0x6100]  }
0x1eb: {  	v19 =	vld [tilespmem:s29+$0x6080]  }
0x1ec: {  	v20 =	vld [tilespmem:s28+$0x4000]  }
0x1ed: {  	v21 =	vld [tilespmem:s29+$0x6200]  }
0x1ee: {  	v22 =	vld [tilespmem:s29+$0x6000]  }
0x1ef: {  	v23 =	vld [tilespmem:s29+$0x6180]  }
0x1f0: {  	v24 =	vld [tilespmem:s29+$0x4280]  }
0x1f1: {  	v25 =	vld [tilespmem:s20+$0x4000]  }
0x1f2: {  	v26 =	vld [tilespmem:s29+$0x4200]  }
0x1f3: {  	v27 =	vld [tilespmem:s29+$0x4180]  }
0x1f4: {  	v28 =	vld [tilespmem:s29+$0x4080]  }
0x1f5: {  	v29 =	vld [tilespmem:s29+$0x4000]  }
0x1f6: {  	v30 =	vld [tilespmem:s18+$0x4000]  }
0x1f7: {  	v4 =	vld [tilespmem:s23+$0x4000]  }
0x1f8: {  	v3 =	vld [tilespmem:s22+$0x4000]  }
0x1f9: {  	v31 =	vld [tilespmem:s29+$0x4100]  }
0x1fa: {  	v32 =	vld [tilespmem:s5+$0x4000]  }
0x1fb: {  	s31 =	sor.u32 $0x10000, s29;
	v33 =	vld [tilespmem:s30+$0x4000]  }
0x1fc: {  	s0 =	sor.u32 $0x10080, s29;
	v34 =	vld [tilespmem:s19+$0x4000]  }
0x1fd: {  	[tilespmem:s31+$0x0] =	vst.add.f32.msk $0xffff, v29;
	s31 =	sor.u32 $0x10100, s29  }
0x1fe: {  	[tilespmem:s0+$0x0] =	vst.add.f32.msk $0xffff, v28;
	s0 =	sor.u32 $0x10180, s29  }
0x1ff: {  	[tilespmem:s31+$0x0] =	vst.add.f32.msk $0xffff, v31;
	s31 =	sor.u32 $0x10200, s29  }
0x200: {  	[tilespmem:s0+$0x0] =	vst.add.f32.msk $0xffff, v27;
	s0 =	sor.u32 $0x10280, s29  }
0x201: {  	[tilespmem:s31+$0x0] =	vst.add.f32.msk $0xffff, v26  }
0x202: {  	[tilespmem:s0+$0x0] =	vst.add.f32.msk $0xffff, v24  }
0x203: {  	s0 =	sor.u32 $0x12000, s29;
	[tilespmem:s30+$0x10000] =	vst.add.f32.msk $0xffff, v33  }
0x204: {  	[tilespmem:s20+$0x10000] =	vst.add.f32.msk $0xffff, v25;
	s20 =	sor.u32 $0x12080, s29  }
0x205: {  	[tilespmem:s0+$0x0] =	vst.add.f32.msk $0xffff, v22;
	s0 =	sor.u32 $0x12100, s29  }
0x206: {  	[tilespmem:s20+$0x0] =	vst.add.f32.msk $0xffff, v19;
	s20 =	sor.u32 $0x12180, s29  }
0x207: {  	[tilespmem:s0+$0x0] =	vst.add.f32.msk $0xffff, v18;
	s0 =	sor.u32 $0x12200, s29  }
0x208: {  	[tilespmem:s20+$0x0] =	vst.add.f32.msk $0xffff, v23;
	s20 =	sor.u32 $0x12280, s29  }
0x209: {  	[tilespmem:s0+$0x0] =	vst.add.f32.msk $0xffff, v21  }
0x20a: {  	[tilespmem:s20+$0x0] =	vst.add.f32.msk $0xffff, v17  }
0x20b: {  	s0 =	sor.u32 $0x10010, s29;
	[tilespmem:s18+$0x10000] =	vst.add.f32.msk $0xffff, v30  }
0x20c: {  	s18 =	sor.u32 $0x10090, s29;
	[tilespmem:s28+$0x10000] =	vst.add.f32.msk $0xffff, v20  }
0x20d: {  	[tilespmem:s0+$0x0] =	vst.add.f32.msk $0xffff, v16;
	s0 =	sor.u32 $0x10110, s29  }
0x20e: {  	[tilespmem:s18+$0x0] =	vst.add.f32.msk $0xffff, v15;
	s18 =	sor.u32 $0x10190, s29  }
0x20f: {  	[tilespmem:s0+$0x0] =	vst.add.f32.msk $0xffff, v13;
	s0 =	sor.u32 $0x10210, s29  }
0x210: {  	[tilespmem:s18+$0x0] =	vst.add.f32.msk $0xffff, v14;
	s18 =	sor.u32 $0x10290, s29  }
0x211: {  	[tilespmem:s0+$0x0] =	vst.add.f32.msk $0xffff, v12  }
0x212: {  	[tilespmem:s18+$0x0] =	vst.add.f32.msk $0xffff, v11  }
0x213: {  	s0 =	sor.u32 $0x12010, s29;
	[tilespmem:s5+$0x10000] =	vst.add.f32.msk $0xffff, v32  }
0x214: {  	s5 =	sor.u32 $0x12090, s29;
	[tilespmem:s19+$0x10000] =	vst.add.f32.msk $0xffff, v34  }
0x215: {  	[tilespmem:s0+$0x0] =	vst.add.f32.msk $0xffff, v10;
	s0 =	sor.u32 $0x12110, s29  }
.Ltmp2:
0x216: {  	[tilespmem:s5+$0x0] =	vst.add.f32.msk $0xffff, v8;
	s5 =	sor.u32 $0x12190, s29;
	(pc) =	sbr.rel @p0 .LBB2_8-.Ltmp2, $4  }
0x217: {  	[tilespmem:s0+$0x0] =	vst.add.f32.msk $0xffff, v9;
	s0 =	sor.u32 $0x12210, s29  }
0x218: {  	[tilespmem:s5+$0x0] =	vst.add.f32.msk $0xffff, v7;
	s5 =	sor.u32 $0x12290, s29  }
0x219: {  	[tilespmem:s0+$0x0] =	vst.add.f32.msk $0xffff, v5  }
0x21a: {  	s26 =	sadd.s32 $0x1, s26;
	s25 =	sadd.s32 $0x100, s25;
	[tilespmem:s5+$0x0] =	vst.add.f32.msk $0xffff, v6  }
0x21b: {  	s0 =	sadd.s32 s21, s13  }
0x21c: {  	[tilespmem:s23+$0x10000] =	vst.add.f32.msk $0xffff, v4;
	s18 =	simm.s32 $0x0;
	s0 =	sshll.u32 s0, $0x7  }
0x21d: {  	s2 =	simm.s32 $0x10000;
	s28 =	simm.s32 $0x6;
	[tilespmem:s22+$0x10000] =	vst.add.f32.msk $0xffff, v3;
	s0 =	sadd.s32 s4, s0  }
0x21e: {  	[hbm4b:s0+s18] =	stream.linear.scatter [tilespmem:s2], [sflag:$0x7], $0x4000, $0x38;
	[tilespmem:$0x18000] =	vst v63  }
0x21f: {  	_ =	swait.ge [sflag:s28], $0x4000  }
0x220: {  	[sflag:s28] =	ssyncset.done $0x0  }
0x221: {  	[sflag:s28] =	ssyncadd.s32 $0xFFFFC000  }
0x222: {  	v3 =	vld [tilespmem:s21+$0x80];
	_ =	sdelay $0x4  }
0x223: {  	v4 =	vshll.u32 v3, $0x3  }
0x224: {  	v3 =	vand.u32 $0x7, v3;
	v4 =	vand.u32 $0xFFFFFFC0, v4  }
0x225: {  	v3 =	vor.u32 v3, v4  }
0x226: {  	v4 =	vperm.xlane v3, v0;
	_ =	sdelay $0x1  }
0x227: {  	v4 =	vadd.s32 v1, v4;
	_ =	sdelay $0x3  }
0x228: {  	s30 =	simm.s32 $0xC000  }
0x229: {  	[tilespmem:s30], [sflag:$0x2] =	stream.indirect_vreg.gather [hbm4b:s1+s18], $0x80, v4, vm0, $0xb8;
	[tilespmem:$0x18000] =	vst v63  }
0x22a: {  	s31 =	simm.s32 $0xC800;
	v3 =	vperm.xlane v3, v2  }
0x22b: {  	[tilespmem:s31], [sflag:$0x2] =	stream.indirect_vreg.gather [hbm4b:s8+s18], $0x80, v4, vm0, $0xb8;
	[tilespmem:$0x18000] =	vst v63  }
0x22c: {  	s2 =	simm.s32 $0xD000;
	v3 =	vadd.s32 v1, v3  }
0x22d: {  	[tilespmem:s2], [sflag:$0x2] =	stream.indirect_vreg.gather [hbm4b:s9+s18], $0x80, v4, vm0, $0xb8;
	[tilespmem:$0x18000] =	vst v63  }
0x22e: {  	s5 =	simm.s32 $0xD800  }
0x22f: {  	[tilespmem:s5], [sflag:$0x2] =	stream.indirect_vreg.gather [hbm4b:s10+s18], $0x80, v4, vm0, $0xb8;
	[tilespmem:$0x18000] =	vst v63  }
0x230: {  	s19 =	simm.s32 $0xE000  }
0x231: {  	[tilespmem:s19], [sflag:$0x2] =	stream.indirect_vreg.gather [hbm4b:s1+s18], $0x80, v3, vm0, $0xb8;
	[tilespmem:$0x18000] =	vst v63  }
0x232: {  	s20 =	simm.s32 $0xE800  }
0x233: {  	[tilespmem:s20], [sflag:$0x2] =	stream.indirect_vreg.gather [hbm4b:s8+s18], $0x80, v3, vm0, $0xb8;
	[tilespmem:$0x18000] =	vst v63  }
0x234: {  	s22 =	simm.s32 $0xF000  }
0x235: {  	[tilespmem:s22], [sflag:$0x2] =	stream.indirect_vreg.gather [hbm4b:s9+s18], $0x80, v3, vm0, $0xb8;
	[tilespmem:$0x18000] =	vst v63  }
0x236: {  	s23 =	simm.s32 $0xF800  }
0x237: {  	[tilespmem:s23], [sflag:$0x2] =	stream.indirect_vreg.gather [hbm4b:s10+s18], $0x80, v3, vm0, $0xb8;
	[tilespmem:$0x18000] =	vst v63  }
0x238: {  	_ =	swait.ge [sflag:s3], $0x4000  }
0x239: {  	s24 =	sand.u32 $0x60, s18;
	s5 =	sand.u32 $0x1C00, s18;
	[sflag:s3] =	ssyncset.done $0x0  }
0x23a: {  	s5 =	sor.u32 s24, s5;
	[sflag:s3] =	ssyncadd.s32 $0xFFFFC000  }
0x23b: {  	v5 =	vld [tilespmem:s5+$0x6210]  }
0x23c: {  	v6 =	vld [tilespmem:s5+$0x6290]  }
0x23d: {  	v7 =	vld [tilespmem:s5+$0x6190]  }
0x23e: {  	v8 =	vld [tilespmem:s5+$0x6090]  }
0x23f: {  	v9 =	vld [tilespmem:s5+$0x6110]  }
0x240: {  	v10 =	vld [tilespmem:s5+$0x6010]  }
0x241: {  	v11 =	vld [tilespmem:s5+$0x4290]  }
0x242: {  	v12 =	vld [tilespmem:s5+$0x4210]  }
0x243: {  	v13 =	vld [tilespmem:s5+$0x4110]  }
0x244: {  	v14 =	vld [tilespmem:s5+$0x4190]  }
0x245: {  	v15 =	vld [tilespmem:s5+$0x4090]  }
0x246: {  	v16 =	vld [tilespmem:s5+$0x4010]  }
0x247: {  	v17 =	vld [tilespmem:s5+$0x6280]  }
0x248: {  	s25 =	sor.u32 s18, s18;
	v18 =	vld [tilespmem:s5+$0x6100]  }
0x249: {  	s19 =	sor.u32 $0x2380, s25;
	v19 =	vld [tilespmem:s5+$0x6080]  }
0x24a: {  	v20 =	vld [tilespmem:s19+$0x4000]  }
0x24b: {  	v21 =	vld [tilespmem:s5+$0x6200]  }
0x24c: {  	v22 =	vld [tilespmem:s5+$0x6000]  }
0x24d: {  	v23 =	vld [tilespmem:s5+$0x6180]  }
0x24e: {  	s0 =	sor.u32 $0x380, s25;
	v24 =	vld [tilespmem:s5+$0x4280]  }
0x24f: {  	v25 =	vld [tilespmem:s0+$0x4000]  }
0x250: {  	s18 =	sand.u32 $0x3, s18;
	v26 =	vld [tilespmem:s5+$0x4200]  }
0x251: {  	s18 =	sshll.u32 s18, $0x5;
	v27 =	vld [tilespmem:s5+$0x4180]  }
0x252: {  	s18 =	sadd.s32 $0x0, s18;
	v28 =	vld [tilespmem:s5+$0x4080]  }
0x253: {  	s20 =	sor.u32 $0x2300, s18;
	v29 =	vld [tilespmem:s5+$0x4000]  }
0x254: {  	v30 =	vld [tilespmem:s20+$0x4000]  }
0x255: {  	s26 =	sadd.s32 $0x10, s18;
	s18 =	sor.u32 $0x300, s18;
	v31 =	vld [tilespmem:s5+$0x4100]  }
0x256: {  	s24 =	sor.u32 $0x2300, s26;
	v33 =	vld [tilespmem:s18+$0x4000]  }
0x257: {  	s23 =	sor.u32 $0x2380, s26;
	v4 =	vld [tilespmem:s24+$0x4000]  }
0x258: {  	s25 =	sor.u32 $0x300, s26;
	v3 =	vld [tilespmem:s23+$0x4000]  }
0x259: {  	s22 =	sor.u32 $0x380, s26;
	v32 =	vld [tilespmem:s25+$0x4000]  }
0x25a: {  	s26 =	sor.u32 $0x14000, s5;
	v34 =	vld [tilespmem:s22+$0x4000]  }
0x25b: {  	s28 =	sor.u32 $0x14080, s5;
	[tilespmem:s26+$0x0] =	vst.add.f32.msk $0xffff, v29  }
0x25c: {  	s30 =	sor.u32 $0x14100, s5;
	[tilespmem:s28+$0x0] =	vst.add.f32.msk $0xffff, v28  }
0x25d: {  	s31 =	sor.u32 $0x14180, s5;
	[tilespmem:s30+$0x0] =	vst.add.f32.msk $0xffff, v31  }
0x25e: {  	s2 =	sor.u32 $0x14200, s5;
	[tilespmem:s31+$0x0] =	vst.add.f32.msk $0xffff, v27  }
0x25f: {  	s28 =	sor.u32 $0x14280, s5;
	[tilespmem:s2+$0x0] =	vst.add.f32.msk $0xffff, v26  }
0x260: {  	[tilespmem:s28+$0x0] =	vst.add.f32.msk $0xffff, v24  }
0x261: {  	[tilespmem:s18+$0x14000] =	vst.add.f32.msk $0xffff, v33  }
0x262: {  	s30 =	sor.u32 $0x16000, s5;
	[tilespmem:s0+$0x14000] =	vst.add.f32.msk $0xffff, v25  }
0x263: {  	s31 =	sor.u32 $0x16080, s5;
	[tilespmem:s30+$0x0] =	vst.add.f32.msk $0xffff, v22  }
0x264: {  	s2 =	sor.u32 $0x16100, s5;
	[tilespmem:s31+$0x0] =	vst.add.f32.msk $0xffff, v19  }
0x265: {  	s18 =	sor.u32 $0x16180, s5;
	[tilespmem:s2+$0x0] =	vst.add.f32.msk $0xffff, v18  }
0x266: {  	s26 =	sor.u32 $0x16200, s5;
	[tilespmem:s18+$0x0] =	vst.add.f32.msk $0xffff, v23  }
0x267: {  	s28 =	sor.u32 $0x16280, s5;
	[tilespmem:s26+$0x0] =	vst.add.f32.msk $0xffff, v21  }
0x268: {  	[tilespmem:s28+$0x0] =	vst.add.f32.msk $0xffff, v17  }
0x269: {  	[tilespmem:s20+$0x14000] =	vst.add.f32.msk $0xffff, v30  }
0x26a: {  	s30 =	sor.u32 $0x14010, s5;
	[tilespmem:s19+$0x14000] =	vst.add.f32.msk $0xffff, v20  }
0x26b: {  	s31 =	sor.u32 $0x14090, s5;
	[tilespmem:s30+$0x0] =	vst.add.f32.msk $0xffff, v16  }
0x26c: {  	s2 =	sor.u32 $0x14110, s5;
	[tilespmem:s31+$0x0] =	vst.add.f32.msk $0xffff, v15  }
0x26d: {  	s18 =	sor.u32 $0x14190, s5;
	[tilespmem:s2+$0x0] =	vst.add.f32.msk $0xffff, v13  }
0x26e: {  	s19 =	sor.u32 $0x14210, s5;
	[tilespmem:s18+$0x0] =	vst.add.f32.msk $0xffff, v14  }
0x26f: {  	s20 =	sor.u32 $0x14290, s5;
	[tilespmem:s19+$0x0] =	vst.add.f32.msk $0xffff, v12  }
0x270: {  	[tilespmem:s20+$0x0] =	vst.add.f32.msk $0xffff, v11  }
0x271: {  	[tilespmem:s25+$0x14000] =	vst.add.f32.msk $0xffff, v32  }
0x272: {  	s25 =	sor.u32 $0x16010, s5;
	[tilespmem:s22+$0x14000] =	vst.add.f32.msk $0xffff, v34  }
0x273: {  	s26 =	sor.u32 $0x16090, s5;
	[tilespmem:s25+$0x0] =	vst.add.f32.msk $0xffff, v10  }
0x274: {  	s28 =	sor.u32 $0x16110, s5;
	[tilespmem:s26+$0x0] =	vst.add.f32.msk $0xffff, v8  }
0x275: {  	s30 =	sor.u32 $0x16190, s5;
	[tilespmem:s28+$0x0] =	vst.add.f32.msk $0xffff, v9  }
0x276: {  	s31 =	sor.u32 $0x16210, s5;
	[tilespmem:s30+$0x0] =	vst.add.f32.msk $0xffff, v7  }
0x277: {  	s29 =	simm.s32 $0x1;
	s5 =	sor.u32 $0x16290, s5;
	[tilespmem:s31+$0x0] =	vst.add.f32.msk $0xffff, v5  }
0x278: {  	s22 =	sor.u32 $0x80, s21;
	s25 =	simm.s32 $0x20;
	s26 =	simm.s32 $0x100;
	[tilespmem:s5+$0x0] =	vst.add.f32.msk $0xffff, v6  }
.LBB2_10:
0x279: {  	s0 =	sand.u32 $0x3, s29;
	s5 =	sand.u32 $0x60, s25;
	s18 =	sand.u32 $0x1C00, s26;
	[tilespmem:s24+$0x14000] =	vst.add.f32.msk $0xffff, v4  }
0x27a: {  	s0 =	sshll.u32 s0, $0x5;
	s5 =	sor.u32 s5, s18;
	s18 =	sor.u32 s25, s26;
	[tilespmem:s23+$0x14000] =	vst.add.f32.msk $0xffff, v3  }
0x27b: {  	s0 =	sadd.s32 s0, s26;
	s30 =	sor.u32 $0x380, s18;
	s18 =	sor.u32 $0x2380, s18;
	v5 =	vld [tilespmem:s5+$0x6210]  }
0x27c: {  	s31 =	sor.u32 $0x300, s0;
	s20 =	sor.u32 $0x2300, s0;
	s0 =	sadd.s32 $0x10, s0;
	v6 =	vld [tilespmem:s5+$0x6290]  }
0x27d: {  	s19 =	sor.u32 $0x300, s0;
	v7 =	vld [tilespmem:s5+$0x6190];
	s24 =	sor.u32 $0x2300, s0;
	s23 =	sor.u32 $0x2380, s0  }
0x27e: {  	p0 =	sne.s32 s25, $0x3E0;
	s25 =	sadd.s32 $0x20, s25;
	s28 =	sor.u32 $0x380, s0;
	v8 =	vld [tilespmem:s5+$0x6090]  }
0x27f: {  	v9 =	vld [tilespmem:s5+$0x6110]  }
0x280: {  	v10 =	vld [tilespmem:s5+$0x6010]  }
0x281: {  	v11 =	vld [tilespmem:s5+$0x4290]  }
0x282: {  	v12 =	vld [tilespmem:s5+$0x4210]  }
0x283: {  	v13 =	vld [tilespmem:s5+$0x4110]  }
0x284: {  	v14 =	vld [tilespmem:s5+$0x4190]  }
0x285: {  	v15 =	vld [tilespmem:s5+$0x4090]  }
0x286: {  	v16 =	vld [tilespmem:s5+$0x4010]  }
0x287: {  	v17 =	vld [tilespmem:s5+$0x6280]  }
0x288: {  	v18 =	vld [tilespmem:s5+$0x6100]  }
0x289: {  	v19 =	vld [tilespmem:s5+$0x6080]  }
0x28a: {  	v20 =	vld [tilespmem:s18+$0x4000]  }
0x28b: {  	v21 =	vld [tilespmem:s5+$0x6200]  }
0x28c: {  	v22 =	vld [tilespmem:s5+$0x6000]  }
0x28d: {  	v23 =	vld [tilespmem:s5+$0x6180]  }
0x28e: {  	v24 =	vld [tilespmem:s5+$0x4280]  }
0x28f: {  	v25 =	vld [tilespmem:s30+$0x4000]  }
0x290: {  	v26 =	vld [tilespmem:s5+$0x4200]  }
0x291: {  	v27 =	vld [tilespmem:s5+$0x4180]  }
0x292: {  	v28 =	vld [tilespmem:s5+$0x4080]  }
0x293: {  	v29 =	vld [tilespmem:s5+$0x4000]  }
0x294: {  	v30 =	vld [tilespmem:s20+$0x4000]  }
0x295: {  	v4 =	vld [tilespmem:s24+$0x4000]  }
0x296: {  	v3 =	vld [tilespmem:s23+$0x4000]  }
0x297: {  	v31 =	vld [tilespmem:s5+$0x4100]  }
0x298: {  	v32 =	vld [tilespmem:s19+$0x4000]  }
0x299: {  	s0 =	sor.u32 $0x14000, s5;
	v33 =	vld [tilespmem:s31+$0x4000]  }
0x29a: {  	s2 =	sor.u32 $0x14080, s5;
	v34 =	vld [tilespmem:s28+$0x4000]  }
0x29b: {  	[tilespmem:s0+$0x0] =	vst.add.f32.msk $0xffff, v29;
	s0 =	sor.u32 $0x14100, s5  }
0x29c: {  	[tilespmem:s2+$0x0] =	vst.add.f32.msk $0xffff, v28;
	s2 =	sor.u32 $0x14180, s5  }
0x29d: {  	[tilespmem:s0+$0x0] =	vst.add.f32.msk $0xffff, v31;
	s0 =	sor.u32 $0x14200, s5  }
0x29e: {  	[tilespmem:s2+$0x0] =	vst.add.f32.msk $0xffff, v27;
	s2 =	sor.u32 $0x14280, s5  }
0x29f: {  	[tilespmem:s0+$0x0] =	vst.add.f32.msk $0xffff, v26  }
0x2a0: {  	[tilespmem:s2+$0x0] =	vst.add.f32.msk $0xffff, v24  }
0x2a1: {  	s0 =	sor.u32 $0x16000, s5;
	[tilespmem:s31+$0x14000] =	vst.add.f32.msk $0xffff, v33  }
0x2a2: {  	s2 =	sor.u32 $0x16080, s5;
	[tilespmem:s30+$0x14000] =	vst.add.f32.msk $0xffff, v25  }
0x2a3: {  	[tilespmem:s0+$0x0] =	vst.add.f32.msk $0xffff, v22;
	s0 =	sor.u32 $0x16100, s5  }
0x2a4: {  	[tilespmem:s2+$0x0] =	vst.add.f32.msk $0xffff, v19;
	s2 =	sor.u32 $0x16180, s5  }
0x2a5: {  	[tilespmem:s0+$0x0] =	vst.add.f32.msk $0xffff, v18;
	s0 =	sor.u32 $0x16200, s5  }
0x2a6: {  	[tilespmem:s2+$0x0] =	vst.add.f32.msk $0xffff, v23;
	s2 =	sor.u32 $0x16280, s5  }
0x2a7: {  	[tilespmem:s0+$0x0] =	vst.add.f32.msk $0xffff, v21  }
0x2a8: {  	[tilespmem:s2+$0x0] =	vst.add.f32.msk $0xffff, v17  }
0x2a9: {  	s0 =	sor.u32 $0x14010, s5;
	[tilespmem:s20+$0x14000] =	vst.add.f32.msk $0xffff, v30  }
0x2aa: {  	s2 =	sor.u32 $0x14090, s5;
	[tilespmem:s18+$0x14000] =	vst.add.f32.msk $0xffff, v20  }
0x2ab: {  	[tilespmem:s0+$0x0] =	vst.add.f32.msk $0xffff, v16;
	s0 =	sor.u32 $0x14110, s5  }
0x2ac: {  	[tilespmem:s2+$0x0] =	vst.add.f32.msk $0xffff, v15;
	s2 =	sor.u32 $0x14190, s5  }
0x2ad: {  	[tilespmem:s0+$0x0] =	vst.add.f32.msk $0xffff, v13;
	s0 =	sor.u32 $0x14210, s5  }
0x2ae: {  	[tilespmem:s2+$0x0] =	vst.add.f32.msk $0xffff, v14;
	s2 =	sor.u32 $0x14290, s5  }
0x2af: {  	[tilespmem:s0+$0x0] =	vst.add.f32.msk $0xffff, v12  }
0x2b0: {  	[tilespmem:s2+$0x0] =	vst.add.f32.msk $0xffff, v11  }
0x2b1: {  	s0 =	sor.u32 $0x16010, s5;
	[tilespmem:s19+$0x14000] =	vst.add.f32.msk $0xffff, v32  }
0x2b2: {  	s2 =	sor.u32 $0x16090, s5;
	[tilespmem:s28+$0x14000] =	vst.add.f32.msk $0xffff, v34  }
0x2b3: {  	[tilespmem:s0+$0x0] =	vst.add.f32.msk $0xffff, v10;
	s0 =	sor.u32 $0x16110, s5  }
.Ltmp3:
0x2b4: {  	[tilespmem:s2+$0x0] =	vst.add.f32.msk $0xffff, v8;
	s2 =	sor.u32 $0x16190, s5;
	(pc) =	sbr.rel @p0 .LBB2_10-.Ltmp3, $4  }
0x2b5: {  	[tilespmem:s0+$0x0] =	vst.add.f32.msk $0xffff, v9;
	s0 =	sor.u32 $0x16210, s5  }
0x2b6: {  	[tilespmem:s2+$0x0] =	vst.add.f32.msk $0xffff, v7;
	s2 =	sor.u32 $0x16290, s5  }
0x2b7: {  	[tilespmem:s0+$0x0] =	vst.add.f32.msk $0xffff, v5  }
0x2b8: {  	s29 =	sadd.s32 $0x1, s29;
	s26 =	sadd.s32 $0x100, s26;
	[tilespmem:s2+$0x0] =	vst.add.f32.msk $0xffff, v6  }
0x2b9: {  	s0 =	sadd.s32 s21, s14  }
0x2ba: {  	[tilespmem:s24+$0x14000] =	vst.add.f32.msk $0xffff, v4;
	s0 =	sshll.u32 s0, $0x7  }
0x2bb: {  	s2 =	simm.s32 $0x0;
	[tilespmem:s23+$0x14000] =	vst.add.f32.msk $0xffff, v3;
	s0 =	sadd.s32 s4, s0  }
0x2bc: {  	[hbm4b:s0+s2] =	stream.linear.scatter [tilespmem:s16], [sflag:$0x8], $0x4000, $0x38;
	[tilespmem:$0x18000] =	vst v63  }
0x2bd: {  	_ =	swait.ge [sflag:s7], $0x4000  }
0x2be: {  	[sflag:s7] =	ssyncset.done $0x0  }
0x2bf: {  	[sflag:s7] =	ssyncadd.s32 $0xFFFFC000  }
0x2c0: {  	v3 =	vld [tilespmem:s17+$0x100];
	_ =	sdelay $0x4  }
0x2c1: {  	v4 =	vshll.u32 v3, $0x3  }
0x2c2: {  	v3 =	vand.u32 $0x7, v3;
	v4 =	vand.u32 $0xFFFFFFC0, v4  }
0x2c3: {  	v3 =	vor.u32 v3, v4  }
0x2c4: {  	v4 =	vperm.xlane v3, v0;
	_ =	sdelay $0x1  }
0x2c5: {  	v4 =	vadd.s32 v1, v4;
	_ =	sdelay $0x3  }
0x2c6: {  	s16 =	simm.s32 $0x10000  }
0x2c7: {  	[tilespmem:s16], [sflag:$0x3] =	stream.indirect_vreg.gather [hbm4b:s1+s2], $0x80, v4, vm0, $0xb8;
	[tilespmem:$0x18000] =	vst v63  }
0x2c8: {  	s18 =	simm.s32 $0x10800;
	v3 =	vperm.xlane v3, v2  }
0x2c9: {  	[tilespmem:s18], [sflag:$0x3] =	stream.indirect_vreg.gather [hbm4b:s8+s2], $0x80, v4, vm0, $0xb8;
	[tilespmem:$0x18000] =	vst v63  }
0x2ca: {  	s19 =	simm.s32 $0x11000;
	v3 =	vadd.s32 v1, v3  }
0x2cb: {  	[tilespmem:s19], [sflag:$0x3] =	stream.indirect_vreg.gather [hbm4b:s9+s2], $0x80, v4, vm0, $0xb8;
	[tilespmem:$0x18000] =	vst v63  }
0x2cc: {  	s20 =	simm.s32 $0x11800  }
0x2cd: {  	[tilespmem:s20], [sflag:$0x3] =	stream.indirect_vreg.gather [hbm4b:s10+s2], $0x80, v4, vm0, $0xb8;
	[tilespmem:$0x18000] =	vst v63  }
0x2ce: {  	s23 =	simm.s32 $0x12000  }
0x2cf: {  	[tilespmem:s23], [sflag:$0x3] =	stream.indirect_vreg.gather [hbm4b:s1+s2], $0x80, v3, vm0, $0xb8;
	[tilespmem:$0x18000] =	vst v63  }
0x2d0: {  	s24 =	simm.s32 $0x12800  }
0x2d1: {  	[tilespmem:s24], [sflag:$0x3] =	stream.indirect_vreg.gather [hbm4b:s8+s2], $0x80, v3, vm0, $0xb8;
	[tilespmem:$0x18000] =	vst v63  }
0x2d2: {  	s25 =	simm.s32 $0x13000  }
0x2d3: {  	[tilespmem:s25], [sflag:$0x3] =	stream.indirect_vreg.gather [hbm4b:s9+s2], $0x80, v3, vm0, $0xb8;
	[tilespmem:$0x18000] =	vst v63  }
0x2d4: {  	s26 =	simm.s32 $0x13800;
	s28 =	simm.s32 $0x1  }
0x2d5: {  	[tilespmem:s26], [sflag:$0x3] =	stream.indirect_vreg.gather [hbm4b:s10+s2], $0x80, v3, vm0, $0xb8;
	[tilespmem:$0x18000] =	vst v63  }
0x2d6: {  	_ =	swait.ge [sflag:s28], $0x4000  }
0x2d7: {  	s30 =	sand.u32 $0x60, s2;
	s5 =	sand.u32 $0x1C00, s2;
	[sflag:s28] =	ssyncset.done $0x0  }
0x2d8: {  	s5 =	sor.u32 s30, s5;
	[sflag:s28] =	ssyncadd.s32 $0xFFFFC000  }
0x2d9: {  	v5 =	vld [tilespmem:s5+$0x6210]  }
0x2da: {  	v6 =	vld [tilespmem:s5+$0x6290]  }
0x2db: {  	v7 =	vld [tilespmem:s5+$0x6190]  }
0x2dc: {  	v8 =	vld [tilespmem:s5+$0x6090]  }
0x2dd: {  	v9 =	vld [tilespmem:s5+$0x6110]  }
0x2de: {  	v10 =	vld [tilespmem:s5+$0x6010]  }
0x2df: {  	v11 =	vld [tilespmem:s5+$0x4290]  }
0x2e0: {  	v12 =	vld [tilespmem:s5+$0x4210]  }
0x2e1: {  	v13 =	vld [tilespmem:s5+$0x4110]  }
0x2e2: {  	v14 =	vld [tilespmem:s5+$0x4190]  }
0x2e3: {  	v15 =	vld [tilespmem:s5+$0x4090]  }
0x2e4: {  	v16 =	vld [tilespmem:s5+$0x4010]  }
0x2e5: {  	v17 =	vld [tilespmem:s5+$0x6280]  }
0x2e6: {  	s31 =	sor.u32 s2, s2;
	v18 =	vld [tilespmem:s5+$0x6100]  }
0x2e7: {  	s18 =	sor.u32 $0x2380, s31;
	v19 =	vld [tilespmem:s5+$0x6080]  }
0x2e8: {  	v20 =	vld [tilespmem:s18+$0x4000]  }
0x2e9: {  	v21 =	vld [tilespmem:s5+$0x6200]  }
0x2ea: {  	v22 =	vld [tilespmem:s5+$0x6000]  }
0x2eb: {  	v23 =	vld [tilespmem:s5+$0x6180]  }
0x2ec: {  	s0 =	sor.u32 $0x380, s31;
	v24 =	vld [tilespmem:s5+$0x4280]  }
0x2ed: {  	v25 =	vld [tilespmem:s0+$0x4000]  }
0x2ee: {  	s2 =	sand.u32 $0x3, s2;
	v26 =	vld [tilespmem:s5+$0x4200]  }
0x2ef: {  	s2 =	sshll.u32 s2, $0x5;
	v27 =	vld [tilespmem:s5+$0x4180]  }
0x2f0: {  	s2 =	sadd.s32 $0x0, s2;
	v28 =	vld [tilespmem:s5+$0x4080]  }
0x2f1: {  	s19 =	sor.u32 $0x2300, s2;
	v29 =	vld [tilespmem:s5+$0x4000]  }
0x2f2: {  	v30 =	vld [tilespmem:s19+$0x4000]  }
0x2f3: {  	s20 =	sadd.s32 $0x10, s2;
	s2 =	sor.u32 $0x300, s2;
	v31 =	vld [tilespmem:s5+$0x4100]  }
0x2f4: {  	s24 =	sor.u32 $0x2300, s20;
	v33 =	vld [tilespmem:s2+$0x4000]  }
0x2f5: {  	s23 =	sor.u32 $0x2380, s20;
	v4 =	vld [tilespmem:s24+$0x4000]  }
0x2f6: {  	s25 =	sor.u32 $0x300, s20;
	v3 =	vld [tilespmem:s23+$0x4000]  }
0x2f7: {  	s20 =	sor.u32 $0x380, s20;
	v32 =	vld [tilespmem:s25+$0x4000]  }
0x2f8: {  	s26 =	sor.u32 $0x8000, s5;
	v34 =	vld [tilespmem:s20+$0x4000]  }
0x2f9: {  	s16 =	sor.u32 $0x8080, s5;
	[tilespmem:s26+$0x0] =	vst.add.f32.msk $0xffff, v29  }
0x2fa: {  	s28 =	sor.u32 $0x8100, s5;
	[tilespmem:s16+$0x0] =	vst.add.f32.msk $0xffff, v28  }
0x2fb: {  	s30 =	sor.u32 $0x8180, s5;
	[tilespmem:s28+$0x0] =	vst.add.f32.msk $0xffff, v31  }
0x2fc: {  	s31 =	sor.u32 $0x8200, s5;
	[tilespmem:s30+$0x0] =	vst.add.f32.msk $0xffff, v27  }
0x2fd: {  	s16 =	sor.u32 $0x8280, s5;
	[tilespmem:s31+$0x0] =	vst.add.f32.msk $0xffff, v26  }
0x2fe: {  	[tilespmem:s16+$0x0] =	vst.add.f32.msk $0xffff, v24  }
0x2ff: {  	[tilespmem:s2+$0x8000] =	vst.add.f32.msk $0xffff, v33  }
0x300: {  	s28 =	sor.u32 $0xA000, s5;
	[tilespmem:s0+$0x8000] =	vst.add.f32.msk $0xffff, v25  }
0x301: {  	s30 =	sor.u32 $0xA080, s5;
	[tilespmem:s28+$0x0] =	vst.add.f32.msk $0xffff, v22  }
0x302: {  	s31 =	sor.u32 $0xA100, s5;
	[tilespmem:s30+$0x0] =	vst.add.f32.msk $0xffff, v19  }
0x303: {  	s2 =	sor.u32 $0xA180, s5;
	[tilespmem:s31+$0x0] =	vst.add.f32.msk $0xffff, v18  }
0x304: {  	s16 =	sor.u32 $0xA200, s5;
	[tilespmem:s2+$0x0] =	vst.add.f32.msk $0xffff, v23  }
0x305: {  	s26 =	sor.u32 $0xA280, s5;
	[tilespmem:s16+$0x0] =	vst.add.f32.msk $0xffff, v21  }
0x306: {  	[tilespmem:s26+$0x0] =	vst.add.f32.msk $0xffff, v17  }
0x307: {  	[tilespmem:s19+$0x8000] =	vst.add.f32.msk $0xffff, v30  }
0x308: {  	s28 =	sor.u32 $0x8010, s5;
	[tilespmem:s18+$0x8000] =	vst.add.f32.msk $0xffff, v20  }
0x309: {  	s30 =	sor.u32 $0x8090, s5;
	[tilespmem:s28+$0x0] =	vst.add.f32.msk $0xffff, v16  }
0x30a: {  	s31 =	sor.u32 $0x8110, s5;
	[tilespmem:s30+$0x0] =	vst.add.f32.msk $0xffff, v15  }
0x30b: {  	s2 =	sor.u32 $0x8190, s5;
	[tilespmem:s31+$0x0] =	vst.add.f32.msk $0xffff, v13  }
0x30c: {  	s16 =	sor.u32 $0x8210, s5;
	[tilespmem:s2+$0x0] =	vst.add.f32.msk $0xffff, v14  }
0x30d: {  	s18 =	sor.u32 $0x8290, s5;
	[tilespmem:s16+$0x0] =	vst.add.f32.msk $0xffff, v12  }
0x30e: {  	[tilespmem:s18+$0x0] =	vst.add.f32.msk $0xffff, v11  }
0x30f: {  	[tilespmem:s25+$0x8000] =	vst.add.f32.msk $0xffff, v32  }
0x310: {  	s19 =	sor.u32 $0xA010, s5;
	[tilespmem:s20+$0x8000] =	vst.add.f32.msk $0xffff, v34  }
0x311: {  	s25 =	sor.u32 $0xA090, s5;
	[tilespmem:s19+$0x0] =	vst.add.f32.msk $0xffff, v10  }
0x312: {  	s26 =	sor.u32 $0xA110, s5;
	[tilespmem:s25+$0x0] =	vst.add.f32.msk $0xffff, v8  }
0x313: {  	s28 =	sor.u32 $0xA190, s5;
	[tilespmem:s26+$0x0] =	vst.add.f32.msk $0xffff, v9  }
0x314: {  	s30 =	sor.u32 $0xA210, s5;
	[tilespmem:s28+$0x0] =	vst.add.f32.msk $0xffff, v7  }
0x315: {  	s31 =	sor.u32 $0xA290, s5;
	[tilespmem:s30+$0x0] =	vst.add.f32.msk $0xffff, v5  }
0x316: {  	s29 =	simm.s32 $0x1;
	s25 =	simm.s32 $0x20;
	s26 =	simm.s32 $0x100;
	[tilespmem:s31+$0x0] =	vst.add.f32.msk $0xffff, v6  }
.LBB2_12:
0x317: {  	s0 =	sand.u32 $0x3, s29;
	s2 =	sand.u32 $0x60, s25;
	s5 =	sand.u32 $0x1C00, s26;
	[tilespmem:s24+$0x8000] =	vst.add.f32.msk $0xffff, v4  }
0x318: {  	s0 =	sshll.u32 s0, $0x5;
	s5 =	sor.u32 s2, s5;
	s2 =	sor.u32 s25, s26;
	[tilespmem:s23+$0x8000] =	vst.add.f32.msk $0xffff, v3  }
0x319: {  	s0 =	sadd.s32 s0, s26;
	s30 =	sor.u32 $0x380, s2;
	s18 =	sor.u32 $0x2380, s2;
	v5 =	vld [tilespmem:s5+$0x6210]  }
0x31a: {  	s31 =	sor.u32 $0x300, s0;
	s20 =	sor.u32 $0x2300, s0;
	s0 =	sadd.s32 $0x10, s0;
	v6 =	vld [tilespmem:s5+$0x6290]  }
0x31b: {  	s19 =	sor.u32 $0x300, s0;
	v7 =	vld [tilespmem:s5+$0x6190];
	s24 =	sor.u32 $0x2300, s0;
	s23 =	sor.u32 $0x2380, s0  }
0x31c: {  	p0 =	sne.s32 s25, $0x3E0;
	s25 =	sadd.s32 $0x20, s25;
	s28 =	sor.u32 $0x380, s0;
	v8 =	vld [tilespmem:s5+$0x6090]  }
0x31d: {  	v9 =	vld [tilespmem:s5+$0x6110]  }
0x31e: {  	v10 =	vld [tilespmem:s5+$0x6010]  }
0x31f: {  	v11 =	vld [tilespmem:s5+$0x4290]  }
0x320: {  	v12 =	vld [tilespmem:s5+$0x4210]  }
0x321: {  	v13 =	vld [tilespmem:s5+$0x4110]  }
0x322: {  	v14 =	vld [tilespmem:s5+$0x4190]  }
0x323: {  	v15 =	vld [tilespmem:s5+$0x4090]  }
0x324: {  	v16 =	vld [tilespmem:s5+$0x4010]  }
0x325: {  	v17 =	vld [tilespmem:s5+$0x6280]  }
0x326: {  	v18 =	vld [tilespmem:s5+$0x6100]  }
0x327: {  	v19 =	vld [tilespmem:s5+$0x6080]  }
0x328: {  	v20 =	vld [tilespmem:s18+$0x4000]  }
0x329: {  	v21 =	vld [tilespmem:s5+$0x6200]  }
0x32a: {  	v22 =	vld [tilespmem:s5+$0x6000]  }
0x32b: {  	v23 =	vld [tilespmem:s5+$0x6180]  }
0x32c: {  	v24 =	vld [tilespmem:s5+$0x4280]  }
0x32d: {  	v25 =	vld [tilespmem:s30+$0x4000]  }
0x32e: {  	v26 =	vld [tilespmem:s5+$0x4200]  }
0x32f: {  	v27 =	vld [tilespmem:s5+$0x4180]  }
0x330: {  	v28 =	vld [tilespmem:s5+$0x4080]  }
0x331: {  	v29 =	vld [tilespmem:s5+$0x4000]  }
0x332: {  	v30 =	vld [tilespmem:s20+$0x4000]  }
0x333: {  	v4 =	vld [tilespmem:s24+$0x4000]  }
0x334: {  	v3 =	vld [tilespmem:s23+$0x4000]  }
0x335: {  	v31 =	vld [tilespmem:s5+$0x4100]  }
0x336: {  	v32 =	vld [tilespmem:s19+$0x4000]  }
0x337: {  	s0 =	sor.u32 $0x8000, s5;
	v33 =	vld [tilespmem:s31+$0x4000]  }
0x338: {  	s2 =	sor.u32 $0x8080, s5;
	v34 =	vld [tilespmem:s28+$0x4000]  }
0x339: {  	[tilespmem:s0+$0x0] =	vst.add.f32.msk $0xffff, v29;
	s0 =	sor.u32 $0x8100, s5  }
0x33a: {  	[tilespmem:s2+$0x0] =	vst.add.f32.msk $0xffff, v28;
	s2 =	sor.u32 $0x8180, s5  }
0x33b: {  	[tilespmem:s0+$0x0] =	vst.add.f32.msk $0xffff, v31;
	s0 =	sor.u32 $0x8200, s5  }
0x33c: {  	[tilespmem:s2+$0x0] =	vst.add.f32.msk $0xffff, v27;
	s2 =	sor.u32 $0x8280, s5  }
0x33d: {  	[tilespmem:s0+$0x0] =	vst.add.f32.msk $0xffff, v26  }
0x33e: {  	[tilespmem:s2+$0x0] =	vst.add.f32.msk $0xffff, v24  }
0x33f: {  	s0 =	sor.u32 $0xA000, s5;
	[tilespmem:s31+$0x8000] =	vst.add.f32.msk $0xffff, v33  }
0x340: {  	s2 =	sor.u32 $0xA080, s5;
	[tilespmem:s30+$0x8000] =	vst.add.f32.msk $0xffff, v25  }
0x341: {  	[tilespmem:s0+$0x0] =	vst.add.f32.msk $0xffff, v22;
	s0 =	sor.u32 $0xA100, s5  }
0x342: {  	[tilespmem:s2+$0x0] =	vst.add.f32.msk $0xffff, v19;
	s2 =	sor.u32 $0xA180, s5  }
0x343: {  	[tilespmem:s0+$0x0] =	vst.add.f32.msk $0xffff, v18;
	s0 =	sor.u32 $0xA200, s5  }
0x344: {  	[tilespmem:s2+$0x0] =	vst.add.f32.msk $0xffff, v23;
	s2 =	sor.u32 $0xA280, s5  }
0x345: {  	[tilespmem:s0+$0x0] =	vst.add.f32.msk $0xffff, v21  }
0x346: {  	[tilespmem:s2+$0x0] =	vst.add.f32.msk $0xffff, v17  }
0x347: {  	s0 =	sor.u32 $0x8010, s5;
	[tilespmem:s20+$0x8000] =	vst.add.f32.msk $0xffff, v30  }
0x348: {  	s2 =	sor.u32 $0x8090, s5;
	[tilespmem:s18+$0x8000] =	vst.add.f32.msk $0xffff, v20  }
0x349: {  	[tilespmem:s0+$0x0] =	vst.add.f32.msk $0xffff, v16;
	s0 =	sor.u32 $0x8110, s5  }
0x34a: {  	[tilespmem:s2+$0x0] =	vst.add.f32.msk $0xffff, v15;
	s2 =	sor.u32 $0x8190, s5  }
0x34b: {  	[tilespmem:s0+$0x0] =	vst.add.f32.msk $0xffff, v13;
	s0 =	sor.u32 $0x8210, s5  }
0x34c: {  	[tilespmem:s2+$0x0] =	vst.add.f32.msk $0xffff, v14;
	s2 =	sor.u32 $0x8290, s5  }
0x34d: {  	[tilespmem:s0+$0x0] =	vst.add.f32.msk $0xffff, v12  }
0x34e: {  	[tilespmem:s2+$0x0] =	vst.add.f32.msk $0xffff, v11  }
0x34f: {  	s0 =	sor.u32 $0xA010, s5;
	[tilespmem:s19+$0x8000] =	vst.add.f32.msk $0xffff, v32  }
0x350: {  	s2 =	sor.u32 $0xA090, s5;
	[tilespmem:s28+$0x8000] =	vst.add.f32.msk $0xffff, v34  }
0x351: {  	[tilespmem:s0+$0x0] =	vst.add.f32.msk $0xffff, v10;
	s0 =	sor.u32 $0xA110, s5  }
.Ltmp4:
0x352: {  	[tilespmem:s2+$0x0] =	vst.add.f32.msk $0xffff, v8;
	s2 =	sor.u32 $0xA190, s5;
	(pc) =	sbr.rel @p0 .LBB2_12-.Ltmp4, $4  }
0x353: {  	[tilespmem:s0+$0x0] =	vst.add.f32.msk $0xffff, v9;
	s0 =	sor.u32 $0xA210, s5  }
0x354: {  	[tilespmem:s2+$0x0] =	vst.add.f32.msk $0xffff, v7;
	s2 =	sor.u32 $0xA290, s5  }
0x355: {  	[tilespmem:s0+$0x0] =	vst.add.f32.msk $0xffff, v5  }
0x356: {  	s29 =	sadd.s32 $0x1, s29;
	s26 =	sadd.s32 $0x100, s26;
	[tilespmem:s2+$0x0] =	vst.add.f32.msk $0xffff, v6  }
0x357: {  	s0 =	sor.u32 s21, s6  }
0x358: {  	s0 =	sadd.s32 s12, s0  }
0x359: {  	[tilespmem:s24+$0x8000] =	vst.add.f32.msk $0xffff, v4;
	s0 =	sshll.u32 s0, $0x7  }
0x35a: {  	s2 =	simm.s32 $0x0;
	s30 =	simm.s32 $0x8000;
	[tilespmem:s23+$0x8000] =	vst.add.f32.msk $0xffff, v3;
	s0 =	sadd.s32 s4, s0  }
0x35b: {  	[hbm4b:s0+s2] =	stream.linear.scatter [tilespmem:s30], [sflag:$0x5], $0x4000, $0x38;
	[tilespmem:$0x18000] =	vst v63  }
0x35c: {  	_ =	swait.ge [sflag:s11], $0x4000  }
0x35d: {  	[sflag:s11] =	ssyncset.done $0x0  }
0x35e: {  	[sflag:s11] =	ssyncadd.s32 $0xFFFFC000  }
0x35f: {  	v3 =	vld [tilespmem:s17+$0x180];
	_ =	sdelay $0x4  }
0x360: {  	v4 =	vshll.u32 v3, $0x3  }
0x361: {  	v3 =	vand.u32 $0x7, v3;
	v4 =	vand.u32 $0xFFFFFFC0, v4  }
0x362: {  	v3 =	vor.u32 v3, v4  }
0x363: {  	v4 =	vperm.xlane v3, v0;
	_ =	sdelay $0x1  }
0x364: {  	v4 =	vadd.s32 v1, v4;
	_ =	sdelay $0x3  }
0x365: {  	s31 =	simm.s32 $0x14000  }
0x366: {  	[tilespmem:s31], [sflag:$0x4] =	stream.indirect_vreg.gather [hbm4b:s1+s2], $0x80, v4, vm0, $0xb8;
	[tilespmem:$0x18000] =	vst v63  }
0x367: {  	s17 =	simm.s32 $0x14800;
	v3 =	vperm.xlane v3, v2  }
0x368: {  	[tilespmem:s17], [sflag:$0x4] =	stream.indirect_vreg.gather [hbm4b:s8+s2], $0x80, v4, vm0, $0xb8;
	[tilespmem:$0x18000] =	vst v63  }
0x369: {  	s18 =	simm.s32 $0x15000;
	v3 =	vadd.s32 v1, v3  }
0x36a: {  	[tilespmem:s18], [sflag:$0x4] =	stream.indirect_vreg.gather [hbm4b:s9+s2], $0x80, v4, vm0, $0xb8;
	[tilespmem:$0x18000] =	vst v63  }
0x36b: {  	s19 =	simm.s32 $0x15800  }
0x36c: {  	[tilespmem:s19], [sflag:$0x4] =	stream.indirect_vreg.gather [hbm4b:s10+s2], $0x80, v4, vm0, $0xb8;
	[tilespmem:$0x18000] =	vst v63  }
0x36d: {  	s20 =	simm.s32 $0x16000  }
0x36e: {  	[tilespmem:s20], [sflag:$0x4] =	stream.indirect_vreg.gather [hbm4b:s1+s2], $0x80, v3, vm0, $0xb8;
	[tilespmem:$0x18000] =	vst v63  }
0x36f: {  	s21 =	simm.s32 $0x16800  }
0x370: {  	[tilespmem:s21], [sflag:$0x4] =	stream.indirect_vreg.gather [hbm4b:s8+s2], $0x80, v3, vm0, $0xb8;
	[tilespmem:$0x18000] =	vst v63  }
0x371: {  	s23 =	simm.s32 $0x17000  }
0x372: {  	[tilespmem:s23], [sflag:$0x4] =	stream.indirect_vreg.gather [hbm4b:s9+s2], $0x80, v3, vm0, $0xb8;
	[tilespmem:$0x18000] =	vst v63  }
0x373: {  	s24 =	simm.s32 $0x17800;
	s16 =	simm.s32 $0x2  }
0x374: {  	[tilespmem:s24], [sflag:$0x4] =	stream.indirect_vreg.gather [hbm4b:s10+s2], $0x80, v3, vm0, $0xb8;
	[tilespmem:$0x18000] =	vst v63  }
0x375: {  	_ =	swait.ge [sflag:s16], $0x4000  }
0x376: {  	s25 =	sand.u32 $0x60, s2;
	s5 =	sand.u32 $0x1C00, s2;
	[sflag:s16] =	ssyncset.done $0x0  }
0x377: {  	s5 =	sor.u32 s25, s5;
	[sflag:s16] =	ssyncadd.s32 $0xFFFFC000  }
0x378: {  	v5 =	vld [tilespmem:s5+$0x6210]  }
0x379: {  	v6 =	vld [tilespmem:s5+$0x6290]  }
0x37a: {  	v7 =	vld [tilespmem:s5+$0x6190]  }
0x37b: {  	v8 =	vld [tilespmem:s5+$0x6090]  }
0x37c: {  	v9 =	vld [tilespmem:s5+$0x6110]  }
0x37d: {  	v10 =	vld [tilespmem:s5+$0x6010]  }
0x37e: {  	v11 =	vld [tilespmem:s5+$0x4290]  }
0x37f: {  	v12 =	vld [tilespmem:s5+$0x4210]  }
0x380: {  	v13 =	vld [tilespmem:s5+$0x4110]  }
0x381: {  	v14 =	vld [tilespmem:s5+$0x4190]  }
0x382: {  	v15 =	vld [tilespmem:s5+$0x4090]  }
0x383: {  	v16 =	vld [tilespmem:s5+$0x4010]  }
0x384: {  	v17 =	vld [tilespmem:s5+$0x6280]  }
0x385: {  	s26 =	sor.u32 s2, s2;
	v18 =	vld [tilespmem:s5+$0x6100]  }
0x386: {  	s18 =	sor.u32 $0x2380, s26;
	v19 =	vld [tilespmem:s5+$0x6080]  }
0x387: {  	v20 =	vld [tilespmem:s18+$0x4000]  }
0x388: {  	v21 =	vld [tilespmem:s5+$0x6200]  }
0x389: {  	v22 =	vld [tilespmem:s5+$0x6000]  }
0x38a: {  	v23 =	vld [tilespmem:s5+$0x6180]  }
0x38b: {  	s0 =	sor.u32 $0x380, s26;
	v24 =	vld [tilespmem:s5+$0x4280]  }
0x38c: {  	v25 =	vld [tilespmem:s0+$0x4000]  }
0x38d: {  	s2 =	sand.u32 $0x3, s2;
	v26 =	vld [tilespmem:s5+$0x4200]  }
0x38e: {  	s2 =	sshll.u32 s2, $0x5;
	v27 =	vld [tilespmem:s5+$0x4180]  }
0x38f: {  	s2 =	sadd.s32 $0x0, s2;
	v28 =	vld [tilespmem:s5+$0x4080]  }
0x390: {  	s19 =	sor.u32 $0x2300, s2;
	v29 =	vld [tilespmem:s5+$0x4000]  }
0x391: {  	v30 =	vld [tilespmem:s19+$0x4000]  }
0x392: {  	s20 =	sadd.s32 $0x10, s2;
	s2 =	sor.u32 $0x300, s2;
	v31 =	vld [tilespmem:s5+$0x4100]  }
0x393: {  	s21 =	sor.u32 $0x2300, s20;
	v33 =	vld [tilespmem:s2+$0x4000]  }
0x394: {  	s17 =	sor.u32 $0x2380, s20;
	v4 =	vld [tilespmem:s21+$0x4000]  }
0x395: {  	s23 =	sor.u32 $0x300, s20;
	v3 =	vld [tilespmem:s17+$0x4000]  }
0x396: {  	s20 =	sor.u32 $0x380, s20;
	v32 =	vld [tilespmem:s23+$0x4000]  }
0x397: {  	s28 =	sor.u32 $0xC000, s5;
	v34 =	vld [tilespmem:s20+$0x4000]  }
0x398: {  	s29 =	sor.u32 $0xC080, s5;
	[tilespmem:s28+$0x0] =	vst.add.f32.msk $0xffff, v29  }
0x399: {  	s16 =	sor.u32 $0xC100, s5;
	[tilespmem:s29+$0x0] =	vst.add.f32.msk $0xffff, v28  }
0x39a: {  	s25 =	sor.u32 $0xC180, s5;
	[tilespmem:s16+$0x0] =	vst.add.f32.msk $0xffff, v31  }
0x39b: {  	s26 =	sor.u32 $0xC200, s5;
	[tilespmem:s25+$0x0] =	vst.add.f32.msk $0xffff, v27  }
0x39c: {  	s28 =	sor.u32 $0xC280, s5;
	[tilespmem:s26+$0x0] =	vst.add.f32.msk $0xffff, v26  }
0x39d: {  	[tilespmem:s28+$0x0] =	vst.add.f32.msk $0xffff, v24  }
0x39e: {  	[tilespmem:s2+$0xC000] =	vst.add.f32.msk $0xffff, v33  }
0x39f: {  	s29 =	sor.u32 $0xE000, s5;
	[tilespmem:s0+$0xC000] =	vst.add.f32.msk $0xffff, v25  }
0x3a0: {  	s2 =	sor.u32 $0xE080, s5;
	[tilespmem:s29+$0x0] =	vst.add.f32.msk $0xffff, v22  }
0x3a1: {  	s16 =	sor.u32 $0xE100, s5;
	[tilespmem:s2+$0x0] =	vst.add.f32.msk $0xffff, v19  }
0x3a2: {  	s24 =	sor.u32 $0xE180, s5;
	[tilespmem:s16+$0x0] =	vst.add.f32.msk $0xffff, v18  }
0x3a3: {  	s25 =	sor.u32 $0xE200, s5;
	[tilespmem:s24+$0x0] =	vst.add.f32.msk $0xffff, v23  }
0x3a4: {  	s26 =	sor.u32 $0xE280, s5;
	[tilespmem:s25+$0x0] =	vst.add.f32.msk $0xffff, v21  }
0x3a5: {  	[tilespmem:s26+$0x0] =	vst.add.f32.msk $0xffff, v17  }
0x3a6: {  	[tilespmem:s19+$0xC000] =	vst.add.f32.msk $0xffff, v30  }
0x3a7: {  	s28 =	sor.u32 $0xC010, s5;
	[tilespmem:s18+$0xC000] =	vst.add.f32.msk $0xffff, v20  }
0x3a8: {  	s29 =	sor.u32 $0xC090, s5;
	[tilespmem:s28+$0x0] =	vst.add.f32.msk $0xffff, v16  }
0x3a9: {  	s2 =	sor.u32 $0xC110, s5;
	[tilespmem:s29+$0x0] =	vst.add.f32.msk $0xffff, v15  }
0x3aa: {  	s16 =	sor.u32 $0xC190, s5;
	[tilespmem:s2+$0x0] =	vst.add.f32.msk $0xffff, v13  }
0x3ab: {  	s18 =	sor.u32 $0xC210, s5;
	[tilespmem:s16+$0x0] =	vst.add.f32.msk $0xffff, v14  }
0x3ac: {  	s19 =	sor.u32 $0xC290, s5;
	[tilespmem:s18+$0x0] =	vst.add.f32.msk $0xffff, v12  }
0x3ad: {  	[tilespmem:s19+$0x0] =	vst.add.f32.msk $0xffff, v11  }
0x3ae: {  	[tilespmem:s23+$0xC000] =	vst.add.f32.msk $0xffff, v32  }
0x3af: {  	s23 =	sor.u32 $0xE010, s5;
	[tilespmem:s20+$0xC000] =	vst.add.f32.msk $0xffff, v34  }
0x3b0: {  	s24 =	sor.u32 $0xE090, s5;
	[tilespmem:s23+$0x0] =	vst.add.f32.msk $0xffff, v10  }
0x3b1: {  	s25 =	sor.u32 $0xE110, s5;
	[tilespmem:s24+$0x0] =	vst.add.f32.msk $0xffff, v8  }
0x3b2: {  	s26 =	sor.u32 $0xE190, s5;
	[tilespmem:s25+$0x0] =	vst.add.f32.msk $0xffff, v9  }
0x3b3: {  	s28 =	sor.u32 $0xE210, s5;
	[tilespmem:s26+$0x0] =	vst.add.f32.msk $0xffff, v7  }
0x3b4: {  	s29 =	sor.u32 $0xE290, s5;
	[tilespmem:s28+$0x0] =	vst.add.f32.msk $0xffff, v5  }
0x3b5: {  	s23 =	simm.s32 $0x20;
	s24 =	simm.s32 $0x100;
	s25 =	simm.s32 $0x1;
	[tilespmem:s29+$0x0] =	vst.add.f32.msk $0xffff, v6  }
.LBB2_14:
0x3b6: {  	s0 =	sand.u32 $0x3, s25;
	s2 =	sand.u32 $0x60, s23;
	s5 =	sand.u32 $0x1C00, s24;
	[tilespmem:s21+$0xC000] =	vst.add.f32.msk $0xffff, v4  }
0x3b7: {  	s0 =	sshll.u32 s0, $0x5;
	s5 =	sor.u32 s2, s5;
	s2 =	sor.u32 s23, s24;
	[tilespmem:s17+$0xC000] =	vst.add.f32.msk $0xffff, v3  }
0x3b8: {  	s0 =	sadd.s32 s0, s24;
	s28 =	sor.u32 $0x380, s2;
	s18 =	sor.u32 $0x2380, s2;
	v5 =	vld [tilespmem:s5+$0x6210]  }
0x3b9: {  	s29 =	sor.u32 $0x300, s0;
	s20 =	sor.u32 $0x2300, s0;
	s0 =	sadd.s32 $0x10, s0;
	v6 =	vld [tilespmem:s5+$0x6290]  }
0x3ba: {  	s19 =	sor.u32 $0x300, s0;
	v7 =	vld [tilespmem:s5+$0x6190];
	s21 =	sor.u32 $0x2300, s0;
	s17 =	sor.u32 $0x2380, s0  }
0x3bb: {  	p0 =	sne.s32 s23, $0x3E0;
	s23 =	sadd.s32 $0x20, s23;
	s26 =	sor.u32 $0x380, s0;
	v8 =	vld [tilespmem:s5+$0x6090]  }
0x3bc: {  	v9 =	vld [tilespmem:s5+$0x6110]  }
0x3bd: {  	v10 =	vld [tilespmem:s5+$0x6010]  }
0x3be: {  	v11 =	vld [tilespmem:s5+$0x4290]  }
0x3bf: {  	v12 =	vld [tilespmem:s5+$0x4210]  }
0x3c0: {  	v13 =	vld [tilespmem:s5+$0x4110]  }
0x3c1: {  	v14 =	vld [tilespmem:s5+$0x4190]  }
0x3c2: {  	v15 =	vld [tilespmem:s5+$0x4090]  }
0x3c3: {  	v16 =	vld [tilespmem:s5+$0x4010]  }
0x3c4: {  	v17 =	vld [tilespmem:s5+$0x6280]  }
0x3c5: {  	v18 =	vld [tilespmem:s5+$0x6100]  }
0x3c6: {  	v19 =	vld [tilespmem:s5+$0x6080]  }
0x3c7: {  	v20 =	vld [tilespmem:s18+$0x4000]  }
0x3c8: {  	v21 =	vld [tilespmem:s5+$0x6200]  }
0x3c9: {  	v22 =	vld [tilespmem:s5+$0x6000]  }
0x3ca: {  	v23 =	vld [tilespmem:s5+$0x6180]  }
0x3cb: {  	v24 =	vld [tilespmem:s5+$0x4280]  }
0x3cc: {  	v25 =	vld [tilespmem:s28+$0x4000]  }
0x3cd: {  	v26 =	vld [tilespmem:s5+$0x4200]  }
0x3ce: {  	v27 =	vld [tilespmem:s5+$0x4180]  }
0x3cf: {  	v28 =	vld [tilespmem:s5+$0x4080]  }
0x3d0: {  	v29 =	vld [tilespmem:s5+$0x4000]  }
0x3d1: {  	v30 =	vld [tilespmem:s20+$0x4000]  }
0x3d2: {  	v4 =	vld [tilespmem:s21+$0x4000]  }
0x3d3: {  	v3 =	vld [tilespmem:s17+$0x4000]  }
0x3d4: {  	v31 =	vld [tilespmem:s5+$0x4100]  }
0x3d5: {  	v32 =	vld [tilespmem:s19+$0x4000]  }
0x3d6: {  	s0 =	sor.u32 $0xC000, s5;
	v33 =	vld [tilespmem:s29+$0x4000]  }
0x3d7: {  	s2 =	sor.u32 $0xC080, s5;
	v34 =	vld [tilespmem:s26+$0x4000]  }
0x3d8: {  	[tilespmem:s0+$0x0] =	vst.add.f32.msk $0xffff, v29;
	s0 =	sor.u32 $0xC100, s5  }
0x3d9: {  	[tilespmem:s2+$0x0] =	vst.add.f32.msk $0xffff, v28;
	s2 =	sor.u32 $0xC180, s5  }
0x3da: {  	[tilespmem:s0+$0x0] =	vst.add.f32.msk $0xffff, v31;
	s0 =	sor.u32 $0xC200, s5  }
0x3db: {  	[tilespmem:s2+$0x0] =	vst.add.f32.msk $0xffff, v27;
	s2 =	sor.u32 $0xC280, s5  }
0x3dc: {  	[tilespmem:s0+$0x0] =	vst.add.f32.msk $0xffff, v26  }
0x3dd: {  	[tilespmem:s2+$0x0] =	vst.add.f32.msk $0xffff, v24  }
0x3de: {  	s0 =	sor.u32 $0xE000, s5;
	[tilespmem:s29+$0xC000] =	vst.add.f32.msk $0xffff, v33  }
0x3df: {  	s2 =	sor.u32 $0xE080, s5;
	[tilespmem:s28+$0xC000] =	vst.add.f32.msk $0xffff, v25  }
0x3e0: {  	[tilespmem:s0+$0x0] =	vst.add.f32.msk $0xffff, v22;
	s0 =	sor.u32 $0xE100, s5  }
0x3e1: {  	[tilespmem:s2+$0x0] =	vst.add.f32.msk $0xffff, v19;
	s2 =	sor.u32 $0xE180, s5  }
0x3e2: {  	[tilespmem:s0+$0x0] =	vst.add.f32.msk $0xffff, v18;
	s0 =	sor.u32 $0xE200, s5  }
0x3e3: {  	[tilespmem:s2+$0x0] =	vst.add.f32.msk $0xffff, v23;
	s2 =	sor.u32 $0xE280, s5  }
0x3e4: {  	[tilespmem:s0+$0x0] =	vst.add.f32.msk $0xffff, v21  }
0x3e5: {  	[tilespmem:s2+$0x0] =	vst.add.f32.msk $0xffff, v17  }
0x3e6: {  	s0 =	sor.u32 $0xC010, s5;
	[tilespmem:s20+$0xC000] =	vst.add.f32.msk $0xffff, v30  }
0x3e7: {  	s2 =	sor.u32 $0xC090, s5;
	[tilespmem:s18+$0xC000] =	vst.add.f32.msk $0xffff, v20  }
0x3e8: {  	[tilespmem:s0+$0x0] =	vst.add.f32.msk $0xffff, v16;
	s0 =	sor.u32 $0xC110, s5  }
0x3e9: {  	[tilespmem:s2+$0x0] =	vst.add.f32.msk $0xffff, v15;
	s2 =	sor.u32 $0xC190, s5  }
0x3ea: {  	[tilespmem:s0+$0x0] =	vst.add.f32.msk $0xffff, v13;
	s0 =	sor.u32 $0xC210, s5  }
0x3eb: {  	[tilespmem:s2+$0x0] =	vst.add.f32.msk $0xffff, v14;
	s2 =	sor.u32 $0xC290, s5  }
0x3ec: {  	[tilespmem:s0+$0x0] =	vst.add.f32.msk $0xffff, v12  }
0x3ed: {  	[tilespmem:s2+$0x0] =	vst.add.f32.msk $0xffff, v11  }
0x3ee: {  	s0 =	sor.u32 $0xE010, s5;
	[tilespmem:s19+$0xC000] =	vst.add.f32.msk $0xffff, v32  }
0x3ef: {  	s2 =	sor.u32 $0xE090, s5;
	[tilespmem:s26+$0xC000] =	vst.add.f32.msk $0xffff, v34  }
0x3f0: {  	[tilespmem:s0+$0x0] =	vst.add.f32.msk $0xffff, v10;
	s0 =	sor.u32 $0xE110, s5  }
.Ltmp5:
0x3f1: {  	[tilespmem:s2+$0x0] =	vst.add.f32.msk $0xffff, v8;
	s2 =	sor.u32 $0xE190, s5;
	(pc) =	sbr.rel @p0 .LBB2_14-.Ltmp5, $4  }
0x3f2: {  	[tilespmem:s0+$0x0] =	vst.add.f32.msk $0xffff, v9;
	s0 =	sor.u32 $0xE210, s5  }
0x3f3: {  	[tilespmem:s2+$0x0] =	vst.add.f32.msk $0xffff, v7;
	s2 =	sor.u32 $0xE290, s5  }
0x3f4: {  	[tilespmem:s0+$0x0] =	vst.add.f32.msk $0xffff, v5  }
0x3f5: {  	s25 =	sadd.s32 $0x1, s25;
	s24 =	sadd.s32 $0x100, s24;
	[tilespmem:s2+$0x0] =	vst.add.f32.msk $0xffff, v6  }
0x3f6: {  	s15 =	sadd.s32 $0x1, s15  }
0x3f7: {  	p0 =	sne.s32 s15, $0x20  }
.Ltmp6:
0x3f8: {  	s0 =	sor.u32 s22, s6;
	(pc) =	sbr.rel @p0 .LBB2_7-.Ltmp6, $4  }
0x3f9: {  	s0 =	sadd.s32 s12, s0  }
0x3fa: {  	[tilespmem:s21+$0xC000] =	vst.add.f32.msk $0xffff, v4;
	s0 =	sshll.u32 s0, $0x7  }
0x3fb: {  	s2 =	simm.s32 $0x0;
	s5 =	simm.s32 $0xC000;
	[tilespmem:s17+$0xC000] =	vst.add.f32.msk $0xffff, v3;
	s0 =	sadd.s32 s4, s0  }
0x3fc: {  	[hbm4b:s0+s2] =	stream.linear.scatter [tilespmem:s5], [sflag:$0x6], $0x4000, $0x38;
	[tilespmem:$0x18000] =	vst v63  }
0x3fd: {  	s12 =	simm.s32 $0x3  }
0x3fe: {  	s0 =	simm.s32 $0x0;
	_ =	swait.ge [sflag:s12], $0x4000  }
0x3ff: {  	s2 =	sand.u32 $0x60, s0;
	s5 =	sand.u32 $0x1C00, s0;
	[sflag:s12] =	ssyncset.done $0x0  }
0x400: {  	s5 =	sor.u32 s2, s5;
	[sflag:s12] =	ssyncadd.s32 $0xFFFFC000  }
0x401: {  	v5 =	vld [tilespmem:s5+$0x6210]  }
0x402: {  	v6 =	vld [tilespmem:s5+$0x6290]  }
0x403: {  	v7 =	vld [tilespmem:s5+$0x6190]  }
0x404: {  	v8 =	vld [tilespmem:s5+$0x6090]  }
0x405: {  	v9 =	vld [tilespmem:s5+$0x6110]  }
0x406: {  	v10 =	vld [tilespmem:s5+$0x6010]  }
0x407: {  	v11 =	vld [tilespmem:s5+$0x4290]  }
0x408: {  	v12 =	vld [tilespmem:s5+$0x4210]  }
0x409: {  	v13 =	vld [tilespmem:s5+$0x4110]  }
0x40a: {  	v14 =	vld [tilespmem:s5+$0x4190]  }
0x40b: {  	v15 =	vld [tilespmem:s5+$0x4090]  }
0x40c: {  	v16 =	vld [tilespmem:s5+$0x4010]  }
0x40d: {  	v17 =	vld [tilespmem:s5+$0x6280]  }
0x40e: {  	s28 =	sor.u32 s0, s0;
	v18 =	vld [tilespmem:s5+$0x6100]  }
0x40f: {  	s14 =	sor.u32 $0x2380, s28;
	v19 =	vld [tilespmem:s5+$0x6080]  }
0x410: {  	v20 =	vld [tilespmem:s14+$0x4000]  }
0x411: {  	v21 =	vld [tilespmem:s5+$0x6200]  }
0x412: {  	v22 =	vld [tilespmem:s5+$0x6000]  }
0x413: {  	v23 =	vld [tilespmem:s5+$0x6180]  }
0x414: {  	s2 =	sor.u32 $0x380, s28;
	v24 =	vld [tilespmem:s5+$0x4280]  }
0x415: {  	v25 =	vld [tilespmem:s2+$0x4000]  }
0x416: {  	v26 =	vld [tilespmem:s5+$0x4200]  }
0x417: {  	s0 =	sand.u32 $0x3, s0;
	v27 =	vld [tilespmem:s5+$0x4180]  }
0x418: {  	s0 =	sshll.u32 s0, $0x5;
	v28 =	vld [tilespmem:s5+$0x4080]  }
0x419: {  	s0 =	sadd.s32 $0x0, s0;
	v29 =	vld [tilespmem:s5+$0x4000]  }
0x41a: {  	s15 =	sor.u32 $0x2300, s0;
	v31 =	vld [tilespmem:s5+$0x4100]  }
0x41b: {  	s17 =	sadd.s32 $0x10, s0;
	s0 =	sor.u32 $0x300, s0;
	v30 =	vld [tilespmem:s15+$0x4000]  }
0x41c: {  	s13 =	sor.u32 $0x2300, s17;
	v33 =	vld [tilespmem:s0+$0x4000]  }
0x41d: {  	s12 =	sor.u32 $0x2380, s17;
	v4 =	vld [tilespmem:s13+$0x4000]  }
0x41e: {  	s18 =	sor.u32 $0x300, s17;
	v3 =	vld [tilespmem:s12+$0x4000]  }
0x41f: {  	s17 =	sor.u32 $0x380, s17;
	v32 =	vld [tilespmem:s18+$0x4000]  }
0x420: {  	s19 =	sor.u32 $0x10000, s5;
	v34 =	vld [tilespmem:s17+$0x4000]  }
0x421: {  	s20 =	sor.u32 $0x10080, s5;
	[tilespmem:s19+$0x0] =	vst.add.f32.msk $0xffff, v29  }
0x422: {  	s29 =	sor.u32 $0x10100, s5;
	[tilespmem:s20+$0x0] =	vst.add.f32.msk $0xffff, v28  }
0x423: {  	s16 =	sor.u32 $0x10180, s5;
	[tilespmem:s29+$0x0] =	vst.add.f32.msk $0xffff, v31  }
0x424: {  	s21 =	sor.u32 $0x10200, s5;
	[tilespmem:s16+$0x0] =	vst.add.f32.msk $0xffff, v27  }
0x425: {  	s22 =	sor.u32 $0x10280, s5;
	[tilespmem:s21+$0x0] =	vst.add.f32.msk $0xffff, v26  }
0x426: {  	[tilespmem:s22+$0x0] =	vst.add.f32.msk $0xffff, v24  }
0x427: {  	[tilespmem:s0+$0x10000] =	vst.add.f32.msk $0xffff, v33  }
0x428: {  	s23 =	sor.u32 $0x12000, s5;
	[tilespmem:s2+$0x10000] =	vst.add.f32.msk $0xffff, v25  }
0x429: {  	s24 =	sor.u32 $0x12080, s5;
	[tilespmem:s23+$0x0] =	vst.add.f32.msk $0xffff, v22  }
0x42a: {  	s25 =	sor.u32 $0x12100, s5;
	[tilespmem:s24+$0x0] =	vst.add.f32.msk $0xffff, v19  }
0x42b: {  	s26 =	sor.u32 $0x12180, s5;
	[tilespmem:s25+$0x0] =	vst.add.f32.msk $0xffff, v18  }
0x42c: {  	s28 =	sor.u32 $0x12200, s5;
	[tilespmem:s26+$0x0] =	vst.add.f32.msk $0xffff, v23  }
0x42d: {  	s29 =	sor.u32 $0x12280, s5;
	[tilespmem:s28+$0x0] =	vst.add.f32.msk $0xffff, v21  }
0x42e: {  	[tilespmem:s29+$0x0] =	vst.add.f32.msk $0xffff, v17  }
0x42f: {  	[tilespmem:s15+$0x10000] =	vst.add.f32.msk $0xffff, v30  }
0x430: {  	s15 =	sor.u32 $0x10010, s5;
	[tilespmem:s14+$0x10000] =	vst.add.f32.msk $0xffff, v20  }
0x431: {  	s16 =	sor.u32 $0x10090, s5;
	[tilespmem:s15+$0x0] =	vst.add.f32.msk $0xffff, v16  }
0x432: {  	s19 =	sor.u32 $0x10110, s5;
	[tilespmem:s16+$0x0] =	vst.add.f32.msk $0xffff, v15  }
0x433: {  	s20 =	sor.u32 $0x10190, s5;
	[tilespmem:s19+$0x0] =	vst.add.f32.msk $0xffff, v13  }
0x434: {  	s21 =	sor.u32 $0x10210, s5;
	[tilespmem:s20+$0x0] =	vst.add.f32.msk $0xffff, v14  }
0x435: {  	s22 =	sor.u32 $0x10290, s5;
	[tilespmem:s21+$0x0] =	vst.add.f32.msk $0xffff, v12  }
0x436: {  	[tilespmem:s22+$0x0] =	vst.add.f32.msk $0xffff, v11  }
0x437: {  	[tilespmem:s18+$0x10000] =	vst.add.f32.msk $0xffff, v32  }
0x438: {  	s23 =	sor.u32 $0x12010, s5;
	[tilespmem:s17+$0x10000] =	vst.add.f32.msk $0xffff, v34  }
0x439: {  	s24 =	sor.u32 $0x12090, s5;
	[tilespmem:s23+$0x0] =	vst.add.f32.msk $0xffff, v10  }
0x43a: {  	s25 =	sor.u32 $0x12110, s5;
	[tilespmem:s24+$0x0] =	vst.add.f32.msk $0xffff, v8  }
0x43b: {  	s26 =	sor.u32 $0x12190, s5;
	[tilespmem:s25+$0x0] =	vst.add.f32.msk $0xffff, v9  }
0x43c: {  	s28 =	sor.u32 $0x12210, s5;
	[tilespmem:s26+$0x0] =	vst.add.f32.msk $0xffff, v7  }
0x43d: {  	s29 =	sor.u32 $0x12290, s5;
	[tilespmem:s28+$0x0] =	vst.add.f32.msk $0xffff, v5  }
0x43e: {  	s14 =	simm.s32 $0x20;
	s15 =	simm.s32 $0x100;
	s17 =	simm.s32 $0x1;
	[tilespmem:s29+$0x0] =	vst.add.f32.msk $0xffff, v6  }
.LBB2_17:
0x43f: {  	s0 =	sand.u32 $0x3, s17;
	s2 =	sand.u32 $0x60, s14;
	s5 =	sand.u32 $0x1C00, s15;
	[tilespmem:s13+$0x10000] =	vst.add.f32.msk $0xffff, v4  }
0x440: {  	s0 =	sshll.u32 s0, $0x5;
	s5 =	sor.u32 s2, s5;
	s2 =	sor.u32 s14, s15;
	[tilespmem:s12+$0x10000] =	vst.add.f32.msk $0xffff, v3  }
0x441: {  	s0 =	sadd.s32 s0, s15;
	s22 =	sor.u32 $0x380, s2;
	s18 =	sor.u32 $0x2380, s2;
	v5 =	vld [tilespmem:s5+$0x6210]  }
0x442: {  	s23 =	sor.u32 $0x300, s0;
	s20 =	sor.u32 $0x2300, s0;
	s0 =	sadd.s32 $0x10, s0;
	v6 =	vld [tilespmem:s5+$0x6290]  }
0x443: {  	s19 =	sor.u32 $0x300, s0;
	v7 =	vld [tilespmem:s5+$0x6190];
	s13 =	sor.u32 $0x2300, s0;
	s12 =	sor.u32 $0x2380, s0  }
0x444: {  	p0 =	sne.s32 s14, $0x3E0;
	s14 =	sadd.s32 $0x20, s14;
	s21 =	sor.u32 $0x380, s0;
	v8 =	vld [tilespmem:s5+$0x6090]  }
0x445: {  	v9 =	vld [tilespmem:s5+$0x6110]  }
0x446: {  	v10 =	vld [tilespmem:s5+$0x6010]  }
0x447: {  	v11 =	vld [tilespmem:s5+$0x4290]  }
0x448: {  	v12 =	vld [tilespmem:s5+$0x4210]  }
0x449: {  	v13 =	vld [tilespmem:s5+$0x4110]  }
0x44a: {  	v14 =	vld [tilespmem:s5+$0x4190]  }
0x44b: {  	v15 =	vld [tilespmem:s5+$0x4090]  }
0x44c: {  	v16 =	vld [tilespmem:s5+$0x4010]  }
0x44d: {  	v17 =	vld [tilespmem:s5+$0x6280]  }
0x44e: {  	v18 =	vld [tilespmem:s5+$0x6100]  }
0x44f: {  	v19 =	vld [tilespmem:s5+$0x6080]  }
0x450: {  	v20 =	vld [tilespmem:s18+$0x4000]  }
0x451: {  	v21 =	vld [tilespmem:s5+$0x6200]  }
0x452: {  	v22 =	vld [tilespmem:s5+$0x6000]  }
0x453: {  	v23 =	vld [tilespmem:s5+$0x6180]  }
0x454: {  	v24 =	vld [tilespmem:s5+$0x4280]  }
0x455: {  	v25 =	vld [tilespmem:s22+$0x4000]  }
0x456: {  	v26 =	vld [tilespmem:s5+$0x4200]  }
0x457: {  	v27 =	vld [tilespmem:s5+$0x4180]  }
0x458: {  	v28 =	vld [tilespmem:s5+$0x4080]  }
0x459: {  	v29 =	vld [tilespmem:s5+$0x4000]  }
0x45a: {  	v30 =	vld [tilespmem:s20+$0x4000]  }
0x45b: {  	v4 =	vld [tilespmem:s13+$0x4000]  }
0x45c: {  	v3 =	vld [tilespmem:s12+$0x4000]  }
0x45d: {  	v31 =	vld [tilespmem:s5+$0x4100]  }
0x45e: {  	v32 =	vld [tilespmem:s19+$0x4000]  }
0x45f: {  	s0 =	sor.u32 $0x10000, s5;
	v33 =	vld [tilespmem:s23+$0x4000]  }
0x460: {  	s2 =	sor.u32 $0x10080, s5;
	v34 =	vld [tilespmem:s21+$0x4000]  }
0x461: {  	[tilespmem:s0+$0x0] =	vst.add.f32.msk $0xffff, v29;
	s0 =	sor.u32 $0x10100, s5  }
0x462: {  	[tilespmem:s2+$0x0] =	vst.add.f32.msk $0xffff, v28;
	s2 =	sor.u32 $0x10180, s5  }
0x463: {  	[tilespmem:s0+$0x0] =	vst.add.f32.msk $0xffff, v31;
	s0 =	sor.u32 $0x10200, s5  }
0x464: {  	[tilespmem:s2+$0x0] =	vst.add.f32.msk $0xffff, v27;
	s2 =	sor.u32 $0x10280, s5  }
0x465: {  	[tilespmem:s0+$0x0] =	vst.add.f32.msk $0xffff, v26  }
0x466: {  	[tilespmem:s2+$0x0] =	vst.add.f32.msk $0xffff, v24  }
0x467: {  	s0 =	sor.u32 $0x12000, s5;
	[tilespmem:s23+$0x10000] =	vst.add.f32.msk $0xffff, v33  }
0x468: {  	s2 =	sor.u32 $0x12080, s5;
	[tilespmem:s22+$0x10000] =	vst.add.f32.msk $0xffff, v25  }
0x469: {  	[tilespmem:s0+$0x0] =	vst.add.f32.msk $0xffff, v22;
	s0 =	sor.u32 $0x12100, s5  }
0x46a: {  	[tilespmem:s2+$0x0] =	vst.add.f32.msk $0xffff, v19;
	s2 =	sor.u32 $0x12180, s5  }
0x46b: {  	[tilespmem:s0+$0x0] =	vst.add.f32.msk $0xffff, v18;
	s0 =	sor.u32 $0x12200, s5  }
0x46c: {  	[tilespmem:s2+$0x0] =	vst.add.f32.msk $0xffff, v23;
	s2 =	sor.u32 $0x12280, s5  }
0x46d: {  	[tilespmem:s0+$0x0] =	vst.add.f32.msk $0xffff, v21  }
0x46e: {  	[tilespmem:s2+$0x0] =	vst.add.f32.msk $0xffff, v17  }
0x46f: {  	s0 =	sor.u32 $0x10010, s5;
	[tilespmem:s20+$0x10000] =	vst.add.f32.msk $0xffff, v30  }
0x470: {  	s2 =	sor.u32 $0x10090, s5;
	[tilespmem:s18+$0x10000] =	vst.add.f32.msk $0xffff, v20  }
0x471: {  	[tilespmem:s0+$0x0] =	vst.add.f32.msk $0xffff, v16;
	s0 =	sor.u32 $0x10110, s5  }
0x472: {  	[tilespmem:s2+$0x0] =	vst.add.f32.msk $0xffff, v15;
	s2 =	sor.u32 $0x10190, s5  }
0x473: {  	[tilespmem:s0+$0x0] =	vst.add.f32.msk $0xffff, v13;
	s0 =	sor.u32 $0x10210, s5  }
0x474: {  	[tilespmem:s2+$0x0] =	vst.add.f32.msk $0xffff, v14;
	s2 =	sor.u32 $0x10290, s5  }
0x475: {  	[tilespmem:s0+$0x0] =	vst.add.f32.msk $0xffff, v12  }
0x476: {  	[tilespmem:s2+$0x0] =	vst.add.f32.msk $0xffff, v11  }
0x477: {  	s0 =	sor.u32 $0x12010, s5;
	[tilespmem:s19+$0x10000] =	vst.add.f32.msk $0xffff, v32  }
0x478: {  	s2 =	sor.u32 $0x12090, s5;
	[tilespmem:s21+$0x10000] =	vst.add.f32.msk $0xffff, v34  }
0x479: {  	[tilespmem:s0+$0x0] =	vst.add.f32.msk $0xffff, v10;
	s0 =	sor.u32 $0x12110, s5  }
.Ltmp7:
0x47a: {  	[tilespmem:s2+$0x0] =	vst.add.f32.msk $0xffff, v8;
	s2 =	sor.u32 $0x12190, s5;
	(pc) =	sbr.rel @p0 .LBB2_17-.Ltmp7, $4  }
0x47b: {  	[tilespmem:s0+$0x0] =	vst.add.f32.msk $0xffff, v9;
	s0 =	sor.u32 $0x12210, s5  }
0x47c: {  	[tilespmem:s2+$0x0] =	vst.add.f32.msk $0xffff, v7;
	s2 =	sor.u32 $0x12290, s5  }
0x47d: {  	[tilespmem:s0+$0x0] =	vst.add.f32.msk $0xffff, v5  }
0x47e: {  	s17 =	sadd.s32 $0x1, s17;
	s15 =	sadd.s32 $0x100, s15;
	[tilespmem:s2+$0x0] =	vst.add.f32.msk $0xffff, v6  }
0x47f: {  	s0 =	rddreg [dreg:$0x9]  }
0x480: {  	[tilespmem:s13+$0x10000] =	vst.add.f32.msk $0xffff, v4;
	s24 =	rddreg [dreg:$0xe]  }
0x481: {  	s2 =	simm.s32 $0x0;
	s5 =	simm.s32 $0x10000;
	[tilespmem:s12+$0x10000] =	vst.add.f32.msk $0xffff, v3;
	s0 =	sadd.s32 s24, s0  }
0x482: {  	[hbm4b:s0+s2] =	stream.linear.scatter [tilespmem:s5], [sflag:$0x7], $0x4000, $0x38;
	[tilespmem:$0x18000] =	vst v63  }
0x483: {  	_ =	swait.ge [sflag:s3], $0x4000  }
0x484: {  	s23 =	sand.u32 $0x60, s2;
	s25 =	sand.u32 $0x1C00, s2;
	[sflag:s3] =	ssyncset.done $0x0  }
0x485: {  	s5 =	sor.u32 s23, s25;
	[sflag:s3] =	ssyncadd.s32 $0xFFFFC000  }
0x486: {  	v5 =	vld [tilespmem:s5+$0x6210]  }
0x487: {  	v6 =	vld [tilespmem:s5+$0x6290]  }
0x488: {  	v7 =	vld [tilespmem:s5+$0x6190]  }
0x489: {  	v8 =	vld [tilespmem:s5+$0x6090]  }
0x48a: {  	v9 =	vld [tilespmem:s5+$0x6110]  }
0x48b: {  	v10 =	vld [tilespmem:s5+$0x6010]  }
0x48c: {  	v11 =	vld [tilespmem:s5+$0x4290]  }
0x48d: {  	v12 =	vld [tilespmem:s5+$0x4210]  }
0x48e: {  	v13 =	vld [tilespmem:s5+$0x4110]  }
0x48f: {  	v14 =	vld [tilespmem:s5+$0x4190]  }
0x490: {  	v15 =	vld [tilespmem:s5+$0x4090]  }
0x491: {  	v16 =	vld [tilespmem:s5+$0x4010]  }
0x492: {  	v17 =	vld [tilespmem:s5+$0x6280]  }
0x493: {  	s26 =	sor.u32 s2, s2;
	v18 =	vld [tilespmem:s5+$0x6100]  }
0x494: {  	s14 =	sor.u32 $0x2380, s26;
	v19 =	vld [tilespmem:s5+$0x6080]  }
0x495: {  	v20 =	vld [tilespmem:s14+$0x4000]  }
0x496: {  	v21 =	vld [tilespmem:s5+$0x6200]  }
0x497: {  	v22 =	vld [tilespmem:s5+$0x6000]  }
0x498: {  	v23 =	vld [tilespmem:s5+$0x6180]  }
0x499: {  	s0 =	sor.u32 $0x380, s26;
	v24 =	vld [tilespmem:s5+$0x4280]  }
0x49a: {  	v25 =	vld [tilespmem:s0+$0x4000]  }
0x49b: {  	s2 =	sand.u32 $0x3, s2;
	v26 =	vld [tilespmem:s5+$0x4200]  }
0x49c: {  	s2 =	sshll.u32 s2, $0x5;
	v27 =	vld [tilespmem:s5+$0x4180]  }
0x49d: {  	s2 =	sadd.s32 $0x0, s2;
	v28 =	vld [tilespmem:s5+$0x4080]  }
0x49e: {  	s15 =	sor.u32 $0x2300, s2;
	v29 =	vld [tilespmem:s5+$0x4000]  }
0x49f: {  	v30 =	vld [tilespmem:s15+$0x4000]  }
0x4a0: {  	s17 =	sadd.s32 $0x10, s2;
	s2 =	sor.u32 $0x300, s2;
	v31 =	vld [tilespmem:s5+$0x4100]  }
0x4a1: {  	s13 =	sor.u32 $0x2300, s17;
	v33 =	vld [tilespmem:s2+$0x4000]  }
0x4a2: {  	s12 =	sor.u32 $0x2380, s17;
	v4 =	vld [tilespmem:s13+$0x4000]  }
0x4a3: {  	s18 =	sor.u32 $0x300, s17;
	v3 =	vld [tilespmem:s12+$0x4000]  }
0x4a4: {  	s17 =	sor.u32 $0x380, s17;
	v32 =	vld [tilespmem:s18+$0x4000]  }
0x4a5: {  	s19 =	sor.u32 $0x14000, s5;
	v34 =	vld [tilespmem:s17+$0x4000]  }
0x4a6: {  	s20 =	sor.u32 $0x14080, s5;
	[tilespmem:s19+$0x0] =	vst.add.f32.msk $0xffff, v29  }
0x4a7: {  	s28 =	sor.u32 $0x14100, s5;
	[tilespmem:s20+$0x0] =	vst.add.f32.msk $0xffff, v28  }
0x4a8: {  	s29 =	sor.u32 $0x14180, s5;
	[tilespmem:s28+$0x0] =	vst.add.f32.msk $0xffff, v31  }
0x4a9: {  	s16 =	sor.u32 $0x14200, s5;
	[tilespmem:s29+$0x0] =	vst.add.f32.msk $0xffff, v27  }
0x4aa: {  	s21 =	sor.u32 $0x14280, s5;
	[tilespmem:s16+$0x0] =	vst.add.f32.msk $0xffff, v26  }
0x4ab: {  	[tilespmem:s21+$0x0] =	vst.add.f32.msk $0xffff, v24  }
0x4ac: {  	[tilespmem:s2+$0x14000] =	vst.add.f32.msk $0xffff, v33  }
0x4ad: {  	s22 =	sor.u32 $0x16000, s5;
	[tilespmem:s0+$0x14000] =	vst.add.f32.msk $0xffff, v25  }
0x4ae: {  	s23 =	sor.u32 $0x16080, s5;
	[tilespmem:s22+$0x0] =	vst.add.f32.msk $0xffff, v22  }
0x4af: {  	s25 =	sor.u32 $0x16100, s5;
	[tilespmem:s23+$0x0] =	vst.add.f32.msk $0xffff, v19  }
0x4b0: {  	s26 =	sor.u32 $0x16180, s5;
	[tilespmem:s25+$0x0] =	vst.add.f32.msk $0xffff, v18  }
0x4b1: {  	s28 =	sor.u32 $0x16200, s5;
	[tilespmem:s26+$0x0] =	vst.add.f32.msk $0xffff, v23  }
0x4b2: {  	s29 =	sor.u32 $0x16280, s5;
	[tilespmem:s28+$0x0] =	vst.add.f32.msk $0xffff, v21  }
0x4b3: {  	[tilespmem:s29+$0x0] =	vst.add.f32.msk $0xffff, v17  }
0x4b4: {  	[tilespmem:s15+$0x14000] =	vst.add.f32.msk $0xffff, v30  }
0x4b5: {  	s2 =	sor.u32 $0x14010, s5;
	[tilespmem:s14+$0x14000] =	vst.add.f32.msk $0xffff, v20  }
0x4b6: {  	s15 =	sor.u32 $0x14090, s5;
	[tilespmem:s2+$0x0] =	vst.add.f32.msk $0xffff, v16  }
0x4b7: {  	s16 =	sor.u32 $0x14110, s5;
	[tilespmem:s15+$0x0] =	vst.add.f32.msk $0xffff, v15  }
0x4b8: {  	s19 =	sor.u32 $0x14190, s5;
	[tilespmem:s16+$0x0] =	vst.add.f32.msk $0xffff, v13  }
0x4b9: {  	s20 =	sor.u32 $0x14210, s5;
	[tilespmem:s19+$0x0] =	vst.add.f32.msk $0xffff, v14  }
0x4ba: {  	s21 =	sor.u32 $0x14290, s5;
	[tilespmem:s20+$0x0] =	vst.add.f32.msk $0xffff, v12  }
0x4bb: {  	[tilespmem:s21+$0x0] =	vst.add.f32.msk $0xffff, v11  }
0x4bc: {  	[tilespmem:s18+$0x14000] =	vst.add.f32.msk $0xffff, v32  }
0x4bd: {  	s22 =	sor.u32 $0x16010, s5;
	[tilespmem:s17+$0x14000] =	vst.add.f32.msk $0xffff, v34  }
0x4be: {  	s23 =	sor.u32 $0x16090, s5;
	[tilespmem:s22+$0x0] =	vst.add.f32.msk $0xffff, v10  }
0x4bf: {  	s25 =	sor.u32 $0x16110, s5;
	[tilespmem:s23+$0x0] =	vst.add.f32.msk $0xffff, v8  }
0x4c0: {  	s26 =	sor.u32 $0x16190, s5;
	[tilespmem:s25+$0x0] =	vst.add.f32.msk $0xffff, v9  }
0x4c1: {  	s28 =	sor.u32 $0x16210, s5;
	[tilespmem:s26+$0x0] =	vst.add.f32.msk $0xffff, v7  }
0x4c2: {  	s29 =	sor.u32 $0x16290, s5;
	s14 =	simm.s32 $0x20;
	[tilespmem:s28+$0x0] =	vst.add.f32.msk $0xffff, v5  }
0x4c3: {  	s15 =	simm.s32 $0x100;
	s16 =	rddreg [dreg:$0xd];
	s17 =	simm.s32 $0x1;
	[tilespmem:s29+$0x0] =	vst.add.f32.msk $0xffff, v6  }
.LBB2_19:
0x4c4: {  	s0 =	sand.u32 $0x3, s17;
	s2 =	sand.u32 $0x60, s14;
	s5 =	sand.u32 $0x1C00, s15;
	[tilespmem:s13+$0x14000] =	vst.add.f32.msk $0xffff, v4  }
0x4c5: {  	s0 =	sshll.u32 s0, $0x5;
	s5 =	sor.u32 s2, s5;
	s2 =	sor.u32 s14, s15;
	[tilespmem:s12+$0x14000] =	vst.add.f32.msk $0xffff, v3  }
0x4c6: {  	s0 =	sadd.s32 s0, s15;
	s22 =	sor.u32 $0x380, s2;
	s18 =	sor.u32 $0x2380, s2;
	v5 =	vld [tilespmem:s5+$0x6210]  }
0x4c7: {  	s23 =	sor.u32 $0x300, s0;
	s20 =	sor.u32 $0x2300, s0;
	s0 =	sadd.s32 $0x10, s0;
	v6 =	vld [tilespmem:s5+$0x6290]  }
0x4c8: {  	s19 =	sor.u32 $0x300, s0;
	v7 =	vld [tilespmem:s5+$0x6190];
	s13 =	sor.u32 $0x2300, s0;
	s12 =	sor.u32 $0x2380, s0  }
0x4c9: {  	p0 =	sne.s32 s14, $0x3E0;
	s14 =	sadd.s32 $0x20, s14;
	s21 =	sor.u32 $0x380, s0;
	v8 =	vld [tilespmem:s5+$0x6090]  }
0x4ca: {  	v9 =	vld [tilespmem:s5+$0x6110]  }
0x4cb: {  	v10 =	vld [tilespmem:s5+$0x6010]  }
0x4cc: {  	v11 =	vld [tilespmem:s5+$0x4290]  }
0x4cd: {  	v12 =	vld [tilespmem:s5+$0x4210]  }
0x4ce: {  	v13 =	vld [tilespmem:s5+$0x4110]  }
0x4cf: {  	v14 =	vld [tilespmem:s5+$0x4190]  }
0x4d0: {  	v15 =	vld [tilespmem:s5+$0x4090]  }
0x4d1: {  	v16 =	vld [tilespmem:s5+$0x4010]  }
0x4d2: {  	v17 =	vld [tilespmem:s5+$0x6280]  }
0x4d3: {  	v18 =	vld [tilespmem:s5+$0x6100]  }
0x4d4: {  	v19 =	vld [tilespmem:s5+$0x6080]  }
0x4d5: {  	v20 =	vld [tilespmem:s18+$0x4000]  }
0x4d6: {  	v21 =	vld [tilespmem:s5+$0x6200]  }
0x4d7: {  	v22 =	vld [tilespmem:s5+$0x6000]  }
0x4d8: {  	v23 =	vld [tilespmem:s5+$0x6180]  }
0x4d9: {  	v24 =	vld [tilespmem:s5+$0x4280]  }
0x4da: {  	v25 =	vld [tilespmem:s22+$0x4000]  }
0x4db: {  	v26 =	vld [tilespmem:s5+$0x4200]  }
0x4dc: {  	v27 =	vld [tilespmem:s5+$0x4180]  }
0x4dd: {  	v28 =	vld [tilespmem:s5+$0x4080]  }
0x4de: {  	v29 =	vld [tilespmem:s5+$0x4000]  }
0x4df: {  	v30 =	vld [tilespmem:s20+$0x4000]  }
0x4e0: {  	v4 =	vld [tilespmem:s13+$0x4000]  }
0x4e1: {  	v3 =	vld [tilespmem:s12+$0x4000]  }
0x4e2: {  	v31 =	vld [tilespmem:s5+$0x4100]  }
0x4e3: {  	v32 =	vld [tilespmem:s19+$0x4000]  }
0x4e4: {  	s0 =	sor.u32 $0x14000, s5;
	v33 =	vld [tilespmem:s23+$0x4000]  }
0x4e5: {  	s2 =	sor.u32 $0x14080, s5;
	v34 =	vld [tilespmem:s21+$0x4000]  }
0x4e6: {  	[tilespmem:s0+$0x0] =	vst.add.f32.msk $0xffff, v29;
	s0 =	sor.u32 $0x14100, s5  }
0x4e7: {  	[tilespmem:s2+$0x0] =	vst.add.f32.msk $0xffff, v28;
	s2 =	sor.u32 $0x14180, s5  }
0x4e8: {  	[tilespmem:s0+$0x0] =	vst.add.f32.msk $0xffff, v31;
	s0 =	sor.u32 $0x14200, s5  }
0x4e9: {  	[tilespmem:s2+$0x0] =	vst.add.f32.msk $0xffff, v27;
	s2 =	sor.u32 $0x14280, s5  }
0x4ea: {  	[tilespmem:s0+$0x0] =	vst.add.f32.msk $0xffff, v26  }
0x4eb: {  	[tilespmem:s2+$0x0] =	vst.add.f32.msk $0xffff, v24  }
0x4ec: {  	s0 =	sor.u32 $0x16000, s5;
	[tilespmem:s23+$0x14000] =	vst.add.f32.msk $0xffff, v33  }
0x4ed: {  	s2 =	sor.u32 $0x16080, s5;
	[tilespmem:s22+$0x14000] =	vst.add.f32.msk $0xffff, v25  }
0x4ee: {  	[tilespmem:s0+$0x0] =	vst.add.f32.msk $0xffff, v22;
	s0 =	sor.u32 $0x16100, s5  }
0x4ef: {  	[tilespmem:s2+$0x0] =	vst.add.f32.msk $0xffff, v19;
	s2 =	sor.u32 $0x16180, s5  }
0x4f0: {  	[tilespmem:s0+$0x0] =	vst.add.f32.msk $0xffff, v18;
	s0 =	sor.u32 $0x16200, s5  }
0x4f1: {  	[tilespmem:s2+$0x0] =	vst.add.f32.msk $0xffff, v23;
	s2 =	sor.u32 $0x16280, s5  }
0x4f2: {  	[tilespmem:s0+$0x0] =	vst.add.f32.msk $0xffff, v21  }
0x4f3: {  	[tilespmem:s2+$0x0] =	vst.add.f32.msk $0xffff, v17  }
0x4f4: {  	s0 =	sor.u32 $0x14010, s5;
	[tilespmem:s20+$0x14000] =	vst.add.f32.msk $0xffff, v30  }
0x4f5: {  	s2 =	sor.u32 $0x14090, s5;
	[tilespmem:s18+$0x14000] =	vst.add.f32.msk $0xffff, v20  }
0x4f6: {  	[tilespmem:s0+$0x0] =	vst.add.f32.msk $0xffff, v16;
	s0 =	sor.u32 $0x14110, s5  }
0x4f7: {  	[tilespmem:s2+$0x0] =	vst.add.f32.msk $0xffff, v15;
	s2 =	sor.u32 $0x14190, s5  }
0x4f8: {  	[tilespmem:s0+$0x0] =	vst.add.f32.msk $0xffff, v13;
	s0 =	sor.u32 $0x14210, s5  }
0x4f9: {  	[tilespmem:s2+$0x0] =	vst.add.f32.msk $0xffff, v14;
	s2 =	sor.u32 $0x14290, s5  }
0x4fa: {  	[tilespmem:s0+$0x0] =	vst.add.f32.msk $0xffff, v12  }
0x4fb: {  	[tilespmem:s2+$0x0] =	vst.add.f32.msk $0xffff, v11  }
0x4fc: {  	s0 =	sor.u32 $0x16010, s5;
	[tilespmem:s19+$0x14000] =	vst.add.f32.msk $0xffff, v32  }
0x4fd: {  	s2 =	sor.u32 $0x16090, s5;
	[tilespmem:s21+$0x14000] =	vst.add.f32.msk $0xffff, v34  }
0x4fe: {  	[tilespmem:s0+$0x0] =	vst.add.f32.msk $0xffff, v10;
	s0 =	sor.u32 $0x16110, s5  }
.Ltmp8:
0x4ff: {  	[tilespmem:s2+$0x0] =	vst.add.f32.msk $0xffff, v8;
	s2 =	sor.u32 $0x16190, s5;
	(pc) =	sbr.rel @p0 .LBB2_19-.Ltmp8, $4  }
0x500: {  	[tilespmem:s0+$0x0] =	vst.add.f32.msk $0xffff, v9;
	s0 =	sor.u32 $0x16210, s5  }
0x501: {  	[tilespmem:s2+$0x0] =	vst.add.f32.msk $0xffff, v7;
	s2 =	sor.u32 $0x16290, s5  }
0x502: {  	[tilespmem:s0+$0x0] =	vst.add.f32.msk $0xffff, v5  }
0x503: {  	s17 =	sadd.s32 $0x1, s17;
	s15 =	sadd.s32 $0x100, s15;
	[tilespmem:s2+$0x0] =	vst.add.f32.msk $0xffff, v6  }
0x504: {  	[tilespmem:s13+$0x14000] =	vst.add.f32.msk $0xffff, v4;
	s0 =	rddreg [dreg:$0xa]  }
0x505: {  	s2 =	simm.s32 $0x0;
	s28 =	simm.s32 $0x5;
	[tilespmem:s12+$0x14000] =	vst.add.f32.msk $0xffff, v3;
	s0 =	sadd.s32 s24, s0  }
0x506: {  	[hbm4b:s0+s2] =	stream.linear.scatter [tilespmem:s31], [sflag:$0x8], $0x4000, $0x38;
	[tilespmem:$0x18000] =	vst v63  }
0x507: {  	_ =	swait.ge [sflag:s28], $0x4000  }
0x508: {  	[sflag:s28] =	ssyncset.done $0x0  }
0x509: {  	s29 =	simm.s32 $0x6;
	[sflag:s28] =	ssyncadd.s32 $0xFFFFC000  }
0x50a: {  	_ =	swait.ge [sflag:s29], $0x4000  }
0x50b: {  	[sflag:s29] =	ssyncset.done $0x0  }
0x50c: {  	s16 =	sadd.s32 $0x1, s16;
	[sflag:s29] =	ssyncadd.s32 $0xFFFFC000  }
0x50d: {  	p0 =	sne.s32 s16, $0x8;
	_ =	swait.ge [sflag:s7], $0x4000  }
.Ltmp9:
0x50e: {  	[sflag:s7] =	ssyncset.done $0x0;
	(pc) =	sbr.rel @p0 .LBB2_2-.Ltmp9, $4  }
0x50f: {  	[sflag:s7] =	ssyncadd.s32 $0xFFFFC000  }
0x510: {  	_ =	swait.ge [sflag:s11], $0x4000  }
0x511: {  	[sflag:s11] =	ssyncset.done $0x0  }
0x512: {  	[sflag:s11] =	ssyncadd.s32 $0xFFFFC000  }
0x513: {  	s2 =	rddreg [dreg:$0xc]  }
0x514: {  	s0 =	rddreg [dreg:$0xb];
	s2 =	sadd.s32 $0x1, s2  }
0x515: {  	p0 =	sne.s32 s2, s0  }
.Ltmp10:
0x516: {  	_ = 	snop;
	(pc) =	sbr.rel @p0 .LBB2_1-.Ltmp10, $1  }
0x517: {  	_ =	sdelay $0x3  }
0x518: {  	_ =	sfence.sel $0x180000  }
0x519: {  	[bflag:$0x0] =	sbarrier.arrive $0xFFFF  }
0x51a: {  	_ =	strace $0x90000047  }
0x51b: {  	s0 =	stileid.u32;
	[bflag:$0x2] =	sbarrier.arrive $0xFFFF  }
0x51c: {  	p0 =	sne.s32 s0, $0x0;
	s0 =	rddreg [dreg:$0x4]  }
0x51d: {  	s0 =	sadd.s32 @!p0 $0x100000, s0  }
0x51e: {  	[sflag:s0] =	ssyncadd.tile.s32 @!p0 $0x1;
	_ =	shalt  }
.Lfunc_end2:
_tile_overlayer_lowered:
.L_overlay_start_2:
0x51f: {  	(tag) =	ssettag $0x2  }
0x520: {  	s0 =	rddreg [dreg:$0x0];
	s2 =	stileid.u32  }
0x521: {  	s1 =	rddreg [dreg:$0x1];
	p0 =	sne.s32 s2, $0x0  }
0x522: {  	s3 =	rddreg [dreg:$0x2];
	[bflag:$0x3] =	sbarrier.arrive $0xFFFF;
	s2 =	simm.s32 @!p0 $0x1C09  }
0x523: {  	[timem:s3], [sflag:s2] =	dma.local @!p0 [hbm:s0], s1  }
0x524: {  	s0 =	simm.s32 @!p0 $0x9  }
0x525: {  	_ =	swait.ge @!p0 [sflag:s0], s1  }
0x526: {  	s1 =	ssub.s32 @!p0 $0x0, s1;
	[sflag:s0] =	ssyncset.done @!p0 $0x0  }
0x527: {  	[sflag:s0] =	ssyncadd.s32 @!p0 s1  }
0x528: {  	[bflag:$0x3] =	sbarrier.arrive $0xFFFF  }
0x529: {  	_ =	shalt  }

</sc_bundles>
